<compile_context>
chip_gen: v7x
topology: tpu7x:2x2x1
jax: 0.10.2.dev20260603
libtpu: 0.0.44.dev20260713+nightly
codegen_flags: <defaults>
</compile_context>

<pallas_src>
import functools

import jax
import jax.numpy as jnp
from jax import lax
from jax.experimental import pallas as pl
from jax.experimental.pallas import tpu as pltpu
from jax.experimental.pallas import tpu_sc as plsc

N = 10000
E = 320000
D = 128
NC = 2
NS = 16
NW = NC * NS
K = 64
SEG = 80
NSEG = 4
CHD = 160
EPAD = NSEG * NS * SEG * K
TOTCH = EPAD // K
NPAD = NS * 640

_MESH = dict(core_axis_name="c", subcore_axis_name="s")


@functools.partial(
    pl.kernel,
    out_type=jax.ShapeDtypeStruct((NC, NPAD), jnp.float32),
    mesh=plsc.VectorSubcoreMesh(**_MESH),
    scratch_types=[
        pltpu.VMEM((CHD, K), jnp.int32),
        pltpu.VMEM((K,), jnp.float32),
        pltpu.VMEM((640,), jnp.float32),
        pltpu.VMEM_SHARED((NPAD,), jnp.float32),
    ],
)
def _deg_sc(dst_hbm, out_hbm, dst_v, ones_v, zb_v, acc):
    cid = lax.axis_index("c")
    sid = lax.axis_index("s")
    wid = sid * NC + cid

    for i in range(K // 16):
        ones_v[pl.ds(i * 16, 16)] = jnp.ones((16,), jnp.float32)

    def zf(i, _):
        zb_v[pl.ds(i * 16, 16)] = jnp.zeros((16,), jnp.float32)
        return ()
    lax.fori_loop(0, 40, zf, ())
    pltpu.sync_copy(zb_v, acc.at[pl.ds(sid * 640, 640)])

    pltpu.sync_copy(dst_hbm.at[wid], dst_v)
    plsc.subcore_barrier()

    def body(j, _):
        pltpu.sync_copy(ones_v, acc.at[dst_v.at[j]], add=True)
        return ()
    lax.fori_loop(0, CHD, body, ())

    plsc.subcore_barrier()
    pltpu.sync_copy(acc.at[pl.ds(sid * 640, 640)],
                    out_hbm.at[cid, pl.ds(sid * 640, 640)])


@functools.partial(
    pl.kernel,
    out_type=jax.ShapeDtypeStruct((NC, NPAD, D), jnp.float32),
    mesh=plsc.VectorSubcoreMesh(**_MESH),
    scratch_types=[
        pltpu.VMEM((SEG // 2, K), jnp.int32),
        pltpu.VMEM((SEG // 2, K), jnp.int32),
        pltpu.VMEM((4, K, D), jnp.float32),
        pltpu.VMEM((8, D), jnp.float32),
        pltpu.VMEM_SHARED((NPAD, D), jnp.float32),
        pltpu.SemaphoreType.DMA,
        pltpu.SemaphoreType.DMA,
        pltpu.SemaphoreType.DMA,
        pltpu.SemaphoreType.DMA,
    ],
)
def _msg_sc(h2_hbm, src_hbm, dst_hbm, out_hbm,
            src_v, dst_v, bufs, zrow_v, acc, sem0, sem1, sem2, sem3):
    cid = lax.axis_index("c")
    sid = lax.axis_index("s")
    sems = (sem0, sem1, sem2, sem3)
    STG = SEG // 2

    def run_stage(base):
        pltpu.sync_copy(src_hbm.at[pl.ds(base, STG)], src_v)
        pltpu.sync_copy(dst_hbm.at[pl.ds(base, STG)], dst_v)
        for b in range(4):
            pltpu.async_copy(h2_hbm.at[src_v.at[b]], bufs.at[b], sems[b])

        def body(t, _):
            j0 = 4 * t
            for b in range(4):
                j = j0 + b
                pltpu.make_async_copy(
                    h2_hbm.at[src_v.at[j]], bufs.at[b], sems[b]).wait()
                pltpu.sync_copy(bufs.at[b], acc.at[dst_v.at[j]], add=True)

                @pl.when(j + 4 < STG)
                def _():
                    pltpu.async_copy(
                        h2_hbm.at[src_v.at[j + 4]], bufs.at[b], sems[b])
            return ()
        lax.fori_loop(0, STG // 4, body, ())

    for r in range(8):
        for c in range(D // 16):
            zrow_v[r, pl.ds(c * 16, 16)] = jnp.zeros((16,), jnp.float32)

    def zero_acc(i, _):
        pltpu.sync_copy(zrow_v, acc.at[pl.ds(sid * 640 + i * 8, 8), :])
        return ()
    lax.fori_loop(0, 80, zero_acc, ())
    plsc.subcore_barrier()

    @pl.when(cid == 0)
    def _():
        for s in range(NSEG // 2):
            for h in range(2):
                run_stage((s * NS + sid) * SEG + h * STG)

    @pl.when(cid == 1)
    def _():
        for s in range(NSEG // 2, NSEG):
            for h in range(2):
                run_stage((s * NS + sid) * SEG + h * STG)

    plsc.subcore_barrier()
    pltpu.sync_copy(acc.at[pl.ds(sid * 640, 640), :],
                    out_hbm.at[cid, pl.ds(sid * 640, 640), :])


def _mm_fn(x_ref, w_ref, deg_ref, h2_ref):
    deg = deg_ref[:, 0] + deg_ref[:, 1]
    dinv = jnp.where(deg > 0, lax.rsqrt(jnp.maximum(deg, 1e-12)), 0.0)
    h = jnp.dot(x_ref[...], w_ref[...], preferred_element_type=jnp.float32)
    h2_ref[...] = h * dinv[:, None]


def _fin_fn(agg_ref, deg_ref, x_ref, b_ref, o_ref):
    deg = deg_ref[:, 0] + deg_ref[:, 1]
    dinv = jnp.where(deg > 0, lax.rsqrt(jnp.maximum(deg, 1e-12)), 0.0)
    agg = agg_ref[0] + agg_ref[1]
    o_ref[...] = jnp.maximum(agg * dinv[:, None] + b_ref[...], 0.0) + x_ref[...]


MBLK = 1000


def kernel(x, edge_index, W, b):
    src = edge_index[0].astype(jnp.int32)
    dst = edge_index[1].astype(jnp.int32)
    srcp = jnp.concatenate([src, jnp.zeros((EPAD - E,), jnp.int32)])
    dstp = jnp.concatenate([dst, jnp.full((EPAD - E,), N, jnp.int32)])

    degp = _deg_sc(dstp.reshape(NW, CHD, K))
    deg2 = jnp.transpose(degp[:, :N])

    h2 = pl.pallas_call(
        _mm_fn,
        grid=(N // MBLK,),
        in_specs=[
            pl.BlockSpec((MBLK, D), lambda i: (i, 0)),
            pl.BlockSpec((D, D), lambda i: (0, 0)),
            pl.BlockSpec((MBLK, NC), lambda i: (i, 0)),
        ],
        out_specs=pl.BlockSpec((MBLK, D), lambda i: (i, 0)),
        out_shape=jax.ShapeDtypeStruct((N, D), jnp.float32),
    )(x, W, deg2)

    aggp = _msg_sc(h2, srcp.reshape(TOTCH, K),
                   dstp.reshape(TOTCH, K))

    out = pl.pallas_call(
        _fin_fn,
        grid=(N // MBLK,),
        in_specs=[
            pl.BlockSpec((NC, MBLK, D), lambda i: (0, i, 0)),
            pl.BlockSpec((MBLK, NC), lambda i: (i, 0)),
            pl.BlockSpec((MBLK, D), lambda i: (i, 0)),
            pl.BlockSpec((1, D), lambda i: (0, 0)),
        ],
        out_specs=pl.BlockSpec((MBLK, D), lambda i: (i, 0)),
        out_shape=jax.ShapeDtypeStruct((N, D), jnp.float32),
    )(aggp, deg2, x, b.reshape(1, D))
    return out

# --- scband reference (transcript-rebuilt; emitter-appended) ---
"""Pipeline reference for scband-gcnlayer-3006477107661 (READ-ONLY COPY).

The authoritative reference and input builder live on the scoring server;
editing this copy changes nothing except your own understanding.
"""

import jax, jax.numpy as jnp
import numpy as np

N_NODES = 10000
N_EDGES = 320000
D_IN = 128
D_OUT = 128


def setup_inputs(seed: int = 0) -> dict:
    key = jax.random.key(seed)
    k1, k2, k3, k4 = jax.random.split(key, 4)
    x = jax.random.normal(k1, (N_NODES, D_IN), dtype=jnp.float32)
    edge_index = jax.random.randint(k2, (2, N_EDGES), 0, N_NODES, dtype=jnp.int64)
    # GCNConv linear weight (glorot) and bias (zeros in PyG default, use small random)
    W = jax.random.normal(k3, (D_IN, D_OUT), dtype=jnp.float32) * (1.0 / np.sqrt(D_IN))
    b = jax.random.normal(k4, (D_OUT,), dtype=jnp.float32) * 0.01
    return {"x": x, "edge_index": edge_index, "W": W, "b": b}


def reference(x, edge_index, W, b):
    # GCNConv with add_self_loops=False, normalize=True (symmetric normalization)
    src = edge_index[0]
    dst = edge_index[1]
    n = x.shape[0]
    # degree computed over destination nodes with unit edge weights
    deg = jnp.zeros((n,), dtype=x.dtype).at[dst].add(1.0)
    deg_inv_sqrt = jnp.where(deg > 0, jax.lax.rsqrt(jnp.maximum(deg, 1e-12)), 0.0)
    norm = deg_inv_sqrt[src] * deg_inv_sqrt[dst]
    # linear transform then gather-message-scatter
    h = x @ W
    msg = h[src] * norm[:, None]
    agg = jnp.zeros((n, h.shape[1]), dtype=x.dtype).at[dst].add(msg)
    out = agg + b
    # batch_norm=False -> Identity; activation=relu
    out = jax.nn.relu(out)
    # residual
    out = out + x
    # dropout p=0.0 -> identity
    return out

if __name__ == "__main__":
    import jax
    _d = setup_inputs()
    print(jax.jit(kernel)(*tuple(_d.values())))

</pallas_src>

<mosaic_0001>
#map = affine_map<(d0, d1) -> (0, 0, 0)>
#map1 = affine_map<(d0, d1) -> (0, 0)>
module attributes {stable_mosaic.version = 14 : i64} {
  func.func @_deg_sc(%arg0: i32, %arg1: i32, %arg2: memref<32x160x64xi32, #tpu.memory_space<hbm>>, %arg3: memref<2x10240xf32, #tpu.memory_space<hbm>>, %arg4: memref<160x64xi32, #tpu.memory_space<vmem>>, %arg5: memref<64xf32, #tpu.memory_space<vmem>>, %arg6: memref<640xf32, #tpu.memory_space<vmem>>, %arg7: memref<10240xf32, #tpu.memory_space<vmem_shared>>) attributes {dimension_semantics = [#tpu.dimension_semantics<core_parallel>, #tpu.dimension_semantics<subcore_parallel>], iteration_bounds = array<i64: 2, 16>, scalar_prefetch = 0 : i64, scratch_operands = 4 : i64, tpu.core_type = #tpu.core_type<sc_vector_subcore>, window_params = [{transform_indices = #map}, {transform_indices = #map1}]} {
    %mul3A = arith.constant 2 : i32
    %mul3A_0 = arith.muli %arg1, %mul3A : i32
    %add3A = arith.addi %mul3A_0, %arg0 : i32
    %broadcast_in_dim3A = arith.constant 1.000000e+00 : f32
    %broadcast_in_dim3A_1 = vector.broadcast %broadcast_in_dim3A : f32 to vector<16xf32>
    %swap3A = arith.constant 0 : index
    %swap3A_2 = tpu.vector_load %arg5[%swap3A] {strides = array<i32>} : memref<64xf32, #tpu.memory_space<vmem>>, vector<16xf32>,
    %swap3A_3 = vector.shape_cast %swap3A_2 : vector<16xf32> to vector<16xf32>
    %swap3A_4 = vector.shape_cast %broadcast_in_dim3A_1 : vector<16xf32> to vector<16xf32>
    tpu.vector_store %arg5[%swap3A], %swap3A_4 {strides = array<i32>} : memref<64xf32, #tpu.memory_space<vmem>>, vector<16xf32>,
    %broadcast_in_dim3A_5 = arith.constant 1.000000e+00 : f32
    %broadcast_in_dim3A_6 = vector.broadcast %broadcast_in_dim3A_5 : f32 to vector<16xf32>
    %swap3A_7 = arith.constant 16 : index
    %swap3A_8 = tpu.vector_load %arg5[%swap3A_7] {strides = array<i32>} : memref<64xf32, #tpu.memory_space<vmem>>, vector<16xf32>,
    %swap3A_9 = vector.shape_cast %swap3A_8 : vector<16xf32> to vector<16xf32>
    %swap3A_10 = vector.shape_cast %broadcast_in_dim3A_6 : vector<16xf32> to vector<16xf32>
    tpu.vector_store %arg5[%swap3A_7], %swap3A_10 {strides = array<i32>} : memref<64xf32, #tpu.memory_space<vmem>>, vector<16xf32>,
    %broadcast_in_dim3A_11 = arith.constant 1.000000e+00 : f32
    %broadcast_in_dim3A_12 = vector.broadcast %broadcast_in_dim3A_11 : f32 to vector<16xf32>
    %swap3A_13 = arith.constant 32 : index
    %swap3A_14 = tpu.vector_load %arg5[%swap3A_13] {strides = array<i32>} : memref<64xf32, #tpu.memory_space<vmem>>, vector<16xf32>,
    %swap3A_15 = vector.shape_cast %swap3A_14 : vector<16xf32> to vector<16xf32>
    %swap3A_16 = vector.shape_cast %broadcast_in_dim3A_12 : vector<16xf32> to vector<16xf32>
    tpu.vector_store %arg5[%swap3A_13], %swap3A_16 {strides = array<i32>} : memref<64xf32, #tpu.memory_space<vmem>>, vector<16xf32>,
    %broadcast_in_dim3A_17 = arith.constant 1.000000e+00 : f32
    %broadcast_in_dim3A_18 = vector.broadcast %broadcast_in_dim3A_17 : f32 to vector<16xf32>
    %swap3A_19 = arith.constant 48 : index
    %swap3A_20 = tpu.vector_load %arg5[%swap3A_19] {strides = array<i32>} : memref<64xf32, #tpu.memory_space<vmem>>, vector<16xf32>,
    %swap3A_21 = vector.shape_cast %swap3A_20 : vector<16xf32> to vector<16xf32>
    %swap3A_22 = vector.shape_cast %broadcast_in_dim3A_18 : vector<16xf32> to vector<16xf32>
    tpu.vector_store %arg5[%swap3A_19], %swap3A_22 {strides = array<i32>} : memref<64xf32, #tpu.memory_space<vmem>>, vector<16xf32>,
    %scan3A = arith.constant 0 : i32
    %scan3A_23 = arith.constant 40 : i32
    %scan3A_24 = arith.addi %scan3A, %scan3A_23 : i32
    %scan3A_25 = arith.constant 1 : i32
    scf.for %scan3A_39 = %scan3A to %scan3A_24 step %scan3A_25  : i32 {
      %broadcast_in_dim3A_40 = arith.constant 0.000000e+00 : f32
      %broadcast_in_dim3A_41 = vector.broadcast %broadcast_in_dim3A_40 : f32 to vector<16xf32>
      %mul3A_42 = arith.constant 16 : i32
      %mul3A_43 = arith.muli %scan3A_39, %mul3A_42 : i32
      %swap3A_44 = arith.index_cast %mul3A_43 : i32 to index
      %swap3A_45 = tpu.vector_load %arg6[%swap3A_44] {strides = array<i32>} : memref<640xf32, #tpu.memory_space<vmem>>, vector<16xf32>,
      %swap3A_46 = vector.shape_cast %swap3A_45 : vector<16xf32> to vector<16xf32>
      %swap3A_47 = vector.shape_cast %broadcast_in_dim3A_41 : vector<16xf32> to vector<16xf32>
      tpu.vector_store %arg6[%swap3A_44], %swap3A_47 {strides = array<i32>} : memref<640xf32, #tpu.memory_space<vmem>>, vector<16xf32>,
    }
    %scan3A_26 = arith.constant 40 : i32
    %mul3A_27 = arith.constant 640 : i32
    %mul3A_28 = arith.muli %arg1, %mul3A_27 : i32
    "tpu.region"() ({
      %run_scoped3A = tpu.sem_alloc : memref<!tpu.dma_semaphore, #tpu.memory_space<semaphore_mem>>
      %dma_start3A = tpu.memref_slice %arg7[%mul3A_28] : memref<10240xf32, #tpu.memory_space<vmem_shared>> -> memref<640xf32, #tpu.memory_space<vmem_shared>>
      %dma_start3A_39 = tpu.memref_slice %arg7[%mul3A_28] : memref<10240xf32, #tpu.memory_space<vmem_shared>> -> memref<640xf32, #tpu.memory_space<vmem_shared>>
      tpu.enqueue_dma source(%arg6 : memref<640xf32, #tpu.memory_space<vmem>>) target(%dma_start3A_39 : memref<640xf32, #tpu.memory_space<vmem_shared>>) target_semaphore(%run_scoped3A : memref<!tpu.dma_semaphore, #tpu.memory_space<semaphore_mem>>)
      %dma_wait3A = tpu.memref_slice %arg7[%mul3A_28] : memref<10240xf32, #tpu.memory_space<vmem_shared>> -> memref<640xf32, #tpu.memory_space<vmem_shared>>
      %dma_wait3A_40 = tpu.memref_slice %arg7[%mul3A_28] : memref<10240xf32, #tpu.memory_space<vmem_shared>> -> memref<640xf32, #tpu.memory_space<vmem_shared>>
      tpu.wait_dma2 semaphore(%run_scoped3A : memref<!tpu.dma_semaphore, #tpu.memory_space<semaphore_mem>>) src(%arg6 : memref<640xf32, #tpu.memory_space<vmem>>) dst(%dma_wait3A_40 : memref<640xf32, #tpu.memory_space<vmem_shared>>)
      tpu.yield
    }) : () -> ()
    "tpu.region"() ({
      %run_scoped3A = tpu.sem_alloc : memref<!tpu.dma_semaphore, #tpu.memory_space<semaphore_mem>>
      %dma_start3A = arith.constant 0 : i32
      %dma_start3A_39 = arith.constant 0 : i32
      %dma_start3A_40 = tpu.memref_slice %arg2[%add3A, %dma_start3A, %dma_start3A_39] : memref<32x160x64xi32, #tpu.memory_space<hbm>> -> memref<1x160x64xi32, #tpu.memory_space<hbm>>
      %dma_start3A_41 = tpu.memref_squeeze %dma_start3A_40 : memref<1x160x64xi32, #tpu.memory_space<hbm>> -> memref<160x64xi32, #tpu.memory_space<hbm>>
      %dma_start3A_42 = arith.constant 0 : i32
      %dma_start3A_43 = arith.constant 0 : i32
      %dma_start3A_44 = tpu.memref_slice %arg2[%add3A, %dma_start3A_42, %dma_start3A_43] : memref<32x160x64xi32, #tpu.memory_space<hbm>> -> memref<1x160x64xi32, #tpu.memory_space<hbm>>
      %dma_start3A_45 = tpu.memref_squeeze %dma_start3A_44 : memref<1x160x64xi32, #tpu.memory_space<hbm>> -> memref<160x64xi32, #tpu.memory_space<hbm>>
      tpu.enqueue_dma source(%dma_start3A_45 : memref<160x64xi32, #tpu.memory_space<hbm>>) target(%arg4 : memref<160x64xi32, #tpu.memory_space<vmem>>) target_semaphore(%run_scoped3A : memref<!tpu.dma_semaphore, #tpu.memory_space<semaphore_mem>>)
      %dma_wait3A = arith.constant 0 : i32
      %dma_wait3A_46 = arith.constant 0 : i32
      %dma_wait3A_47 = tpu.memref_slice %arg2[%add3A, %dma_wait3A, %dma_wait3A_46] : memref<32x160x64xi32, #tpu.memory_space<hbm>> -> memref<1x160x64xi32, #tpu.memory_space<hbm>>
      %dma_wait3A_48 = tpu.memref_squeeze %dma_wait3A_47 : memref<1x160x64xi32, #tpu.memory_space<hbm>> -> memref<160x64xi32, #tpu.memory_space<hbm>>
      %dma_wait3A_49 = arith.constant 0 : i32
      %dma_wait3A_50 = arith.constant 0 : i32
      %dma_wait3A_51 = tpu.memref_slice %arg2[%add3A, %dma_wait3A_49, %dma_wait3A_50] : memref<32x160x64xi32, #tpu.memory_space<hbm>> -> memref<1x160x64xi32, #tpu.memory_space<hbm>>
      %dma_wait3A_52 = tpu.memref_squeeze %dma_wait3A_51 : memref<1x160x64xi32, #tpu.memory_space<hbm>> -> memref<160x64xi32, #tpu.memory_space<hbm>>
      tpu.wait_dma2 semaphore(%run_scoped3A : memref<!tpu.dma_semaphore, #tpu.memory_space<semaphore_mem>>) src(%dma_wait3A_52 : memref<160x64xi32, #tpu.memory_space<hbm>>) dst(%arg4 : memref<160x64xi32, #tpu.memory_space<vmem>>)
      tpu.yield
    }) : () -> ()
    %barrier3A = arith.constant 0 : index
    tpu.barrier barrier_id(%barrier3A)
    %scan3A_29 = arith.constant 0 : i32
    %scan3A_30 = arith.constant 160 : i32
    %scan3A_31 = arith.addi %scan3A_29, %scan3A_30 : i32
    %scan3A_32 = arith.constant 1 : i32
    scf.for %scan3A_39 = %scan3A_29 to %scan3A_31 step %scan3A_32  : i32 {
      "tpu.region"() ({
        %run_scoped3A = tpu.sem_alloc : memref<!tpu.dma_semaphore, #tpu.memory_space<semaphore_mem>>
        %dma_start3A = arith.constant 0 : i32
        %dma_start3A_40 = tpu.memref_slice %arg4[%scan3A_39, %dma_start3A] : memref<160x64xi32, #tpu.memory_space<vmem>> -> memref<1x64xi32, #tpu.memory_space<vmem>>
        %dma_start3A_41 = tpu.memref_squeeze %dma_start3A_40 : memref<1x64xi32, #tpu.memory_space<vmem>> -> memref<64xi32, #tpu.memory_space<vmem>>
        %dma_start3A_42 = arith.constant 0 : i32
        %dma_start3A_43 = tpu.memref_slice %arg7[%dma_start3A_42] : memref<10240xf32, #tpu.memory_space<vmem_shared>> -> memref<10240xf32, #tpu.memory_space<vmem_shared>>
        tpu.enqueue_indirect_dma source(%arg5 : memref<64xf32, #tpu.memory_space<vmem>>) target(%dma_start3A_43 : memref<10240xf32, #tpu.memory_space<vmem_shared>>) offsets(%dma_start3A_41 : memref<64xi32, #tpu.memory_space<vmem>>) semaphore(%run_scoped3A : memref<!tpu.dma_semaphore, #tpu.memory_space<semaphore_mem>>) {add = true}
        %dma_wait3A = arith.constant 0 : i32
        %dma_wait3A_44 = tpu.memref_slice %arg4[%scan3A_39, %dma_wait3A] : memref<160x64xi32, #tpu.memory_space<vmem>> -> memref<1x64xi32, #tpu.memory_space<vmem>>
        %dma_wait3A_45 = tpu.memref_squeeze %dma_wait3A_44 : memref<1x64xi32, #tpu.memory_space<vmem>> -> memref<64xi32, #tpu.memory_space<vmem>>
        %dma_wait3A_46 = arith.constant 0 : i32
        %dma_wait3A_47 = tpu.memref_slice %arg7[%dma_wait3A_46] : memref<10240xf32, #tpu.memory_space<vmem_shared>> -> memref<10240xf32, #tpu.memory_space<vmem_shared>>
        tpu.wait_indirect_dma semaphore(%run_scoped3A : memref<!tpu.dma_semaphore, #tpu.memory_space<semaphore_mem>>) src(%arg5 : memref<64xf32, #tpu.memory_space<vmem>>) dst(%dma_wait3A_47 : memref<10240xf32, #tpu.memory_space<vmem_shared>>)
        tpu.yield
      }) : () -> ()
    }
    %scan3A_33 = arith.constant 160 : i32
    %barrier3A_34 = arith.constant 0 : index
    tpu.barrier barrier_id(%barrier3A_34)
    %mul3A_35 = arith.constant 640 : i32
    %mul3A_36 = arith.muli %arg1, %mul3A_35 : i32
    %mul3A_37 = arith.constant 640 : i32
    %mul3A_38 = arith.muli %arg1, %mul3A_37 : i32
    "tpu.region"() ({
      %run_scoped3A = tpu.sem_alloc : memref<!tpu.dma_semaphore, #tpu.memory_space<semaphore_mem>>
      %dma_start3A = tpu.memref_slice %arg3[%arg0, %mul3A_38] : memref<2x10240xf32, #tpu.memory_space<hbm>> -> memref<1x640xf32, #tpu.memory_space<hbm>>
      %dma_start3A_39 = tpu.memref_squeeze %dma_start3A : memref<1x640xf32, #tpu.memory_space<hbm>> -> memref<640xf32, #tpu.memory_space<hbm>>
      %dma_start3A_40 = tpu.memref_slice %arg7[%mul3A_36] : memref<10240xf32, #tpu.memory_space<vmem_shared>> -> memref<640xf32, #tpu.memory_space<vmem_shared>>
      tpu.enqueue_dma source(%dma_start3A_40 : memref<640xf32, #tpu.memory_space<vmem_shared>>) target(%dma_start3A_39 : memref<640xf32, #tpu.memory_space<hbm>>) target_semaphore(%run_scoped3A : memref<!tpu.dma_semaphore, #tpu.memory_space<semaphore_mem>>)
      %dma_wait3A = tpu.memref_slice %arg3[%arg0, %mul3A_38] : memref<2x10240xf32, #tpu.memory_space<hbm>> -> memref<1x640xf32, #tpu.memory_space<hbm>>
      %dma_wait3A_41 = tpu.memref_squeeze %dma_wait3A : memref<1x640xf32, #tpu.memory_space<hbm>> -> memref<640xf32, #tpu.memory_space<hbm>>
      %dma_wait3A_42 = tpu.memref_slice %arg7[%mul3A_36] : memref<10240xf32, #tpu.memory_space<vmem_shared>> -> memref<640xf32, #tpu.memory_space<vmem_shared>>
      tpu.wait_dma2 semaphore(%run_scoped3A : memref<!tpu.dma_semaphore, #tpu.memory_space<semaphore_mem>>) src(%dma_wait3A_42 : memref<640xf32, #tpu.memory_space<vmem_shared>>) dst(%dma_wait3A_41 : memref<640xf32, #tpu.memory_space<hbm>>)
      tpu.yield
    }) : () -> ()
    return
  }
}

#map = affine_map<(d0, d1) -> (0, 0)>
#map1 = affine_map<(d0, d1) -> (0, 0, 0)>
module attributes {stable_mosaic.version = 14 : i64} {
  func.func @_msg_sc(%arg0: i32, %arg1: i32, %arg2: memref<10000x128xf32, #tpu.memory_space<hbm>>, %arg3: memref<5120x64xi32, #tpu.memory_space<hbm>>, %arg4: memref<5120x64xi32, #tpu.memory_space<hbm>>, %arg5: memref<2x10240x128xf32, #tpu.memory_space<hbm>>, %arg6: memref<40x64xi32, #tpu.memory_space<vmem>>, %arg7: memref<40x64xi32, #tpu.memory_space<vmem>>, %arg8: memref<4x64x128xf32, #tpu.memory_space<vmem>>, %arg9: memref<8x128xf32, #tpu.memory_space<vmem>>, %arg10: memref<10240x128xf32, #tpu.memory_space<vmem_shared>>, %arg11: memref<!tpu.dma_semaphore, #tpu.memory_space<semaphore_mem>>, %arg12: memref<!tpu.dma_semaphore, #tpu.memory_space<semaphore_mem>>, %arg13: memref<!tpu.dma_semaphore, #tpu.memory_space<semaphore_mem>>, %arg14: memref<!tpu.dma_semaphore, #tpu.memory_space<semaphore_mem>>) attributes {dimension_semantics = [#tpu.dimension_semantics<core_parallel>, #tpu.dimension_semantics<subcore_parallel>], iteration_bounds = array<i64: 2, 16>, scalar_prefetch = 0 : i64, scratch_operands = 9 : i64, tpu.core_type = #tpu.core_type<sc_vector_subcore>, window_params = [{transform_indices = #map}, {transform_indices = #map}, {transform_indices = #map}, {transform_indices = #map1}]} {
    %broadcast_in_dim3A = arith.constant 0.000000e+00 : f32
    %broadcast_in_dim3A_0 = vector.broadcast %broadcast_in_dim3A : f32 to vector<16xf32>
    %swap3A = arith.constant 0 : i32
    %swap3A_1 = arith.index_cast %swap3A : i32 to index
    %swap3A_2 = arith.constant 0 : index
    %swap3A_3 = tpu.vector_load %arg9[%swap3A_1, %swap3A_2] {strides = array<i32>} : memref<8x128xf32, #tpu.memory_space<vmem>>, vector<1x16xf32>,
    %swap3A_4 = vector.shape_cast %swap3A_3 : vector<1x16xf32> to vector<16xf32>
    %swap3A_5 = vector.shape_cast %broadcast_in_dim3A_0 : vector<16xf32> to vector<1x16xf32>
    tpu.vector_store %arg9[%swap3A_1, %swap3A_2], %swap3A_5 {strides = array<i32>} : memref<8x128xf32, #tpu.memory_space<vmem>>, vector<1x16xf32>,
    %broadcast_in_dim3A_6 = arith.constant 0.000000e+00 : f32
    %broadcast_in_dim3A_7 = vector.broadcast %broadcast_in_dim3A_6 : f32 to vector<16xf32>
    %swap3A_8 = arith.constant 0 : i32
    %swap3A_9 = arith.index_cast %swap3A_8 : i32 to index
    %swap3A_10 = arith.constant 16 : index
    %swap3A_11 = tpu.vector_load %arg9[%swap3A_9, %swap3A_10] {strides = array<i32>} : memref<8x128xf32, #tpu.memory_space<vmem>>, vector<1x16xf32>,
    %swap3A_12 = vector.shape_cast %swap3A_11 : vector<1x16xf32> to vector<16xf32>
    %swap3A_13 = vector.shape_cast %broadcast_in_dim3A_7 : vector<16xf32> to vector<1x16xf32>
    tpu.vector_store %arg9[%swap3A_9, %swap3A_10], %swap3A_13 {strides = array<i32>} : memref<8x128xf32, #tpu.memory_space<vmem>>, vector<1x16xf32>,
    %broadcast_in_dim3A_14 = arith.constant 0.000000e+00 : f32
    %broadcast_in_dim3A_15 = vector.broadcast %broadcast_in_dim3A_14 : f32 to vector<16xf32>
    %swap3A_16 = arith.constant 0 : i32
    %swap3A_17 = arith.index_cast %swap3A_16 : i32 to index
    %swap3A_18 = arith.constant 32 : index
    %swap3A_19 = tpu.vector_load %arg9[%swap3A_17, %swap3A_18] {strides = array<i32>} : memref<8x128xf32, #tpu.memory_space<vmem>>, vector<1x16xf32>,
    %swap3A_20 = vector.shape_cast %swap3A_19 : vector<1x16xf32> to vector<16xf32>
    %swap3A_21 = vector.shape_cast %broadcast_in_dim3A_15 : vector<16xf32> to vector<1x16xf32>
    tpu.vector_store %arg9[%swap3A_17, %swap3A_18], %swap3A_21 {strides = array<i32>} : memref<8x128xf32, #tpu.memory_space<vmem>>, vector<1x16xf32>,
    %broadcast_in_dim3A_22 = arith.constant 0.000000e+00 : f32
    %broadcast_in_dim3A_23 = vector.broadcast %broadcast_in_dim3A_22 : f32 to vector<16xf32>
    %swap3A_24 = arith.constant 0 : i32
    %swap3A_25 = arith.index_cast %swap3A_24 : i32 to index
    %swap3A_26 = arith.constant 48 : index
    %swap3A_27 = tpu.vector_load %arg9[%swap3A_25, %swap3A_26] {strides = array<i32>} : memref<8x128xf32, #tpu.memory_space<vmem>>, vector<1x16xf32>,
    %swap3A_28 = vector.shape_cast %swap3A_27 : vector<1x16xf32> to vector<16xf32>
    %swap3A_29 = vector.shape_cast %broadcast_in_dim3A_23 : vector<16xf32> to vector<1x16xf32>
    tpu.vector_store %arg9[%swap3A_25, %swap3A_26], %swap3A_29 {strides = array<i32>} : memref<8x128xf32, #tpu.memory_space<vmem>>, vector<1x16xf32>,
    %broadcast_in_dim3A_30 = arith.constant 0.000000e+00 : f32
    %broadcast_in_dim3A_31 = vector.broadcast %broadcast_in_dim3A_30 : f32 to vector<16xf32>
    %swap3A_32 = arith.constant 0 : i32
    %swap3A_33 = arith.index_cast %swap3A_32 : i32 to index
    %swap3A_34 = arith.constant 64 : index
    %swap3A_35 = tpu.vector_load %arg9[%swap3A_33, %swap3A_34] {strides = array<i32>} : memref<8x128xf32, #tpu.memory_space<vmem>>, vector<1x16xf32>,
    %swap3A_36 = vector.shape_cast %swap3A_35 : vector<1x16xf32> to vector<16xf32>
    %swap3A_37 = vector.shape_cast %broadcast_in_dim3A_31 : vector<16xf32> to vector<1x16xf32>
    tpu.vector_store %arg9[%swap3A_33, %swap3A_34], %swap3A_37 {strides = array<i32>} : memref<8x128xf32, #tpu.memory_space<vmem>>, vector<1x16xf32>,
    %broadcast_in_dim3A_38 = arith.constant 0.000000e+00 : f32
    %broadcast_in_dim3A_39 = vector.broadcast %broadcast_in_dim3A_38 : f32 to vector<16xf32>
    %swap3A_40 = arith.constant 0 : i32
    %swap3A_41 = arith.index_cast %swap3A_40 : i32 to index
    %swap3A_42 = arith.constant 80 : index
    %swap3A_43 = tpu.vector_load %arg9[%swap3A_41, %swap3A_42] {strides = array<i32>} : memref<8x128xf32, #tpu.memory_space<vmem>>, vector<1x16xf32>,
    %swap3A_44 = vector.shape_cast %swap3A_43 : vector<1x16xf32> to vector<16xf32>
    %swap3A_45 = vector.shape_cast %broadcast_in_dim3A_39 : vector<16xf32> to vector<1x16xf32>
    tpu.vector_store %arg9[%swap3A_41, %swap3A_42], %swap3A_45 {strides = array<i32>} : memref<8x128xf32, #tpu.memory_space<vmem>>, vector<1x16xf32>,
    %broadcast_in_dim3A_46 = arith.constant 0.000000e+00 : f32
    %broadcast_in_dim3A_47 = vector.broadcast %broadcast_in_dim3A_46 : f32 to vector<16xf32>
    %swap3A_48 = arith.constant 0 : i32
    %swap3A_49 = arith.index_cast %swap3A_48 : i32 to index
    %swap3A_50 = arith.constant 96 : index
    %swap3A_51 = tpu.vector_load %arg9[%swap3A_49, %swap3A_50] {strides = array<i32>} : memref<8x128xf32, #tpu.memory_space<vmem>>, vector<1x16xf32>,
    %swap3A_52 = vector.shape_cast %swap3A_51 : vector<1x16xf32> to vector<16xf32>
    %swap3A_53 = vector.shape_cast %broadcast_in_dim3A_47 : vector<16xf32> to vector<1x16xf32>
    tpu.vector_store %arg9[%swap3A_49, %swap3A_50], %swap3A_53 {strides = array<i32>} : memref<8x128xf32, #tpu.memory_space<vmem>>, vector<1x16xf32>,
    %broadcast_in_dim3A_54 = arith.constant 0.000000e+00 : f32
    %broadcast_in_dim3A_55 = vector.broadcast %broadcast_in_dim3A_54 : f32 to vector<16xf32>
    %swap3A_56 = arith.constant 0 : i32
    %swap3A_57 = arith.index_cast %swap3A_56 : i32 to index
    %swap3A_58 = arith.constant 112 : index
    %swap3A_59 = tpu.vector_load %arg9[%swap3A_57, %swap3A_58] {strides = array<i32>} : memref<8x128xf32, #tpu.memory_space<vmem>>, vector<1x16xf32>,
    %swap3A_60 = vector.shape_cast %swap3A_59 : vector<1x16xf32> to vector<16xf32>
    %swap3A_61 = vector.shape_cast %broadcast_in_dim3A_55 : vector<16xf32> to vector<1x16xf32>
    tpu.vector_store %arg9[%swap3A_57, %swap3A_58], %swap3A_61 {strides = array<i32>} : memref<8x128xf32, #tpu.memory_space<vmem>>, vector<1x16xf32>,
    %broadcast_in_dim3A_62 = arith.constant 0.000000e+00 : f32
    %broadcast_in_dim3A_63 = vector.broadcast %broadcast_in_dim3A_62 : f32 to vector<16xf32>
    %swap3A_64 = arith.constant 1 : i32
    %swap3A_65 = arith.index_cast %swap3A_64 : i32 to index
    %swap3A_66 = arith.constant 0 : index
    %swap3A_67 = tpu.vector_load %arg9[%swap3A_65, %swap3A_66] {strides = array<i32>} : memref<8x128xf32, #tpu.memory_space<vmem>>, vector<1x16xf32>,
    %swap3A_68 = vector.shape_cast %swap3A_67 : vector<1x16xf32> to vector<16xf32>
    %swap3A_69 = vector.shape_cast %broadcast_in_dim3A_63 : vector<16xf32> to vector<1x16xf32>
    tpu.vector_store %arg9[%swap3A_65, %swap3A_66], %swap3A_69 {strides = array<i32>} : memref<8x128xf32, #tpu.memory_space<vmem>>, vector<1x16xf32>,
    %broadcast_in_dim3A_70 = arith.constant 0.000000e+00 : f32
    %broadcast_in_dim3A_71 = vector.broadcast %broadcast_in_dim3A_70 : f32 to vector<16xf32>
    %swap3A_72 = arith.constant 1 : i32
    %swap3A_73 = arith.index_cast %swap3A_72 : i32 to index
    %swap3A_74 = arith.constant 16 : index
    %swap3A_75 = tpu.vector_load %arg9[%swap3A_73, %swap3A_74] {strides = array<i32>} : memref<8x128xf32, #tpu.memory_space<vmem>>, vector<1x16xf32>,
    %swap3A_76 = vector.shape_cast %swap3A_75 : vector<1x16xf32> to vector<16xf32>
    %swap3A_77 = vector.shape_cast %broadcast_in_dim3A_71 : vector<16xf32> to vector<1x16xf32>
    tpu.vector_store %arg9[%swap3A_73, %swap3A_74], %swap3A_77 {strides = array<i32>} : memref<8x128xf32, #tpu.memory_space<vmem>>, vector<1x16xf32>,
    %broadcast_in_dim3A_78 = arith.constant 0.000000e+00 : f32
    %broadcast_in_dim3A_79 = vector.broadcast %broadcast_in_dim3A_78 : f32 to vector<16xf32>
    %swap3A_80 = arith.constant 1 : i32
    %swap3A_81 = arith.index_cast %swap3A_80 : i32 to index
    %swap3A_82 = arith.constant 32 : index
    %swap3A_83 = tpu.vector_load %arg9[%swap3A_81, %swap3A_82] {strides = array<i32>} : memref<8x128xf32, #tpu.memory_space<vmem>>, vector<1x16xf32>,
    %swap3A_84 = vector.shape_cast %swap3A_83 : vector<1x16xf32> to vector<16xf32>
    %swap3A_85 = vector.shape_cast %broadcast_in_dim3A_79 : vector<16xf32> to vector<1x16xf32>
    tpu.vector_store %arg9[%swap3A_81, %swap3A_82], %swap3A_85 {strides = array<i32>} : memref<8x128xf32, #tpu.memory_space<vmem>>, vector<1x16xf32>,
    %broadcast_in_dim3A_86 = arith.constant 0.000000e+00 : f32
    %broadcast_in_dim3A_87 = vector.broadcast %broadcast_in_dim3A_86 : f32 to vector<16xf32>
    %swap3A_88 = arith.constant 1 : i32
    %swap3A_89 = arith.index_cast %swap3A_88 : i32 to index
    %swap3A_90 = arith.constant 48 : index
    %swap3A_91 = tpu.vector_load %arg9[%swap3A_89, %swap3A_90] {strides = array<i32>} : memref<8x128xf32, #tpu.memory_space<vmem>>, vector<1x16xf32>,
    %swap3A_92 = vector.shape_cast %swap3A_91 : vector<1x16xf32> to vector<16xf32>
    %swap3A_93 = vector.shape_cast %broadcast_in_dim3A_87 : vector<16xf32> to vector<1x16xf32>
    tpu.vector_store %arg9[%swap3A_89, %swap3A_90], %swap3A_93 {strides = array<i32>} : memref<8x128xf32, #tpu.memory_space<vmem>>, vector<1x16xf32>,
    %broadcast_in_dim3A_94 = arith.constant 0.000000e+00 : f32
    %broadcast_in_dim3A_95 = vector.broadcast %broadcast_in_dim3A_94 : f32 to vector<16xf32>
    %swap3A_96 = arith.constant 1 : i32
    %swap3A_97 = arith.index_cast %swap3A_96 : i32 to index
    %swap3A_98 = arith.constant 64 : index
    %swap3A_99 = tpu.vector_load %arg9[%swap3A_97, %swap3A_98] {strides = array<i32>} : memref<8x128xf32, #tpu.memory_space<vmem>>, vector<1x16xf32>,
    %swap3A_100 = vector.shape_cast %swap3A_99 : vector<1x16xf32> to vector<16xf32>
    %swap3A_101 = vector.shape_cast %broadcast_in_dim3A_95 : vector<16xf32> to vector<1x16xf32>
    tpu.vector_store %arg9[%swap3A_97, %swap3A_98], %swap3A_101 {strides = array<i32>} : memref<8x128xf32, #tpu.memory_space<vmem>>, vector<1x16xf32>,
    %broadcast_in_dim3A_102 = arith.constant 0.000000e+00 : f32
    %broadcast_in_dim3A_103 = vector.broadcast %broadcast_in_dim3A_102 : f32 to vector<16xf32>
    %swap3A_104 = arith.constant 1 : i32
    %swap3A_105 = arith.index_cast %swap3A_104 : i32 to index
    %swap3A_106 = arith.constant 80 : index
    %swap3A_107 = tpu.vector_load %arg9[%swap3A_105, %swap3A_106] {strides = array<i32>} : memref<8x128xf32, #tpu.memory_space<vmem>>, vector<1x16xf32>,
    %swap3A_108 = vector.shape_cast %swap3A_107 : vector<1x16xf32> to vector<16xf32>
    %swap3A_109 = vector.shape_cast %broadcast_in_dim3A_103 : vector<16xf32> to vector<1x16xf32>
    tpu.vector_store %arg9[%swap3A_105, %swap3A_106], %swap3A_109 {strides = array<i32>} : memref<8x128xf32, #tpu.memory_space<vmem>>, vector<1x16xf32>,
    %broadcast_in_dim3A_110 = arith.constant 0.000000e+00 : f32
    %broadcast_in_dim3A_111 = vector.broadcast %broadcast_in_dim3A_110 : f32 to vector<16xf32>
    %swap3A_112 = arith.constant 1 : i32
    %swap3A_113 = arith.index_cast %swap3A_112 : i32 to index
    %swap3A_114 = arith.constant 96 : index
    %swap3A_115 = tpu.vector_load %arg9[%swap3A_113, %swap3A_114] {strides = array<i32>} : memref<8x128xf32, #tpu.memory_space<vmem>>, vector<1x16xf32>,
    %swap3A_116 = vector.shape_cast %swap3A_115 : vector<1x16xf32> to vector<16xf32>
    %swap3A_117 = vector.shape_cast %broadcast_in_dim3A_111 : vector<16xf32> to vector<1x16xf32>
    tpu.vector_store %arg9[%swap3A_113, %swap3A_114], %swap3A_117 {strides = array<i32>} : memref<8x128xf32, #tpu.memory_space<vmem>>, vector<1x16xf32>,
    %broadcast_in_dim3A_118 = arith.constant 0.000000e+00 : f32
    %broadcast_in_dim3A_119 = vector.broadcast %broadcast_in_dim3A_118 : f32 to vector<16xf32>
    %swap3A_120 = arith.constant 1 : i32
    %swap3A_121 = arith.index_cast %swap3A_120 : i32 to index
    %swap3A_122 = arith.constant 112 : index
    %swap3A_123 = tpu.vector_load %arg9[%swap3A_121, %swap3A_122] {strides = array<i32>} : memref<8x128xf32, #tpu.memory_space<vmem>>, vector<1x16xf32>,
    %swap3A_124 = vector.shape_cast %swap3A_123 : vector<1x16xf32> to vector<16xf32>
    %swap3A_125 = vector.shape_cast %broadcast_in_dim3A_119 : vector<16xf32> to vector<1x16xf32>
    tpu.vector_store %arg9[%swap3A_121, %swap3A_122], %swap3A_125 {strides = array<i32>} : memref<8x128xf32, #tpu.memory_space<vmem>>, vector<1x16xf32>,
    %broadcast_in_dim3A_126 = arith.constant 0.000000e+00 : f32
    %broadcast_in_dim3A_127 = vector.broadcast %broadcast_in_dim3A_126 : f32 to vector<16xf32>
    %swap3A_128 = arith.constant 2 : i32
    %swap3A_129 = arith.index_cast %swap3A_128 : i32 to index
    %swap3A_130 = arith.constant 0 : index
    %swap3A_131 = tpu.vector_load %arg9[%swap3A_129, %swap3A_130] {strides = array<i32>} : memref<8x128xf32, #tpu.memory_space<vmem>>, vector<1x16xf32>,
    %swap3A_132 = vector.shape_cast %swap3A_131 : vector<1x16xf32> to vector<16xf32>
    %swap3A_133 = vector.shape_cast %broadcast_in_dim3A_127 : vector<16xf32> to vector<1x16xf32>
    tpu.vector_store %arg9[%swap3A_129, %swap3A_130], %swap3A_133 {strides = array<i32>} : memref<8x128xf32, #tpu.memory_space<vmem>>, vector<1x16xf32>,
    %broadcast_in_dim3A_134 = arith.constant 0.000000e+00 : f32
    %broadcast_in_dim3A_135 = vector.broadcast %broadcast_in_dim3A_134 : f32 to vector<16xf32>
    %swap3A_136 = arith.constant 2 : i32
    %swap3A_137 = arith.index_cast %swap3A_136 : i32 to index
    %swap3A_138 = arith.constant 16 : index
    %swap3A_139 = tpu.vector_load %arg9[%swap3A_137, %swap3A_138] {strides = array<i32>} : memref<8x128xf32, #tpu.memory_space<vmem>>, vector<1x16xf32>,
    %swap3A_140 = vector.shape_cast %swap3A_139 : vector<1x16xf32> to vector<16xf32>
    %swap3A_141 = vector.shape_cast %broadcast_in_dim3A_135 : vector<16xf32> to vector<1x16xf32>
    tpu.vector_store %arg9[%swap3A_137, %swap3A_138], %swap3A_141 {strides = array<i32>} : memref<8x128xf32, #tpu.memory_space<vmem>>, vector<1x16xf32>,
    %broadcast_in_dim3A_142 = arith.constant 0.000000e+00 : f32
    %broadcast_in_dim3A_143 = vector.broadcast %broadcast_in_dim3A_142 : f32 to vector<16xf32>
    %swap3A_144 = arith.constant 2 : i32
    %swap3A_145 = arith.index_cast %swap3A_144 : i32 to index
    %swap3A_146 = arith.constant 32 : index
    %swap3A_147 = tpu.vector_load %arg9[%swap3A_145, %swap3A_146] {strides = array<i32>} : memref<8x128xf32, #tpu.memory_space<vmem>>, vector<1x16xf32>,
    %swap3A_148 = vector.shape_cast %swap3A_147 : vector<1x16xf32> to vector<16xf32>
    %swap3A_149 = vector.shape_cast %broadcast_in_dim3A_143 : vector<16xf32> to vector<1x16xf32>
    tpu.vector_store %arg9[%swap3A_145, %swap3A_146], %swap3A_149 {strides = array<i32>} : memref<8x128xf32, #tpu.memory_space<vmem>>, vector<1x16xf32>,
    %broadcast_in_dim3A_150 = arith.constant 0.000000e+00 : f32
    %broadcast_in_dim3A_151 = vector.broadcast %broadcast_in_dim3A_150 : f32 to vector<16xf32>
    %swap3A_152 = arith.constant 2 : i32
    %swap3A_153 = arith.index_cast %swap3A_152 : i32 to index
    %swap3A_154 = arith.constant 48 : index
    %swap3A_155 = tpu.vector_load %arg9[%swap3A_153, %swap3A_154] {strides = array<i32>} : memref<8x128xf32, #tpu.memory_space<vmem>>, vector<1x16xf32>,
    %swap3A_156 = vector.shape_cast %swap3A_155 : vector<1x16xf32> to vector<16xf32>
    %swap3A_157 = vector.shape_cast %broadcast_in_dim3A_151 : vector<16xf32> to vector<1x16xf32>
    tpu.vector_store %arg9[%swap3A_153, %swap3A_154], %swap3A_157 {strides = array<i32>} : memref<8x128xf32, #tpu.memory_space<vmem>>, vector<1x16xf32>,
    %broadcast_in_dim3A_158 = arith.constant 0.000000e+00 : f32
    %broadcast_in_dim3A_159 = vector.broadcast %broadcast_in_dim3A_158 : f32 to vector<16xf32>
    %swap3A_160 = arith.constant 2 : i32
    %swap3A_161 = arith.index_cast %swap3A_160 : i32 to index
    %swap3A_162 = arith.constant 64 : index
    %swap3A_163 = tpu.vector_load %arg9[%swap3A_161, %swap3A_162] {strides = array<i32>} : memref<8x128xf32, #tpu.memory_space<vmem>>, vector<1x16xf32>,
    %swap3A_164 = vector.shape_cast %swap3A_163 : vector<1x16xf32> to vector<16xf32>
    %swap3A_165 = vector.shape_cast %broadcast_in_dim3A_159 : vector<16xf32> to vector<1x16xf32>
    tpu.vector_store %arg9[%swap3A_161, %swap3A_162], %swap3A_165 {strides = array<i32>} : memref<8x128xf32, #tpu.memory_space<vmem>>, vector<1x16xf32>,
    %broadcast_in_dim3A_166 = arith.constant 0.000000e+00 : f32
    %broadcast_in_dim3A_167 = vector.broadcast %broadcast_in_dim3A_166 : f32 to vector<16xf32>
    %swap3A_168 = arith.constant 2 : i32
    %swap3A_169 = arith.index_cast %swap3A_168 : i32 to index
    %swap3A_170 = arith.constant 80 : index
    %swap3A_171 = tpu.vector_load %arg9[%swap3A_169, %swap3A_170] {strides = array<i32>} : memref<8x128xf32, #tpu.memory_space<vmem>>, vector<1x16xf32>,
    %swap3A_172 = vector.shape_cast %swap3A_171 : vector<1x16xf32> to vector<16xf32>
    %swap3A_173 = vector.shape_cast %broadcast_in_dim3A_167 : vector<16xf32> to vector<1x16xf32>
    tpu.vector_store %arg9[%swap3A_169, %swap3A_170], %swap3A_173 {strides = array<i32>} : memref<8x128xf32, #tpu.memory_space<vmem>>, vector<1x16xf32>,
    %broadcast_in_dim3A_174 = arith.constant 0.000000e+00 : f32
    %broadcast_in_dim3A_175 = vector.broadcast %broadcast_in_dim3A_174 : f32 to vector<16xf32>
    %swap3A_176 = arith.constant 2 : i32
    %swap3A_177 = arith.index_cast %swap3A_176 : i32 to index
    %swap3A_178 = arith.constant 96 : index
    %swap3A_179 = tpu.vector_load %arg9[%swap3A_177, %swap3A_178] {strides = array<i32>} : memref<8x128xf32, #tpu.memory_space<vmem>>, vector<1x16xf32>,
    %swap3A_180 = vector.shape_cast %swap3A_179 : vector<1x16xf32> to vector<16xf32>
    %swap3A_181 = vector.shape_cast %broadcast_in_dim3A_175 : vector<16xf32> to vector<1x16xf32>
    tpu.vector_store %arg9[%swap3A_177, %swap3A_178], %swap3A_181 {strides = array<i32>} : memref<8x128xf32, #tpu.memory_space<vmem>>, vector<1x16xf32>,
    %broadcast_in_dim3A_182 = arith.constant 0.000000e+00 : f32
    %broadcast_in_dim3A_183 = vector.broadcast %broadcast_in_dim3A_182 : f32 to vector<16xf32>
    %swap3A_184 = arith.constant 2 : i32
    %swap3A_185 = arith.index_cast %swap3A_184 : i32 to index
    %swap3A_186 = arith.constant 112 : index
    %swap3A_187 = tpu.vector_load %arg9[%swap3A_185, %swap3A_186] {strides = array<i32>} : memref<8x128xf32, #tpu.memory_space<vmem>>, vector<1x16xf32>,
    %swap3A_188 = vector.shape_cast %swap3A_187 : vector<1x16xf32> to vector<16xf32>
    %swap3A_189 = vector.shape_cast %broadcast_in_dim3A_183 : vector<16xf32> to vector<1x16xf32>
    tpu.vector_store %arg9[%swap3A_185, %swap3A_186], %swap3A_189 {strides = array<i32>} : memref<8x128xf32, #tpu.memory_space<vmem>>, vector<1x16xf32>,
    %broadcast_in_dim3A_190 = arith.constant 0.000000e+00 : f32
    %broadcast_in_dim3A_191 = vector.broadcast %broadcast_in_dim3A_190 : f32 to vector<16xf32>
    %swap3A_192 = arith.constant 3 : i32
    %swap3A_193 = arith.index_cast %swap3A_192 : i32 to index
    %swap3A_194 = arith.constant 0 : index
    %swap3A_195 = tpu.vector_load %arg9[%swap3A_193, %swap3A_194] {strides = array<i32>} : memref<8x128xf32, #tpu.memory_space<vmem>>, vector<1x16xf32>,
    %swap3A_196 = vector.shape_cast %swap3A_195 : vector<1x16xf32> to vector<16xf32>
    %swap3A_197 = vector.shape_cast %broadcast_in_dim3A_191 : vector<16xf32> to vector<1x16xf32>
    tpu.vector_store %arg9[%swap3A_193, %swap3A_194], %swap3A_197 {strides = array<i32>} : memref<8x128xf32, #tpu.memory_space<vmem>>, vector<1x16xf32>,
    %broadcast_in_dim3A_198 = arith.constant 0.000000e+00 : f32
    %broadcast_in_dim3A_199 = vector.broadcast %broadcast_in_dim3A_198 : f32 to vector<16xf32>
    %swap3A_200 = arith.constant 3 : i32
    %swap3A_201 = arith.index_cast %swap3A_200 : i32 to index
    %swap3A_202 = arith.constant 16 : index
    %swap3A_203 = tpu.vector_load %arg9[%swap3A_201, %swap3A_202] {strides = array<i32>} : memref<8x128xf32, #tpu.memory_space<vmem>>, vector<1x16xf32>,
    %swap3A_204 = vector.shape_cast %swap3A_203 : vector<1x16xf32> to vector<16xf32>
    %swap3A_205 = vector.shape_cast %broadcast_in_dim3A_199 : vector<16xf32> to vector<1x16xf32>
    tpu.vector_store %arg9[%swap3A_201, %swap3A_202], %swap3A_205 {strides = array<i32>} : memref<8x128xf32, #tpu.memory_space<vmem>>, vector<1x16xf32>,
    %broadcast_in_dim3A_206 = arith.constant 0.000000e+00 : f32
    %broadcast_in_dim3A_207 = vector.broadcast %broadcast_in_dim3A_206 : f32 to vector<16xf32>
    %swap3A_208 = arith.constant 3 : i32
    %swap3A_209 = arith.index_cast %swap3A_208 : i32 to index
    %swap3A_210 = arith.constant 32 : index
    %swap3A_211 = tpu.vector_load %arg9[%swap3A_209, %swap3A_210] {strides = array<i32>} : memref<8x128xf32, #tpu.memory_space<vmem>>, vector<1x16xf32>,
    %swap3A_212 = vector.shape_cast %swap3A_211 : vector<1x16xf32> to vector<16xf32>
    %swap3A_213 = vector.shape_cast %broadcast_in_dim3A_207 : vector<16xf32> to vector<1x16xf32>
    tpu.vector_store %arg9[%swap3A_209, %swap3A_210], %swap3A_213 {strides = array<i32>} : memref<8x128xf32, #tpu.memory_space<vmem>>, vector<1x16xf32>,
    %broadcast_in_dim3A_214 = arith.constant 0.000000e+00 : f32
    %broadcast_in_dim3A_215 = vector.broadcast %broadcast_in_dim3A_214 : f32 to vector<16xf32>
    %swap3A_216 = arith.constant 3 : i32
    %swap3A_217 = arith.index_cast %swap3A_216 : i32 to index
    %swap3A_218 = arith.constant 48 : index
    %swap3A_219 = tpu.vector_load %arg9[%swap3A_217, %swap3A_218] {strides = array<i32>} : memref<8x128xf32, #tpu.memory_space<vmem>>, vector<1x16xf32>,
    %swap3A_220 = vector.shape_cast %swap3A_219 : vector<1x16xf32> to vector<16xf32>
    %swap3A_221 = vector.shape_cast %broadcast_in_dim3A_215 : vector<16xf32> to vector<1x16xf32>
    tpu.vector_store %arg9[%swap3A_217, %swap3A_218], %swap3A_221 {strides = array<i32>} : memref<8x128xf32, #tpu.memory_space<vmem>>, vector<1x16xf32>,
    %broadcast_in_dim3A_222 = arith.constant 0.000000e+00 : f32
    %broadcast_in_dim3A_223 = vector.broadcast %broadcast_in_dim3A_222 : f32 to vector<16xf32>
    %swap3A_224 = arith.constant 3 : i32
    %swap3A_225 = arith.index_cast %swap3A_224 : i32 to index
    %swap3A_226 = arith.constant 64 : index
    %swap3A_227 = tpu.vector_load %arg9[%swap3A_225, %swap3A_226] {strides = array<i32>} : memref<8x128xf32, #tpu.memory_space<vmem>>, vector<1x16xf32>,
    %swap3A_228 = vector.shape_cast %swap3A_227 : vector<1x16xf32> to vector<16xf32>
    %swap3A_229 = vector.shape_cast %broadcast_in_dim3A_223 : vector<16xf32> to vector<1x16xf32>
    tpu.vector_store %arg9[%swap3A_225, %swap3A_226], %swap3A_229 {strides = array<i32>} : memref<8x128xf32, #tpu.memory_space<vmem>>, vector<1x16xf32>,
    %broadcast_in_dim3A_230 = arith.constant 0.000000e+00 : f32
    %broadcast_in_dim3A_231 = vector.broadcast %broadcast_in_dim3A_230 : f32 to vector<16xf32>
    %swap3A_232 = arith.constant 3 : i32
    %swap3A_233 = arith.index_cast %swap3A_232 : i32 to index
    %swap3A_234 = arith.constant 80 : index
    %swap3A_235 = tpu.vector_load %arg9[%swap3A_233, %swap3A_234] {strides = array<i32>} : memref<8x128xf32, #tpu.memory_space<vmem>>, vector<1x16xf32>,
    %swap3A_236 = vector.shape_cast %swap3A_235 : vector<1x16xf32> to vector<16xf32>
    %swap3A_237 = vector.shape_cast %broadcast_in_dim3A_231 : vector<16xf32> to vector<1x16xf32>
    tpu.vector_store %arg9[%swap3A_233, %swap3A_234], %swap3A_237 {strides = array<i32>} : memref<8x128xf32, #tpu.memory_space<vmem>>, vector<1x16xf32>,
    %broadcast_in_dim3A_238 = arith.constant 0.000000e+00 : f32
    %broadcast_in_dim3A_239 = vector.broadcast %broadcast_in_dim3A_238 : f32 to vector<16xf32>
    %swap3A_240 = arith.constant 3 : i32
    %swap3A_241 = arith.index_cast %swap3A_240 : i32 to index
    %swap3A_242 = arith.constant 96 : index
    %swap3A_243 = tpu.vector_load %arg9[%swap3A_241, %swap3A_242] {strides = array<i32>} : memref<8x128xf32, #tpu.memory_space<vmem>>, vector<1x16xf32>,
    %swap3A_244 = vector.shape_cast %swap3A_243 : vector<1x16xf32> to vector<16xf32>
    %swap3A_245 = vector.shape_cast %broadcast_in_dim3A_239 : vector<16xf32> to vector<1x16xf32>
    tpu.vector_store %arg9[%swap3A_241, %swap3A_242], %swap3A_245 {strides = array<i32>} : memref<8x128xf32, #tpu.memory_space<vmem>>, vector<1x16xf32>,
    %broadcast_in_dim3A_246 = arith.constant 0.000000e+00 : f32
    %broadcast_in_dim3A_247 = vector.broadcast %broadcast_in_dim3A_246 : f32 to vector<16xf32>
    %swap3A_248 = arith.constant 3 : i32
    %swap3A_249 = arith.index_cast %swap3A_248 : i32 to index
    %swap3A_250 = arith.constant 112 : index
    %swap3A_251 = tpu.vector_load %arg9[%swap3A_249, %swap3A_250] {strides = array<i32>} : memref<8x128xf32, #tpu.memory_space<vmem>>, vector<1x16xf32>,
    %swap3A_252 = vector.shape_cast %swap3A_251 : vector<1x16xf32> to vector<16xf32>
    %swap3A_253 = vector.shape_cast %broadcast_in_dim3A_247 : vector<16xf32> to vector<1x16xf32>
    tpu.vector_store %arg9[%swap3A_249, %swap3A_250], %swap3A_253 {strides = array<i32>} : memref<8x128xf32, #tpu.memory_space<vmem>>, vector<1x16xf32>,
    %broadcast_in_dim3A_254 = arith.constant 0.000000e+00 : f32
    %broadcast_in_dim3A_255 = vector.broadcast %broadcast_in_dim3A_254 : f32 to vector<16xf32>
    %swap3A_256 = arith.constant 4 : i32
    %swap3A_257 = arith.index_cast %swap3A_256 : i32 to index
    %swap3A_258 = arith.constant 0 : index
    %swap3A_259 = tpu.vector_load %arg9[%swap3A_257, %swap3A_258] {strides = array<i32>} : memref<8x128xf32, #tpu.memory_space<vmem>>, vector<1x16xf32>,
    %swap3A_260 = vector.shape_cast %swap3A_259 : vector<1x16xf32> to vector<16xf32>
    %swap3A_261 = vector.shape_cast %broadcast_in_dim3A_255 : vector<16xf32> to vector<1x16xf32>
    tpu.vector_store %arg9[%swap3A_257, %swap3A_258], %swap3A_261 {strides = array<i32>} : memref<8x128xf32, #tpu.memory_space<vmem>>, vector<1x16xf32>,
    %broadcast_in_dim3A_262 = arith.constant 0.000000e+00 : f32
    %broadcast_in_dim3A_263 = vector.broadcast %broadcast_in_dim3A_262 : f32 to vector<16xf32>
    %swap3A_264 = arith.constant 4 : i32
    %swap3A_265 = arith.index_cast %swap3A_264 : i32 to index
    %swap3A_266 = arith.constant 16 : index
    %swap3A_267 = tpu.vector_load %arg9[%swap3A_265, %swap3A_266] {strides = array<i32>} : memref<8x128xf32, #tpu.memory_space<vmem>>, vector<1x16xf32>,
    %swap3A_268 = vector.shape_cast %swap3A_267 : vector<1x16xf32> to vector<16xf32>
    %swap3A_269 = vector.shape_cast %broadcast_in_dim3A_263 : vector<16xf32> to vector<1x16xf32>
    tpu.vector_store %arg9[%swap3A_265, %swap3A_266], %swap3A_269 {strides = array<i32>} : memref<8x128xf32, #tpu.memory_space<vmem>>, vector<1x16xf32>,
    %broadcast_in_dim3A_270 = arith.constant 0.000000e+00 : f32
    %broadcast_in_dim3A_271 = vector.broadcast %broadcast_in_dim3A_270 : f32 to vector<16xf32>
    %swap3A_272 = arith.constant 4 : i32
    %swap3A_273 = arith.index_cast %swap3A_272 : i32 to index
    %swap3A_274 = arith.constant 32 : index
    %swap3A_275 = tpu.vector_load %arg9[%swap3A_273, %swap3A_274] {strides = array<i32>} : memref<8x128xf32, #tpu.memory_space<vmem>>, vector<1x16xf32>,
    %swap3A_276 = vector.shape_cast %swap3A_275 : vector<1x16xf32> to vector<16xf32>
    %swap3A_277 = vector.shape_cast %broadcast_in_dim3A_271 : vector<16xf32> to vector<1x16xf32>
    tpu.vector_store %arg9[%swap3A_273, %swap3A_274], %swap3A_277 {strides = array<i32>} : memref<8x128xf32, #tpu.memory_space<vmem>>, vector<1x16xf32>,
    %broadcast_in_dim3A_278 = arith.constant 0.000000e+00 : f32
    %broadcast_in_dim3A_279 = vector.broadcast %broadcast_in_dim3A_278 : f32 to vector<16xf32>
    %swap3A_280 = arith.constant 4 : i32
    %swap3A_281 = arith.index_cast %swap3A_280 : i32 to index
    %swap3A_282 = arith.constant 48 : index
    %swap3A_283 = tpu.vector_load %arg9[%swap3A_281, %swap3A_282] {strides = array<i32>} : memref<8x128xf32, #tpu.memory_space<vmem>>, vector<1x16xf32>,
    %swap3A_284 = vector.shape_cast %swap3A_283 : vector<1x16xf32> to vector<16xf32>
    %swap3A_285 = vector.shape_cast %broadcast_in_dim3A_279 : vector<16xf32> to vector<1x16xf32>
    tpu.vector_store %arg9[%swap3A_281, %swap3A_282], %swap3A_285 {strides = array<i32>} : memref<8x128xf32, #tpu.memory_space<vmem>>, vector<1x16xf32>,
    %broadcast_in_dim3A_286 = arith.constant 0.000000e+00 : f32
    %broadcast_in_dim3A_287 = vector.broadcast %broadcast_in_dim3A_286 : f32 to vector<16xf32>
    %swap3A_288 = arith.constant 4 : i32
    %swap3A_289 = arith.index_cast %swap3A_288 : i32 to index
    %swap3A_290 = arith.constant 64 : index
    %swap3A_291 = tpu.vector_load %arg9[%swap3A_289, %swap3A_290] {strides = array<i32>} : memref<8x128xf32, #tpu.memory_space<vmem>>, vector<1x16xf32>,
    %swap3A_292 = vector.shape_cast %swap3A_291 : vector<1x16xf32> to vector<16xf32>
    %swap3A_293 = vector.shape_cast %broadcast_in_dim3A_287 : vector<16xf32> to vector<1x16xf32>
    tpu.vector_store %arg9[%swap3A_289, %swap3A_290], %swap3A_293 {strides = array<i32>} : memref<8x128xf32, #tpu.memory_space<vmem>>, vector<1x16xf32>,
    %broadcast_in_dim3A_294 = arith.constant 0.000000e+00 : f32
    %broadcast_in_dim3A_295 = vector.broadcast %broadcast_in_dim3A_294 : f32 to vector<16xf32>
    %swap3A_296 = arith.constant 4 : i32
    %swap3A_297 = arith.index_cast %swap3A_296 : i32 to index
    %swap3A_298 = arith.constant 80 : index
    %swap3A_299 = tpu.vector_load %arg9[%swap3A_297, %swap3A_298] {strides = array<i32>} : memref<8x128xf32, #tpu.memory_space<vmem>>, vector<1x16xf32>,
    %swap3A_300 = vector.shape_cast %swap3A_299 : vector<1x16xf32> to vector<16xf32>
    %swap3A_301 = vector.shape_cast %broadcast_in_dim3A_295 : vector<16xf32> to vector<1x16xf32>
    tpu.vector_store %arg9[%swap3A_297, %swap3A_298], %swap3A_301 {strides = array<i32>} : memref<8x128xf32, #tpu.memory_space<vmem>>, vector<1x16xf32>,
    %broadcast_in_dim3A_302 = arith.constant 0.000000e+00 : f32
    %broadcast_in_dim3A_303 = vector.broadcast %broadcast_in_dim3A_302 : f32 to vector<16xf32>
    %swap3A_304 = arith.constant 4 : i32
    %swap3A_305 = arith.index_cast %swap3A_304 : i32 to index
    %swap3A_306 = arith.constant 96 : index
    %swap3A_307 = tpu.vector_load %arg9[%swap3A_305, %swap3A_306] {strides = array<i32>} : memref<8x128xf32, #tpu.memory_space<vmem>>, vector<1x16xf32>,
    %swap3A_308 = vector.shape_cast %swap3A_307 : vector<1x16xf32> to vector<16xf32>
    %swap3A_309 = vector.shape_cast %broadcast_in_dim3A_303 : vector<16xf32> to vector<1x16xf32>
    tpu.vector_store %arg9[%swap3A_305, %swap3A_306], %swap3A_309 {strides = array<i32>} : memref<8x128xf32, #tpu.memory_space<vmem>>, vector<1x16xf32>,
    %broadcast_in_dim3A_310 = arith.constant 0.000000e+00 : f32
    %broadcast_in_dim3A_311 = vector.broadcast %broadcast_in_dim3A_310 : f32 to vector<16xf32>
    %swap3A_312 = arith.constant 4 : i32
    %swap3A_313 = arith.index_cast %swap3A_312 : i32 to index
    %swap3A_314 = arith.constant 112 : index
    %swap3A_315 = tpu.vector_load %arg9[%swap3A_313, %swap3A_314] {strides = array<i32>} : memref<8x128xf32, #tpu.memory_space<vmem>>, vector<1x16xf32>,
    %swap3A_316 = vector.shape_cast %swap3A_315 : vector<1x16xf32> to vector<16xf32>
    %swap3A_317 = vector.shape_cast %broadcast_in_dim3A_311 : vector<16xf32> to vector<1x16xf32>
    tpu.vector_store %arg9[%swap3A_313, %swap3A_314], %swap3A_317 {strides = array<i32>} : memref<8x128xf32, #tpu.memory_space<vmem>>, vector<1x16xf32>,
    %broadcast_in_dim3A_318 = arith.constant 0.000000e+00 : f32
    %broadcast_in_dim3A_319 = vector.broadcast %broadcast_in_dim3A_318 : f32 to vector<16xf32>
    %swap3A_320 = arith.constant 5 : i32
    %swap3A_321 = arith.index_cast %swap3A_320 : i32 to index
    %swap3A_322 = arith.constant 0 : index
    %swap3A_323 = tpu.vector_load %arg9[%swap3A_321, %swap3A_322] {strides = array<i32>} : memref<8x128xf32, #tpu.memory_space<vmem>>, vector<1x16xf32>,
    %swap3A_324 = vector.shape_cast %swap3A_323 : vector<1x16xf32> to vector<16xf32>
    %swap3A_325 = vector.shape_cast %broadcast_in_dim3A_319 : vector<16xf32> to vector<1x16xf32>
    tpu.vector_store %arg9[%swap3A_321, %swap3A_322], %swap3A_325 {strides = array<i32>} : memref<8x128xf32, #tpu.memory_space<vmem>>, vector<1x16xf32>,
    %broadcast_in_dim3A_326 = arith.constant 0.000000e+00 : f32
    %broadcast_in_dim3A_327 = vector.broadcast %broadcast_in_dim3A_326 : f32 to vector<16xf32>
    %swap3A_328 = arith.constant 5 : i32
    %swap3A_329 = arith.index_cast %swap3A_328 : i32 to index
    %swap3A_330 = arith.constant 16 : index
    %swap3A_331 = tpu.vector_load %arg9[%swap3A_329, %swap3A_330] {strides = array<i32>} : memref<8x128xf32, #tpu.memory_space<vmem>>, vector<1x16xf32>,
    %swap3A_332 = vector.shape_cast %swap3A_331 : vector<1x16xf32> to vector<16xf32>
    %swap3A_333 = vector.shape_cast %broadcast_in_dim3A_327 : vector<16xf32> to vector<1x16xf32>
    tpu.vector_store %arg9[%swap3A_329, %swap3A_330], %swap3A_333 {strides = array<i32>} : memref<8x128xf32, #tpu.memory_space<vmem>>, vector<1x16xf32>,
    %broadcast_in_dim3A_334 = arith.constant 0.000000e+00 : f32
    %broadcast_in_dim3A_335 = vector.broadcast %broadcast_in_dim3A_334 : f32 to vector<16xf32>
    %swap3A_336 = arith.constant 5 : i32
    %swap3A_337 = arith.index_cast %swap3A_336 : i32 to index
    %swap3A_338 = arith.constant 32 : index
    %swap3A_339 = tpu.vector_load %arg9[%swap3A_337, %swap3A_338] {strides = array<i32>} : memref<8x128xf32, #tpu.memory_space<vmem>>, vector<1x16xf32>,
    %swap3A_340 = vector.shape_cast %swap3A_339 : vector<1x16xf32> to vector<16xf32>
    %swap3A_341 = vector.shape_cast %broadcast_in_dim3A_335 : vector<16xf32> to vector<1x16xf32>
    tpu.vector_store %arg9[%swap3A_337, %swap3A_338], %swap3A_341 {strides = array<i32>} : memref<8x128xf32, #tpu.memory_space<vmem>>, vector<1x16xf32>,
    %broadcast_in_dim3A_342 = arith.constant 0.000000e+00 : f32
    %broadcast_in_dim3A_343 = vector.broadcast %broadcast_in_dim3A_342 : f32 to vector<16xf32>
    %swap3A_344 = arith.constant 5 : i32
    %swap3A_345 = arith.index_cast %swap3A_344 : i32 to index
    %swap3A_346 = arith.constant 48 : index
    %swap3A_347 = tpu.vector_load %arg9[%swap3A_345, %swap3A_346] {strides = array<i32>} : memref<8x128xf32, #tpu.memory_space<vmem>>, vector<1x16xf32>,
    %swap3A_348 = vector.shape_cast %swap3A_347 : vector<1x16xf32> to vector<16xf32>
    %swap3A_349 = vector.shape_cast %broadcast_in_dim3A_343 : vector<16xf32> to vector<1x16xf32>
    tpu.vector_store %arg9[%swap3A_345, %swap3A_346], %swap3A_349 {strides = array<i32>} : memref<8x128xf32, #tpu.memory_space<vmem>>, vector<1x16xf32>,
    %broadcast_in_dim3A_350 = arith.constant 0.000000e+00 : f32
    %broadcast_in_dim3A_351 = vector.broadcast %broadcast_in_dim3A_350 : f32 to vector<16xf32>
    %swap3A_352 = arith.constant 5 : i32
    %swap3A_353 = arith.index_cast %swap3A_352 : i32 to index
    %swap3A_354 = arith.constant 64 : index
    %swap3A_355 = tpu.vector_load %arg9[%swap3A_353, %swap3A_354] {strides = array<i32>} : memref<8x128xf32, #tpu.memory_space<vmem>>, vector<1x16xf32>,
    %swap3A_356 = vector.shape_cast %swap3A_355 : vector<1x16xf32> to vector<16xf32>
    %swap3A_357 = vector.shape_cast %broadcast_in_dim3A_351 : vector<16xf32> to vector<1x16xf32>
    tpu.vector_store %arg9[%swap3A_353, %swap3A_354], %swap3A_357 {strides = array<i32>} : memref<8x128xf32, #tpu.memory_space<vmem>>, vector<1x16xf32>,
    %broadcast_in_dim3A_358 = arith.constant 0.000000e+00 : f32
    %broadcast_in_dim3A_359 = vector.broadcast %broadcast_in_dim3A_358 : f32 to vector<16xf32>
    %swap3A_360 = arith.constant 5 : i32
    %swap3A_361 = arith.index_cast %swap3A_360 : i32 to index
    %swap3A_362 = arith.constant 80 : index
    %swap3A_363 = tpu.vector_load %arg9[%swap3A_361, %swap3A_362] {strides = array<i32>} : memref<8x128xf32, #tpu.memory_space<vmem>>, vector<1x16xf32>,
    %swap3A_364 = vector.shape_cast %swap3A_363 : vector<1x16xf32> to vector<16xf32>
    %swap3A_365 = vector.shape_cast %broadcast_in_dim3A_359 : vector<16xf32> to vector<1x16xf32>
    tpu.vector_store %arg9[%swap3A_361, %swap3A_362], %swap3A_365 {strides = array<i32>} : memref<8x128xf32, #tpu.memory_space<vmem>>, vector<1x16xf32>,
    %broadcast_in_dim3A_366 = arith.constant 0.000000e+00 : f32
    %broadcast_in_dim3A_367 = vector.broadcast %broadcast_in_dim3A_366 : f32 to vector<16xf32>
    %swap3A_368 = arith.constant 5 : i32
    %swap3A_369 = arith.index_cast %swap3A_368 : i32 to index
    %swap3A_370 = arith.constant 96 : index
    %swap3A_371 = tpu.vector_load %arg9[%swap3A_369, %swap3A_370] {strides = array<i32>} : memref<8x128xf32, #tpu.memory_space<vmem>>, vector<1x16xf32>,
    %swap3A_372 = vector.shape_cast %swap3A_371 : vector<1x16xf32> to vector<16xf32>
    %swap3A_373 = vector.shape_cast %broadcast_in_dim3A_367 : vector<16xf32> to vector<1x16xf32>
    tpu.vector_store %arg9[%swap3A_369, %swap3A_370], %swap3A_373 {strides = array<i32>} : memref<8x128xf32, #tpu.memory_space<vmem>>, vector<1x16xf32>,
    %broadcast_in_dim3A_374 = arith.constant 0.000000e+00 : f32
    %broadcast_in_dim3A_375 = vector.broadcast %broadcast_in_dim3A_374 : f32 to vector<16xf32>
    %swap3A_376 = arith.constant 5 : i32
    %swap3A_377 = arith.index_cast %swap3A_376 : i32 to index
    %swap3A_378 = arith.constant 112 : index
    %swap3A_379 = tpu.vector_load %arg9[%swap3A_377, %swap3A_378] {strides = array<i32>} : memref<8x128xf32, #tpu.memory_space<vmem>>, vector<1x16xf32>,
    %swap3A_380 = vector.shape_cast %swap3A_379 : vector<1x16xf32> to vector<16xf32>
    %swap3A_381 = vector.shape_cast %broadcast_in_dim3A_375 : vector<16xf32> to vector<1x16xf32>
    tpu.vector_store %arg9[%swap3A_377, %swap3A_378], %swap3A_381 {strides = array<i32>} : memref<8x128xf32, #tpu.memory_space<vmem>>, vector<1x16xf32>,
    %broadcast_in_dim3A_382 = arith.constant 0.000000e+00 : f32
    %broadcast_in_dim3A_383 = vector.broadcast %broadcast_in_dim3A_382 : f32 to vector<16xf32>
    %swap3A_384 = arith.constant 6 : i32
    %swap3A_385 = arith.index_cast %swap3A_384 : i32 to index
    %swap3A_386 = arith.constant 0 : index
    %swap3A_387 = tpu.vector_load %arg9[%swap3A_385, %swap3A_386] {strides = array<i32>} : memref<8x128xf32, #tpu.memory_space<vmem>>, vector<1x16xf32>,
    %swap3A_388 = vector.shape_cast %swap3A_387 : vector<1x16xf32> to vector<16xf32>
    %swap3A_389 = vector.shape_cast %broadcast_in_dim3A_383 : vector<16xf32> to vector<1x16xf32>
    tpu.vector_store %arg9[%swap3A_385, %swap3A_386], %swap3A_389 {strides = array<i32>} : memref<8x128xf32, #tpu.memory_space<vmem>>, vector<1x16xf32>,
    %broadcast_in_dim3A_390 = arith.constant 0.000000e+00 : f32
    %broadcast_in_dim3A_391 = vector.broadcast %broadcast_in_dim3A_390 : f32 to vector<16xf32>
    %swap3A_392 = arith.constant 6 : i32
    %swap3A_393 = arith.index_cast %swap3A_392 : i32 to index
    %swap3A_394 = arith.constant 16 : index
    %swap3A_395 = tpu.vector_load %arg9[%swap3A_393, %swap3A_394] {strides = array<i32>} : memref<8x128xf32, #tpu.memory_space<vmem>>, vector<1x16xf32>,
    %swap3A_396 = vector.shape_cast %swap3A_395 : vector<1x16xf32> to vector<16xf32>
    %swap3A_397 = vector.shape_cast %broadcast_in_dim3A_391 : vector<16xf32> to vector<1x16xf32>
    tpu.vector_store %arg9[%swap3A_393, %swap3A_394], %swap3A_397 {strides = array<i32>} : memref<8x128xf32, #tpu.memory_space<vmem>>, vector<1x16xf32>,
    %broadcast_in_dim3A_398 = arith.constant 0.000000e+00 : f32
    %broadcast_in_dim3A_399 = vector.broadcast %broadcast_in_dim3A_398 : f32 to vector<16xf32>
    %swap3A_400 = arith.constant 6 : i32
    %swap3A_401 = arith.index_cast %swap3A_400 : i32 to index
    %swap3A_402 = arith.constant 32 : index
    %swap3A_403 = tpu.vector_load %arg9[%swap3A_401, %swap3A_402] {strides = array<i32>} : memref<8x128xf32, #tpu.memory_space<vmem>>, vector<1x16xf32>,
    %swap3A_404 = vector.shape_cast %swap3A_403 : vector<1x16xf32> to vector<16xf32>
    %swap3A_405 = vector.shape_cast %broadcast_in_dim3A_399 : vector<16xf32> to vector<1x16xf32>
    tpu.vector_store %arg9[%swap3A_401, %swap3A_402], %swap3A_405 {strides = array<i32>} : memref<8x128xf32, #tpu.memory_space<vmem>>, vector<1x16xf32>,
    %broadcast_in_dim3A_406 = arith.constant 0.000000e+00 : f32
    %broadcast_in_dim3A_407 = vector.broadcast %broadcast_in_dim3A_406 : f32 to vector<16xf32>
    %swap3A_408 = arith.constant 6 : i32
    %swap3A_409 = arith.index_cast %swap3A_408 : i32 to index
    %swap3A_410 = arith.constant 48 : index
    %swap3A_411 = tpu.vector_load %arg9[%swap3A_409, %swap3A_410] {strides = array<i32>} : memref<8x128xf32, #tpu.memory_space<vmem>>, vector<1x16xf32>,
    %swap3A_412 = vector.shape_cast %swap3A_411 : vector<1x16xf32> to vector<16xf32>
    %swap3A_413 = vector.shape_cast %broadcast_in_dim3A_407 : vector<16xf32> to vector<1x16xf32>
    tpu.vector_store %arg9[%swap3A_409, %swap3A_410], %swap3A_413 {strides = array<i32>} : memref<8x128xf32, #tpu.memory_space<vmem>>, vector<1x16xf32>,
    %broadcast_in_dim3A_414 = arith.constant 0.000000e+00 : f32
    %broadcast_in_dim3A_415 = vector.broadcast %broadcast_in_dim3A_414 : f32 to vector<16xf32>
    %swap3A_416 = arith.constant 6 : i32
    %swap3A_417 = arith.index_cast %swap3A_416 : i32 to index
    %swap3A_418 = arith.constant 64 : index
    %swap3A_419 = tpu.vector_load %arg9[%swap3A_417, %swap3A_418] {strides = array<i32>} : memref<8x128xf32, #tpu.memory_space<vmem>>, vector<1x16xf32>,
    %swap3A_420 = vector.shape_cast %swap3A_419 : vector<1x16xf32> to vector<16xf32>
    %swap3A_421 = vector.shape_cast %broadcast_in_dim3A_415 : vector<16xf32> to vector<1x16xf32>
    tpu.vector_store %arg9[%swap3A_417, %swap3A_418], %swap3A_421 {strides = array<i32>} : memref<8x128xf32, #tpu.memory_space<vmem>>, vector<1x16xf32>,
    %broadcast_in_dim3A_422 = arith.constant 0.000000e+00 : f32
    %broadcast_in_dim3A_423 = vector.broadcast %broadcast_in_dim3A_422 : f32 to vector<16xf32>
    %swap3A_424 = arith.constant 6 : i32
    %swap3A_425 = arith.index_cast %swap3A_424 : i32 to index
    %swap3A_426 = arith.constant 80 : index
    %swap3A_427 = tpu.vector_load %arg9[%swap3A_425, %swap3A_426] {strides = array<i32>} : memref<8x128xf32, #tpu.memory_space<vmem>>, vector<1x16xf32>,
    %swap3A_428 = vector.shape_cast %swap3A_427 : vector<1x16xf32> to vector<16xf32>
    %swap3A_429 = vector.shape_cast %broadcast_in_dim3A_423 : vector<16xf32> to vector<1x16xf32>
    tpu.vector_store %arg9[%swap3A_425, %swap3A_426], %swap3A_429 {strides = array<i32>} : memref<8x128xf32, #tpu.memory_space<vmem>>, vector<1x16xf32>,
    %broadcast_in_dim3A_430 = arith.constant 0.000000e+00 : f32
    %broadcast_in_dim3A_431 = vector.broadcast %broadcast_in_dim3A_430 : f32 to vector<16xf32>
    %swap3A_432 = arith.constant 6 : i32
    %swap3A_433 = arith.index_cast %swap3A_432 : i32 to index
    %swap3A_434 = arith.constant 96 : index
    %swap3A_435 = tpu.vector_load %arg9[%swap3A_433, %swap3A_434] {strides = array<i32>} : memref<8x128xf32, #tpu.memory_space<vmem>>, vector<1x16xf32>,
    %swap3A_436 = vector.shape_cast %swap3A_435 : vector<1x16xf32> to vector<16xf32>
    %swap3A_437 = vector.shape_cast %broadcast_in_dim3A_431 : vector<16xf32> to vector<1x16xf32>
    tpu.vector_store %arg9[%swap3A_433, %swap3A_434], %swap3A_437 {strides = array<i32>} : memref<8x128xf32, #tpu.memory_space<vmem>>, vector<1x16xf32>,
    %broadcast_in_dim3A_438 = arith.constant 0.000000e+00 : f32
    %broadcast_in_dim3A_439 = vector.broadcast %broadcast_in_dim3A_438 : f32 to vector<16xf32>
    %swap3A_440 = arith.constant 6 : i32
    %swap3A_441 = arith.index_cast %swap3A_440 : i32 to index
    %swap3A_442 = arith.constant 112 : index
    %swap3A_443 = tpu.vector_load %arg9[%swap3A_441, %swap3A_442] {strides = array<i32>} : memref<8x128xf32, #tpu.memory_space<vmem>>, vector<1x16xf32>,
    %swap3A_444 = vector.shape_cast %swap3A_443 : vector<1x16xf32> to vector<16xf32>
    %swap3A_445 = vector.shape_cast %broadcast_in_dim3A_439 : vector<16xf32> to vector<1x16xf32>
    tpu.vector_store %arg9[%swap3A_441, %swap3A_442], %swap3A_445 {strides = array<i32>} : memref<8x128xf32, #tpu.memory_space<vmem>>, vector<1x16xf32>,
    %broadcast_in_dim3A_446 = arith.constant 0.000000e+00 : f32
    %broadcast_in_dim3A_447 = vector.broadcast %broadcast_in_dim3A_446 : f32 to vector<16xf32>
    %swap3A_448 = arith.constant 7 : i32
    %swap3A_449 = arith.index_cast %swap3A_448 : i32 to index
    %swap3A_450 = arith.constant 0 : index
    %swap3A_451 = tpu.vector_load %arg9[%swap3A_449, %swap3A_450] {strides = array<i32>} : memref<8x128xf32, #tpu.memory_space<vmem>>, vector<1x16xf32>,
    %swap3A_452 = vector.shape_cast %swap3A_451 : vector<1x16xf32> to vector<16xf32>
    %swap3A_453 = vector.shape_cast %broadcast_in_dim3A_447 : vector<16xf32> to vector<1x16xf32>
    tpu.vector_store %arg9[%swap3A_449, %swap3A_450], %swap3A_453 {strides = array<i32>} : memref<8x128xf32, #tpu.memory_space<vmem>>, vector<1x16xf32>,
    %broadcast_in_dim3A_454 = arith.constant 0.000000e+00 : f32
    %broadcast_in_dim3A_455 = vector.broadcast %broadcast_in_dim3A_454 : f32 to vector<16xf32>
    %swap3A_456 = arith.constant 7 : i32
    %swap3A_457 = arith.index_cast %swap3A_456 : i32 to index
    %swap3A_458 = arith.constant 16 : index
    %swap3A_459 = tpu.vector_load %arg9[%swap3A_457, %swap3A_458] {strides = array<i32>} : memref<8x128xf32, #tpu.memory_space<vmem>>, vector<1x16xf32>,
    %swap3A_460 = vector.shape_cast %swap3A_459 : vector<1x16xf32> to vector<16xf32>
    %swap3A_461 = vector.shape_cast %broadcast_in_dim3A_455 : vector<16xf32> to vector<1x16xf32>
    tpu.vector_store %arg9[%swap3A_457, %swap3A_458], %swap3A_461 {strides = array<i32>} : memref<8x128xf32, #tpu.memory_space<vmem>>, vector<1x16xf32>,
    %broadcast_in_dim3A_462 = arith.constant 0.000000e+00 : f32
    %broadcast_in_dim3A_463 = vector.broadcast %broadcast_in_dim3A_462 : f32 to vector<16xf32>
    %swap3A_464 = arith.constant 7 : i32
    %swap3A_465 = arith.index_cast %swap3A_464 : i32 to index
    %swap3A_466 = arith.constant 32 : index
    %swap3A_467 = tpu.vector_load %arg9[%swap3A_465, %swap3A_466] {strides = array<i32>} : memref<8x128xf32, #tpu.memory_space<vmem>>, vector<1x16xf32>,
    %swap3A_468 = vector.shape_cast %swap3A_467 : vector<1x16xf32> to vector<16xf32>
    %swap3A_469 = vector.shape_cast %broadcast_in_dim3A_463 : vector<16xf32> to vector<1x16xf32>
    tpu.vector_store %arg9[%swap3A_465, %swap3A_466], %swap3A_469 {strides = array<i32>} : memref<8x128xf32, #tpu.memory_space<vmem>>, vector<1x16xf32>,
    %broadcast_in_dim3A_470 = arith.constant 0.000000e+00 : f32
    %broadcast_in_dim3A_471 = vector.broadcast %broadcast_in_dim3A_470 : f32 to vector<16xf32>
    %swap3A_472 = arith.constant 7 : i32
    %swap3A_473 = arith.index_cast %swap3A_472 : i32 to index
    %swap3A_474 = arith.constant 48 : index
    %swap3A_475 = tpu.vector_load %arg9[%swap3A_473, %swap3A_474] {strides = array<i32>} : memref<8x128xf32, #tpu.memory_space<vmem>>, vector<1x16xf32>,
    %swap3A_476 = vector.shape_cast %swap3A_475 : vector<1x16xf32> to vector<16xf32>
    %swap3A_477 = vector.shape_cast %broadcast_in_dim3A_471 : vector<16xf32> to vector<1x16xf32>
    tpu.vector_store %arg9[%swap3A_473, %swap3A_474], %swap3A_477 {strides = array<i32>} : memref<8x128xf32, #tpu.memory_space<vmem>>, vector<1x16xf32>,
    %broadcast_in_dim3A_478 = arith.constant 0.000000e+00 : f32
    %broadcast_in_dim3A_479 = vector.broadcast %broadcast_in_dim3A_478 : f32 to vector<16xf32>
    %swap3A_480 = arith.constant 7 : i32
    %swap3A_481 = arith.index_cast %swap3A_480 : i32 to index
    %swap3A_482 = arith.constant 64 : index
    %swap3A_483 = tpu.vector_load %arg9[%swap3A_481, %swap3A_482] {strides = array<i32>} : memref<8x128xf32, #tpu.memory_space<vmem>>, vector<1x16xf32>,
    %swap3A_484 = vector.shape_cast %swap3A_483 : vector<1x16xf32> to vector<16xf32>
    %swap3A_485 = vector.shape_cast %broadcast_in_dim3A_479 : vector<16xf32> to vector<1x16xf32>
    tpu.vector_store %arg9[%swap3A_481, %swap3A_482], %swap3A_485 {strides = array<i32>} : memref<8x128xf32, #tpu.memory_space<vmem>>, vector<1x16xf32>,
    %broadcast_in_dim3A_486 = arith.constant 0.000000e+00 : f32
    %broadcast_in_dim3A_487 = vector.broadcast %broadcast_in_dim3A_486 : f32 to vector<16xf32>
    %swap3A_488 = arith.constant 7 : i32
    %swap3A_489 = arith.index_cast %swap3A_488 : i32 to index
    %swap3A_490 = arith.constant 80 : index
    %swap3A_491 = tpu.vector_load %arg9[%swap3A_489, %swap3A_490] {strides = array<i32>} : memref<8x128xf32, #tpu.memory_space<vmem>>, vector<1x16xf32>,
    %swap3A_492 = vector.shape_cast %swap3A_491 : vector<1x16xf32> to vector<16xf32>
    %swap3A_493 = vector.shape_cast %broadcast_in_dim3A_487 : vector<16xf32> to vector<1x16xf32>
    tpu.vector_store %arg9[%swap3A_489, %swap3A_490], %swap3A_493 {strides = array<i32>} : memref<8x128xf32, #tpu.memory_space<vmem>>, vector<1x16xf32>,
    %broadcast_in_dim3A_494 = arith.constant 0.000000e+00 : f32
    %broadcast_in_dim3A_495 = vector.broadcast %broadcast_in_dim3A_494 : f32 to vector<16xf32>
    %swap3A_496 = arith.constant 7 : i32
    %swap3A_497 = arith.index_cast %swap3A_496 : i32 to index
    %swap3A_498 = arith.constant 96 : index
    %swap3A_499 = tpu.vector_load %arg9[%swap3A_497, %swap3A_498] {strides = array<i32>} : memref<8x128xf32, #tpu.memory_space<vmem>>, vector<1x16xf32>,
    %swap3A_500 = vector.shape_cast %swap3A_499 : vector<1x16xf32> to vector<16xf32>
    %swap3A_501 = vector.shape_cast %broadcast_in_dim3A_495 : vector<16xf32> to vector<1x16xf32>
    tpu.vector_store %arg9[%swap3A_497, %swap3A_498], %swap3A_501 {strides = array<i32>} : memref<8x128xf32, #tpu.memory_space<vmem>>, vector<1x16xf32>,
    %broadcast_in_dim3A_502 = arith.constant 0.000000e+00 : f32
    %broadcast_in_dim3A_503 = vector.broadcast %broadcast_in_dim3A_502 : f32 to vector<16xf32>
    %swap3A_504 = arith.constant 7 : i32
    %swap3A_505 = arith.index_cast %swap3A_504 : i32 to index
    %swap3A_506 = arith.constant 112 : index
    %swap3A_507 = tpu.vector_load %arg9[%swap3A_505, %swap3A_506] {strides = array<i32>} : memref<8x128xf32, #tpu.memory_space<vmem>>, vector<1x16xf32>,
    %swap3A_508 = vector.shape_cast %swap3A_507 : vector<1x16xf32> to vector<16xf32>
    %swap3A_509 = vector.shape_cast %broadcast_in_dim3A_503 : vector<16xf32> to vector<1x16xf32>
    tpu.vector_store %arg9[%swap3A_505, %swap3A_506], %swap3A_509 {strides = array<i32>} : memref<8x128xf32, #tpu.memory_space<vmem>>, vector<1x16xf32>,
    %scan3A = arith.constant 0 : i32
    %scan3A_510 = arith.constant 80 : i32
    %scan3A_511 = arith.addi %scan3A, %scan3A_510 : i32
    %scan3A_512 = arith.constant 1 : i32
    scf.for %scan3A_525 = %scan3A to %scan3A_511 step %scan3A_512  : i32 {
      %mul3A_526 = arith.constant 640 : i32
      %mul3A_527 = arith.muli %arg1, %mul3A_526 : i32
      %mul3A_528 = arith.constant 8 : i32
      %mul3A_529 = arith.muli %scan3A_525, %mul3A_528 : i32
      %add3A = arith.addi %mul3A_527, %mul3A_529 : i32
      "tpu.region"() ({
        %run_scoped3A = tpu.sem_alloc : memref<!tpu.dma_semaphore, #tpu.memory_space<semaphore_mem>>
        %dma_start3A = arith.constant 0 : i32
        %dma_start3A_530 = tpu.memref_slice %arg10[%add3A, %dma_start3A] : memref<10240x128xf32, #tpu.memory_space<vmem_shared>> -> memref<8x128xf32, #tpu.memory_space<vmem_shared>>
        %dma_start3A_531 = arith.constant 0 : i32
        %dma_start3A_532 = tpu.memref_slice %arg10[%add3A, %dma_start3A_531] : memref<10240x128xf32, #tpu.memory_space<vmem_shared>> -> memref<8x128xf32, #tpu.memory_space<vmem_shared>>
        tpu.enqueue_dma source(%arg9 : memref<8x128xf32, #tpu.memory_space<vmem>>) target(%dma_start3A_532 : memref<8x128xf32, #tpu.memory_space<vmem_shared>>) target_semaphore(%run_scoped3A : memref<!tpu.dma_semaphore, #tpu.memory_space<semaphore_mem>>)
        %dma_wait3A = arith.constant 0 : i32
        %dma_wait3A_533 = tpu.memref_slice %arg10[%add3A, %dma_wait3A] : memref<10240x128xf32, #tpu.memory_space<vmem_shared>> -> memref<8x128xf32, #tpu.memory_space<vmem_shared>>
        %dma_wait3A_534 = arith.constant 0 : i32
        %dma_wait3A_535 = tpu.memref_slice %arg10[%add3A, %dma_wait3A_534] : memref<10240x128xf32, #tpu.memory_space<vmem_shared>> -> memref<8x128xf32, #tpu.memory_space<vmem_shared>>
        tpu.wait_dma2 semaphore(%run_scoped3A : memref<!tpu.dma_semaphore, #tpu.memory_space<semaphore_mem>>) src(%arg9 : memref<8x128xf32, #tpu.memory_space<vmem>>) dst(%dma_wait3A_535 : memref<8x128xf32, #tpu.memory_space<vmem_shared>>)
        tpu.yield
      }) : () -> ()
    }
    %scan3A_513 = arith.constant 80 : i32
    %barrier3A = arith.constant 0 : index
    tpu.barrier barrier_id(%barrier3A)
    %eq3A = arith.constant 0 : i32
    %eq3A_514 = arith.cmpi eq, %arg0, %eq3A : i32
    %convert_element_type3A = arith.extui %eq3A_514 : i1 to i32
    %cond3A = arith.constant 0 : i32
    %cond3A_515 = arith.cmpi ne, %convert_element_type3A, %cond3A : i32
    scf.if %cond3A_515 {
      %add3A = arith.constant 0 : i32
      %add3A_525 = arith.addi %add3A, %arg1 : i32
      %mul3A_526 = arith.constant 80 : i32
      %mul3A_527 = arith.muli %add3A_525, %mul3A_526 : i32
      %add3A_528 = arith.constant 0 : i32
      %add3A_529 = arith.addi %mul3A_527, %add3A_528 : i32
      "tpu.region"() ({
        %run_scoped3A = tpu.sem_alloc : memref<!tpu.dma_semaphore, #tpu.memory_space<semaphore_mem>>
        %dma_start3A_759 = arith.constant 0 : i32
        %dma_start3A_760 = tpu.memref_slice %arg3[%add3A_529, %dma_start3A_759] : memref<5120x64xi32, #tpu.memory_space<hbm>> -> memref<40x64xi32, #tpu.memory_space<hbm>>
        %dma_start3A_761 = arith.constant 0 : i32
        %dma_start3A_762 = tpu.memref_slice %arg3[%add3A_529, %dma_start3A_761] : memref<5120x64xi32, #tpu.memory_space<hbm>> -> memref<40x64xi32, #tpu.memory_space<hbm>>
        tpu.enqueue_dma source(%dma_start3A_762 : memref<40x64xi32, #tpu.memory_space<hbm>>) target(%arg6 : memref<40x64xi32, #tpu.memory_space<vmem>>) target_semaphore(%run_scoped3A : memref<!tpu.dma_semaphore, #tpu.memory_space<semaphore_mem>>)
        %dma_wait3A = arith.constant 0 : i32
        %dma_wait3A_763 = tpu.memref_slice %arg3[%add3A_529, %dma_wait3A] : memref<5120x64xi32, #tpu.memory_space<hbm>> -> memref<40x64xi32, #tpu.memory_space<hbm>>
        %dma_wait3A_764 = arith.constant 0 : i32
        %dma_wait3A_765 = tpu.memref_slice %arg3[%add3A_529, %dma_wait3A_764] : memref<5120x64xi32, #tpu.memory_space<hbm>> -> memref<40x64xi32, #tpu.memory_space<hbm>>
        tpu.wait_dma2 semaphore(%run_scoped3A : memref<!tpu.dma_semaphore, #tpu.memory_space<semaphore_mem>>) src(%dma_wait3A_765 : memref<40x64xi32, #tpu.memory_space<hbm>>) dst(%arg6 : memref<40x64xi32, #tpu.memory_space<vmem>>)
        tpu.yield
      }) : () -> ()
      "tpu.region"() ({
        %run_scoped3A = tpu.sem_alloc : memref<!tpu.dma_semaphore, #tpu.memory_space<semaphore_mem>>
        %dma_start3A_759 = arith.constant 0 : i32
        %dma_start3A_760 = tpu.memref_slice %arg4[%add3A_529, %dma_start3A_759] : memref<5120x64xi32, #tpu.memory_space<hbm>> -> memref<40x64xi32, #tpu.memory_space<hbm>>
        %dma_start3A_761 = arith.constant 0 : i32
        %dma_start3A_762 = tpu.memref_slice %arg4[%add3A_529, %dma_start3A_761] : memref<5120x64xi32, #tpu.memory_space<hbm>> -> memref<40x64xi32, #tpu.memory_space<hbm>>
        tpu.enqueue_dma source(%dma_start3A_762 : memref<40x64xi32, #tpu.memory_space<hbm>>) target(%arg7 : memref<40x64xi32, #tpu.memory_space<vmem>>) target_semaphore(%run_scoped3A : memref<!tpu.dma_semaphore, #tpu.memory_space<semaphore_mem>>)
        %dma_wait3A = arith.constant 0 : i32
        %dma_wait3A_763 = tpu.memref_slice %arg4[%add3A_529, %dma_wait3A] : memref<5120x64xi32, #tpu.memory_space<hbm>> -> memref<40x64xi32, #tpu.memory_space<hbm>>
        %dma_wait3A_764 = arith.constant 0 : i32
        %dma_wait3A_765 = tpu.memref_slice %arg4[%add3A_529, %dma_wait3A_764] : memref<5120x64xi32, #tpu.memory_space<hbm>> -> memref<40x64xi32, #tpu.memory_space<hbm>>
        tpu.wait_dma2 semaphore(%run_scoped3A : memref<!tpu.dma_semaphore, #tpu.memory_space<semaphore_mem>>) src(%dma_wait3A_765 : memref<40x64xi32, #tpu.memory_space<hbm>>) dst(%arg7 : memref<40x64xi32, #tpu.memory_space<vmem>>)
        tpu.yield
      }) : () -> ()
      %dma_start3A = arith.constant 0 : i32
      %dma_start3A_530 = arith.constant 0 : i32
      %dma_start3A_531 = arith.constant 0 : i32
      %dma_start3A_532 = arith.constant 0 : i32
      %dma_start3A_533 = tpu.memref_slice %arg8[%dma_start3A_530, %dma_start3A_531, %dma_start3A_532] : memref<4x64x128xf32, #tpu.memory_space<vmem>> -> memref<1x64x128xf32, #tpu.memory_space<vmem>>
      %dma_start3A_534 = tpu.memref_squeeze %dma_start3A_533 : memref<1x64x128xf32, #tpu.memory_space<vmem>> -> memref<64x128xf32, #tpu.memory_space<vmem>>
      %dma_start3A_535 = arith.constant 0 : i32
      %dma_start3A_536 = tpu.memref_slice %arg6[%dma_start3A, %dma_start3A_535] : memref<40x64xi32, #tpu.memory_space<vmem>> -> memref<1x64xi32, #tpu.memory_space<vmem>>
      %dma_start3A_537 = tpu.memref_squeeze %dma_start3A_536 : memref<1x64xi32, #tpu.memory_space<vmem>> -> memref<64xi32, #tpu.memory_space<vmem>>
      %dma_start3A_538 = arith.constant 0 : i32
      %dma_start3A_539 = arith.constant 0 : i32
      %dma_start3A_540 = tpu.memref_slice %arg2[%dma_start3A_538, %dma_start3A_539] : memref<10000x128xf32, #tpu.memory_space<hbm>> -> memref<10000x128xf32, #tpu.memory_space<hbm>>
      tpu.enqueue_indirect_dma source(%dma_start3A_540 : memref<10000x128xf32, #tpu.memory_space<hbm>>) target(%dma_start3A_534 : memref<64x128xf32, #tpu.memory_space<vmem>>) offsets(%dma_start3A_537 : memref<64xi32, #tpu.memory_space<vmem>>) semaphore(%arg11 : memref<!tpu.dma_semaphore, #tpu.memory_space<semaphore_mem>>)
      %dma_start3A_541 = arith.constant 1 : i32
      %dma_start3A_542 = arith.constant 1 : i32
      %dma_start3A_543 = arith.constant 0 : i32
      %dma_start3A_544 = arith.constant 0 : i32
      %dma_start3A_545 = tpu.memref_slice %arg8[%dma_start3A_542, %dma_start3A_543, %dma_start3A_544] : memref<4x64x128xf32, #tpu.memory_space<vmem>> -> memref<1x64x128xf32, #tpu.memory_space<vmem>>
      %dma_start3A_546 = tpu.memref_squeeze %dma_start3A_545 : memref<1x64x128xf32, #tpu.memory_space<vmem>> -> memref<64x128xf32, #tpu.memory_space<vmem>>
      %dma_start3A_547 = arith.constant 0 : i32
      %dma_start3A_548 = tpu.memref_slice %arg6[%dma_start3A_541, %dma_start3A_547] : memref<40x64xi32, #tpu.memory_space<vmem>> -> memref<1x64xi32, #tpu.memory_space<vmem>>
      %dma_start3A_549 = tpu.memref_squeeze %dma_start3A_548 : memref<1x64xi32, #tpu.memory_space<vmem>> -> memref<64xi32, #tpu.memory_space<vmem>>
      %dma_start3A_550 = arith.constant 0 : i32
      %dma_start3A_551 = arith.constant 0 : i32
      %dma_start3A_552 = tpu.memref_slice %arg2[%dma_start3A_550, %dma_start3A_551] : memref<10000x128xf32, #tpu.memory_space<hbm>> -> memref<10000x128xf32, #tpu.memory_space<hbm>>
      tpu.enqueue_indirect_dma source(%dma_start3A_552 : memref<10000x128xf32, #tpu.memory_space<hbm>>) target(%dma_start3A_546 : memref<64x128xf32, #tpu.memory_space<vmem>>) offsets(%dma_start3A_549 : memref<64xi32, #tpu.memory_space<vmem>>) semaphore(%arg12 : memref<!tpu.dma_semaphore, #tpu.memory_space<semaphore_mem>>)
      %dma_start3A_553 = arith.constant 2 : i32
      %dma_start3A_554 = arith.constant 2 : i32
      %dma_start3A_555 = arith.constant 0 : i32
      %dma_start3A_556 = arith.constant 0 : i32
      %dma_start3A_557 = tpu.memref_slice %arg8[%dma_start3A_554, %dma_start3A_555, %dma_start3A_556] : memref<4x64x128xf32, #tpu.memory_space<vmem>> -> memref<1x64x128xf32, #tpu.memory_space<vmem>>
      %dma_start3A_558 = tpu.memref_squeeze %dma_start3A_557 : memref<1x64x128xf32, #tpu.memory_space<vmem>> -> memref<64x128xf32, #tpu.memory_space<vmem>>
      %dma_start3A_559 = arith.constant 0 : i32
      %dma_start3A_560 = tpu.memref_slice %arg6[%dma_start3A_553, %dma_start3A_559] : memref<40x64xi32, #tpu.memory_space<vmem>> -> memref<1x64xi32, #tpu.memory_space<vmem>>
      %dma_start3A_561 = tpu.memref_squeeze %dma_start3A_560 : memref<1x64xi32, #tpu.memory_space<vmem>> -> memref<64xi32, #tpu.memory_space<vmem>>
      %dma_start3A_562 = arith.constant 0 : i32
      %dma_start3A_563 = arith.constant 0 : i32
      %dma_start3A_564 = tpu.memref_slice %arg2[%dma_start3A_562, %dma_start3A_563] : memref<10000x128xf32, #tpu.memory_space<hbm>> -> memref<10000x128xf32, #tpu.memory_space<hbm>>
      tpu.enqueue_indirect_dma source(%dma_start3A_564 : memref<10000x128xf32, #tpu.memory_space<hbm>>) target(%dma_start3A_558 : memref<64x128xf32, #tpu.memory_space<vmem>>) offsets(%dma_start3A_561 : memref<64xi32, #tpu.memory_space<vmem>>) semaphore(%arg13 : memref<!tpu.dma_semaphore, #tpu.memory_space<semaphore_mem>>)
      %dma_start3A_565 = arith.constant 3 : i32
      %dma_start3A_566 = arith.constant 3 : i32
      %dma_start3A_567 = arith.constant 0 : i32
      %dma_start3A_568 = arith.constant 0 : i32
      %dma_start3A_569 = tpu.memref_slice %arg8[%dma_start3A_566, %dma_start3A_567, %dma_start3A_568] : memref<4x64x128xf32, #tpu.memory_space<vmem>> -> memref<1x64x128xf32, #tpu.memory_space<vmem>>
      %dma_start3A_570 = tpu.memref_squeeze %dma_start3A_569 : memref<1x64x128xf32, #tpu.memory_space<vmem>> -> memref<64x128xf32, #tpu.memory_space<vmem>>
      %dma_start3A_571 = arith.constant 0 : i32
      %dma_start3A_572 = tpu.memref_slice %arg6[%dma_start3A_565, %dma_start3A_571] : memref<40x64xi32, #tpu.memory_space<vmem>> -> memref<1x64xi32, #tpu.memory_space<vmem>>
      %dma_start3A_573 = tpu.memref_squeeze %dma_start3A_572 : memref<1x64xi32, #tpu.memory_space<vmem>> -> memref<64xi32, #tpu.memory_space<vmem>>
      %dma_start3A_574 = arith.constant 0 : i32
      %dma_start3A_575 = arith.constant 0 : i32
      %dma_start3A_576 = tpu.memref_slice %arg2[%dma_start3A_574, %dma_start3A_575] : memref<10000x128xf32, #tpu.memory_space<hbm>> -> memref<10000x128xf32, #tpu.memory_space<hbm>>
      tpu.enqueue_indirect_dma source(%dma_start3A_576 : memref<10000x128xf32, #tpu.memory_space<hbm>>) target(%dma_start3A_570 : memref<64x128xf32, #tpu.memory_space<vmem>>) offsets(%dma_start3A_573 : memref<64xi32, #tpu.memory_space<vmem>>) semaphore(%arg14 : memref<!tpu.dma_semaphore, #tpu.memory_space<semaphore_mem>>)
      %scan3A_577 = arith.constant 0 : i32
      %scan3A_578 = arith.constant 10 : i32
      %scan3A_579 = arith.addi %scan3A_577, %scan3A_578 : i32
      %scan3A_580 = arith.constant 1 : i32
      scf.for %scan3A_759 = %scan3A_577 to %scan3A_579 step %scan3A_580  : i32 {
        %mul3A_760 = arith.constant 4 : i32
        %mul3A_761 = arith.muli %mul3A_760, %scan3A_759 : i32
        %add3A_762 = arith.constant 0 : i32
        %add3A_763 = arith.addi %mul3A_761, %add3A_762 : i32
        %dma_wait3A = arith.constant 0 : i32
        %dma_wait3A_764 = arith.constant 0 : i32
        %dma_wait3A_765 = arith.constant 0 : i32
        %dma_wait3A_766 = tpu.memref_slice %arg8[%dma_wait3A, %dma_wait3A_764, %dma_wait3A_765] : memref<4x64x128xf32, #tpu.memory_space<vmem>> -> memref<1x64x128xf32, #tpu.memory_space<vmem>>
        %dma_wait3A_767 = tpu.memref_squeeze %dma_wait3A_766 : memref<1x64x128xf32, #tpu.memory_space<vmem>> -> memref<64x128xf32, #tpu.memory_space<vmem>>
        %dma_wait3A_768 = arith.constant 0 : i32
        %dma_wait3A_769 = tpu.memref_slice %arg6[%add3A_763, %dma_wait3A_768] : memref<40x64xi32, #tpu.memory_space<vmem>> -> memref<1x64xi32, #tpu.memory_space<vmem>>
        %dma_wait3A_770 = tpu.memref_squeeze %dma_wait3A_769 : memref<1x64xi32, #tpu.memory_space<vmem>> -> memref<64xi32, #tpu.memory_space<vmem>>
        %dma_wait3A_771 = arith.constant 0 : i32
        %dma_wait3A_772 = arith.constant 0 : i32
        %dma_wait3A_773 = tpu.memref_slice %arg2[%dma_wait3A_771, %dma_wait3A_772] : memref<10000x128xf32, #tpu.memory_space<hbm>> -> memref<10000x128xf32, #tpu.memory_space<hbm>>
        tpu.wait_indirect_dma semaphore(%arg11 : memref<!tpu.dma_semaphore, #tpu.memory_space<semaphore_mem>>) src(%dma_wait3A_773 : memref<10000x128xf32, #tpu.memory_space<hbm>>) dst(%dma_wait3A_767 : memref<64x128xf32, #tpu.memory_space<vmem>>)
        %run_scoped3A = arith.constant 0 : i32
        "tpu.region"() ({
          %run_scoped3A_843 = tpu.sem_alloc : memref<!tpu.dma_semaphore, #tpu.memory_space<semaphore_mem>>
          %dma_start3A_844 = arith.constant 0 : i32
          %dma_start3A_845 = arith.constant 0 : i32
          %dma_start3A_846 = tpu.memref_slice %arg8[%run_scoped3A, %dma_start3A_844, %dma_start3A_845] : memref<4x64x128xf32, #tpu.memory_space<vmem>> -> memref<1x64x128xf32, #tpu.memory_space<vmem>>
          %dma_start3A_847 = tpu.memref_squeeze %dma_start3A_846 : memref<1x64x128xf32, #tpu.memory_space<vmem>> -> memref<64x128xf32, #tpu.memory_space<vmem>>
          %dma_start3A_848 = arith.constant 0 : i32
          %dma_start3A_849 = tpu.memref_slice %arg7[%add3A_763, %dma_start3A_848] : memref<40x64xi32, #tpu.memory_space<vmem>> -> memref<1x64xi32, #tpu.memory_space<vmem>>
          %dma_start3A_850 = tpu.memref_squeeze %dma_start3A_849 : memref<1x64xi32, #tpu.memory_space<vmem>> -> memref<64xi32, #tpu.memory_space<vmem>>
          %dma_start3A_851 = arith.constant 0 : i32
          %dma_start3A_852 = arith.constant 0 : i32
          %dma_start3A_853 = tpu.memref_slice %arg10[%dma_start3A_851, %dma_start3A_852] : memref<10240x128xf32, #tpu.memory_space<vmem_shared>> -> memref<10240x128xf32, #tpu.memory_space<vmem_shared>>
          tpu.enqueue_indirect_dma source(%dma_start3A_847 : memref<64x128xf32, #tpu.memory_space<vmem>>) target(%dma_start3A_853 : memref<10240x128xf32, #tpu.memory_space<vmem_shared>>) offsets(%dma_start3A_850 : memref<64xi32, #tpu.memory_space<vmem>>) semaphore(%run_scoped3A_843 : memref<!tpu.dma_semaphore, #tpu.memory_space<semaphore_mem>>) {add = true}
          %dma_wait3A_854 = arith.constant 0 : i32
          %dma_wait3A_855 = arith.constant 0 : i32
          %dma_wait3A_856 = tpu.memref_slice %arg8[%run_scoped3A, %dma_wait3A_854, %dma_wait3A_855] : memref<4x64x128xf32, #tpu.memory_space<vmem>> -> memref<1x64x128xf32, #tpu.memory_space<vmem>>
          %dma_wait3A_857 = tpu.memref_squeeze %dma_wait3A_856 : memref<1x64x128xf32, #tpu.memory_space<vmem>> -> memref<64x128xf32, #tpu.memory_space<vmem>>
          %dma_wait3A_858 = arith.constant 0 : i32
          %dma_wait3A_859 = tpu.memref_slice %arg7[%add3A_763, %dma_wait3A_858] : memref<40x64xi32, #tpu.memory_space<vmem>> -> memref<1x64xi32, #tpu.memory_space<vmem>>
          %dma_wait3A_860 = tpu.memref_squeeze %dma_wait3A_859 : memref<1x64xi32, #tpu.memory_space<vmem>> -> memref<64xi32, #tpu.memory_space<vmem>>
          %dma_wait3A_861 = arith.constant 0 : i32
          %dma_wait3A_862 = arith.constant 0 : i32
          %dma_wait3A_863 = tpu.memref_slice %arg10[%dma_wait3A_861, %dma_wait3A_862] : memref<10240x128xf32, #tpu.memory_space<vmem_shared>> -> memref<10240x128xf32, #tpu.memory_space<vmem_shared>>
          tpu.wait_indirect_dma semaphore(%run_scoped3A_843 : memref<!tpu.dma_semaphore, #tpu.memory_space<semaphore_mem>>) src(%dma_wait3A_857 : memref<64x128xf32, #tpu.memory_space<vmem>>) dst(%dma_wait3A_863 : memref<10240x128xf32, #tpu.memory_space<vmem_shared>>)
          tpu.yield
        }) : () -> ()
        %add3A_774 = arith.constant 4 : i32
        %add3A_775 = arith.addi %add3A_763, %add3A_774 : i32
        %lt3A = arith.constant 40 : i32
        %lt3A_776 = arith.cmpi slt, %add3A_775, %lt3A : i32
        %convert_element_type3A_777 = arith.extui %lt3A_776 : i1 to i32
        %cond3A_778 = arith.constant 0 : i32
        %cond3A_779 = arith.cmpi ne, %convert_element_type3A_777, %cond3A_778 : i32
        scf.if %cond3A_779 {
          %add3A_843 = arith.constant 4 : i32
          %add3A_844 = arith.addi %add3A_763, %add3A_843 : i32
          %dma_start3A_845 = arith.constant 0 : i32
          %dma_start3A_846 = arith.constant 0 : i32
          %dma_start3A_847 = arith.constant 0 : i32
          %dma_start3A_848 = tpu.memref_slice %arg8[%dma_start3A_845, %dma_start3A_846, %dma_start3A_847] : memref<4x64x128xf32, #tpu.memory_space<vmem>> -> memref<1x64x128xf32, #tpu.memory_space<vmem>>
          %dma_start3A_849 = tpu.memref_squeeze %dma_start3A_848 : memref<1x64x128xf32, #tpu.memory_space<vmem>> -> memref<64x128xf32, #tpu.memory_space<vmem>>
          %dma_start3A_850 = arith.constant 0 : i32
          %dma_start3A_851 = tpu.memref_slice %arg6[%add3A_844, %dma_start3A_850] : memref<40x64xi32, #tpu.memory_space<vmem>> -> memref<1x64xi32, #tpu.memory_space<vmem>>
          %dma_start3A_852 = tpu.memref_squeeze %dma_start3A_851 : memref<1x64xi32, #tpu.memory_space<vmem>> -> memref<64xi32, #tpu.memory_space<vmem>>
          %dma_start3A_853 = arith.constant 0 : i32
          %dma_start3A_854 = arith.constant 0 : i32
          %dma_start3A_855 = tpu.memref_slice %arg2[%dma_start3A_853, %dma_start3A_854] : memref<10000x128xf32, #tpu.memory_space<hbm>> -> memref<10000x128xf32, #tpu.memory_space<hbm>>
          tpu.enqueue_indirect_dma source(%dma_start3A_855 : memref<10000x128xf32, #tpu.memory_space<hbm>>) target(%dma_start3A_849 : memref<64x128xf32, #tpu.memory_space<vmem>>) offsets(%dma_start3A_852 : memref<64xi32, #tpu.memory_space<vmem>>) semaphore(%arg11 : memref<!tpu.dma_semaphore, #tpu.memory_space<semaphore_mem>>)
        } else {
        }
        %add3A_780 = arith.constant 1 : i32
        %add3A_781 = arith.addi %mul3A_761, %add3A_780 : i32
        %dma_wait3A_782 = arith.constant 1 : i32
        %dma_wait3A_783 = arith.constant 0 : i32
        %dma_wait3A_784 = arith.constant 0 : i32
        %dma_wait3A_785 = tpu.memref_slice %arg8[%dma_wait3A_782, %dma_wait3A_783, %dma_wait3A_784] : memref<4x64x128xf32, #tpu.memory_space<vmem>> -> memref<1x64x128xf32, #tpu.memory_space<vmem>>
        %dma_wait3A_786 = tpu.memref_squeeze %dma_wait3A_785 : memref<1x64x128xf32, #tpu.memory_space<vmem>> -> memref<64x128xf32, #tpu.memory_space<vmem>>
        %dma_wait3A_787 = arith.constant 0 : i32
        %dma_wait3A_788 = tpu.memref_slice %arg6[%add3A_781, %dma_wait3A_787] : memref<40x64xi32, #tpu.memory_space<vmem>> -> memref<1x64xi32, #tpu.memory_space<vmem>>
        %dma_wait3A_789 = tpu.memref_squeeze %dma_wait3A_788 : memref<1x64xi32, #tpu.memory_space<vmem>> -> memref<64xi32, #tpu.memory_space<vmem>>
        %dma_wait3A_790 = arith.constant 0 : i32
        %dma_wait3A_791 = arith.constant 0 : i32
        %dma_wait3A_792 = tpu.memref_slice %arg2[%dma_wait3A_790, %dma_wait3A_791] : memref<10000x128xf32, #tpu.memory_space<hbm>> -> memref<10000x128xf32, #tpu.memory_space<hbm>>
        tpu.wait_indirect_dma semaphore(%arg12 : memref<!tpu.dma_semaphore, #tpu.memory_space<semaphore_mem>>) src(%dma_wait3A_792 : memref<10000x128xf32, #tpu.memory_space<hbm>>) dst(%dma_wait3A_786 : memref<64x128xf32, #tpu.memory_space<vmem>>)
        %run_scoped3A_793 = arith.constant 1 : i32
        "tpu.region"() ({
          %run_scoped3A_843 = tpu.sem_alloc : memref<!tpu.dma_semaphore, #tpu.memory_space<semaphore_mem>>
          %dma_start3A_844 = arith.constant 0 : i32
          %dma_start3A_845 = arith.constant 0 : i32
          %dma_start3A_846 = tpu.memref_slice %arg8[%run_scoped3A_793, %dma_start3A_844, %dma_start3A_845] : memref<4x64x128xf32, #tpu.memory_space<vmem>> -> memref<1x64x128xf32, #tpu.memory_space<vmem>>
          %dma_start3A_847 = tpu.memref_squeeze %dma_start3A_846 : memref<1x64x128xf32, #tpu.memory_space<vmem>> -> memref<64x128xf32, #tpu.memory_space<vmem>>
          %dma_start3A_848 = arith.constant 0 : i32
          %dma_start3A_849 = tpu.memref_slice %arg7[%add3A_781, %dma_start3A_848] : memref<40x64xi32, #tpu.memory_space<vmem>> -> memref<1x64xi32, #tpu.memory_space<vmem>>
          %dma_start3A_850 = tpu.memref_squeeze %dma_start3A_849 : memref<1x64xi32, #tpu.memory_space<vmem>> -> memref<64xi32, #tpu.memory_space<vmem>>
          %dma_start3A_851 = arith.constant 0 : i32
          %dma_start3A_852 = arith.constant 0 : i32
          %dma_start3A_853 = tpu.memref_slice %arg10[%dma_start3A_851, %dma_start3A_852] : memref<10240x128xf32, #tpu.memory_space<vmem_shared>> -> memref<10240x128xf32, #tpu.memory_space<vmem_shared>>
          tpu.enqueue_indirect_dma source(%dma_start3A_847 : memref<64x128xf32, #tpu.memory_space<vmem>>) target(%dma_start3A_853 : memref<10240x128xf32, #tpu.memory_space<vmem_shared>>) offsets(%dma_start3A_850 : memref<64xi32, #tpu.memory_space<vmem>>) semaphore(%run_scoped3A_843 : memref<!tpu.dma_semaphore, #tpu.memory_space<semaphore_mem>>) {add = true}
          %dma_wait3A_854 = arith.constant 0 : i32
          %dma_wait3A_855 = arith.constant 0 : i32
          %dma_wait3A_856 = tpu.memref_slice %arg8[%run_scoped3A_793, %dma_wait3A_854, %dma_wait3A_855] : memref<4x64x128xf32, #tpu.memory_space<vmem>> -> memref<1x64x128xf32, #tpu.memory_space<vmem>>
          %dma_wait3A_857 = tpu.memref_squeeze %dma_wait3A_856 : memref<1x64x128xf32, #tpu.memory_space<vmem>> -> memref<64x128xf32, #tpu.memory_space<vmem>>
          %dma_wait3A_858 = arith.constant 0 : i32
          %dma_wait3A_859 = tpu.memref_slice %arg7[%add3A_781, %dma_wait3A_858] : memref<40x64xi32, #tpu.memory_space<vmem>> -> memref<1x64xi32, #tpu.memory_space<vmem>>
          %dma_wait3A_860 = tpu.memref_squeeze %dma_wait3A_859 : memref<1x64xi32, #tpu.memory_space<vmem>> -> memref<64xi32, #tpu.memory_space<vmem>>
          %dma_wait3A_861 = arith.constant 0 : i32
          %dma_wait3A_862 = arith.constant 0 : i32
          %dma_wait3A_863 = tpu.memref_slice %arg10[%dma_wait3A_861, %dma_wait3A_862] : memref<10240x128xf32, #tpu.memory_space<vmem_shared>> -> memref<10240x128xf32, #tpu.memory_space<vmem_shared>>
          tpu.wait_indirect_dma semaphore(%run_scoped3A_843 : memref<!tpu.dma_semaphore, #tpu.memory_space<semaphore_mem>>) src(%dma_wait3A_857 : memref<64x128xf32, #tpu.memory_space<vmem>>) dst(%dma_wait3A_863 : memref<10240x128xf32, #tpu.memory_space<vmem_shared>>)
          tpu.yield
        }) : () -> ()
        %add3A_794 = arith.constant 4 : i32
        %add3A_795 = arith.addi %add3A_781, %add3A_794 : i32
        %lt3A_796 = arith.constant 40 : i32
        %lt3A_797 = arith.cmpi slt, %add3A_795, %lt3A_796 : i32
        %convert_element_type3A_798 = arith.extui %lt3A_797 : i1 to i32
        %cond3A_799 = arith.constant 0 : i32
        %cond3A_800 = arith.cmpi ne, %convert_element_type3A_798, %cond3A_799 : i32
        scf.if %cond3A_800 {
          %add3A_843 = arith.constant 4 : i32
          %add3A_844 = arith.addi %add3A_781, %add3A_843 : i32
          %dma_start3A_845 = arith.constant 1 : i32
          %dma_start3A_846 = arith.constant 0 : i32
          %dma_start3A_847 = arith.constant 0 : i32
          %dma_start3A_848 = tpu.memref_slice %arg8[%dma_start3A_845, %dma_start3A_846, %dma_start3A_847] : memref<4x64x128xf32, #tpu.memory_space<vmem>> -> memref<1x64x128xf32, #tpu.memory_space<vmem>>
          %dma_start3A_849 = tpu.memref_squeeze %dma_start3A_848 : memref<1x64x128xf32, #tpu.memory_space<vmem>> -> memref<64x128xf32, #tpu.memory_space<vmem>>
          %dma_start3A_850 = arith.constant 0 : i32
          %dma_start3A_851 = tpu.memref_slice %arg6[%add3A_844, %dma_start3A_850] : memref<40x64xi32, #tpu.memory_space<vmem>> -> memref<1x64xi32, #tpu.memory_space<vmem>>
          %dma_start3A_852 = tpu.memref_squeeze %dma_start3A_851 : memref<1x64xi32, #tpu.memory_space<vmem>> -> memref<64xi32, #tpu.memory_space<vmem>>
          %dma_start3A_853 = arith.constant 0 : i32
          %dma_start3A_854 = arith.constant 0 : i32
          %dma_start3A_855 = tpu.memref_slice %arg2[%dma_start3A_853, %dma_start3A_854] : memref<10000x128xf32, #tpu.memory_space<hbm>> -> memref<10000x128xf32, #tpu.memory_space<hbm>>
          tpu.enqueue_indirect_dma source(%dma_start3A_855 : memref<10000x128xf32, #tpu.memory_space<hbm>>) target(%dma_start3A_849 : memref<64x128xf32, #tpu.memory_space<vmem>>) offsets(%dma_start3A_852 : memref<64xi32, #tpu.memory_space<vmem>>) semaphore(%arg12 : memref<!tpu.dma_semaphore, #tpu.memory_space<semaphore_mem>>)
        } else {
        }
        %add3A_801 = arith.constant 2 : i32
        %add3A_802 = arith.addi %mul3A_761, %add3A_801 : i32
        %dma_wait3A_803 = arith.constant 2 : i32
        %dma_wait3A_804 = arith.constant 0 : i32
        %dma_wait3A_805 = arith.constant 0 : i32
        %dma_wait3A_806 = tpu.memref_slice %arg8[%dma_wait3A_803, %dma_wait3A_804, %dma_wait3A_805] : memref<4x64x128xf32, #tpu.memory_space<vmem>> -> memref<1x64x128xf32, #tpu.memory_space<vmem>>
        %dma_wait3A_807 = tpu.memref_squeeze %dma_wait3A_806 : memref<1x64x128xf32, #tpu.memory_space<vmem>> -> memref<64x128xf32, #tpu.memory_space<vmem>>
        %dma_wait3A_808 = arith.constant 0 : i32
        %dma_wait3A_809 = tpu.memref_slice %arg6[%add3A_802, %dma_wait3A_808] : memref<40x64xi32, #tpu.memory_space<vmem>> -> memref<1x64xi32, #tpu.memory_space<vmem>>
        %dma_wait3A_810 = tpu.memref_squeeze %dma_wait3A_809 : memref<1x64xi32, #tpu.memory_space<vmem>> -> memref<64xi32, #tpu.memory_space<vmem>>
        %dma_wait3A_811 = arith.constant 0 : i32
        %dma_wait3A_812 = arith.constant 0 : i32
        %dma_wait3A_813 = tpu.memref_slice %arg2[%dma_wait3A_811, %dma_wait3A_812] : memref<10000x128xf32, #tpu.memory_space<hbm>> -> memref<10000x128xf32, #tpu.memory_space<hbm>>
        tpu.wait_indirect_dma semaphore(%arg13 : memref<!tpu.dma_semaphore, #tpu.memory_space<semaphore_mem>>) src(%dma_wait3A_813 : memref<10000x128xf32, #tpu.memory_space<hbm>>) dst(%dma_wait3A_807 : memref<64x128xf32, #tpu.memory_space<vmem>>)
        %run_scoped3A_814 = arith.constant 2 : i32
        "tpu.region"() ({
          %run_scoped3A_843 = tpu.sem_alloc : memref<!tpu.dma_semaphore, #tpu.memory_space<semaphore_mem>>
          %dma_start3A_844 = arith.constant 0 : i32
          %dma_start3A_845 = arith.constant 0 : i32
          %dma_start3A_846 = tpu.memref_slice %arg8[%run_scoped3A_814, %dma_start3A_844, %dma_start3A_845] : memref<4x64x128xf32, #tpu.memory_space<vmem>> -> memref<1x64x128xf32, #tpu.memory_space<vmem>>
          %dma_start3A_847 = tpu.memref_squeeze %dma_start3A_846 : memref<1x64x128xf32, #tpu.memory_space<vmem>> -> memref<64x128xf32, #tpu.memory_space<vmem>>
          %dma_start3A_848 = arith.constant 0 : i32
          %dma_start3A_849 = tpu.memref_slice %arg7[%add3A_802, %dma_start3A_848] : memref<40x64xi32, #tpu.memory_space<vmem>> -> memref<1x64xi32, #tpu.memory_space<vmem>>
          %dma_start3A_850 = tpu.memref_squeeze %dma_start3A_849 : memref<1x64xi32, #tpu.memory_space<vmem>> -> memref<64xi32, #tpu.memory_space<vmem>>
          %dma_start3A_851 = arith.constant 0 : i32
          %dma_start3A_852 = arith.constant 0 : i32
          %dma_start3A_853 = tpu.memref_slice %arg10[%dma_start3A_851, %dma_start3A_852] : memref<10240x128xf32, #tpu.memory_space<vmem_shared>> -> memref<10240x128xf32, #tpu.memory_space<vmem_shared>>
          tpu.enqueue_indirect_dma source(%dma_start3A_847 : memref<64x128xf32, #tpu.memory_space<vmem>>) target(%dma_start3A_853 : memref<10240x128xf32, #tpu.memory_space<vmem_shared>>) offsets(%dma_start3A_850 : memref<64xi32, #tpu.memory_space<vmem>>) semaphore(%run_scoped3A_843 : memref<!tpu.dma_semaphore, #tpu.memory_space<semaphore_mem>>) {add = true}
          %dma_wait3A_854 = arith.constant 0 : i32
          %dma_wait3A_855 = arith.constant 0 : i32
          %dma_wait3A_856 = tpu.memref_slice %arg8[%run_scoped3A_814, %dma_wait3A_854, %dma_wait3A_855] : memref<4x64x128xf32, #tpu.memory_space<vmem>> -> memref<1x64x128xf32, #tpu.memory_space<vmem>>
          %dma_wait3A_857 = tpu.memref_squeeze %dma_wait3A_856 : memref<1x64x128xf32, #tpu.memory_space<vmem>> -> memref<64x128xf32, #tpu.memory_space<vmem>>
          %dma_wait3A_858 = arith.constant 0 : i32
          %dma_wait3A_859 = tpu.memref_slice %arg7[%add3A_802, %dma_wait3A_858] : memref<40x64xi32, #tpu.memory_space<vmem>> -> memref<1x64xi32, #tpu.memory_space<vmem>>
          %dma_wait3A_860 = tpu.memref_squeeze %dma_wait3A_859 : memref<1x64xi32, #tpu.memory_space<vmem>> -> memref<64xi32, #tpu.memory_space<vmem>>
          %dma_wait3A_861 = arith.constant 0 : i32
          %dma_wait3A_862 = arith.constant 0 : i32
          %dma_wait3A_863 = tpu.memref_slice %arg10[%dma_wait3A_861, %dma_wait3A_862] : memref<10240x128xf32, #tpu.memory_space<vmem_shared>> -> memref<10240x128xf32, #tpu.memory_space<vmem_shared>>
          tpu.wait_indirect_dma semaphore(%run_scoped3A_843 : memref<!tpu.dma_semaphore, #tpu.memory_space<semaphore_mem>>) src(%dma_wait3A_857 : memref<64x128xf32, #tpu.memory_space<vmem>>) dst(%dma_wait3A_863 : memref<10240x128xf32, #tpu.memory_space<vmem_shared>>)
          tpu.yield
        }) : () -> ()
        %add3A_815 = arith.constant 4 : i32
        %add3A_816 = arith.addi %add3A_802, %add3A_815 : i32
        %lt3A_817 = arith.constant 40 : i32
        %lt3A_818 = arith.cmpi slt, %add3A_816, %lt3A_817 : i32
        %convert_element_type3A_819 = arith.extui %lt3A_818 : i1 to i32
        %cond3A_820 = arith.constant 0 : i32
        %cond3A_821 = arith.cmpi ne, %convert_element_type3A_819, %cond3A_820 : i32
        scf.if %cond3A_821 {
          %add3A_843 = arith.constant 4 : i32
          %add3A_844 = arith.addi %add3A_802, %add3A_843 : i32
          %dma_start3A_845 = arith.constant 2 : i32
          %dma_start3A_846 = arith.constant 0 : i32
          %dma_start3A_847 = arith.constant 0 : i32
          %dma_start3A_848 = tpu.memref_slice %arg8[%dma_start3A_845, %dma_start3A_846, %dma_start3A_847] : memref<4x64x128xf32, #tpu.memory_space<vmem>> -> memref<1x64x128xf32, #tpu.memory_space<vmem>>
          %dma_start3A_849 = tpu.memref_squeeze %dma_start3A_848 : memref<1x64x128xf32, #tpu.memory_space<vmem>> -> memref<64x128xf32, #tpu.memory_space<vmem>>
          %dma_start3A_850 = arith.constant 0 : i32
          %dma_start3A_851 = tpu.memref_slice %arg6[%add3A_844, %dma_start3A_850] : memref<40x64xi32, #tpu.memory_space<vmem>> -> memref<1x64xi32, #tpu.memory_space<vmem>>
          %dma_start3A_852 = tpu.memref_squeeze %dma_start3A_851 : memref<1x64xi32, #tpu.memory_space<vmem>> -> memref<64xi32, #tpu.memory_space<vmem>>
          %dma_start3A_853 = arith.constant 0 : i32
          %dma_start3A_854 = arith.constant 0 : i32
          %dma_start3A_855 = tpu.memref_slice %arg2[%dma_start3A_853, %dma_start3A_854] : memref<10000x128xf32, #tpu.memory_space<hbm>> -> memref<10000x128xf32, #tpu.memory_space<hbm>>
          tpu.enqueue_indirect_dma source(%dma_start3A_855 : memref<10000x128xf32, #tpu.memory_space<hbm>>) target(%dma_start3A_849 : memref<64x128xf32, #tpu.memory_space<vmem>>) offsets(%dma_start3A_852 : memref<64xi32, #tpu.memory_space<vmem>>) semaphore(%arg13 : memref<!tpu.dma_semaphore, #tpu.memory_space<semaphore_mem>>)
        } else {
        }
        %add3A_822 = arith.constant 3 : i32
        %add3A_823 = arith.addi %mul3A_761, %add3A_822 : i32
        %dma_wait3A_824 = arith.constant 3 : i32
        %dma_wait3A_825 = arith.constant 0 : i32
        %dma_wait3A_826 = arith.constant 0 : i32
        %dma_wait3A_827 = tpu.memref_slice %arg8[%dma_wait3A_824, %dma_wait3A_825, %dma_wait3A_826] : memref<4x64x128xf32, #tpu.memory_space<vmem>> -> memref<1x64x128xf32, #tpu.memory_space<vmem>>
        %dma_wait3A_828 = tpu.memref_squeeze %dma_wait3A_827 : memref<1x64x128xf32, #tpu.memory_space<vmem>> -> memref<64x128xf32, #tpu.memory_space<vmem>>
        %dma_wait3A_829 = arith.constant 0 : i32
        %dma_wait3A_830 = tpu.memref_slice %arg6[%add3A_823, %dma_wait3A_829] : memref<40x64xi32, #tpu.memory_space<vmem>> -> memref<1x64xi32, #tpu.memory_space<vmem>>
        %dma_wait3A_831 = tpu.memref_squeeze %dma_wait3A_830 : memref<1x64xi32, #tpu.memory_space<vmem>> -> memref<64xi32, #tpu.memory_space<vmem>>
        %dma_wait3A_832 = arith.constant 0 : i32
        %dma_wait3A_833 = arith.constant 0 : i32
        %dma_wait3A_834 = tpu.memref_slice %arg2[%dma_wait3A_832, %dma_wait3A_833] : memref<10000x128xf32, #tpu.memory_space<hbm>> -> memref<10000x128xf32, #tpu.memory_space<hbm>>
        tpu.wait_indirect_dma semaphore(%arg14 : memref<!tpu.dma_semaphore, #tpu.memory_space<semaphore_mem>>) src(%dma_wait3A_834 : memref<10000x128xf32, #tpu.memory_space<hbm>>) dst(%dma_wait3A_828 : memref<64x128xf32, #tpu.memory_space<vmem>>)
        %run_scoped3A_835 = arith.constant 3 : i32
        "tpu.region"() ({
          %run_scoped3A_843 = tpu.sem_alloc : memref<!tpu.dma_semaphore, #tpu.memory_space<semaphore_mem>>
          %dma_start3A_844 = arith.constant 0 : i32
          %dma_start3A_845 = arith.constant 0 : i32
          %dma_start3A_846 = tpu.memref_slice %arg8[%run_scoped3A_835, %dma_start3A_844, %dma_start3A_845] : memref<4x64x128xf32, #tpu.memory_space<vmem>> -> memref<1x64x128xf32, #tpu.memory_space<vmem>>
          %dma_start3A_847 = tpu.memref_squeeze %dma_start3A_846 : memref<1x64x128xf32, #tpu.memory_space<vmem>> -> memref<64x128xf32, #tpu.memory_space<vmem>>
          %dma_start3A_848 = arith.constant 0 : i32
          %dma_start3A_849 = tpu.memref_slice %arg7[%add3A_823, %dma_start3A_848] : memref<40x64xi32, #tpu.memory_space<vmem>> -> memref<1x64xi32, #tpu.memory_space<vmem>>
          %dma_start3A_850 = tpu.memref_squeeze %dma_start3A_849 : memref<1x64xi32, #tpu.memory_space<vmem>> -> memref<64xi32, #tpu.memory_space<vmem>>
          %dma_start3A_851 = arith.constant 0 : i32
          %dma_start3A_852 = arith.constant 0 : i32
          %dma_start3A_853 = tpu.memref_slice %arg10[%dma_start3A_851, %dma_start3A_852] : memref<10240x128xf32, #tpu.memory_space<vmem_shared>> -> memref<10240x128xf32, #tpu.memory_space<vmem_shared>>
          tpu.enqueue_indirect_dma source(%dma_start3A_847 : memref<64x128xf32, #tpu.memory_space<vmem>>) target(%dma_start3A_853 : memref<10240x128xf32, #tpu.memory_space<vmem_shared>>) offsets(%dma_start3A_850 : memref<64xi32, #tpu.memory_space<vmem>>) semaphore(%run_scoped3A_843 : memref<!tpu.dma_semaphore, #tpu.memory_space<semaphore_mem>>) {add = true}
          %dma_wait3A_854 = arith.constant 0 : i32
          %dma_wait3A_855 = arith.constant 0 : i32
          %dma_wait3A_856 = tpu.memref_slice %arg8[%run_scoped3A_835, %dma_wait3A_854, %dma_wait3A_855] : memref<4x64x128xf32, #tpu.memory_space<vmem>> -> memref<1x64x128xf32, #tpu.memory_space<vmem>>
          %dma_wait3A_857 = tpu.memref_squeeze %dma_wait3A_856 : memref<1x64x128xf32, #tpu.memory_space<vmem>> -> memref<64x128xf32, #tpu.memory_space<vmem>>
          %dma_wait3A_858 = arith.constant 0 : i32
          %dma_wait3A_859 = tpu.memref_slice %arg7[%add3A_823, %dma_wait3A_858] : memref<40x64xi32, #tpu.memory_space<vmem>> -> memref<1x64xi32, #tpu.memory_space<vmem>>
          %dma_wait3A_860 = tpu.memref_squeeze %dma_wait3A_859 : memref<1x64xi32, #tpu.memory_space<vmem>> -> memref<64xi32, #tpu.memory_space<vmem>>
          %dma_wait3A_861 = arith.constant 0 : i32
          %dma_wait3A_862 = arith.constant 0 : i32
          %dma_wait3A_863 = tpu.memref_slice %arg10[%dma_wait3A_861, %dma_wait3A_862] : memref<10240x128xf32, #tpu.memory_space<vmem_shared>> -> memref<10240x128xf32, #tpu.memory_space<vmem_shared>>
          tpu.wait_indirect_dma semaphore(%run_scoped3A_843 : memref<!tpu.dma_semaphore, #tpu.memory_space<semaphore_mem>>) src(%dma_wait3A_857 : memref<64x128xf32, #tpu.memory_space<vmem>>) dst(%dma_wait3A_863 : memref<10240x128xf32, #tpu.memory_space<vmem_shared>>)
          tpu.yield
        }) : () -> ()
        %add3A_836 = arith.constant 4 : i32
        %add3A_837 = arith.addi %add3A_823, %add3A_836 : i32
        %lt3A_838 = arith.constant 40 : i32
        %lt3A_839 = arith.cmpi slt, %add3A_837, %lt3A_838 : i32
        %convert_element_type3A_840 = arith.extui %lt3A_839 : i1 to i32
        %cond3A_841 = arith.constant 0 : i32
        %cond3A_842 = arith.cmpi ne, %convert_element_type3A_840, %cond3A_841 : i32
        scf.if %cond3A_842 {
          %add3A_843 = arith.constant 4 : i32
          %add3A_844 = arith.addi %add3A_823, %add3A_843 : i32
          %dma_start3A_845 = arith.constant 3 : i32
          %dma_start3A_846 = arith.constant 0 : i32
          %dma_start3A_847 = arith.constant 0 : i32
          %dma_start3A_848 = tpu.memref_slice %arg8[%dma_start3A_845, %dma_start3A_846, %dma_start3A_847] : memref<4x64x128xf32, #tpu.memory_space<vmem>> -> memref<1x64x128xf32, #tpu.memory_space<vmem>>
          %dma_start3A_849 = tpu.memref_squeeze %dma_start3A_848 : memref<1x64x128xf32, #tpu.memory_space<vmem>> -> memref<64x128xf32, #tpu.memory_space<vmem>>
          %dma_start3A_850 = arith.constant 0 : i32
          %dma_start3A_851 = tpu.memref_slice %arg6[%add3A_844, %dma_start3A_850] : memref<40x64xi32, #tpu.memory_space<vmem>> -> memref<1x64xi32, #tpu.memory_space<vmem>>
          %dma_start3A_852 = tpu.memref_squeeze %dma_start3A_851 : memref<1x64xi32, #tpu.memory_space<vmem>> -> memref<64xi32, #tpu.memory_space<vmem>>
          %dma_start3A_853 = arith.constant 0 : i32
          %dma_start3A_854 = arith.constant 0 : i32
          %dma_start3A_855 = tpu.memref_slice %arg2[%dma_start3A_853, %dma_start3A_854] : memref<10000x128xf32, #tpu.memory_space<hbm>> -> memref<10000x128xf32, #tpu.memory_space<hbm>>
          tpu.enqueue_indirect_dma source(%dma_start3A_855 : memref<10000x128xf32, #tpu.memory_space<hbm>>) target(%dma_start3A_849 : memref<64x128xf32, #tpu.memory_space<vmem>>) offsets(%dma_start3A_852 : memref<64xi32, #tpu.memory_space<vmem>>) semaphore(%arg14 : memref<!tpu.dma_semaphore, #tpu.memory_space<semaphore_mem>>)
        } else {
        }
      }
      %scan3A_581 = arith.constant 10 : i32
      %add3A_582 = arith.constant 0 : i32
      %add3A_583 = arith.addi %add3A_582, %arg1 : i32
      %mul3A_584 = arith.constant 80 : i32
      %mul3A_585 = arith.muli %add3A_583, %mul3A_584 : i32
      %add3A_586 = arith.constant 40 : i32
      %add3A_587 = arith.addi %mul3A_585, %add3A_586 : i32
      "tpu.region"() ({
        %run_scoped3A = tpu.sem_alloc : memref<!tpu.dma_semaphore, #tpu.memory_space<semaphore_mem>>
        %dma_start3A_759 = arith.constant 0 : i32
        %dma_start3A_760 = tpu.memref_slice %arg3[%add3A_587, %dma_start3A_759] : memref<5120x64xi32, #tpu.memory_space<hbm>> -> memref<40x64xi32, #tpu.memory_space<hbm>>
        %dma_start3A_761 = arith.constant 0 : i32
        %dma_start3A_762 = tpu.memref_slice %arg3[%add3A_587, %dma_start3A_761] : memref<5120x64xi32, #tpu.memory_space<hbm>> -> memref<40x64xi32, #tpu.memory_space<hbm>>
        tpu.enqueue_dma source(%dma_start3A_762 : memref<40x64xi32, #tpu.memory_space<hbm>>) target(%arg6 : memref<40x64xi32, #tpu.memory_space<vmem>>) target_semaphore(%run_scoped3A : memref<!tpu.dma_semaphore, #tpu.memory_space<semaphore_mem>>)
        %dma_wait3A = arith.constant 0 : i32
        %dma_wait3A_763 = tpu.memref_slice %arg3[%add3A_587, %dma_wait3A] : memref<5120x64xi32, #tpu.memory_space<hbm>> -> memref<40x64xi32, #tpu.memory_space<hbm>>
        %dma_wait3A_764 = arith.constant 0 : i32
        %dma_wait3A_765 = tpu.memref_slice %arg3[%add3A_587, %dma_wait3A_764] : memref<5120x64xi32, #tpu.memory_space<hbm>> -> memref<40x64xi32, #tpu.memory_space<hbm>>
        tpu.wait_dma2 semaphore(%run_scoped3A : memref<!tpu.dma_semaphore, #tpu.memory_space<semaphore_mem>>) src(%dma_wait3A_765 : memref<40x64xi32, #tpu.memory_space<hbm>>) dst(%arg6 : memref<40x64xi32, #tpu.memory_space<vmem>>)
        tpu.yield
      }) : () -> ()
      "tpu.region"() ({
        %run_scoped3A = tpu.sem_alloc : memref<!tpu.dma_semaphore, #tpu.memory_space<semaphore_mem>>
        %dma_start3A_759 = arith.constant 0 : i32
        %dma_start3A_760 = tpu.memref_slice %arg4[%add3A_587, %dma_start3A_759] : memref<5120x64xi32, #tpu.memory_space<hbm>> -> memref<40x64xi32, #tpu.memory_space<hbm>>
        %dma_start3A_761 = arith.constant 0 : i32
        %dma_start3A_762 = tpu.memref_slice %arg4[%add3A_587, %dma_start3A_761] : memref<5120x64xi32, #tpu.memory_space<hbm>> -> memref<40x64xi32, #tpu.memory_space<hbm>>
        tpu.enqueue_dma source(%dma_start3A_762 : memref<40x64xi32, #tpu.memory_space<hbm>>) target(%arg7 : memref<40x64xi32, #tpu.memory_space<vmem>>) target_semaphore(%run_scoped3A : memref<!tpu.dma_semaphore, #tpu.memory_space<semaphore_mem>>)
        %dma_wait3A = arith.constant 0 : i32
        %dma_wait3A_763 = tpu.memref_slice %arg4[%add3A_587, %dma_wait3A] : memref<5120x64xi32, #tpu.memory_space<hbm>> -> memref<40x64xi32, #tpu.memory_space<hbm>>
        %dma_wait3A_764 = arith.constant 0 : i32
        %dma_wait3A_765 = tpu.memref_slice %arg4[%add3A_587, %dma_wait3A_764] : memref<5120x64xi32, #tpu.memory_space<hbm>> -> memref<40x64xi32, #tpu.memory_space<hbm>>
        tpu.wait_dma2 semaphore(%run_scoped3A : memref<!tpu.dma_semaphore, #tpu.memory_space<semaphore_mem>>) src(%dma_wait3A_765 : memref<40x64xi32, #tpu.memory_space<hbm>>) dst(%arg7 : memref<40x64xi32, #tpu.memory_space<vmem>>)
        tpu.yield
      }) : () -> ()
      %dma_start3A_588 = arith.constant 0 : i32
      %dma_start3A_589 = arith.constant 0 : i32
      %dma_start3A_590 = arith.constant 0 : i32
      %dma_start3A_591 = arith.constant 0 : i32
      %dma_start3A_592 = tpu.memref_slice %arg8[%dma_start3A_589, %dma_start3A_590, %dma_start3A_591] : memref<4x64x128xf32, #tpu.memory_space<vmem>> -> memref<1x64x128xf32, #tpu.memory_space<vmem>>
      %dma_start3A_593 = tpu.memref_squeeze %dma_start3A_592 : memref<1x64x128xf32, #tpu.memory_space<vmem>> -> memref<64x128xf32, #tpu.memory_space<vmem>>
      %dma_start3A_594 = arith.constant 0 : i32
      %dma_start3A_595 = tpu.memref_slice %arg6[%dma_start3A_588, %dma_start3A_594] : memref<40x64xi32, #tpu.memory_space<vmem>> -> memref<1x64xi32, #tpu.memory_space<vmem>>
      %dma_start3A_596 = tpu.memref_squeeze %dma_start3A_595 : memref<1x64xi32, #tpu.memory_space<vmem>> -> memref<64xi32, #tpu.memory_space<vmem>>
      %dma_start3A_597 = arith.constant 0 : i32
      %dma_start3A_598 = arith.constant 0 : i32
      %dma_start3A_599 = tpu.memref_slice %arg2[%dma_start3A_597, %dma_start3A_598] : memref<10000x128xf32, #tpu.memory_space<hbm>> -> memref<10000x128xf32, #tpu.memory_space<hbm>>
      tpu.enqueue_indirect_dma source(%dma_start3A_599 : memref<10000x128xf32, #tpu.memory_space<hbm>>) target(%dma_start3A_593 : memref<64x128xf32, #tpu.memory_space<vmem>>) offsets(%dma_start3A_596 : memref<64xi32, #tpu.memory_space<vmem>>) semaphore(%arg11 : memref<!tpu.dma_semaphore, #tpu.memory_space<semaphore_mem>>)
      %dma_start3A_600 = arith.constant 1 : i32
      %dma_start3A_601 = arith.constant 1 : i32
      %dma_start3A_602 = arith.constant 0 : i32
      %dma_start3A_603 = arith.constant 0 : i32
      %dma_start3A_604 = tpu.memref_slice %arg8[%dma_start3A_601, %dma_start3A_602, %dma_start3A_603] : memref<4x64x128xf32, #tpu.memory_space<vmem>> -> memref<1x64x128xf32, #tpu.memory_space<vmem>>
      %dma_start3A_605 = tpu.memref_squeeze %dma_start3A_604 : memref<1x64x128xf32, #tpu.memory_space<vmem>> -> memref<64x128xf32, #tpu.memory_space<vmem>>
      %dma_start3A_606 = arith.constant 0 : i32
      %dma_start3A_607 = tpu.memref_slice %arg6[%dma_start3A_600, %dma_start3A_606] : memref<40x64xi32, #tpu.memory_space<vmem>> -> memref<1x64xi32, #tpu.memory_space<vmem>>
      %dma_start3A_608 = tpu.memref_squeeze %dma_start3A_607 : memref<1x64xi32, #tpu.memory_space<vmem>> -> memref<64xi32, #tpu.memory_space<vmem>>
      %dma_start3A_609 = arith.constant 0 : i32
      %dma_start3A_610 = arith.constant 0 : i32
      %dma_start3A_611 = tpu.memref_slice %arg2[%dma_start3A_609, %dma_start3A_610] : memref<10000x128xf32, #tpu.memory_space<hbm>> -> memref<10000x128xf32, #tpu.memory_space<hbm>>
      tpu.enqueue_indirect_dma source(%dma_start3A_611 : memref<10000x128xf32, #tpu.memory_space<hbm>>) target(%dma_start3A_605 : memref<64x128xf32, #tpu.memory_space<vmem>>) offsets(%dma_start3A_608 : memref<64xi32, #tpu.memory_space<vmem>>) semaphore(%arg12 : memref<!tpu.dma_semaphore, #tpu.memory_space<semaphore_mem>>)
      %dma_start3A_612 = arith.constant 2 : i32
      %dma_start3A_613 = arith.constant 2 : i32
      %dma_start3A_614 = arith.constant 0 : i32
      %dma_start3A_615 = arith.constant 0 : i32
      %dma_start3A_616 = tpu.memref_slice %arg8[%dma_start3A_613, %dma_start3A_614, %dma_start3A_615] : memref<4x64x128xf32, #tpu.memory_space<vmem>> -> memref<1x64x128xf32, #tpu.memory_space<vmem>>
      %dma_start3A_617 = tpu.memref_squeeze %dma_start3A_616 : memref<1x64x128xf32, #tpu.memory_space<vmem>> -> memref<64x128xf32, #tpu.memory_space<vmem>>
      %dma_start3A_618 = arith.constant 0 : i32
      %dma_start3A_619 = tpu.memref_slice %arg6[%dma_start3A_612, %dma_start3A_618] : memref<40x64xi32, #tpu.memory_space<vmem>> -> memref<1x64xi32, #tpu.memory_space<vmem>>
      %dma_start3A_620 = tpu.memref_squeeze %dma_start3A_619 : memref<1x64xi32, #tpu.memory_space<vmem>> -> memref<64xi32, #tpu.memory_space<vmem>>
      %dma_start3A_621 = arith.constant 0 : i32
      %dma_start3A_622 = arith.constant 0 : i32
      %dma_start3A_623 = tpu.memref_slice %arg2[%dma_start3A_621, %dma_start3A_622] : memref<10000x128xf32, #tpu.memory_space<hbm>> -> memref<10000x128xf32, #tpu.memory_space<hbm>>
      tpu.enqueue_indirect_dma source(%dma_start3A_623 : memref<10000x128xf32, #tpu.memory_space<hbm>>) target(%dma_start3A_617 : memref<64x128xf32, #tpu.memory_space<vmem>>) offsets(%dma_start3A_620 : memref<64xi32, #tpu.memory_space<vmem>>) semaphore(%arg13 : memref<!tpu.dma_semaphore, #tpu.memory_space<semaphore_mem>>)
      %dma_start3A_624 = arith.constant 3 : i32
      %dma_start3A_625 = arith.constant 3 : i32
      %dma_start3A_626 = arith.constant 0 : i32
      %dma_start3A_627 = arith.constant 0 : i32
      %dma_start3A_628 = tpu.memref_slice %arg8[%dma_start3A_625, %dma_start3A_626, %dma_start3A_627] : memref<4x64x128xf32, #tpu.memory_space<vmem>> -> memref<1x64x128xf32, #tpu.memory_space<vmem>>
      %dma_start3A_629 = tpu.memref_squeeze %dma_start3A_628 : memref<1x64x128xf32, #tpu.memory_space<vmem>> -> memref<64x128xf32, #tpu.memory_space<vmem>>
      %dma_start3A_630 = arith.constant 0 : i32
      %dma_start3A_631 = tpu.memref_slice %arg6[%dma_start3A_624, %dma_start3A_630] : memref<40x64xi32, #tpu.memory_space<vmem>> -> memref<1x64xi32, #tpu.memory_space<vmem>>
      %dma_start3A_632 = tpu.memref_squeeze %dma_start3A_631 : memref<1x64xi32, #tpu.memory_space<vmem>> -> memref<64xi32, #tpu.memory_space<vmem>>
      %dma_start3A_633 = arith.constant 0 : i32
      %dma_start3A_634 = arith.constant 0 : i32
      %dma_start3A_635 = tpu.memref_slice %arg2[%dma_start3A_633, %dma_start3A_634] : memref<10000x128xf32, #tpu.memory_space<hbm>> -> memref<10000x128xf32, #tpu.memory_space<hbm>>
      tpu.enqueue_indirect_dma source(%dma_start3A_635 : memref<10000x128xf32, #tpu.memory_space<hbm>>) target(%dma_start3A_629 : memref<64x128xf32, #tpu.memory_space<vmem>>) offsets(%dma_start3A_632 : memref<64xi32, #tpu.memory_space<vmem>>) semaphore(%arg14 : memref<!tpu.dma_semaphore, #tpu.memory_space<semaphore_mem>>)
      %scan3A_636 = arith.constant 0 : i32
      %scan3A_637 = arith.constant 10 : i32
      %scan3A_638 = arith.addi %scan3A_636, %scan3A_637 : i32
      %scan3A_639 = arith.constant 1 : i32
      scf.for %scan3A_759 = %scan3A_636 to %scan3A_638 step %scan3A_639  : i32 {
        %mul3A_760 = arith.constant 4 : i32
        %mul3A_761 = arith.muli %mul3A_760, %scan3A_759 : i32
        %add3A_762 = arith.constant 0 : i32
        %add3A_763 = arith.addi %mul3A_761, %add3A_762 : i32
        %dma_wait3A = arith.constant 0 : i32
        %dma_wait3A_764 = arith.constant 0 : i32
        %dma_wait3A_765 = arith.constant 0 : i32
        %dma_wait3A_766 = tpu.memref_slice %arg8[%dma_wait3A, %dma_wait3A_764, %dma_wait3A_765] : memref<4x64x128xf32, #tpu.memory_space<vmem>> -> memref<1x64x128xf32, #tpu.memory_space<vmem>>
        %dma_wait3A_767 = tpu.memref_squeeze %dma_wait3A_766 : memref<1x64x128xf32, #tpu.memory_space<vmem>> -> memref<64x128xf32, #tpu.memory_space<vmem>>
        %dma_wait3A_768 = arith.constant 0 : i32
        %dma_wait3A_769 = tpu.memref_slice %arg6[%add3A_763, %dma_wait3A_768] : memref<40x64xi32, #tpu.memory_space<vmem>> -> memref<1x64xi32, #tpu.memory_space<vmem>>
        %dma_wait3A_770 = tpu.memref_squeeze %dma_wait3A_769 : memref<1x64xi32, #tpu.memory_space<vmem>> -> memref<64xi32, #tpu.memory_space<vmem>>
        %dma_wait3A_771 = arith.constant 0 : i32
        %dma_wait3A_772 = arith.constant 0 : i32
        %dma_wait3A_773 = tpu.memref_slice %arg2[%dma_wait3A_771, %dma_wait3A_772] : memref<10000x128xf32, #tpu.memory_space<hbm>> -> memref<10000x128xf32, #tpu.memory_space<hbm>>
        tpu.wait_indirect_dma semaphore(%arg11 : memref<!tpu.dma_semaphore, #tpu.memory_space<semaphore_mem>>) src(%dma_wait3A_773 : memref<10000x128xf32, #tpu.memory_space<hbm>>) dst(%dma_wait3A_767 : memref<64x128xf32, #tpu.memory_space<vmem>>)
        %run_scoped3A = arith.constant 0 : i32
        "tpu.region"() ({
          %run_scoped3A_843 = tpu.sem_alloc : memref<!tpu.dma_semaphore, #tpu.memory_space<semaphore_mem>>
          %dma_start3A_844 = arith.constant 0 : i32
          %dma_start3A_845 = arith.constant 0 : i32
          %dma_start3A_846 = tpu.memref_slice %arg8[%run_scoped3A, %dma_start3A_844, %dma_start3A_845] : memref<4x64x128xf32, #tpu.memory_space<vmem>> -> memref<1x64x128xf32, #tpu.memory_space<vmem>>
          %dma_start3A_847 = tpu.memref_squeeze %dma_start3A_846 : memref<1x64x128xf32, #tpu.memory_space<vmem>> -> memref<64x128xf32, #tpu.memory_space<vmem>>
          %dma_start3A_848 = arith.constant 0 : i32
          %dma_start3A_849 = tpu.memref_slice %arg7[%add3A_763, %dma_start3A_848] : memref<40x64xi32, #tpu.memory_space<vmem>> -> memref<1x64xi32, #tpu.memory_space<vmem>>
          %dma_start3A_850 = tpu.memref_squeeze %dma_start3A_849 : memref<1x64xi32, #tpu.memory_space<vmem>> -> memref<64xi32, #tpu.memory_space<vmem>>
          %dma_start3A_851 = arith.constant 0 : i32
          %dma_start3A_852 = arith.constant 0 : i32
          %dma_start3A_853 = tpu.memref_slice %arg10[%dma_start3A_851, %dma_start3A_852] : memref<10240x128xf32, #tpu.memory_space<vmem_shared>> -> memref<10240x128xf32, #tpu.memory_space<vmem_shared>>
          tpu.enqueue_indirect_dma source(%dma_start3A_847 : memref<64x128xf32, #tpu.memory_space<vmem>>) target(%dma_start3A_853 : memref<10240x128xf32, #tpu.memory_space<vmem_shared>>) offsets(%dma_start3A_850 : memref<64xi32, #tpu.memory_space<vmem>>) semaphore(%run_scoped3A_843 : memref<!tpu.dma_semaphore, #tpu.memory_space<semaphore_mem>>) {add = true}
          %dma_wait3A_854 = arith.constant 0 : i32
          %dma_wait3A_855 = arith.constant 0 : i32
          %dma_wait3A_856 = tpu.memref_slice %arg8[%run_scoped3A, %dma_wait3A_854, %dma_wait3A_855] : memref<4x64x128xf32, #tpu.memory_space<vmem>> -> memref<1x64x128xf32, #tpu.memory_space<vmem>>
          %dma_wait3A_857 = tpu.memref_squeeze %dma_wait3A_856 : memref<1x64x128xf32, #tpu.memory_space<vmem>> -> memref<64x128xf32, #tpu.memory_space<vmem>>
          %dma_wait3A_858 = arith.constant 0 : i32
          %dma_wait3A_859 = tpu.memref_slice %arg7[%add3A_763, %dma_wait3A_858] : memref<40x64xi32, #tpu.memory_space<vmem>> -> memref<1x64xi32, #tpu.memory_space<vmem>>
          %dma_wait3A_860 = tpu.memref_squeeze %dma_wait3A_859 : memref<1x64xi32, #tpu.memory_space<vmem>> -> memref<64xi32, #tpu.memory_space<vmem>>
          %dma_wait3A_861 = arith.constant 0 : i32
          %dma_wait3A_862 = arith.constant 0 : i32
          %dma_wait3A_863 = tpu.memref_slice %arg10[%dma_wait3A_861, %dma_wait3A_862] : memref<10240x128xf32, #tpu.memory_space<vmem_shared>> -> memref<10240x128xf32, #tpu.memory_space<vmem_shared>>
          tpu.wait_indirect_dma semaphore(%run_scoped3A_843 : memref<!tpu.dma_semaphore, #tpu.memory_space<semaphore_mem>>) src(%dma_wait3A_857 : memref<64x128xf32, #tpu.memory_space<vmem>>) dst(%dma_wait3A_863 : memref<10240x128xf32, #tpu.memory_space<vmem_shared>>)
          tpu.yield
        }) : () -> ()
        %add3A_774 = arith.constant 4 : i32
        %add3A_775 = arith.addi %add3A_763, %add3A_774 : i32
        %lt3A = arith.constant 40 : i32
        %lt3A_776 = arith.cmpi slt, %add3A_775, %lt3A : i32
        %convert_element_type3A_777 = arith.extui %lt3A_776 : i1 to i32
        %cond3A_778 = arith.constant 0 : i32
        %cond3A_779 = arith.cmpi ne, %convert_element_type3A_777, %cond3A_778 : i32
        scf.if %cond3A_779 {
          %add3A_843 = arith.constant 4 : i32
          %add3A_844 = arith.addi %add3A_763, %add3A_843 : i32
          %dma_start3A_845 = arith.constant 0 : i32
          %dma_start3A_846 = arith.constant 0 : i32
          %dma_start3A_847 = arith.constant 0 : i32
          %dma_start3A_848 = tpu.memref_slice %arg8[%dma_start3A_845, %dma_start3A_846, %dma_start3A_847] : memref<4x64x128xf32, #tpu.memory_space<vmem>> -> memref<1x64x128xf32, #tpu.memory_space<vmem>>
          %dma_start3A_849 = tpu.memref_squeeze %dma_start3A_848 : memref<1x64x128xf32, #tpu.memory_space<vmem>> -> memref<64x128xf32, #tpu.memory_space<vmem>>
          %dma_start3A_850 = arith.constant 0 : i32
          %dma_start3A_851 = tpu.memref_slice %arg6[%add3A_844, %dma_start3A_850] : memref<40x64xi32, #tpu.memory_space<vmem>> -> memref<1x64xi32, #tpu.memory_space<vmem>>
          %dma_start3A_852 = tpu.memref_squeeze %dma_start3A_851 : memref<1x64xi32, #tpu.memory_space<vmem>> -> memref<64xi32, #tpu.memory_space<vmem>>
          %dma_start3A_853 = arith.constant 0 : i32
          %dma_start3A_854 = arith.constant 0 : i32
          %dma_start3A_855 = tpu.memref_slice %arg2[%dma_start3A_853, %dma_start3A_854] : memref<10000x128xf32, #tpu.memory_space<hbm>> -> memref<10000x128xf32, #tpu.memory_space<hbm>>
          tpu.enqueue_indirect_dma source(%dma_start3A_855 : memref<10000x128xf32, #tpu.memory_space<hbm>>) target(%dma_start3A_849 : memref<64x128xf32, #tpu.memory_space<vmem>>) offsets(%dma_start3A_852 : memref<64xi32, #tpu.memory_space<vmem>>) semaphore(%arg11 : memref<!tpu.dma_semaphore, #tpu.memory_space<semaphore_mem>>)
        } else {
        }
        %add3A_780 = arith.constant 1 : i32
        %add3A_781 = arith.addi %mul3A_761, %add3A_780 : i32
        %dma_wait3A_782 = arith.constant 1 : i32
        %dma_wait3A_783 = arith.constant 0 : i32
        %dma_wait3A_784 = arith.constant 0 : i32
        %dma_wait3A_785 = tpu.memref_slice %arg8[%dma_wait3A_782, %dma_wait3A_783, %dma_wait3A_784] : memref<4x64x128xf32, #tpu.memory_space<vmem>> -> memref<1x64x128xf32, #tpu.memory_space<vmem>>
        %dma_wait3A_786 = tpu.memref_squeeze %dma_wait3A_785 : memref<1x64x128xf32, #tpu.memory_space<vmem>> -> memref<64x128xf32, #tpu.memory_space<vmem>>
        %dma_wait3A_787 = arith.constant 0 : i32
        %dma_wait3A_788 = tpu.memref_slice %arg6[%add3A_781, %dma_wait3A_787] : memref<40x64xi32, #tpu.memory_space<vmem>> -> memref<1x64xi32, #tpu.memory_space<vmem>>
        %dma_wait3A_789 = tpu.memref_squeeze %dma_wait3A_788 : memref<1x64xi32, #tpu.memory_space<vmem>> -> memref<64xi32, #tpu.memory_space<vmem>>
        %dma_wait3A_790 = arith.constant 0 : i32
        %dma_wait3A_791 = arith.constant 0 : i32
        %dma_wait3A_792 = tpu.memref_slice %arg2[%dma_wait3A_790, %dma_wait3A_791] : memref<10000x128xf32, #tpu.memory_space<hbm>> -> memref<10000x128xf32, #tpu.memory_space<hbm>>
        tpu.wait_indirect_dma semaphore(%arg12 : memref<!tpu.dma_semaphore, #tpu.memory_space<semaphore_mem>>) src(%dma_wait3A_792 : memref<10000x128xf32, #tpu.memory_space<hbm>>) dst(%dma_wait3A_786 : memref<64x128xf32, #tpu.memory_space<vmem>>)
        %run_scoped3A_793 = arith.constant 1 : i32
        "tpu.region"() ({
          %run_scoped3A_843 = tpu.sem_alloc : memref<!tpu.dma_semaphore, #tpu.memory_space<semaphore_mem>>
          %dma_start3A_844 = arith.constant 0 : i32
          %dma_start3A_845 = arith.constant 0 : i32
          %dma_start3A_846 = tpu.memref_slice %arg8[%run_scoped3A_793, %dma_start3A_844, %dma_start3A_845] : memref<4x64x128xf32, #tpu.memory_space<vmem>> -> memref<1x64x128xf32, #tpu.memory_space<vmem>>
          %dma_start3A_847 = tpu.memref_squeeze %dma_start3A_846 : memref<1x64x128xf32, #tpu.memory_space<vmem>> -> memref<64x128xf32, #tpu.memory_space<vmem>>
          %dma_start3A_848 = arith.constant 0 : i32
          %dma_start3A_849 = tpu.memref_slice %arg7[%add3A_781, %dma_start3A_848] : memref<40x64xi32, #tpu.memory_space<vmem>> -> memref<1x64xi32, #tpu.memory_space<vmem>>
          %dma_start3A_850 = tpu.memref_squeeze %dma_start3A_849 : memref<1x64xi32, #tpu.memory_space<vmem>> -> memref<64xi32, #tpu.memory_space<vmem>>
          %dma_start3A_851 = arith.constant 0 : i32
          %dma_start3A_852 = arith.constant 0 : i32
          %dma_start3A_853 = tpu.memref_slice %arg10[%dma_start3A_851, %dma_start3A_852] : memref<10240x128xf32, #tpu.memory_space<vmem_shared>> -> memref<10240x128xf32, #tpu.memory_space<vmem_shared>>
          tpu.enqueue_indirect_dma source(%dma_start3A_847 : memref<64x128xf32, #tpu.memory_space<vmem>>) target(%dma_start3A_853 : memref<10240x128xf32, #tpu.memory_space<vmem_shared>>) offsets(%dma_start3A_850 : memref<64xi32, #tpu.memory_space<vmem>>) semaphore(%run_scoped3A_843 : memref<!tpu.dma_semaphore, #tpu.memory_space<semaphore_mem>>) {add = true}
          %dma_wait3A_854 = arith.constant 0 : i32
          %dma_wait3A_855 = arith.constant 0 : i32
          %dma_wait3A_856 = tpu.memref_slice %arg8[%run_scoped3A_793, %dma_wait3A_854, %dma_wait3A_855] : memref<4x64x128xf32, #tpu.memory_space<vmem>> -> memref<1x64x128xf32, #tpu.memory_space<vmem>>
          %dma_wait3A_857 = tpu.memref_squeeze %dma_wait3A_856 : memref<1x64x128xf32, #tpu.memory_space<vmem>> -> memref<64x128xf32, #tpu.memory_space<vmem>>
          %dma_wait3A_858 = arith.constant 0 : i32
          %dma_wait3A_859 = tpu.memref_slice %arg7[%add3A_781, %dma_wait3A_858] : memref<40x64xi32, #tpu.memory_space<vmem>> -> memref<1x64xi32, #tpu.memory_space<vmem>>
          %dma_wait3A_860 = tpu.memref_squeeze %dma_wait3A_859 : memref<1x64xi32, #tpu.memory_space<vmem>> -> memref<64xi32, #tpu.memory_space<vmem>>
          %dma_wait3A_861 = arith.constant 0 : i32
          %dma_wait3A_862 = arith.constant 0 : i32
          %dma_wait3A_863 = tpu.memref_slice %arg10[%dma_wait3A_861, %dma_wait3A_862] : memref<10240x128xf32, #tpu.memory_space<vmem_shared>> -> memref<10240x128xf32, #tpu.memory_space<vmem_shared>>
          tpu.wait_indirect_dma semaphore(%run_scoped3A_843 : memref<!tpu.dma_semaphore, #tpu.memory_space<semaphore_mem>>) src(%dma_wait3A_857 : memref<64x128xf32, #tpu.memory_space<vmem>>) dst(%dma_wait3A_863 : memref<10240x128xf32, #tpu.memory_space<vmem_shared>>)
          tpu.yield
        }) : () -> ()
        %add3A_794 = arith.constant 4 : i32
        %add3A_795 = arith.addi %add3A_781, %add3A_794 : i32
        %lt3A_796 = arith.constant 40 : i32
        %lt3A_797 = arith.cmpi slt, %add3A_795, %lt3A_796 : i32
        %convert_element_type3A_798 = arith.extui %lt3A_797 : i1 to i32
        %cond3A_799 = arith.constant 0 : i32
        %cond3A_800 = arith.cmpi ne, %convert_element_type3A_798, %cond3A_799 : i32
        scf.if %cond3A_800 {
          %add3A_843 = arith.constant 4 : i32
          %add3A_844 = arith.addi %add3A_781, %add3A_843 : i32
          %dma_start3A_845 = arith.constant 1 : i32
          %dma_start3A_846 = arith.constant 0 : i32
          %dma_start3A_847 = arith.constant 0 : i32
          %dma_start3A_848 = tpu.memref_slice %arg8[%dma_start3A_845, %dma_start3A_846, %dma_start3A_847] : memref<4x64x128xf32, #tpu.memory_space<vmem>> -> memref<1x64x128xf32, #tpu.memory_space<vmem>>
          %dma_start3A_849 = tpu.memref_squeeze %dma_start3A_848 : memref<1x64x128xf32, #tpu.memory_space<vmem>> -> memref<64x128xf32, #tpu.memory_space<vmem>>
          %dma_start3A_850 = arith.constant 0 : i32
          %dma_start3A_851 = tpu.memref_slice %arg6[%add3A_844, %dma_start3A_850] : memref<40x64xi32, #tpu.memory_space<vmem>> -> memref<1x64xi32, #tpu.memory_space<vmem>>
          %dma_start3A_852 = tpu.memref_squeeze %dma_start3A_851 : memref<1x64xi32, #tpu.memory_space<vmem>> -> memref<64xi32, #tpu.memory_space<vmem>>
          %dma_start3A_853 = arith.constant 0 : i32
          %dma_start3A_854 = arith.constant 0 : i32
          %dma_start3A_855 = tpu.memref_slice %arg2[%dma_start3A_853, %dma_start3A_854] : memref<10000x128xf32, #tpu.memory_space<hbm>> -> memref<10000x128xf32, #tpu.memory_space<hbm>>
          tpu.enqueue_indirect_dma source(%dma_start3A_855 : memref<10000x128xf32, #tpu.memory_space<hbm>>) target(%dma_start3A_849 : memref<64x128xf32, #tpu.memory_space<vmem>>) offsets(%dma_start3A_852 : memref<64xi32, #tpu.memory_space<vmem>>) semaphore(%arg12 : memref<!tpu.dma_semaphore, #tpu.memory_space<semaphore_mem>>)
        } else {
        }
        %add3A_801 = arith.constant 2 : i32
        %add3A_802 = arith.addi %mul3A_761, %add3A_801 : i32
        %dma_wait3A_803 = arith.constant 2 : i32
        %dma_wait3A_804 = arith.constant 0 : i32
        %dma_wait3A_805 = arith.constant 0 : i32
        %dma_wait3A_806 = tpu.memref_slice %arg8[%dma_wait3A_803, %dma_wait3A_804, %dma_wait3A_805] : memref<4x64x128xf32, #tpu.memory_space<vmem>> -> memref<1x64x128xf32, #tpu.memory_space<vmem>>
        %dma_wait3A_807 = tpu.memref_squeeze %dma_wait3A_806 : memref<1x64x128xf32, #tpu.memory_space<vmem>> -> memref<64x128xf32, #tpu.memory_space<vmem>>
        %dma_wait3A_808 = arith.constant 0 : i32
        %dma_wait3A_809 = tpu.memref_slice %arg6[%add3A_802, %dma_wait3A_808] : memref<40x64xi32, #tpu.memory_space<vmem>> -> memref<1x64xi32, #tpu.memory_space<vmem>>
        %dma_wait3A_810 = tpu.memref_squeeze %dma_wait3A_809 : memref<1x64xi32, #tpu.memory_space<vmem>> -> memref<64xi32, #tpu.memory_space<vmem>>
        %dma_wait3A_811 = arith.constant 0 : i32
        %dma_wait3A_812 = arith.constant 0 : i32
        %dma_wait3A_813 = tpu.memref_slice %arg2[%dma_wait3A_811, %dma_wait3A_812] : memref<10000x128xf32, #tpu.memory_space<hbm>> -> memref<10000x128xf32, #tpu.memory_space<hbm>>
        tpu.wait_indirect_dma semaphore(%arg13 : memref<!tpu.dma_semaphore, #tpu.memory_space<semaphore_mem>>) src(%dma_wait3A_813 : memref<10000x128xf32, #tpu.memory_space<hbm>>) dst(%dma_wait3A_807 : memref<64x128xf32, #tpu.memory_space<vmem>>)
        %run_scoped3A_814 = arith.constant 2 : i32
        "tpu.region"() ({
          %run_scoped3A_843 = tpu.sem_alloc : memref<!tpu.dma_semaphore, #tpu.memory_space<semaphore_mem>>
          %dma_start3A_844 = arith.constant 0 : i32
          %dma_start3A_845 = arith.constant 0 : i32
          %dma_start3A_846 = tpu.memref_slice %arg8[%run_scoped3A_814, %dma_start3A_844, %dma_start3A_845] : memref<4x64x128xf32, #tpu.memory_space<vmem>> -> memref<1x64x128xf32, #tpu.memory_space<vmem>>
          %dma_start3A_847 = tpu.memref_squeeze %dma_start3A_846 : memref<1x64x128xf32, #tpu.memory_space<vmem>> -> memref<64x128xf32, #tpu.memory_space<vmem>>
          %dma_start3A_848 = arith.constant 0 : i32
          %dma_start3A_849 = tpu.memref_slice %arg7[%add3A_802, %dma_start3A_848] : memref<40x64xi32, #tpu.memory_space<vmem>> -> memref<1x64xi32, #tpu.memory_space<vmem>>
          %dma_start3A_850 = tpu.memref_squeeze %dma_start3A_849 : memref<1x64xi32, #tpu.memory_space<vmem>> -> memref<64xi32, #tpu.memory_space<vmem>>
          %dma_start3A_851 = arith.constant 0 : i32
          %dma_start3A_852 = arith.constant 0 : i32
          %dma_start3A_853 = tpu.memref_slice %arg10[%dma_start3A_851, %dma_start3A_852] : memref<10240x128xf32, #tpu.memory_space<vmem_shared>> -> memref<10240x128xf32, #tpu.memory_space<vmem_shared>>
          tpu.enqueue_indirect_dma source(%dma_start3A_847 : memref<64x128xf32, #tpu.memory_space<vmem>>) target(%dma_start3A_853 : memref<10240x128xf32, #tpu.memory_space<vmem_shared>>) offsets(%dma_start3A_850 : memref<64xi32, #tpu.memory_space<vmem>>) semaphore(%run_scoped3A_843 : memref<!tpu.dma_semaphore, #tpu.memory_space<semaphore_mem>>) {add = true}
          %dma_wait3A_854 = arith.constant 0 : i32
          %dma_wait3A_855 = arith.constant 0 : i32
          %dma_wait3A_856 = tpu.memref_slice %arg8[%run_scoped3A_814, %dma_wait3A_854, %dma_wait3A_855] : memref<4x64x128xf32, #tpu.memory_space<vmem>> -> memref<1x64x128xf32, #tpu.memory_space<vmem>>
          %dma_wait3A_857 = tpu.memref_squeeze %dma_wait3A_856 : memref<1x64x128xf32, #tpu.memory_space<vmem>> -> memref<64x128xf32, #tpu.memory_space<vmem>>
          %dma_wait3A_858 = arith.constant 0 : i32
          %dma_wait3A_859 = tpu.memref_slice %arg7[%add3A_802, %dma_wait3A_858] : memref<40x64xi32, #tpu.memory_space<vmem>> -> memref<1x64xi32, #tpu.memory_space<vmem>>
          %dma_wait3A_860 = tpu.memref_squeeze %dma_wait3A_859 : memref<1x64xi32, #tpu.memory_space<vmem>> -> memref<64xi32, #tpu.memory_space<vmem>>
          %dma_wait3A_861 = arith.constant 0 : i32
          %dma_wait3A_862 = arith.constant 0 : i32
          %dma_wait3A_863 = tpu.memref_slice %arg10[%dma_wait3A_861, %dma_wait3A_862] : memref<10240x128xf32, #tpu.memory_space<vmem_shared>> -> memref<10240x128xf32, #tpu.memory_space<vmem_shared>>
          tpu.wait_indirect_dma semaphore(%run_scoped3A_843 : memref<!tpu.dma_semaphore, #tpu.memory_space<semaphore_mem>>) src(%dma_wait3A_857 : memref<64x128xf32, #tpu.memory_space<vmem>>) dst(%dma_wait3A_863 : memref<10240x128xf32, #tpu.memory_space<vmem_shared>>)
          tpu.yield
        }) : () -> ()
        %add3A_815 = arith.constant 4 : i32
        %add3A_816 = arith.addi %add3A_802, %add3A_815 : i32
        %lt3A_817 = arith.constant 40 : i32
        %lt3A_818 = arith.cmpi slt, %add3A_816, %lt3A_817 : i32
        %convert_element_type3A_819 = arith.extui %lt3A_818 : i1 to i32
        %cond3A_820 = arith.constant 0 : i32
        %cond3A_821 = arith.cmpi ne, %convert_element_type3A_819, %cond3A_820 : i32
        scf.if %cond3A_821 {
          %add3A_843 = arith.constant 4 : i32
          %add3A_844 = arith.addi %add3A_802, %add3A_843 : i32
          %dma_start3A_845 = arith.constant 2 : i32
          %dma_start3A_846 = arith.constant 0 : i32
          %dma_start3A_847 = arith.constant 0 : i32
          %dma_start3A_848 = tpu.memref_slice %arg8[%dma_start3A_845, %dma_start3A_846, %dma_start3A_847] : memref<4x64x128xf32, #tpu.memory_space<vmem>> -> memref<1x64x128xf32, #tpu.memory_space<vmem>>
          %dma_start3A_849 = tpu.memref_squeeze %dma_start3A_848 : memref<1x64x128xf32, #tpu.memory_space<vmem>> -> memref<64x128xf32, #tpu.memory_space<vmem>>
          %dma_start3A_850 = arith.constant 0 : i32
          %dma_start3A_851 = tpu.memref_slice %arg6[%add3A_844, %dma_start3A_850] : memref<40x64xi32, #tpu.memory_space<vmem>> -> memref<1x64xi32, #tpu.memory_space<vmem>>
          %dma_start3A_852 = tpu.memref_squeeze %dma_start3A_851 : memref<1x64xi32, #tpu.memory_space<vmem>> -> memref<64xi32, #tpu.memory_space<vmem>>
          %dma_start3A_853 = arith.constant 0 : i32
          %dma_start3A_854 = arith.constant 0 : i32
          %dma_start3A_855 = tpu.memref_slice %arg2[%dma_start3A_853, %dma_start3A_854] : memref<10000x128xf32, #tpu.memory_space<hbm>> -> memref<10000x128xf32, #tpu.memory_space<hbm>>
          tpu.enqueue_indirect_dma source(%dma_start3A_855 : memref<10000x128xf32, #tpu.memory_space<hbm>>) target(%dma_start3A_849 : memref<64x128xf32, #tpu.memory_space<vmem>>) offsets(%dma_start3A_852 : memref<64xi32, #tpu.memory_space<vmem>>) semaphore(%arg13 : memref<!tpu.dma_semaphore, #tpu.memory_space<semaphore_mem>>)
        } else {
        }
        %add3A_822 = arith.constant 3 : i32
        %add3A_823 = arith.addi %mul3A_761, %add3A_822 : i32
        %dma_wait3A_824 = arith.constant 3 : i32
        %dma_wait3A_825 = arith.constant 0 : i32
        %dma_wait3A_826 = arith.constant 0 : i32
        %dma_wait3A_827 = tpu.memref_slice %arg8[%dma_wait3A_824, %dma_wait3A_825, %dma_wait3A_826] : memref<4x64x128xf32, #tpu.memory_space<vmem>> -> memref<1x64x128xf32, #tpu.memory_space<vmem>>
        %dma_wait3A_828 = tpu.memref_squeeze %dma_wait3A_827 : memref<1x64x128xf32, #tpu.memory_space<vmem>> -> memref<64x128xf32, #tpu.memory_space<vmem>>
        %dma_wait3A_829 = arith.constant 0 : i32
        %dma_wait3A_830 = tpu.memref_slice %arg6[%add3A_823, %dma_wait3A_829] : memref<40x64xi32, #tpu.memory_space<vmem>> -> memref<1x64xi32, #tpu.memory_space<vmem>>
        %dma_wait3A_831 = tpu.memref_squeeze %dma_wait3A_830 : memref<1x64xi32, #tpu.memory_space<vmem>> -> memref<64xi32, #tpu.memory_space<vmem>>
        %dma_wait3A_832 = arith.constant 0 : i32
        %dma_wait3A_833 = arith.constant 0 : i32
        %dma_wait3A_834 = tpu.memref_slice %arg2[%dma_wait3A_832, %dma_wait3A_833] : memref<10000x128xf32, #tpu.memory_space<hbm>> -> memref<10000x128xf32, #tpu.memory_space<hbm>>
        tpu.wait_indirect_dma semaphore(%arg14 : memref<!tpu.dma_semaphore, #tpu.memory_space<semaphore_mem>>) src(%dma_wait3A_834 : memref<10000x128xf32, #tpu.memory_space<hbm>>) dst(%dma_wait3A_828 : memref<64x128xf32, #tpu.memory_space<vmem>>)
        %run_scoped3A_835 = arith.constant 3 : i32
        "tpu.region"() ({
          %run_scoped3A_843 = tpu.sem_alloc : memref<!tpu.dma_semaphore, #tpu.memory_space<semaphore_mem>>
          %dma_start3A_844 = arith.constant 0 : i32
          %dma_start3A_845 = arith.constant 0 : i32
          %dma_start3A_846 = tpu.memref_slice %arg8[%run_scoped3A_835, %dma_start3A_844, %dma_start3A_845] : memref<4x64x128xf32, #tpu.memory_space<vmem>> -> memref<1x64x128xf32, #tpu.memory_space<vmem>>
          %dma_start3A_847 = tpu.memref_squeeze %dma_start3A_846 : memref<1x64x128xf32, #tpu.memory_space<vmem>> -> memref<64x128xf32, #tpu.memory_space<vmem>>
          %dma_start3A_848 = arith.constant 0 : i32
          %dma_start3A_849 = tpu.memref_slice %arg7[%add3A_823, %dma_start3A_848] : memref<40x64xi32, #tpu.memory_space<vmem>> -> memref<1x64xi32, #tpu.memory_space<vmem>>
          %dma_start3A_850 = tpu.memref_squeeze %dma_start3A_849 : memref<1x64xi32, #tpu.memory_space<vmem>> -> memref<64xi32, #tpu.memory_space<vmem>>
          %dma_start3A_851 = arith.constant 0 : i32
          %dma_start3A_852 = arith.constant 0 : i32
          %dma_start3A_853 = tpu.memref_slice %arg10[%dma_start3A_851, %dma_start3A_852] : memref<10240x128xf32, #tpu.memory_space<vmem_shared>> -> memref<10240x128xf32, #tpu.memory_space<vmem_shared>>
          tpu.enqueue_indirect_dma source(%dma_start3A_847 : memref<64x128xf32, #tpu.memory_space<vmem>>) target(%dma_start3A_853 : memref<10240x128xf32, #tpu.memory_space<vmem_shared>>) offsets(%dma_start3A_850 : memref<64xi32, #tpu.memory_space<vmem>>) semaphore(%run_scoped3A_843 : memref<!tpu.dma_semaphore, #tpu.memory_space<semaphore_mem>>) {add = true}
          %dma_wait3A_854 = arith.constant 0 : i32
          %dma_wait3A_855 = arith.constant 0 : i32
          %dma_wait3A_856 = tpu.memref_slice %arg8[%run_scoped3A_835, %dma_wait3A_854, %dma_wait3A_855] : memref<4x64x128xf32, #tpu.memory_space<vmem>> -> memref<1x64x128xf32, #tpu.memory_space<vmem>>
          %dma_wait3A_857 = tpu.memref_squeeze %dma_wait3A_856 : memref<1x64x128xf32, #tpu.memory_space<vmem>> -> memref<64x128xf32, #tpu.memory_space<vmem>>
          %dma_wait3A_858 = arith.constant 0 : i32
          %dma_wait3A_859 = tpu.memref_slice %arg7[%add3A_823, %dma_wait3A_858] : memref<40x64xi32, #tpu.memory_space<vmem>> -> memref<1x64xi32, #tpu.memory_space<vmem>>
          %dma_wait3A_860 = tpu.memref_squeeze %dma_wait3A_859 : memref<1x64xi32, #tpu.memory_space<vmem>> -> memref<64xi32, #tpu.memory_space<vmem>>
          %dma_wait3A_861 = arith.constant 0 : i32
          %dma_wait3A_862 = arith.constant 0 : i32
          %dma_wait3A_863 = tpu.memref_slice %arg10[%dma_wait3A_861, %dma_wait3A_862] : memref<10240x128xf32, #tpu.memory_space<vmem_shared>> -> memref<10240x128xf32, #tpu.memory_space<vmem_shared>>
          tpu.wait_indirect_dma semaphore(%run_scoped3A_843 : memref<!tpu.dma_semaphore, #tpu.memory_space<semaphore_mem>>) src(%dma_wait3A_857 : memref<64x128xf32, #tpu.memory_space<vmem>>) dst(%dma_wait3A_863 : memref<10240x128xf32, #tpu.memory_space<vmem_shared>>)
          tpu.yield
        }) : () -> ()
        %add3A_836 = arith.constant 4 : i32
        %add3A_837 = arith.addi %add3A_823, %add3A_836 : i32
        %lt3A_838 = arith.constant 40 : i32
        %lt3A_839 = arith.cmpi slt, %add3A_837, %lt3A_838 : i32
        %convert_element_type3A_840 = arith.extui %lt3A_839 : i1 to i32
        %cond3A_841 = arith.constant 0 : i32
        %cond3A_842 = arith.cmpi ne, %convert_element_type3A_840, %cond3A_841 : i32
        scf.if %cond3A_842 {
          %add3A_843 = arith.constant 4 : i32
          %add3A_844 = arith.addi %add3A_823, %add3A_843 : i32
          %dma_start3A_845 = arith.constant 3 : i32
          %dma_start3A_846 = arith.constant 0 : i32
          %dma_start3A_847 = arith.constant 0 : i32
          %dma_start3A_848 = tpu.memref_slice %arg8[%dma_start3A_845, %dma_start3A_846, %dma_start3A_847] : memref<4x64x128xf32, #tpu.memory_space<vmem>> -> memref<1x64x128xf32, #tpu.memory_space<vmem>>
          %dma_start3A_849 = tpu.memref_squeeze %dma_start3A_848 : memref<1x64x128xf32, #tpu.memory_space<vmem>> -> memref<64x128xf32, #tpu.memory_space<vmem>>
          %dma_start3A_850 = arith.constant 0 : i32
          %dma_start3A_851 = tpu.memref_slice %arg6[%add3A_844, %dma_start3A_850] : memref<40x64xi32, #tpu.memory_space<vmem>> -> memref<1x64xi32, #tpu.memory_space<vmem>>
          %dma_start3A_852 = tpu.memref_squeeze %dma_start3A_851 : memref<1x64xi32, #tpu.memory_space<vmem>> -> memref<64xi32, #tpu.memory_space<vmem>>
          %dma_start3A_853 = arith.constant 0 : i32
          %dma_start3A_854 = arith.constant 0 : i32
          %dma_start3A_855 = tpu.memref_slice %arg2[%dma_start3A_853, %dma_start3A_854] : memref<10000x128xf32, #tpu.memory_space<hbm>> -> memref<10000x128xf32, #tpu.memory_space<hbm>>
          tpu.enqueue_indirect_dma source(%dma_start3A_855 : memref<10000x128xf32, #tpu.memory_space<hbm>>) target(%dma_start3A_849 : memref<64x128xf32, #tpu.memory_space<vmem>>) offsets(%dma_start3A_852 : memref<64xi32, #tpu.memory_space<vmem>>) semaphore(%arg14 : memref<!tpu.dma_semaphore, #tpu.memory_space<semaphore_mem>>)
        } else {
        }
      }
      %scan3A_640 = arith.constant 10 : i32
      %add3A_641 = arith.constant 16 : i32
      %add3A_642 = arith.addi %add3A_641, %arg1 : i32
      %mul3A_643 = arith.constant 80 : i32
      %mul3A_644 = arith.muli %add3A_642, %mul3A_643 : i32
      %add3A_645 = arith.constant 0 : i32
      %add3A_646 = arith.addi %mul3A_644, %add3A_645 : i32
      "tpu.region"() ({
        %run_scoped3A = tpu.sem_alloc : memref<!tpu.dma_semaphore, #tpu.memory_space<semaphore_mem>>
        %dma_start3A_759 = arith.constant 0 : i32
        %dma_start3A_760 = tpu.memref_slice %arg3[%add3A_646, %dma_start3A_759] : memref<5120x64xi32, #tpu.memory_space<hbm>> -> memref<40x64xi32, #tpu.memory_space<hbm>>
        %dma_start3A_761 = arith.constant 0 : i32
        %dma_start3A_762 = tpu.memref_slice %arg3[%add3A_646, %dma_start3A_761] : memref<5120x64xi32, #tpu.memory_space<hbm>> -> memref<40x64xi32, #tpu.memory_space<hbm>>
        tpu.enqueue_dma source(%dma_start3A_762 : memref<40x64xi32, #tpu.memory_space<hbm>>) target(%arg6 : memref<40x64xi32, #tpu.memory_space<vmem>>) target_semaphore(%run_scoped3A : memref<!tpu.dma_semaphore, #tpu.memory_space<semaphore_mem>>)
        %dma_wait3A = arith.constant 0 : i32
        %dma_wait3A_763 = tpu.memref_slice %arg3[%add3A_646, %dma_wait3A] : memref<5120x64xi32, #tpu.memory_space<hbm>> -> memref<40x64xi32, #tpu.memory_space<hbm>>
        %dma_wait3A_764 = arith.constant 0 : i32
        %dma_wait3A_765 = tpu.memref_slice %arg3[%add3A_646, %dma_wait3A_764] : memref<5120x64xi32, #tpu.memory_space<hbm>> -> memref<40x64xi32, #tpu.memory_space<hbm>>
        tpu.wait_dma2 semaphore(%run_scoped3A : memref<!tpu.dma_semaphore, #tpu.memory_space<semaphore_mem>>) src(%dma_wait3A_765 : memref<40x64xi32, #tpu.memory_space<hbm>>) dst(%arg6 : memref<40x64xi32, #tpu.memory_space<vmem>>)
        tpu.yield
      }) : () -> ()
      "tpu.region"() ({
        %run_scoped3A = tpu.sem_alloc : memref<!tpu.dma_semaphore, #tpu.memory_space<semaphore_mem>>
        %dma_start3A_759 = arith.constant 0 : i32
        %dma_start3A_760 = tpu.memref_slice %arg4[%add3A_646, %dma_start3A_759] : memref<5120x64xi32, #tpu.memory_space<hbm>> -> memref<40x64xi32, #tpu.memory_space<hbm>>
        %dma_start3A_761 = arith.constant 0 : i32
        %dma_start3A_762 = tpu.memref_slice %arg4[%add3A_646, %dma_start3A_761] : memref<5120x64xi32, #tpu.memory_space<hbm>> -> memref<40x64xi32, #tpu.memory_space<hbm>>
        tpu.enqueue_dma source(%dma_start3A_762 : memref<40x64xi32, #tpu.memory_space<hbm>>) target(%arg7 : memref<40x64xi32, #tpu.memory_space<vmem>>) target_semaphore(%run_scoped3A : memref<!tpu.dma_semaphore, #tpu.memory_space<semaphore_mem>>)
        %dma_wait3A = arith.constant 0 : i32
        %dma_wait3A_763 = tpu.memref_slice %arg4[%add3A_646, %dma_wait3A] : memref<5120x64xi32, #tpu.memory_space<hbm>> -> memref<40x64xi32, #tpu.memory_space<hbm>>
        %dma_wait3A_764 = arith.constant 0 : i32
        %dma_wait3A_765 = tpu.memref_slice %arg4[%add3A_646, %dma_wait3A_764] : memref<5120x64xi32, #tpu.memory_space<hbm>> -> memref<40x64xi32, #tpu.memory_space<hbm>>
        tpu.wait_dma2 semaphore(%run_scoped3A : memref<!tpu.dma_semaphore, #tpu.memory_space<semaphore_mem>>) src(%dma_wait3A_765 : memref<40x64xi32, #tpu.memory_space<hbm>>) dst(%arg7 : memref<40x64xi32, #tpu.memory_space<vmem>>)
        tpu.yield
      }) : () -> ()
      %dma_start3A_647 = arith.constant 0 : i32
      %dma_start3A_648 = arith.constant 0 : i32
      %dma_start3A_649 = arith.constant 0 : i32
      %dma_start3A_650 = arith.constant 0 : i32
      %dma_start3A_651 = tpu.memref_slice %arg8[%dma_start3A_648, %dma_start3A_649, %dma_start3A_650] : memref<4x64x128xf32, #tpu.memory_space<vmem>> -> memref<1x64x128xf32, #tpu.memory_space<vmem>>
      %dma_start3A_652 = tpu.memref_squeeze %dma_start3A_651 : memref<1x64x128xf32, #tpu.memory_space<vmem>> -> memref<64x128xf32, #tpu.memory_space<vmem>>
      %dma_start3A_653 = arith.constant 0 : i32
      %dma_start3A_654 = tpu.memref_slice %arg6[%dma_start3A_647, %dma_start3A_653] : memref<40x64xi32, #tpu.memory_space<vmem>> -> memref<1x64xi32, #tpu.memory_space<vmem>>
      %dma_start3A_655 = tpu.memref_squeeze %dma_start3A_654 : memref<1x64xi32, #tpu.memory_space<vmem>> -> memref<64xi32, #tpu.memory_space<vmem>>
      %dma_start3A_656 = arith.constant 0 : i32
      %dma_start3A_657 = arith.constant 0 : i32
      %dma_start3A_658 = tpu.memref_slice %arg2[%dma_start3A_656, %dma_start3A_657] : memref<10000x128xf32, #tpu.memory_space<hbm>> -> memref<10000x128xf32, #tpu.memory_space<hbm>>
      tpu.enqueue_indirect_dma source(%dma_start3A_658 : memref<10000x128xf32, #tpu.memory_space<hbm>>) target(%dma_start3A_652 : memref<64x128xf32, #tpu.memory_space<vmem>>) offsets(%dma_start3A_655 : memref<64xi32, #tpu.memory_space<vmem>>) semaphore(%arg11 : memref<!tpu.dma_semaphore, #tpu.memory_space<semaphore_mem>>)
      %dma_start3A_659 = arith.constant 1 : i32
      %dma_start3A_660 = arith.constant 1 : i32
      %dma_start3A_661 = arith.constant 0 : i32
      %dma_start3A_662 = arith.constant 0 : i32
      %dma_start3A_663 = tpu.memref_slice %arg8[%dma_start3A_660, %dma_start3A_661, %dma_start3A_662] : memref<4x64x128xf32, #tpu.memory_space<vmem>> -> memref<1x64x128xf32, #tpu.memory_space<vmem>>
      %dma_start3A_664 = tpu.memref_squeeze %dma_start3A_663 : memref<1x64x128xf32, #tpu.memory_space<vmem>> -> memref<64x128xf32, #tpu.memory_space<vmem>>
      %dma_start3A_665 = arith.constant 0 : i32
      %dma_start3A_666 = tpu.memref_slice %arg6[%dma_start3A_659, %dma_start3A_665] : memref<40x64xi32, #tpu.memory_space<vmem>> -> memref<1x64xi32, #tpu.memory_space<vmem>>
      %dma_start3A_667 = tpu.memref_squeeze %dma_start3A_666 : memref<1x64xi32, #tpu.memory_space<vmem>> -> memref<64xi32, #tpu.memory_space<vmem>>
      %dma_start3A_668 = arith.constant 0 : i32
      %dma_start3A_669 = arith.constant 0 : i32
      %dma_start3A_670 = tpu.memref_slice %arg2[%dma_start3A_668, %dma_start3A_669] : memref<10000x128xf32, #tpu.memory_space<hbm>> -> memref<10000x128xf32, #tpu.memory_space<hbm>>
      tpu.enqueue_indirect_dma source(%dma_start3A_670 : memref<10000x128xf32, #tpu.memory_space<hbm>>) target(%dma_start3A_664 : memref<64x128xf32, #tpu.memory_space<vmem>>) offsets(%dma_start3A_667 : memref<64xi32, #tpu.memory_space<vmem>>) semaphore(%arg12 : memref<!tpu.dma_semaphore, #tpu.memory_space<semaphore_mem>>)
      %dma_start3A_671 = arith.constant 2 : i32
      %dma_start3A_672 = arith.constant 2 : i32
      %dma_start3A_673 = arith.constant 0 : i32
      %dma_start3A_674 = arith.constant 0 : i32
      %dma_start3A_675 = tpu.memref_slice %arg8[%dma_start3A_672, %dma_start3A_673, %dma_start3A_674] : memref<4x64x128xf32, #tpu.memory_space<vmem>> -> memref<1x64x128xf32, #tpu.memory_space<vmem>>
      %dma_start3A_676 = tpu.memref_squeeze %dma_start3A_675 : memref<1x64x128xf32, #tpu.memory_space<vmem>> -> memref<64x128xf32, #tpu.memory_space<vmem>>
      %dma_start3A_677 = arith.constant 0 : i32
      %dma_start3A_678 = tpu.memref_slice %arg6[%dma_start3A_671, %dma_start3A_677] : memref<40x64xi32, #tpu.memory_space<vmem>> -> memref<1x64xi32, #tpu.memory_space<vmem>>
      %dma_start3A_679 = tpu.memref_squeeze %dma_start3A_678 : memref<1x64xi32, #tpu.memory_space<vmem>> -> memref<64xi32, #tpu.memory_space<vmem>>
      %dma_start3A_680 = arith.constant 0 : i32
      %dma_start3A_681 = arith.constant 0 : i32
      %dma_start3A_682 = tpu.memref_slice %arg2[%dma_start3A_680, %dma_start3A_681] : memref<10000x128xf32, #tpu.memory_space<hbm>> -> memref<10000x128xf32, #tpu.memory_space<hbm>>
      tpu.enqueue_indirect_dma source(%dma_start3A_682 : memref<10000x128xf32, #tpu.memory_space<hbm>>) target(%dma_start3A_676 : memref<64x128xf32, #tpu.memory_space<vmem>>) offsets(%dma_start3A_679 : memref<64xi32, #tpu.memory_space<vmem>>) semaphore(%arg13 : memref<!tpu.dma_semaphore, #tpu.memory_space<semaphore_mem>>)
      %dma_start3A_683 = arith.constant 3 : i32
      %dma_start3A_684 = arith.constant 3 : i32
      %dma_start3A_685 = arith.constant 0 : i32
      %dma_start3A_686 = arith.constant 0 : i32
      %dma_start3A_687 = tpu.memref_slice %arg8[%dma_start3A_684, %dma_start3A_685, %dma_start3A_686] : memref<4x64x128xf32, #tpu.memory_space<vmem>> -> memref<1x64x128xf32, #tpu.memory_space<vmem>>
      %dma_start3A_688 = tpu.memref_squeeze %dma_start3A_687 : memref<1x64x128xf32, #tpu.memory_space<vmem>> -> memref<64x128xf32, #tpu.memory_space<vmem>>
      %dma_start3A_689 = arith.constant 0 : i32
      %dma_start3A_690 = tpu.memref_slice %arg6[%dma_start3A_683, %dma_start3A_689] : memref<40x64xi32, #tpu.memory_space<vmem>> -> memref<1x64xi32, #tpu.memory_space<vmem>>
      %dma_start3A_691 = tpu.memref_squeeze %dma_start3A_690 : memref<1x64xi32, #tpu.memory_space<vmem>> -> memref<64xi32, #tpu.memory_space<vmem>>
      %dma_start3A_692 = arith.constant 0 : i32
      %dma_start3A_693 = arith.constant 0 : i32
      %dma_start3A_694 = tpu.memref_slice %arg2[%dma_start3A_692, %dma_start3A_693] : memref<10000x128xf32, #tpu.memory_space<hbm>> -> memref<10000x128xf32, #tpu.memory_space<hbm>>
      tpu.enqueue_indirect_dma source(%dma_start3A_694 : memref<10000x128xf32, #tpu.memory_space<hbm>>) target(%dma_start3A_688 : memref<64x128xf32, #tpu.memory_space<vmem>>) offsets(%dma_start3A_691 : memref<64xi32, #tpu.memory_space<vmem>>) semaphore(%arg14 : memref<!tpu.dma_semaphore, #tpu.memory_space<semaphore_mem>>)
      %scan3A_695 = arith.constant 0 : i32
      %scan3A_696 = arith.constant 10 : i32
      %scan3A_697 = arith.addi %scan3A_695, %scan3A_696 : i32
      %scan3A_698 = arith.constant 1 : i32
      scf.for %scan3A_759 = %scan3A_695 to %scan3A_697 step %scan3A_698  : i32 {
        %mul3A_760 = arith.constant 4 : i32
        %mul3A_761 = arith.muli %mul3A_760, %scan3A_759 : i32
        %add3A_762 = arith.constant 0 : i32
        %add3A_763 = arith.addi %mul3A_761, %add3A_762 : i32
        %dma_wait3A = arith.constant 0 : i32
        %dma_wait3A_764 = arith.constant 0 : i32
        %dma_wait3A_765 = arith.constant 0 : i32
        %dma_wait3A_766 = tpu.memref_slice %arg8[%dma_wait3A, %dma_wait3A_764, %dma_wait3A_765] : memref<4x64x128xf32, #tpu.memory_space<vmem>> -> memref<1x64x128xf32, #tpu.memory_space<vmem>>
        %dma_wait3A_767 = tpu.memref_squeeze %dma_wait3A_766 : memref<1x64x128xf32, #tpu.memory_space<vmem>> -> memref<64x128xf32, #tpu.memory_space<vmem>>
        %dma_wait3A_768 = arith.constant 0 : i32
        %dma_wait3A_769 = tpu.memref_slice %arg6[%add3A_763, %dma_wait3A_768] : memref<40x64xi32, #tpu.memory_space<vmem>> -> memref<1x64xi32, #tpu.memory_space<vmem>>
        %dma_wait3A_770 = tpu.memref_squeeze %dma_wait3A_769 : memref<1x64xi32, #tpu.memory_space<vmem>> -> memref<64xi32, #tpu.memory_space<vmem>>
        %dma_wait3A_771 = arith.constant 0 : i32
        %dma_wait3A_772 = arith.constant 0 : i32
        %dma_wait3A_773 = tpu.memref_slice %arg2[%dma_wait3A_771, %dma_wait3A_772] : memref<10000x128xf32, #tpu.memory_space<hbm>> -> memref<10000x128xf32, #tpu.memory_space<hbm>>
        tpu.wait_indirect_dma semaphore(%arg11 : memref<!tpu.dma_semaphore, #tpu.memory_space<semaphore_mem>>) src(%dma_wait3A_773 : memref<10000x128xf32, #tpu.memory_space<hbm>>) dst(%dma_wait3A_767 : memref<64x128xf32, #tpu.memory_space<vmem>>)
        %run_scoped3A = arith.constant 0 : i32
        "tpu.region"() ({
          %run_scoped3A_843 = tpu.sem_alloc : memref<!tpu.dma_semaphore, #tpu.memory_space<semaphore_mem>>
          %dma_start3A_844 = arith.constant 0 : i32
          %dma_start3A_845 = arith.constant 0 : i32
          %dma_start3A_846 = tpu.memref_slice %arg8[%run_scoped3A, %dma_start3A_844, %dma_start3A_845] : memref<4x64x128xf32, #tpu.memory_space<vmem>> -> memref<1x64x128xf32, #tpu.memory_space<vmem>>
          %dma_start3A_847 = tpu.memref_squeeze %dma_start3A_846 : memref<1x64x128xf32, #tpu.memory_space<vmem>> -> memref<64x128xf32, #tpu.memory_space<vmem>>
          %dma_start3A_848 = arith.constant 0 : i32
          %dma_start3A_849 = tpu.memref_slice %arg7[%add3A_763, %dma_start3A_848] : memref<40x64xi32, #tpu.memory_space<vmem>> -> memref<1x64xi32, #tpu.memory_space<vmem>>
          %dma_start3A_850 = tpu.memref_squeeze %dma_start3A_849 : memref<1x64xi32, #tpu.memory_space<vmem>> -> memref<64xi32, #tpu.memory_space<vmem>>
          %dma_start3A_851 = arith.constant 0 : i32
          %dma_start3A_852 = arith.constant 0 : i32
          %dma_start3A_853 = tpu.memref_slice %arg10[%dma_start3A_851, %dma_start3A_852] : memref<10240x128xf32, #tpu.memory_space<vmem_shared>> -> memref<10240x128xf32, #tpu.memory_space<vmem_shared>>
          tpu.enqueue_indirect_dma source(%dma_start3A_847 : memref<64x128xf32, #tpu.memory_space<vmem>>) target(%dma_start3A_853 : memref<10240x128xf32, #tpu.memory_space<vmem_shared>>) offsets(%dma_start3A_850 : memref<64xi32, #tpu.memory_space<vmem>>) semaphore(%run_scoped3A_843 : memref<!tpu.dma_semaphore, #tpu.memory_space<semaphore_mem>>) {add = true}
          %dma_wait3A_854 = arith.constant 0 : i32
          %dma_wait3A_855 = arith.constant 0 : i32
          %dma_wait3A_856 = tpu.memref_slice %arg8[%run_scoped3A, %dma_wait3A_854, %dma_wait3A_855] : memref<4x64x128xf32, #tpu.memory_space<vmem>> -> memref<1x64x128xf32, #tpu.memory_space<vmem>>
          %dma_wait3A_857 = tpu.memref_squeeze %dma_wait3A_856 : memref<1x64x128xf32, #tpu.memory_space<vmem>> -> memref<64x128xf32, #tpu.memory_space<vmem>>
          %dma_wait3A_858 = arith.constant 0 : i32
          %dma_wait3A_859 = tpu.memref_slice %arg7[%add3A_763, %dma_wait3A_858] : memref<40x64xi32, #tpu.memory_space<vmem>> -> memref<1x64xi32, #tpu.memory_space<vmem>>
          %dma_wait3A_860 = tpu.memref_squeeze %dma_wait3A_859 : memref<1x64xi32, #tpu.memory_space<vmem>> -> memref<64xi32, #tpu.memory_space<vmem>>
          %dma_wait3A_861 = arith.constant 0 : i32
          %dma_wait3A_862 = arith.constant 0 : i32
          %dma_wait3A_863 = tpu.memref_slice %arg10[%dma_wait3A_861, %dma_wait3A_862] : memref<10240x128xf32, #tpu.memory_space<vmem_shared>> -> memref<10240x128xf32, #tpu.memory_space<vmem_shared>>
          tpu.wait_indirect_dma semaphore(%run_scoped3A_843 : memref<!tpu.dma_semaphore, #tpu.memory_space<semaphore_mem>>) src(%dma_wait3A_857 : memref<64x128xf32, #tpu.memory_space<vmem>>) dst(%dma_wait3A_863 : memref<10240x128xf32, #tpu.memory_space<vmem_shared>>)
          tpu.yield
        }) : () -> ()
        %add3A_774 = arith.constant 4 : i32
        %add3A_775 = arith.addi %add3A_763, %add3A_774 : i32
        %lt3A = arith.constant 40 : i32
        %lt3A_776 = arith.cmpi slt, %add3A_775, %lt3A : i32
        %convert_element_type3A_777 = arith.extui %lt3A_776 : i1 to i32
        %cond3A_778 = arith.constant 0 : i32
        %cond3A_779 = arith.cmpi ne, %convert_element_type3A_777, %cond3A_778 : i32
        scf.if %cond3A_779 {
          %add3A_843 = arith.constant 4 : i32
          %add3A_844 = arith.addi %add3A_763, %add3A_843 : i32
          %dma_start3A_845 = arith.constant 0 : i32
          %dma_start3A_846 = arith.constant 0 : i32
          %dma_start3A_847 = arith.constant 0 : i32
          %dma_start3A_848 = tpu.memref_slice %arg8[%dma_start3A_845, %dma_start3A_846, %dma_start3A_847] : memref<4x64x128xf32, #tpu.memory_space<vmem>> -> memref<1x64x128xf32, #tpu.memory_space<vmem>>
          %dma_start3A_849 = tpu.memref_squeeze %dma_start3A_848 : memref<1x64x128xf32, #tpu.memory_space<vmem>> -> memref<64x128xf32, #tpu.memory_space<vmem>>
          %dma_start3A_850 = arith.constant 0 : i32
          %dma_start3A_851 = tpu.memref_slice %arg6[%add3A_844, %dma_start3A_850] : memref<40x64xi32, #tpu.memory_space<vmem>> -> memref<1x64xi32, #tpu.memory_space<vmem>>
          %dma_start3A_852 = tpu.memref_squeeze %dma_start3A_851 : memref<1x64xi32, #tpu.memory_space<vmem>> -> memref<64xi32, #tpu.memory_space<vmem>>
          %dma_start3A_853 = arith.constant 0 : i32
          %dma_start3A_854 = arith.constant 0 : i32
          %dma_start3A_855 = tpu.memref_slice %arg2[%dma_start3A_853, %dma_start3A_854] : memref<10000x128xf32, #tpu.memory_space<hbm>> -> memref<10000x128xf32, #tpu.memory_space<hbm>>
          tpu.enqueue_indirect_dma source(%dma_start3A_855 : memref<10000x128xf32, #tpu.memory_space<hbm>>) target(%dma_start3A_849 : memref<64x128xf32, #tpu.memory_space<vmem>>) offsets(%dma_start3A_852 : memref<64xi32, #tpu.memory_space<vmem>>) semaphore(%arg11 : memref<!tpu.dma_semaphore, #tpu.memory_space<semaphore_mem>>)
        } else {
        }
        %add3A_780 = arith.constant 1 : i32
        %add3A_781 = arith.addi %mul3A_761, %add3A_780 : i32
        %dma_wait3A_782 = arith.constant 1 : i32
        %dma_wait3A_783 = arith.constant 0 : i32
        %dma_wait3A_784 = arith.constant 0 : i32
        %dma_wait3A_785 = tpu.memref_slice %arg8[%dma_wait3A_782, %dma_wait3A_783, %dma_wait3A_784] : memref<4x64x128xf32, #tpu.memory_space<vmem>> -> memref<1x64x128xf32, #tpu.memory_space<vmem>>
        %dma_wait3A_786 = tpu.memref_squeeze %dma_wait3A_785 : memref<1x64x128xf32, #tpu.memory_space<vmem>> -> memref<64x128xf32, #tpu.memory_space<vmem>>
        %dma_wait3A_787 = arith.constant 0 : i32
        %dma_wait3A_788 = tpu.memref_slice %arg6[%add3A_781, %dma_wait3A_787] : memref<40x64xi32, #tpu.memory_space<vmem>> -> memref<1x64xi32, #tpu.memory_space<vmem>>
        %dma_wait3A_789 = tpu.memref_squeeze %dma_wait3A_788 : memref<1x64xi32, #tpu.memory_space<vmem>> -> memref<64xi32, #tpu.memory_space<vmem>>
        %dma_wait3A_790 = arith.constant 0 : i32
        %dma_wait3A_791 = arith.constant 0 : i32
        %dma_wait3A_792 = tpu.memref_slice %arg2[%dma_wait3A_790, %dma_wait3A_791] : memref<10000x128xf32, #tpu.memory_space<hbm>> -> memref<10000x128xf32, #tpu.memory_space<hbm>>
        tpu.wait_indirect_dma semaphore(%arg12 : memref<!tpu.dma_semaphore, #tpu.memory_space<semaphore_mem>>) src(%dma_wait3A_792 : memref<10000x128xf32, #tpu.memory_space<hbm>>) dst(%dma_wait3A_786 : memref<64x128xf32, #tpu.memory_space<vmem>>)
        %run_scoped3A_793 = arith.constant 1 : i32
        "tpu.region"() ({
          %run_scoped3A_843 = tpu.sem_alloc : memref<!tpu.dma_semaphore, #tpu.memory_space<semaphore_mem>>
          %dma_start3A_844 = arith.constant 0 : i32
          %dma_start3A_845 = arith.constant 0 : i32
          %dma_start3A_846 = tpu.memref_slice %arg8[%run_scoped3A_793, %dma_start3A_844, %dma_start3A_845] : memref<4x64x128xf32, #tpu.memory_space<vmem>> -> memref<1x64x128xf32, #tpu.memory_space<vmem>>
          %dma_start3A_847 = tpu.memref_squeeze %dma_start3A_846 : memref<1x64x128xf32, #tpu.memory_space<vmem>> -> memref<64x128xf32, #tpu.memory_space<vmem>>
          %dma_start3A_848 = arith.constant 0 : i32
          %dma_start3A_849 = tpu.memref_slice %arg7[%add3A_781, %dma_start3A_848] : memref<40x64xi32, #tpu.memory_space<vmem>> -> memref<1x64xi32, #tpu.memory_space<vmem>>
          %dma_start3A_850 = tpu.memref_squeeze %dma_start3A_849 : memref<1x64xi32, #tpu.memory_space<vmem>> -> memref<64xi32, #tpu.memory_space<vmem>>
          %dma_start3A_851 = arith.constant 0 : i32
          %dma_start3A_852 = arith.constant 0 : i32
          %dma_start3A_853 = tpu.memref_slice %arg10[%dma_start3A_851, %dma_start3A_852] : memref<10240x128xf32, #tpu.memory_space<vmem_shared>> -> memref<10240x128xf32, #tpu.memory_space<vmem_shared>>
          tpu.enqueue_indirect_dma source(%dma_start3A_847 : memref<64x128xf32, #tpu.memory_space<vmem>>) target(%dma_start3A_853 : memref<10240x128xf32, #tpu.memory_space<vmem_shared>>) offsets(%dma_start3A_850 : memref<64xi32, #tpu.memory_space<vmem>>) semaphore(%run_scoped3A_843 : memref<!tpu.dma_semaphore, #tpu.memory_space<semaphore_mem>>) {add = true}
          %dma_wait3A_854 = arith.constant 0 : i32
          %dma_wait3A_855 = arith.constant 0 : i32
          %dma_wait3A_856 = tpu.memref_slice %arg8[%run_scoped3A_793, %dma_wait3A_854, %dma_wait3A_855] : memref<4x64x128xf32, #tpu.memory_space<vmem>> -> memref<1x64x128xf32, #tpu.memory_space<vmem>>
          %dma_wait3A_857 = tpu.memref_squeeze %dma_wait3A_856 : memref<1x64x128xf32, #tpu.memory_space<vmem>> -> memref<64x128xf32, #tpu.memory_space<vmem>>
          %dma_wait3A_858 = arith.constant 0 : i32
          %dma_wait3A_859 = tpu.memref_slice %arg7[%add3A_781, %dma_wait3A_858] : memref<40x64xi32, #tpu.memory_space<vmem>> -> memref<1x64xi32, #tpu.memory_space<vmem>>
          %dma_wait3A_860 = tpu.memref_squeeze %dma_wait3A_859 : memref<1x64xi32, #tpu.memory_space<vmem>> -> memref<64xi32, #tpu.memory_space<vmem>>
          %dma_wait3A_861 = arith.constant 0 : i32
          %dma_wait3A_862 = arith.constant 0 : i32
          %dma_wait3A_863 = tpu.memref_slice %arg10[%dma_wait3A_861, %dma_wait3A_862] : memref<10240x128xf32, #tpu.memory_space<vmem_shared>> -> memref<10240x128xf32, #tpu.memory_space<vmem_shared>>
          tpu.wait_indirect_dma semaphore(%run_scoped3A_843 : memref<!tpu.dma_semaphore, #tpu.memory_space<semaphore_mem>>) src(%dma_wait3A_857 : memref<64x128xf32, #tpu.memory_space<vmem>>) dst(%dma_wait3A_863 : memref<10240x128xf32, #tpu.memory_space<vmem_shared>>)
          tpu.yield
        }) : () -> ()
        %add3A_794 = arith.constant 4 : i32
        %add3A_795 = arith.addi %add3A_781, %add3A_794 : i32
        %lt3A_796 = arith.constant 40 : i32
        %lt3A_797 = arith.cmpi slt, %add3A_795, %lt3A_796 : i32
        %convert_element_type3A_798 = arith.extui %lt3A_797 : i1 to i32
        %cond3A_799 = arith.constant 0 : i32
        %cond3A_800 = arith.cmpi ne, %convert_element_type3A_798, %cond3A_799 : i32
        scf.if %cond3A_800 {
          %add3A_843 = arith.constant 4 : i32
          %add3A_844 = arith.addi %add3A_781, %add3A_843 : i32
          %dma_start3A_845 = arith.constant 1 : i32
          %dma_start3A_846 = arith.constant 0 : i32
          %dma_start3A_847 = arith.constant 0 : i32
          %dma_start3A_848 = tpu.memref_slice %arg8[%dma_start3A_845, %dma_start3A_846, %dma_start3A_847] : memref<4x64x128xf32, #tpu.memory_space<vmem>> -> memref<1x64x128xf32, #tpu.memory_space<vmem>>
          %dma_start3A_849 = tpu.memref_squeeze %dma_start3A_848 : memref<1x64x128xf32, #tpu.memory_space<vmem>> -> memref<64x128xf32, #tpu.memory_space<vmem>>
          %dma_start3A_850 = arith.constant 0 : i32
          %dma_start3A_851 = tpu.memref_slice %arg6[%add3A_844, %dma_start3A_850] : memref<40x64xi32, #tpu.memory_space<vmem>> -> memref<1x64xi32, #tpu.memory_space<vmem>>
          %dma_start3A_852 = tpu.memref_squeeze %dma_start3A_851 : memref<1x64xi32, #tpu.memory_space<vmem>> -> memref<64xi32, #tpu.memory_space<vmem>>
          %dma_start3A_853 = arith.constant 0 : i32
          %dma_start3A_854 = arith.constant 0 : i32
          %dma_start3A_855 = tpu.memref_slice %arg2[%dma_start3A_853, %dma_start3A_854] : memref<10000x128xf32, #tpu.memory_space<hbm>> -> memref<10000x128xf32, #tpu.memory_space<hbm>>
          tpu.enqueue_indirect_dma source(%dma_start3A_855 : memref<10000x128xf32, #tpu.memory_space<hbm>>) target(%dma_start3A_849 : memref<64x128xf32, #tpu.memory_space<vmem>>) offsets(%dma_start3A_852 : memref<64xi32, #tpu.memory_space<vmem>>) semaphore(%arg12 : memref<!tpu.dma_semaphore, #tpu.memory_space<semaphore_mem>>)
        } else {
        }
        %add3A_801 = arith.constant 2 : i32
        %add3A_802 = arith.addi %mul3A_761, %add3A_801 : i32
        %dma_wait3A_803 = arith.constant 2 : i32
        %dma_wait3A_804 = arith.constant 0 : i32
        %dma_wait3A_805 = arith.constant 0 : i32
        %dma_wait3A_806 = tpu.memref_slice %arg8[%dma_wait3A_803, %dma_wait3A_804, %dma_wait3A_805] : memref<4x64x128xf32, #tpu.memory_space<vmem>> -> memref<1x64x128xf32, #tpu.memory_space<vmem>>
        %dma_wait3A_807 = tpu.memref_squeeze %dma_wait3A_806 : memref<1x64x128xf32, #tpu.memory_space<vmem>> -> memref<64x128xf32, #tpu.memory_space<vmem>>
        %dma_wait3A_808 = arith.constant 0 : i32
        %dma_wait3A_809 = tpu.memref_slice %arg6[%add3A_802, %dma_wait3A_808] : memref<40x64xi32, #tpu.memory_space<vmem>> -> memref<1x64xi32, #tpu.memory_space<vmem>>
        %dma_wait3A_810 = tpu.memref_squeeze %dma_wait3A_809 : memref<1x64xi32, #tpu.memory_space<vmem>> -> memref<64xi32, #tpu.memory_space<vmem>>
        %dma_wait3A_811 = arith.constant 0 : i32
        %dma_wait3A_812 = arith.constant 0 : i32
        %dma_wait3A_813 = tpu.memref_slice %arg2[%dma_wait3A_811, %dma_wait3A_812] : memref<10000x128xf32, #tpu.memory_space<hbm>> -> memref<10000x128xf32, #tpu.memory_space<hbm>>
        tpu.wait_indirect_dma semaphore(%arg13 : memref<!tpu.dma_semaphore, #tpu.memory_space<semaphore_mem>>) src(%dma_wait3A_813 : memref<10000x128xf32, #tpu.memory_space<hbm>>) dst(%dma_wait3A_807 : memref<64x128xf32, #tpu.memory_space<vmem>>)
        %run_scoped3A_814 = arith.constant 2 : i32
        "tpu.region"() ({
          %run_scoped3A_843 = tpu.sem_alloc : memref<!tpu.dma_semaphore, #tpu.memory_space<semaphore_mem>>
          %dma_start3A_844 = arith.constant 0 : i32
          %dma_start3A_845 = arith.constant 0 : i32
          %dma_start3A_846 = tpu.memref_slice %arg8[%run_scoped3A_814, %dma_start3A_844, %dma_start3A_845] : memref<4x64x128xf32, #tpu.memory_space<vmem>> -> memref<1x64x128xf32, #tpu.memory_space<vmem>>
          %dma_start3A_847 = tpu.memref_squeeze %dma_start3A_846 : memref<1x64x128xf32, #tpu.memory_space<vmem>> -> memref<64x128xf32, #tpu.memory_space<vmem>>
          %dma_start3A_848 = arith.constant 0 : i32
          %dma_start3A_849 = tpu.memref_slice %arg7[%add3A_802, %dma_start3A_848] : memref<40x64xi32, #tpu.memory_space<vmem>> -> memref<1x64xi32, #tpu.memory_space<vmem>>
          %dma_start3A_850 = tpu.memref_squeeze %dma_start3A_849 : memref<1x64xi32, #tpu.memory_space<vmem>> -> memref<64xi32, #tpu.memory_space<vmem>>
          %dma_start3A_851 = arith.constant 0 : i32
          %dma_start3A_852 = arith.constant 0 : i32
          %dma_start3A_853 = tpu.memref_slice %arg10[%dma_start3A_851, %dma_start3A_852] : memref<10240x128xf32, #tpu.memory_space<vmem_shared>> -> memref<10240x128xf32, #tpu.memory_space<vmem_shared>>
          tpu.enqueue_indirect_dma source(%dma_start3A_847 : memref<64x128xf32, #tpu.memory_space<vmem>>) target(%dma_start3A_853 : memref<10240x128xf32, #tpu.memory_space<vmem_shared>>) offsets(%dma_start3A_850 : memref<64xi32, #tpu.memory_space<vmem>>) semaphore(%run_scoped3A_843 : memref<!tpu.dma_semaphore, #tpu.memory_space<semaphore_mem>>) {add = true}
          %dma_wait3A_854 = arith.constant 0 : i32
          %dma_wait3A_855 = arith.constant 0 : i32
          %dma_wait3A_856 = tpu.memref_slice %arg8[%run_scoped3A_814, %dma_wait3A_854, %dma_wait3A_855] : memref<4x64x128xf32, #tpu.memory_space<vmem>> -> memref<1x64x128xf32, #tpu.memory_space<vmem>>
          %dma_wait3A_857 = tpu.memref_squeeze %dma_wait3A_856 : memref<1x64x128xf32, #tpu.memory_space<vmem>> -> memref<64x128xf32, #tpu.memory_space<vmem>>
          %dma_wait3A_858 = arith.constant 0 : i32
          %dma_wait3A_859 = tpu.memref_slice %arg7[%add3A_802, %dma_wait3A_858] : memref<40x64xi32, #tpu.memory_space<vmem>> -> memref<1x64xi32, #tpu.memory_space<vmem>>
          %dma_wait3A_860 = tpu.memref_squeeze %dma_wait3A_859 : memref<1x64xi32, #tpu.memory_space<vmem>> -> memref<64xi32, #tpu.memory_space<vmem>>
          %dma_wait3A_861 = arith.constant 0 : i32
          %dma_wait3A_862 = arith.constant 0 : i32
          %dma_wait3A_863 = tpu.memref_slice %arg10[%dma_wait3A_861, %dma_wait3A_862] : memref<10240x128xf32, #tpu.memory_space<vmem_shared>> -> memref<10240x128xf32, #tpu.memory_space<vmem_shared>>
          tpu.wait_indirect_dma semaphore(%run_scoped3A_843 : memref<!tpu.dma_semaphore, #tpu.memory_space<semaphore_mem>>) src(%dma_wait3A_857 : memref<64x128xf32, #tpu.memory_space<vmem>>) dst(%dma_wait3A_863 : memref<10240x128xf32, #tpu.memory_space<vmem_shared>>)
          tpu.yield
        }) : () -> ()
        %add3A_815 = arith.constant 4 : i32
        %add3A_816 = arith.addi %add3A_802, %add3A_815 : i32
        %lt3A_817 = arith.constant 40 : i32
        %lt3A_818 = arith.cmpi slt, %add3A_816, %lt3A_817 : i32
        %convert_element_type3A_819 = arith.extui %lt3A_818 : i1 to i32
        %cond3A_820 = arith.constant 0 : i32
        %cond3A_821 = arith.cmpi ne, %convert_element_type3A_819, %cond3A_820 : i32
        scf.if %cond3A_821 {
          %add3A_843 = arith.constant 4 : i32
          %add3A_844 = arith.addi %add3A_802, %add3A_843 : i32
          %dma_start3A_845 = arith.constant 2 : i32
          %dma_start3A_846 = arith.constant 0 : i32
          %dma_start3A_847 = arith.constant 0 : i32
          %dma_start3A_848 = tpu.memref_slice %arg8[%dma_start3A_845, %dma_start3A_846, %dma_start3A_847] : memref<4x64x128xf32, #tpu.memory_space<vmem>> -> memref<1x64x128xf32, #tpu.memory_space<vmem>>
          %dma_start3A_849 = tpu.memref_squeeze %dma_start3A_848 : memref<1x64x128xf32, #tpu.memory_space<vmem>> -> memref<64x128xf32, #tpu.memory_space<vmem>>
          %dma_start3A_850 = arith.constant 0 : i32
          %dma_start3A_851 = tpu.memref_slice %arg6[%add3A_844, %dma_start3A_850] : memref<40x64xi32, #tpu.memory_space<vmem>> -> memref<1x64xi32, #tpu.memory_space<vmem>>
          %dma_start3A_852 = tpu.memref_squeeze %dma_start3A_851 : memref<1x64xi32, #tpu.memory_space<vmem>> -> memref<64xi32, #tpu.memory_space<vmem>>
          %dma_start3A_853 = arith.constant 0 : i32
          %dma_start3A_854 = arith.constant 0 : i32
          %dma_start3A_855 = tpu.memref_slice %arg2[%dma_start3A_853, %dma_start3A_854] : memref<10000x128xf32, #tpu.memory_space<hbm>> -> memref<10000x128xf32, #tpu.memory_space<hbm>>
          tpu.enqueue_indirect_dma source(%dma_start3A_855 : memref<10000x128xf32, #tpu.memory_space<hbm>>) target(%dma_start3A_849 : memref<64x128xf32, #tpu.memory_space<vmem>>) offsets(%dma_start3A_852 : memref<64xi32, #tpu.memory_space<vmem>>) semaphore(%arg13 : memref<!tpu.dma_semaphore, #tpu.memory_space<semaphore_mem>>)
        } else {
        }
        %add3A_822 = arith.constant 3 : i32
        %add3A_823 = arith.addi %mul3A_761, %add3A_822 : i32
        %dma_wait3A_824 = arith.constant 3 : i32
        %dma_wait3A_825 = arith.constant 0 : i32
        %dma_wait3A_826 = arith.constant 0 : i32
        %dma_wait3A_827 = tpu.memref_slice %arg8[%dma_wait3A_824, %dma_wait3A_825, %dma_wait3A_826] : memref<4x64x128xf32, #tpu.memory_space<vmem>> -> memref<1x64x128xf32, #tpu.memory_space<vmem>>
        %dma_wait3A_828 = tpu.memref_squeeze %dma_wait3A_827 : memref<1x64x128xf32, #tpu.memory_space<vmem>> -> memref<64x128xf32, #tpu.memory_space<vmem>>
        %dma_wait3A_829 = arith.constant 0 : i32
        %dma_wait3A_830 = tpu.memref_slice %arg6[%add3A_823, %dma_wait3A_829] : memref<40x64xi32, #tpu.memory_space<vmem>> -> memref<1x64xi32, #tpu.memory_space<vmem>>
        %dma_wait3A_831 = tpu.memref_squeeze %dma_wait3A_830 : memref<1x64xi32, #tpu.memory_space<vmem>> -> memref<64xi32, #tpu.memory_space<vmem>>
        %dma_wait3A_832 = arith.constant 0 : i32
        %dma_wait3A_833 = arith.constant 0 : i32
        %dma_wait3A_834 = tpu.memref_slice %arg2[%dma_wait3A_832, %dma_wait3A_833] : memref<10000x128xf32, #tpu.memory_space<hbm>> -> memref<10000x128xf32, #tpu.memory_space<hbm>>
        tpu.wait_indirect_dma semaphore(%arg14 : memref<!tpu.dma_semaphore, #tpu.memory_space<semaphore_mem>>) src(%dma_wait3A_834 : memref<10000x128xf32, #tpu.memory_space<hbm>>) dst(%dma_wait3A_828 : memref<64x128xf32, #tpu.memory_space<vmem>>)
        %run_scoped3A_835 = arith.constant 3 : i32
        "tpu.region"() ({
          %run_scoped3A_843 = tpu.sem_alloc : memref<!tpu.dma_semaphore, #tpu.memory_space<semaphore_mem>>
          %dma_start3A_844 = arith.constant 0 : i32
          %dma_start3A_845 = arith.constant 0 : i32
          %dma_start3A_846 = tpu.memref_slice %arg8[%run_scoped3A_835, %dma_start3A_844, %dma_start3A_845] : memref<4x64x128xf32, #tpu.memory_space<vmem>> -> memref<1x64x128xf32, #tpu.memory_space<vmem>>
          %dma_start3A_847 = tpu.memref_squeeze %dma_start3A_846 : memref<1x64x128xf32, #tpu.memory_space<vmem>> -> memref<64x128xf32, #tpu.memory_space<vmem>>
          %dma_start3A_848 = arith.constant 0 : i32
          %dma_start3A_849 = tpu.memref_slice %arg7[%add3A_823, %dma_start3A_848] : memref<40x64xi32, #tpu.memory_space<vmem>> -> memref<1x64xi32, #tpu.memory_space<vmem>>
          %dma_start3A_850 = tpu.memref_squeeze %dma_start3A_849 : memref<1x64xi32, #tpu.memory_space<vmem>> -> memref<64xi32, #tpu.memory_space<vmem>>
          %dma_start3A_851 = arith.constant 0 : i32
          %dma_start3A_852 = arith.constant 0 : i32
          %dma_start3A_853 = tpu.memref_slice %arg10[%dma_start3A_851, %dma_start3A_852] : memref<10240x128xf32, #tpu.memory_space<vmem_shared>> -> memref<10240x128xf32, #tpu.memory_space<vmem_shared>>
          tpu.enqueue_indirect_dma source(%dma_start3A_847 : memref<64x128xf32, #tpu.memory_space<vmem>>) target(%dma_start3A_853 : memref<10240x128xf32, #tpu.memory_space<vmem_shared>>) offsets(%dma_start3A_850 : memref<64xi32, #tpu.memory_space<vmem>>) semaphore(%run_scoped3A_843 : memref<!tpu.dma_semaphore, #tpu.memory_space<semaphore_mem>>) {add = true}
          %dma_wait3A_854 = arith.constant 0 : i32
          %dma_wait3A_855 = arith.constant 0 : i32
          %dma_wait3A_856 = tpu.memref_slice %arg8[%run_scoped3A_835, %dma_wait3A_854, %dma_wait3A_855] : memref<4x64x128xf32, #tpu.memory_space<vmem>> -> memref<1x64x128xf32, #tpu.memory_space<vmem>>
          %dma_wait3A_857 = tpu.memref_squeeze %dma_wait3A_856 : memref<1x64x128xf32, #tpu.memory_space<vmem>> -> memref<64x128xf32, #tpu.memory_space<vmem>>
          %dma_wait3A_858 = arith.constant 0 : i32
          %dma_wait3A_859 = tpu.memref_slice %arg7[%add3A_823, %dma_wait3A_858] : memref<40x64xi32, #tpu.memory_space<vmem>> -> memref<1x64xi32, #tpu.memory_space<vmem>>
          %dma_wait3A_860 = tpu.memref_squeeze %dma_wait3A_859 : memref<1x64xi32, #tpu.memory_space<vmem>> -> memref<64xi32, #tpu.memory_space<vmem>>
          %dma_wait3A_861 = arith.constant 0 : i32
          %dma_wait3A_862 = arith.constant 0 : i32
          %dma_wait3A_863 = tpu.memref_slice %arg10[%dma_wait3A_861, %dma_wait3A_862] : memref<10240x128xf32, #tpu.memory_space<vmem_shared>> -> memref<10240x128xf32, #tpu.memory_space<vmem_shared>>
          tpu.wait_indirect_dma semaphore(%run_scoped3A_843 : memref<!tpu.dma_semaphore, #tpu.memory_space<semaphore_mem>>) src(%dma_wait3A_857 : memref<64x128xf32, #tpu.memory_space<vmem>>) dst(%dma_wait3A_863 : memref<10240x128xf32, #tpu.memory_space<vmem_shared>>)
          tpu.yield
        }) : () -> ()
        %add3A_836 = arith.constant 4 : i32
        %add3A_837 = arith.addi %add3A_823, %add3A_836 : i32
        %lt3A_838 = arith.constant 40 : i32
        %lt3A_839 = arith.cmpi slt, %add3A_837, %lt3A_838 : i32
        %convert_element_type3A_840 = arith.extui %lt3A_839 : i1 to i32
        %cond3A_841 = arith.constant 0 : i32
        %cond3A_842 = arith.cmpi ne, %convert_element_type3A_840, %cond3A_841 : i32
        scf.if %cond3A_842 {
          %add3A_843 = arith.constant 4 : i32
          %add3A_844 = arith.addi %add3A_823, %add3A_843 : i32
          %dma_start3A_845 = arith.constant 3 : i32
          %dma_start3A_846 = arith.constant 0 : i32
          %dma_start3A_847 = arith.constant 0 : i32
          %dma_start3A_848 = tpu.memref_slice %arg8[%dma_start3A_845, %dma_start3A_846, %dma_start3A_847] : memref<4x64x128xf32, #tpu.memory_space<vmem>> -> memref<1x64x128xf32, #tpu.memory_space<vmem>>
          %dma_start3A_849 = tpu.memref_squeeze %dma_start3A_848 : memref<1x64x128xf32, #tpu.memory_space<vmem>> -> memref<64x128xf32, #tpu.memory_space<vmem>>
          %dma_start3A_850 = arith.constant 0 : i32
          %dma_start3A_851 = tpu.memref_slice %arg6[%add3A_844, %dma_start3A_850] : memref<40x64xi32, #tpu.memory_space<vmem>> -> memref<1x64xi32, #tpu.memory_space<vmem>>
          %dma_start3A_852 = tpu.memref_squeeze %dma_start3A_851 : memref<1x64xi32, #tpu.memory_space<vmem>> -> memref<64xi32, #tpu.memory_space<vmem>>
          %dma_start3A_853 = arith.constant 0 : i32
          %dma_start3A_854 = arith.constant 0 : i32
          %dma_start3A_855 = tpu.memref_slice %arg2[%dma_start3A_853, %dma_start3A_854] : memref<10000x128xf32, #tpu.memory_space<hbm>> -> memref<10000x128xf32, #tpu.memory_space<hbm>>
          tpu.enqueue_indirect_dma source(%dma_start3A_855 : memref<10000x128xf32, #tpu.memory_space<hbm>>) target(%dma_start3A_849 : memref<64x128xf32, #tpu.memory_space<vmem>>) offsets(%dma_start3A_852 : memref<64xi32, #tpu.memory_space<vmem>>) semaphore(%arg14 : memref<!tpu.dma_semaphore, #tpu.memory_space<semaphore_mem>>)
        } else {
        }
      }
      %scan3A_699 = arith.constant 10 : i32
      %add3A_700 = arith.constant 16 : i32
      %add3A_701 = arith.addi %add3A_700, %arg1 : i32
      %mul3A_702 = arith.constant 80 : i32
      %mul3A_703 = arith.muli %add3A_701, %mul3A_702 : i32
      %add3A_704 = arith.constant 40 : i32
      %add3A_705 = arith.addi %mul3A_703, %add3A_704 : i32
      "tpu.region"() ({
        %run_scoped3A = tpu.sem_alloc : memref<!tpu.dma_semaphore, #tpu.memory_space<semaphore_mem>>
        %dma_start3A_759 = arith.constant 0 : i32
        %dma_start3A_760 = tpu.memref_slice %arg3[%add3A_705, %dma_start3A_759] : memref<5120x64xi32, #tpu.memory_space<hbm>> -> memref<40x64xi32, #tpu.memory_space<hbm>>
        %dma_start3A_761 = arith.constant 0 : i32
        %dma_start3A_762 = tpu.memref_slice %arg3[%add3A_705, %dma_start3A_761] : memref<5120x64xi32, #tpu.memory_space<hbm>> -> memref<40x64xi32, #tpu.memory_space<hbm>>
        tpu.enqueue_dma source(%dma_start3A_762 : memref<40x64xi32, #tpu.memory_space<hbm>>) target(%arg6 : memref<40x64xi32, #tpu.memory_space<vmem>>) target_semaphore(%run_scoped3A : memref<!tpu.dma_semaphore, #tpu.memory_space<semaphore_mem>>)
        %dma_wait3A = arith.constant 0 : i32
        %dma_wait3A_763 = tpu.memref_slice %arg3[%add3A_705, %dma_wait3A] : memref<5120x64xi32, #tpu.memory_space<hbm>> -> memref<40x64xi32, #tpu.memory_space<hbm>>
        %dma_wait3A_764 = arith.constant 0 : i32
        %dma_wait3A_765 = tpu.memref_slice %arg3[%add3A_705, %dma_wait3A_764] : memref<5120x64xi32, #tpu.memory_space<hbm>> -> memref<40x64xi32, #tpu.memory_space<hbm>>
        tpu.wait_dma2 semaphore(%run_scoped3A : memref<!tpu.dma_semaphore, #tpu.memory_space<semaphore_mem>>) src(%dma_wait3A_765 : memref<40x64xi32, #tpu.memory_space<hbm>>) dst(%arg6 : memref<40x64xi32, #tpu.memory_space<vmem>>)
        tpu.yield
      }) : () -> ()
      "tpu.region"() ({
        %run_scoped3A = tpu.sem_alloc : memref<!tpu.dma_semaphore, #tpu.memory_space<semaphore_mem>>
        %dma_start3A_759 = arith.constant 0 : i32
        %dma_start3A_760 = tpu.memref_slice %arg4[%add3A_705, %dma_start3A_759] : memref<5120x64xi32, #tpu.memory_space<hbm>> -> memref<40x64xi32, #tpu.memory_space<hbm>>
        %dma_start3A_761 = arith.constant 0 : i32
        %dma_start3A_762 = tpu.memref_slice %arg4[%add3A_705, %dma_start3A_761] : memref<5120x64xi32, #tpu.memory_space<hbm>> -> memref<40x64xi32, #tpu.memory_space<hbm>>
        tpu.enqueue_dma source(%dma_start3A_762 : memref<40x64xi32, #tpu.memory_space<hbm>>) target(%arg7 : memref<40x64xi32, #tpu.memory_space<vmem>>) target_semaphore(%run_scoped3A : memref<!tpu.dma_semaphore, #tpu.memory_space<semaphore_mem>>)
        %dma_wait3A = arith.constant 0 : i32
        %dma_wait3A_763 = tpu.memref_slice %arg4[%add3A_705, %dma_wait3A] : memref<5120x64xi32, #tpu.memory_space<hbm>> -> memref<40x64xi32, #tpu.memory_space<hbm>>
        %dma_wait3A_764 = arith.constant 0 : i32
        %dma_wait3A_765 = tpu.memref_slice %arg4[%add3A_705, %dma_wait3A_764] : memref<5120x64xi32, #tpu.memory_space<hbm>> -> memref<40x64xi32, #tpu.memory_space<hbm>>
        tpu.wait_dma2 semaphore(%run_scoped3A : memref<!tpu.dma_semaphore, #tpu.memory_space<semaphore_mem>>) src(%dma_wait3A_765 : memref<40x64xi32, #tpu.memory_space<hbm>>) dst(%arg7 : memref<40x64xi32, #tpu.memory_space<vmem>>)
        tpu.yield
      }) : () -> ()
      %dma_start3A_706 = arith.constant 0 : i32
      %dma_start3A_707 = arith.constant 0 : i32
      %dma_start3A_708 = arith.constant 0 : i32
      %dma_start3A_709 = arith.constant 0 : i32
      %dma_start3A_710 = tpu.memref_slice %arg8[%dma_start3A_707, %dma_start3A_708, %dma_start3A_709] : memref<4x64x128xf32, #tpu.memory_space<vmem>> -> memref<1x64x128xf32, #tpu.memory_space<vmem>>
      %dma_start3A_711 = tpu.memref_squeeze %dma_start3A_710 : memref<1x64x128xf32, #tpu.memory_space<vmem>> -> memref<64x128xf32, #tpu.memory_space<vmem>>
      %dma_start3A_712 = arith.constant 0 : i32
      %dma_start3A_713 = tpu.memref_slice %arg6[%dma_start3A_706, %dma_start3A_712] : memref<40x64xi32, #tpu.memory_space<vmem>> -> memref<1x64xi32, #tpu.memory_space<vmem>>
      %dma_start3A_714 = tpu.memref_squeeze %dma_start3A_713 : memref<1x64xi32, #tpu.memory_space<vmem>> -> memref<64xi32, #tpu.memory_space<vmem>>
      %dma_start3A_715 = arith.constant 0 : i32
      %dma_start3A_716 = arith.constant 0 : i32
      %dma_start3A_717 = tpu.memref_slice %arg2[%dma_start3A_715, %dma_start3A_716] : memref<10000x128xf32, #tpu.memory_space<hbm>> -> memref<10000x128xf32, #tpu.memory_space<hbm>>
      tpu.enqueue_indirect_dma source(%dma_start3A_717 : memref<10000x128xf32, #tpu.memory_space<hbm>>) target(%dma_start3A_711 : memref<64x128xf32, #tpu.memory_space<vmem>>) offsets(%dma_start3A_714 : memref<64xi32, #tpu.memory_space<vmem>>) semaphore(%arg11 : memref<!tpu.dma_semaphore, #tpu.memory_space<semaphore_mem>>)
      %dma_start3A_718 = arith.constant 1 : i32
      %dma_start3A_719 = arith.constant 1 : i32
      %dma_start3A_720 = arith.constant 0 : i32
      %dma_start3A_721 = arith.constant 0 : i32
      %dma_start3A_722 = tpu.memref_slice %arg8[%dma_start3A_719, %dma_start3A_720, %dma_start3A_721] : memref<4x64x128xf32, #tpu.memory_space<vmem>> -> memref<1x64x128xf32, #tpu.memory_space<vmem>>
      %dma_start3A_723 = tpu.memref_squeeze %dma_start3A_722 : memref<1x64x128xf32, #tpu.memory_space<vmem>> -> memref<64x128xf32, #tpu.memory_space<vmem>>
      %dma_start3A_724 = arith.constant 0 : i32
      %dma_start3A_725 = tpu.memref_slice %arg6[%dma_start3A_718, %dma_start3A_724] : memref<40x64xi32, #tpu.memory_space<vmem>> -> memref<1x64xi32, #tpu.memory_space<vmem>>
      %dma_start3A_726 = tpu.memref_squeeze %dma_start3A_725 : memref<1x64xi32, #tpu.memory_space<vmem>> -> memref<64xi32, #tpu.memory_space<vmem>>
      %dma_start3A_727 = arith.constant 0 : i32
      %dma_start3A_728 = arith.constant 0 : i32
      %dma_start3A_729 = tpu.memref_slice %arg2[%dma_start3A_727, %dma_start3A_728] : memref<10000x128xf32, #tpu.memory_space<hbm>> -> memref<10000x128xf32, #tpu.memory_space<hbm>>
      tpu.enqueue_indirect_dma source(%dma_start3A_729 : memref<10000x128xf32, #tpu.memory_space<hbm>>) target(%dma_start3A_723 : memref<64x128xf32, #tpu.memory_space<vmem>>) offsets(%dma_start3A_726 : memref<64xi32, #tpu.memory_space<vmem>>) semaphore(%arg12 : memref<!tpu.dma_semaphore, #tpu.memory_space<semaphore_mem>>)
      %dma_start3A_730 = arith.constant 2 : i32
      %dma_start3A_731 = arith.constant 2 : i32
      %dma_start3A_732 = arith.constant 0 : i32
      %dma_start3A_733 = arith.constant 0 : i32
      %dma_start3A_734 = tpu.memref_slice %arg8[%dma_start3A_731, %dma_start3A_732, %dma_start3A_733] : memref<4x64x128xf32, #tpu.memory_space<vmem>> -> memref<1x64x128xf32, #tpu.memory_space<vmem>>
      %dma_start3A_735 = tpu.memref_squeeze %dma_start3A_734 : memref<1x64x128xf32, #tpu.memory_space<vmem>> -> memref<64x128xf32, #tpu.memory_space<vmem>>
      %dma_start3A_736 = arith.constant 0 : i32
      %dma_start3A_737 = tpu.memref_slice %arg6[%dma_start3A_730, %dma_start3A_736] : memref<40x64xi32, #tpu.memory_space<vmem>> -> memref<1x64xi32, #tpu.memory_space<vmem>>
      %dma_start3A_738 = tpu.memref_squeeze %dma_start3A_737 : memref<1x64xi32, #tpu.memory_space<vmem>> -> memref<64xi32, #tpu.memory_space<vmem>>
      %dma_start3A_739 = arith.constant 0 : i32
      %dma_start3A_740 = arith.constant 0 : i32
      %dma_start3A_741 = tpu.memref_slice %arg2[%dma_start3A_739, %dma_start3A_740] : memref<10000x128xf32, #tpu.memory_space<hbm>> -> memref<10000x128xf32, #tpu.memory_space<hbm>>
      tpu.enqueue_indirect_dma source(%dma_start3A_741 : memref<10000x128xf32, #tpu.memory_space<hbm>>) target(%dma_start3A_735 : memref<64x128xf32, #tpu.memory_space<vmem>>) offsets(%dma_start3A_738 : memref<64xi32, #tpu.memory_space<vmem>>) semaphore(%arg13 : memref<!tpu.dma_semaphore, #tpu.memory_space<semaphore_mem>>)
      %dma_start3A_742 = arith.constant 3 : i32
      %dma_start3A_743 = arith.constant 3 : i32
      %dma_start3A_744 = arith.constant 0 : i32
      %dma_start3A_745 = arith.constant 0 : i32
      %dma_start3A_746 = tpu.memref_slice %arg8[%dma_start3A_743, %dma_start3A_744, %dma_start3A_745] : memref<4x64x128xf32, #tpu.memory_space<vmem>> -> memref<1x64x128xf32, #tpu.memory_space<vmem>>
      %dma_start3A_747 = tpu.memref_squeeze %dma_start3A_746 : memref<1x64x128xf32, #tpu.memory_space<vmem>> -> memref<64x128xf32, #tpu.memory_space<vmem>>
      %dma_start3A_748 = arith.constant 0 : i32
      %dma_start3A_749 = tpu.memref_slice %arg6[%dma_start3A_742, %dma_start3A_748] : memref<40x64xi32, #tpu.memory_space<vmem>> -> memref<1x64xi32, #tpu.memory_space<vmem>>
      %dma_start3A_750 = tpu.memref_squeeze %dma_start3A_749 : memref<1x64xi32, #tpu.memory_space<vmem>> -> memref<64xi32, #tpu.memory_space<vmem>>
      %dma_start3A_751 = arith.constant 0 : i32
      %dma_start3A_752 = arith.constant 0 : i32
      %dma_start3A_753 = tpu.memref_slice %arg2[%dma_start3A_751, %dma_start3A_752] : memref<10000x128xf32, #tpu.memory_space<hbm>> -> memref<10000x128xf32, #tpu.memory_space<hbm>>
      tpu.enqueue_indirect_dma source(%dma_start3A_753 : memref<10000x128xf32, #tpu.memory_space<hbm>>) target(%dma_start3A_747 : memref<64x128xf32, #tpu.memory_space<vmem>>) offsets(%dma_start3A_750 : memref<64xi32, #tpu.memory_space<vmem>>) semaphore(%arg14 : memref<!tpu.dma_semaphore, #tpu.memory_space<semaphore_mem>>)
      %scan3A_754 = arith.constant 0 : i32
      %scan3A_755 = arith.constant 10 : i32
      %scan3A_756 = arith.addi %scan3A_754, %scan3A_755 : i32
      %scan3A_757 = arith.constant 1 : i32
      scf.for %scan3A_759 = %scan3A_754 to %scan3A_756 step %scan3A_757  : i32 {
        %mul3A_760 = arith.constant 4 : i32
        %mul3A_761 = arith.muli %mul3A_760, %scan3A_759 : i32
        %add3A_762 = arith.constant 0 : i32
        %add3A_763 = arith.addi %mul3A_761, %add3A_762 : i32
        %dma_wait3A = arith.constant 0 : i32
        %dma_wait3A_764 = arith.constant 0 : i32
        %dma_wait3A_765 = arith.constant 0 : i32
        %dma_wait3A_766 = tpu.memref_slice %arg8[%dma_wait3A, %dma_wait3A_764, %dma_wait3A_765] : memref<4x64x128xf32, #tpu.memory_space<vmem>> -> memref<1x64x128xf32, #tpu.memory_space<vmem>>
        %dma_wait3A_767 = tpu.memref_squeeze %dma_wait3A_766 : memref<1x64x128xf32, #tpu.memory_space<vmem>> -> memref<64x128xf32, #tpu.memory_space<vmem>>
        %dma_wait3A_768 = arith.constant 0 : i32
        %dma_wait3A_769 = tpu.memref_slice %arg6[%add3A_763, %dma_wait3A_768] : memref<40x64xi32, #tpu.memory_space<vmem>> -> memref<1x64xi32, #tpu.memory_space<vmem>>
        %dma_wait3A_770 = tpu.memref_squeeze %dma_wait3A_769 : memref<1x64xi32, #tpu.memory_space<vmem>> -> memref<64xi32, #tpu.memory_space<vmem>>
        %dma_wait3A_771 = arith.constant 0 : i32
        %dma_wait3A_772 = arith.constant 0 : i32
        %dma_wait3A_773 = tpu.memref_slice %arg2[%dma_wait3A_771, %dma_wait3A_772] : memref<10000x128xf32, #tpu.memory_space<hbm>> -> memref<10000x128xf32, #tpu.memory_space<hbm>>
        tpu.wait_indirect_dma semaphore(%arg11 : memref<!tpu.dma_semaphore, #tpu.memory_space<semaphore_mem>>) src(%dma_wait3A_773 : memref<10000x128xf32, #tpu.memory_space<hbm>>) dst(%dma_wait3A_767 : memref<64x128xf32, #tpu.memory_space<vmem>>)
        %run_scoped3A = arith.constant 0 : i32
        "tpu.region"() ({
          %run_scoped3A_843 = tpu.sem_alloc : memref<!tpu.dma_semaphore, #tpu.memory_space<semaphore_mem>>
          %dma_start3A_844 = arith.constant 0 : i32
          %dma_start3A_845 = arith.constant 0 : i32
          %dma_start3A_846 = tpu.memref_slice %arg8[%run_scoped3A, %dma_start3A_844, %dma_start3A_845] : memref<4x64x128xf32, #tpu.memory_space<vmem>> -> memref<1x64x128xf32, #tpu.memory_space<vmem>>
          %dma_start3A_847 = tpu.memref_squeeze %dma_start3A_846 : memref<1x64x128xf32, #tpu.memory_space<vmem>> -> memref<64x128xf32, #tpu.memory_space<vmem>>
          %dma_start3A_848 = arith.constant 0 : i32
          %dma_start3A_849 = tpu.memref_slice %arg7[%add3A_763, %dma_start3A_848] : memref<40x64xi32, #tpu.memory_space<vmem>> -> memref<1x64xi32, #tpu.memory_space<vmem>>
          %dma_start3A_850 = tpu.memref_squeeze %dma_start3A_849 : memref<1x64xi32, #tpu.memory_space<vmem>> -> memref<64xi32, #tpu.memory_space<vmem>>
          %dma_start3A_851 = arith.constant 0 : i32
          %dma_start3A_852 = arith.constant 0 : i32
          %dma_start3A_853 = tpu.memref_slice %arg10[%dma_start3A_851, %dma_start3A_852] : memref<10240x128xf32, #tpu.memory_space<vmem_shared>> -> memref<10240x128xf32, #tpu.memory_space<vmem_shared>>
          tpu.enqueue_indirect_dma source(%dma_start3A_847 : memref<64x128xf32, #tpu.memory_space<vmem>>) target(%dma_start3A_853 : memref<10240x128xf32, #tpu.memory_space<vmem_shared>>) offsets(%dma_start3A_850 : memref<64xi32, #tpu.memory_space<vmem>>) semaphore(%run_scoped3A_843 : memref<!tpu.dma_semaphore, #tpu.memory_space<semaphore_mem>>) {add = true}
          %dma_wait3A_854 = arith.constant 0 : i32
          %dma_wait3A_855 = arith.constant 0 : i32
          %dma_wait3A_856 = tpu.memref_slice %arg8[%run_scoped3A, %dma_wait3A_854, %dma_wait3A_855] : memref<4x64x128xf32, #tpu.memory_space<vmem>> -> memref<1x64x128xf32, #tpu.memory_space<vmem>>
          %dma_wait3A_857 = tpu.memref_squeeze %dma_wait3A_856 : memref<1x64x128xf32, #tpu.memory_space<vmem>> -> memref<64x128xf32, #tpu.memory_space<vmem>>
          %dma_wait3A_858 = arith.constant 0 : i32
          %dma_wait3A_859 = tpu.memref_slice %arg7[%add3A_763, %dma_wait3A_858] : memref<40x64xi32, #tpu.memory_space<vmem>> -> memref<1x64xi32, #tpu.memory_space<vmem>>
          %dma_wait3A_860 = tpu.memref_squeeze %dma_wait3A_859 : memref<1x64xi32, #tpu.memory_space<vmem>> -> memref<64xi32, #tpu.memory_space<vmem>>
          %dma_wait3A_861 = arith.constant 0 : i32
          %dma_wait3A_862 = arith.constant 0 : i32
          %dma_wait3A_863 = tpu.memref_slice %arg10[%dma_wait3A_861, %dma_wait3A_862] : memref<10240x128xf32, #tpu.memory_space<vmem_shared>> -> memref<10240x128xf32, #tpu.memory_space<vmem_shared>>
          tpu.wait_indirect_dma semaphore(%run_scoped3A_843 : memref<!tpu.dma_semaphore, #tpu.memory_space<semaphore_mem>>) src(%dma_wait3A_857 : memref<64x128xf32, #tpu.memory_space<vmem>>) dst(%dma_wait3A_863 : memref<10240x128xf32, #tpu.memory_space<vmem_shared>>)
          tpu.yield
        }) : () -> ()
        %add3A_774 = arith.constant 4 : i32
        %add3A_775 = arith.addi %add3A_763, %add3A_774 : i32
        %lt3A = arith.constant 40 : i32
        %lt3A_776 = arith.cmpi slt, %add3A_775, %lt3A : i32
        %convert_element_type3A_777 = arith.extui %lt3A_776 : i1 to i32
        %cond3A_778 = arith.constant 0 : i32
        %cond3A_779 = arith.cmpi ne, %convert_element_type3A_777, %cond3A_778 : i32
        scf.if %cond3A_779 {
          %add3A_843 = arith.constant 4 : i32
          %add3A_844 = arith.addi %add3A_763, %add3A_843 : i32
          %dma_start3A_845 = arith.constant 0 : i32
          %dma_start3A_846 = arith.constant 0 : i32
          %dma_start3A_847 = arith.constant 0 : i32
          %dma_start3A_848 = tpu.memref_slice %arg8[%dma_start3A_845, %dma_start3A_846, %dma_start3A_847] : memref<4x64x128xf32, #tpu.memory_space<vmem>> -> memref<1x64x128xf32, #tpu.memory_space<vmem>>
          %dma_start3A_849 = tpu.memref_squeeze %dma_start3A_848 : memref<1x64x128xf32, #tpu.memory_space<vmem>> -> memref<64x128xf32, #tpu.memory_space<vmem>>
          %dma_start3A_850 = arith.constant 0 : i32
          %dma_start3A_851 = tpu.memref_slice %arg6[%add3A_844, %dma_start3A_850] : memref<40x64xi32, #tpu.memory_space<vmem>> -> memref<1x64xi32, #tpu.memory_space<vmem>>
          %dma_start3A_852 = tpu.memref_squeeze %dma_start3A_851 : memref<1x64xi32, #tpu.memory_space<vmem>> -> memref<64xi32, #tpu.memory_space<vmem>>
          %dma_start3A_853 = arith.constant 0 : i32
          %dma_start3A_854 = arith.constant 0 : i32
          %dma_start3A_855 = tpu.memref_slice %arg2[%dma_start3A_853, %dma_start3A_854] : memref<10000x128xf32, #tpu.memory_space<hbm>> -> memref<10000x128xf32, #tpu.memory_space<hbm>>
          tpu.enqueue_indirect_dma source(%dma_start3A_855 : memref<10000x128xf32, #tpu.memory_space<hbm>>) target(%dma_start3A_849 : memref<64x128xf32, #tpu.memory_space<vmem>>) offsets(%dma_start3A_852 : memref<64xi32, #tpu.memory_space<vmem>>) semaphore(%arg11 : memref<!tpu.dma_semaphore, #tpu.memory_space<semaphore_mem>>)
        } else {
        }
        %add3A_780 = arith.constant 1 : i32
        %add3A_781 = arith.addi %mul3A_761, %add3A_780 : i32
        %dma_wait3A_782 = arith.constant 1 : i32
        %dma_wait3A_783 = arith.constant 0 : i32
        %dma_wait3A_784 = arith.constant 0 : i32
        %dma_wait3A_785 = tpu.memref_slice %arg8[%dma_wait3A_782, %dma_wait3A_783, %dma_wait3A_784] : memref<4x64x128xf32, #tpu.memory_space<vmem>> -> memref<1x64x128xf32, #tpu.memory_space<vmem>>
        %dma_wait3A_786 = tpu.memref_squeeze %dma_wait3A_785 : memref<1x64x128xf32, #tpu.memory_space<vmem>> -> memref<64x128xf32, #tpu.memory_space<vmem>>
        %dma_wait3A_787 = arith.constant 0 : i32
        %dma_wait3A_788 = tpu.memref_slice %arg6[%add3A_781, %dma_wait3A_787] : memref<40x64xi32, #tpu.memory_space<vmem>> -> memref<1x64xi32, #tpu.memory_space<vmem>>
        %dma_wait3A_789 = tpu.memref_squeeze %dma_wait3A_788 : memref<1x64xi32, #tpu.memory_space<vmem>> -> memref<64xi32, #tpu.memory_space<vmem>>
        %dma_wait3A_790 = arith.constant 0 : i32
        %dma_wait3A_791 = arith.constant 0 : i32
        %dma_wait3A_792 = tpu.memref_slice %arg2[%dma_wait3A_790, %dma_wait3A_791] : memref<10000x128xf32, #tpu.memory_space<hbm>> -> memref<10000x128xf32, #tpu.memory_space<hbm>>
        tpu.wait_indirect_dma semaphore(%arg12 : memref<!tpu.dma_semaphore, #tpu.memory_space<semaphore_mem>>) src(%dma_wait3A_792 : memref<10000x128xf32, #tpu.memory_space<hbm>>) dst(%dma_wait3A_786 : memref<64x128xf32, #tpu.memory_space<vmem>>)
        %run_scoped3A_793 = arith.constant 1 : i32
        "tpu.region"() ({
          %run_scoped3A_843 = tpu.sem_alloc : memref<!tpu.dma_semaphore, #tpu.memory_space<semaphore_mem>>
          %dma_start3A_844 = arith.constant 0 : i32
          %dma_start3A_845 = arith.constant 0 : i32
          %dma_start3A_846 = tpu.memref_slice %arg8[%run_scoped3A_793, %dma_start3A_844, %dma_start3A_845] : memref<4x64x128xf32, #tpu.memory_space<vmem>> -> memref<1x64x128xf32, #tpu.memory_space<vmem>>
          %dma_start3A_847 = tpu.memref_squeeze %dma_start3A_846 : memref<1x64x128xf32, #tpu.memory_space<vmem>> -> memref<64x128xf32, #tpu.memory_space<vmem>>
          %dma_start3A_848 = arith.constant 0 : i32
          %dma_start3A_849 = tpu.memref_slice %arg7[%add3A_781, %dma_start3A_848] : memref<40x64xi32, #tpu.memory_space<vmem>> -> memref<1x64xi32, #tpu.memory_space<vmem>>
          %dma_start3A_850 = tpu.memref_squeeze %dma_start3A_849 : memref<1x64xi32, #tpu.memory_space<vmem>> -> memref<64xi32, #tpu.memory_space<vmem>>
          %dma_start3A_851 = arith.constant 0 : i32
          %dma_start3A_852 = arith.constant 0 : i32
          %dma_start3A_853 = tpu.memref_slice %arg10[%dma_start3A_851, %dma_start3A_852] : memref<10240x128xf32, #tpu.memory_space<vmem_shared>> -> memref<10240x128xf32, #tpu.memory_space<vmem_shared>>
          tpu.enqueue_indirect_dma source(%dma_start3A_847 : memref<64x128xf32, #tpu.memory_space<vmem>>) target(%dma_start3A_853 : memref<10240x128xf32, #tpu.memory_space<vmem_shared>>) offsets(%dma_start3A_850 : memref<64xi32, #tpu.memory_space<vmem>>) semaphore(%run_scoped3A_843 : memref<!tpu.dma_semaphore, #tpu.memory_space<semaphore_mem>>) {add = true}
          %dma_wait3A_854 = arith.constant 0 : i32
          %dma_wait3A_855 = arith.constant 0 : i32
          %dma_wait3A_856 = tpu.memref_slice %arg8[%run_scoped3A_793, %dma_wait3A_854, %dma_wait3A_855] : memref<4x64x128xf32, #tpu.memory_space<vmem>> -> memref<1x64x128xf32, #tpu.memory_space<vmem>>
          %dma_wait3A_857 = tpu.memref_squeeze %dma_wait3A_856 : memref<1x64x128xf32, #tpu.memory_space<vmem>> -> memref<64x128xf32, #tpu.memory_space<vmem>>
          %dma_wait3A_858 = arith.constant 0 : i32
          %dma_wait3A_859 = tpu.memref_slice %arg7[%add3A_781, %dma_wait3A_858] : memref<40x64xi32, #tpu.memory_space<vmem>> -> memref<1x64xi32, #tpu.memory_space<vmem>>
          %dma_wait3A_860 = tpu.memref_squeeze %dma_wait3A_859 : memref<1x64xi32, #tpu.memory_space<vmem>> -> memref<64xi32, #tpu.memory_space<vmem>>
          %dma_wait3A_861 = arith.constant 0 : i32
          %dma_wait3A_862 = arith.constant 0 : i32
          %dma_wait3A_863 = tpu.memref_slice %arg10[%dma_wait3A_861, %dma_wait3A_862] : memref<10240x128xf32, #tpu.memory_space<vmem_shared>> -> memref<10240x128xf32, #tpu.memory_space<vmem_shared>>
          tpu.wait_indirect_dma semaphore(%run_scoped3A_843 : memref<!tpu.dma_semaphore, #tpu.memory_space<semaphore_mem>>) src(%dma_wait3A_857 : memref<64x128xf32, #tpu.memory_space<vmem>>) dst(%dma_wait3A_863 : memref<10240x128xf32, #tpu.memory_space<vmem_shared>>)
          tpu.yield
        }) : () -> ()
        %add3A_794 = arith.constant 4 : i32
        %add3A_795 = arith.addi %add3A_781, %add3A_794 : i32
        %lt3A_796 = arith.constant 40 : i32
        %lt3A_797 = arith.cmpi slt, %add3A_795, %lt3A_796 : i32
        %convert_element_type3A_798 = arith.extui %lt3A_797 : i1 to i32
        %cond3A_799 = arith.constant 0 : i32
        %cond3A_800 = arith.cmpi ne, %convert_element_type3A_798, %cond3A_799 : i32
        scf.if %cond3A_800 {
          %add3A_843 = arith.constant 4 : i32
          %add3A_844 = arith.addi %add3A_781, %add3A_843 : i32
          %dma_start3A_845 = arith.constant 1 : i32
          %dma_start3A_846 = arith.constant 0 : i32
          %dma_start3A_847 = arith.constant 0 : i32
          %dma_start3A_848 = tpu.memref_slice %arg8[%dma_start3A_845, %dma_start3A_846, %dma_start3A_847] : memref<4x64x128xf32, #tpu.memory_space<vmem>> -> memref<1x64x128xf32, #tpu.memory_space<vmem>>
          %dma_start3A_849 = tpu.memref_squeeze %dma_start3A_848 : memref<1x64x128xf32, #tpu.memory_space<vmem>> -> memref<64x128xf32, #tpu.memory_space<vmem>>
          %dma_start3A_850 = arith.constant 0 : i32
          %dma_start3A_851 = tpu.memref_slice %arg6[%add3A_844, %dma_start3A_850] : memref<40x64xi32, #tpu.memory_space<vmem>> -> memref<1x64xi32, #tpu.memory_space<vmem>>
          %dma_start3A_852 = tpu.memref_squeeze %dma_start3A_851 : memref<1x64xi32, #tpu.memory_space<vmem>> -> memref<64xi32, #tpu.memory_space<vmem>>
          %dma_start3A_853 = arith.constant 0 : i32
          %dma_start3A_854 = arith.constant 0 : i32
          %dma_start3A_855 = tpu.memref_slice %arg2[%dma_start3A_853, %dma_start3A_854] : memref<10000x128xf32, #tpu.memory_space<hbm>> -> memref<10000x128xf32, #tpu.memory_space<hbm>>
          tpu.enqueue_indirect_dma source(%dma_start3A_855 : memref<10000x128xf32, #tpu.memory_space<hbm>>) target(%dma_start3A_849 : memref<64x128xf32, #tpu.memory_space<vmem>>) offsets(%dma_start3A_852 : memref<64xi32, #tpu.memory_space<vmem>>) semaphore(%arg12 : memref<!tpu.dma_semaphore, #tpu.memory_space<semaphore_mem>>)
        } else {
        }
        %add3A_801 = arith.constant 2 : i32
        %add3A_802 = arith.addi %mul3A_761, %add3A_801 : i32
        %dma_wait3A_803 = arith.constant 2 : i32
        %dma_wait3A_804 = arith.constant 0 : i32
        %dma_wait3A_805 = arith.constant 0 : i32
        %dma_wait3A_806 = tpu.memref_slice %arg8[%dma_wait3A_803, %dma_wait3A_804, %dma_wait3A_805] : memref<4x64x128xf32, #tpu.memory_space<vmem>> -> memref<1x64x128xf32, #tpu.memory_space<vmem>>
        %dma_wait3A_807 = tpu.memref_squeeze %dma_wait3A_806 : memref<1x64x128xf32, #tpu.memory_space<vmem>> -> memref<64x128xf32, #tpu.memory_space<vmem>>
        %dma_wait3A_808 = arith.constant 0 : i32
        %dma_wait3A_809 = tpu.memref_slice %arg6[%add3A_802, %dma_wait3A_808] : memref<40x64xi32, #tpu.memory_space<vmem>> -> memref<1x64xi32, #tpu.memory_space<vmem>>
        %dma_wait3A_810 = tpu.memref_squeeze %dma_wait3A_809 : memref<1x64xi32, #tpu.memory_space<vmem>> -> memref<64xi32, #tpu.memory_space<vmem>>
        %dma_wait3A_811 = arith.constant 0 : i32
        %dma_wait3A_812 = arith.constant 0 : i32
        %dma_wait3A_813 = tpu.memref_slice %arg2[%dma_wait3A_811, %dma_wait3A_812] : memref<10000x128xf32, #tpu.memory_space<hbm>> -> memref<10000x128xf32, #tpu.memory_space<hbm>>
        tpu.wait_indirect_dma semaphore(%arg13 : memref<!tpu.dma_semaphore, #tpu.memory_space<semaphore_mem>>) src(%dma_wait3A_813 : memref<10000x128xf32, #tpu.memory_space<hbm>>) dst(%dma_wait3A_807 : memref<64x128xf32, #tpu.memory_space<vmem>>)
        %run_scoped3A_814 = arith.constant 2 : i32
        "tpu.region"() ({
          %run_scoped3A_843 = tpu.sem_alloc : memref<!tpu.dma_semaphore, #tpu.memory_space<semaphore_mem>>
          %dma_start3A_844 = arith.constant 0 : i32
          %dma_start3A_845 = arith.constant 0 : i32
          %dma_start3A_846 = tpu.memref_slice %arg8[%run_scoped3A_814, %dma_start3A_844, %dma_start3A_845] : memref<4x64x128xf32, #tpu.memory_space<vmem>> -> memref<1x64x128xf32, #tpu.memory_space<vmem>>
          %dma_start3A_847 = tpu.memref_squeeze %dma_start3A_846 : memref<1x64x128xf32, #tpu.memory_space<vmem>> -> memref<64x128xf32, #tpu.memory_space<vmem>>
          %dma_start3A_848 = arith.constant 0 : i32
          %dma_start3A_849 = tpu.memref_slice %arg7[%add3A_802, %dma_start3A_848] : memref<40x64xi32, #tpu.memory_space<vmem>> -> memref<1x64xi32, #tpu.memory_space<vmem>>
          %dma_start3A_850 = tpu.memref_squeeze %dma_start3A_849 : memref<1x64xi32, #tpu.memory_space<vmem>> -> memref<64xi32, #tpu.memory_space<vmem>>
          %dma_start3A_851 = arith.constant 0 : i32
          %dma_start3A_852 = arith.constant 0 : i32
          %dma_start3A_853 = tpu.memref_slice %arg10[%dma_start3A_851, %dma_start3A_852] : memref<10240x128xf32, #tpu.memory_space<vmem_shared>> -> memref<10240x128xf32, #tpu.memory_space<vmem_shared>>
          tpu.enqueue_indirect_dma source(%dma_start3A_847 : memref<64x128xf32, #tpu.memory_space<vmem>>) target(%dma_start3A_853 : memref<10240x128xf32, #tpu.memory_space<vmem_shared>>) offsets(%dma_start3A_850 : memref<64xi32, #tpu.memory_space<vmem>>) semaphore(%run_scoped3A_843 : memref<!tpu.dma_semaphore, #tpu.memory_space<semaphore_mem>>) {add = true}
          %dma_wait3A_854 = arith.constant 0 : i32
          %dma_wait3A_855 = arith.constant 0 : i32
          %dma_wait3A_856 = tpu.memref_slice %arg8[%run_scoped3A_814, %dma_wait3A_854, %dma_wait3A_855] : memref<4x64x128xf32, #tpu.memory_space<vmem>> -> memref<1x64x128xf32, #tpu.memory_space<vmem>>
          %dma_wait3A_857 = tpu.memref_squeeze %dma_wait3A_856 : memref<1x64x128xf32, #tpu.memory_space<vmem>> -> memref<64x128xf32, #tpu.memory_space<vmem>>
          %dma_wait3A_858 = arith.constant 0 : i32
          %dma_wait3A_859 = tpu.memref_slice %arg7[%add3A_802, %dma_wait3A_858] : memref<40x64xi32, #tpu.memory_space<vmem>> -> memref<1x64xi32, #tpu.memory_space<vmem>>
          %dma_wait3A_860 = tpu.memref_squeeze %dma_wait3A_859 : memref<1x64xi32, #tpu.memory_space<vmem>> -> memref<64xi32, #tpu.memory_space<vmem>>
          %dma_wait3A_861 = arith.constant 0 : i32
          %dma_wait3A_862 = arith.constant 0 : i32
          %dma_wait3A_863 = tpu.memref_slice %arg10[%dma_wait3A_861, %dma_wait3A_862] : memref<10240x128xf32, #tpu.memory_space<vmem_shared>> -> memref<10240x128xf32, #tpu.memory_space<vmem_shared>>
          tpu.wait_indirect_dma semaphore(%run_scoped3A_843 : memref<!tpu.dma_semaphore, #tpu.memory_space<semaphore_mem>>) src(%dma_wait3A_857 : memref<64x128xf32, #tpu.memory_space<vmem>>) dst(%dma_wait3A_863 : memref<10240x128xf32, #tpu.memory_space<vmem_shared>>)
          tpu.yield
        }) : () -> ()
        %add3A_815 = arith.constant 4 : i32
        %add3A_816 = arith.addi %add3A_802, %add3A_815 : i32
        %lt3A_817 = arith.constant 40 : i32
        %lt3A_818 = arith.cmpi slt, %add3A_816, %lt3A_817 : i32
        %convert_element_type3A_819 = arith.extui %lt3A_818 : i1 to i32
        %cond3A_820 = arith.constant 0 : i32
        %cond3A_821 = arith.cmpi ne, %convert_element_type3A_819, %cond3A_820 : i32
        scf.if %cond3A_821 {
          %add3A_843 = arith.constant 4 : i32
          %add3A_844 = arith.addi %add3A_802, %add3A_843 : i32
          %dma_start3A_845 = arith.constant 2 : i32
          %dma_start3A_846 = arith.constant 0 : i32
          %dma_start3A_847 = arith.constant 0 : i32
          %dma_start3A_848 = tpu.memref_slice %arg8[%dma_start3A_845, %dma_start3A_846, %dma_start3A_847] : memref<4x64x128xf32, #tpu.memory_space<vmem>> -> memref<1x64x128xf32, #tpu.memory_space<vmem>>
          %dma_start3A_849 = tpu.memref_squeeze %dma_start3A_848 : memref<1x64x128xf32, #tpu.memory_space<vmem>> -> memref<64x128xf32, #tpu.memory_space<vmem>>
          %dma_start3A_850 = arith.constant 0 : i32
          %dma_start3A_851 = tpu.memref_slice %arg6[%add3A_844, %dma_start3A_850] : memref<40x64xi32, #tpu.memory_space<vmem>> -> memref<1x64xi32, #tpu.memory_space<vmem>>
          %dma_start3A_852 = tpu.memref_squeeze %dma_start3A_851 : memref<1x64xi32, #tpu.memory_space<vmem>> -> memref<64xi32, #tpu.memory_space<vmem>>
          %dma_start3A_853 = arith.constant 0 : i32
          %dma_start3A_854 = arith.constant 0 : i32
          %dma_start3A_855 = tpu.memref_slice %arg2[%dma_start3A_853, %dma_start3A_854] : memref<10000x128xf32, #tpu.memory_space<hbm>> -> memref<10000x128xf32, #tpu.memory_space<hbm>>
          tpu.enqueue_indirect_dma source(%dma_start3A_855 : memref<10000x128xf32, #tpu.memory_space<hbm>>) target(%dma_start3A_849 : memref<64x128xf32, #tpu.memory_space<vmem>>) offsets(%dma_start3A_852 : memref<64xi32, #tpu.memory_space<vmem>>) semaphore(%arg13 : memref<!tpu.dma_semaphore, #tpu.memory_space<semaphore_mem>>)
        } else {
        }
        %add3A_822 = arith.constant 3 : i32
        %add3A_823 = arith.addi %mul3A_761, %add3A_822 : i32
        %dma_wait3A_824 = arith.constant 3 : i32
        %dma_wait3A_825 = arith.constant 0 : i32
        %dma_wait3A_826 = arith.constant 0 : i32
        %dma_wait3A_827 = tpu.memref_slice %arg8[%dma_wait3A_824, %dma_wait3A_825, %dma_wait3A_826] : memref<4x64x128xf32, #tpu.memory_space<vmem>> -> memref<1x64x128xf32, #tpu.memory_space<vmem>>
        %dma_wait3A_828 = tpu.memref_squeeze %dma_wait3A_827 : memref<1x64x128xf32, #tpu.memory_space<vmem>> -> memref<64x128xf32, #tpu.memory_space<vmem>>
        %dma_wait3A_829 = arith.constant 0 : i32
        %dma_wait3A_830 = tpu.memref_slice %arg6[%add3A_823, %dma_wait3A_829] : memref<40x64xi32, #tpu.memory_space<vmem>> -> memref<1x64xi32, #tpu.memory_space<vmem>>
        %dma_wait3A_831 = tpu.memref_squeeze %dma_wait3A_830 : memref<1x64xi32, #tpu.memory_space<vmem>> -> memref<64xi32, #tpu.memory_space<vmem>>
        %dma_wait3A_832 = arith.constant 0 : i32
        %dma_wait3A_833 = arith.constant 0 : i32
        %dma_wait3A_834 = tpu.memref_slice %arg2[%dma_wait3A_832, %dma_wait3A_833] : memref<10000x128xf32, #tpu.memory_space<hbm>> -> memref<10000x128xf32, #tpu.memory_space<hbm>>
        tpu.wait_indirect_dma semaphore(%arg14 : memref<!tpu.dma_semaphore, #tpu.memory_space<semaphore_mem>>) src(%dma_wait3A_834 : memref<10000x128xf32, #tpu.memory_space<hbm>>) dst(%dma_wait3A_828 : memref<64x128xf32, #tpu.memory_space<vmem>>)
        %run_scoped3A_835 = arith.constant 3 : i32
        "tpu.region"() ({
          %run_scoped3A_843 = tpu.sem_alloc : memref<!tpu.dma_semaphore, #tpu.memory_space<semaphore_mem>>
          %dma_start3A_844 = arith.constant 0 : i32
          %dma_start3A_845 = arith.constant 0 : i32
          %dma_start3A_846 = tpu.memref_slice %arg8[%run_scoped3A_835, %dma_start3A_844, %dma_start3A_845] : memref<4x64x128xf32, #tpu.memory_space<vmem>> -> memref<1x64x128xf32, #tpu.memory_space<vmem>>
          %dma_start3A_847 = tpu.memref_squeeze %dma_start3A_846 : memref<1x64x128xf32, #tpu.memory_space<vmem>> -> memref<64x128xf32, #tpu.memory_space<vmem>>
          %dma_start3A_848 = arith.constant 0 : i32
          %dma_start3A_849 = tpu.memref_slice %arg7[%add3A_823, %dma_start3A_848] : memref<40x64xi32, #tpu.memory_space<vmem>> -> memref<1x64xi32, #tpu.memory_space<vmem>>
          %dma_start3A_850 = tpu.memref_squeeze %dma_start3A_849 : memref<1x64xi32, #tpu.memory_space<vmem>> -> memref<64xi32, #tpu.memory_space<vmem>>
          %dma_start3A_851 = arith.constant 0 : i32
          %dma_start3A_852 = arith.constant 0 : i32
          %dma_start3A_853 = tpu.memref_slice %arg10[%dma_start3A_851, %dma_start3A_852] : memref<10240x128xf32, #tpu.memory_space<vmem_shared>> -> memref<10240x128xf32, #tpu.memory_space<vmem_shared>>
          tpu.enqueue_indirect_dma source(%dma_start3A_847 : memref<64x128xf32, #tpu.memory_space<vmem>>) target(%dma_start3A_853 : memref<10240x128xf32, #tpu.memory_space<vmem_shared>>) offsets(%dma_start3A_850 : memref<64xi32, #tpu.memory_space<vmem>>) semaphore(%run_scoped3A_843 : memref<!tpu.dma_semaphore, #tpu.memory_space<semaphore_mem>>) {add = true}
          %dma_wait3A_854 = arith.constant 0 : i32
          %dma_wait3A_855 = arith.constant 0 : i32
          %dma_wait3A_856 = tpu.memref_slice %arg8[%run_scoped3A_835, %dma_wait3A_854, %dma_wait3A_855] : memref<4x64x128xf32, #tpu.memory_space<vmem>> -> memref<1x64x128xf32, #tpu.memory_space<vmem>>
          %dma_wait3A_857 = tpu.memref_squeeze %dma_wait3A_856 : memref<1x64x128xf32, #tpu.memory_space<vmem>> -> memref<64x128xf32, #tpu.memory_space<vmem>>
          %dma_wait3A_858 = arith.constant 0 : i32
          %dma_wait3A_859 = tpu.memref_slice %arg7[%add3A_823, %dma_wait3A_858] : memref<40x64xi32, #tpu.memory_space<vmem>> -> memref<1x64xi32, #tpu.memory_space<vmem>>
          %dma_wait3A_860 = tpu.memref_squeeze %dma_wait3A_859 : memref<1x64xi32, #tpu.memory_space<vmem>> -> memref<64xi32, #tpu.memory_space<vmem>>
          %dma_wait3A_861 = arith.constant 0 : i32
          %dma_wait3A_862 = arith.constant 0 : i32
          %dma_wait3A_863 = tpu.memref_slice %arg10[%dma_wait3A_861, %dma_wait3A_862] : memref<10240x128xf32, #tpu.memory_space<vmem_shared>> -> memref<10240x128xf32, #tpu.memory_space<vmem_shared>>
          tpu.wait_indirect_dma semaphore(%run_scoped3A_843 : memref<!tpu.dma_semaphore, #tpu.memory_space<semaphore_mem>>) src(%dma_wait3A_857 : memref<64x128xf32, #tpu.memory_space<vmem>>) dst(%dma_wait3A_863 : memref<10240x128xf32, #tpu.memory_space<vmem_shared>>)
          tpu.yield
        }) : () -> ()
        %add3A_836 = arith.constant 4 : i32
        %add3A_837 = arith.addi %add3A_823, %add3A_836 : i32
        %lt3A_838 = arith.constant 40 : i32
        %lt3A_839 = arith.cmpi slt, %add3A_837, %lt3A_838 : i32
        %convert_element_type3A_840 = arith.extui %lt3A_839 : i1 to i32
        %cond3A_841 = arith.constant 0 : i32
        %cond3A_842 = arith.cmpi ne, %convert_element_type3A_840, %cond3A_841 : i32
        scf.if %cond3A_842 {
          %add3A_843 = arith.constant 4 : i32
          %add3A_844 = arith.addi %add3A_823, %add3A_843 : i32
          %dma_start3A_845 = arith.constant 3 : i32
          %dma_start3A_846 = arith.constant 0 : i32
          %dma_start3A_847 = arith.constant 0 : i32
          %dma_start3A_848 = tpu.memref_slice %arg8[%dma_start3A_845, %dma_start3A_846, %dma_start3A_847] : memref<4x64x128xf32, #tpu.memory_space<vmem>> -> memref<1x64x128xf32, #tpu.memory_space<vmem>>
          %dma_start3A_849 = tpu.memref_squeeze %dma_start3A_848 : memref<1x64x128xf32, #tpu.memory_space<vmem>> -> memref<64x128xf32, #tpu.memory_space<vmem>>
          %dma_start3A_850 = arith.constant 0 : i32
          %dma_start3A_851 = tpu.memref_slice %arg6[%add3A_844, %dma_start3A_850] : memref<40x64xi32, #tpu.memory_space<vmem>> -> memref<1x64xi32, #tpu.memory_space<vmem>>
          %dma_start3A_852 = tpu.memref_squeeze %dma_start3A_851 : memref<1x64xi32, #tpu.memory_space<vmem>> -> memref<64xi32, #tpu.memory_space<vmem>>
          %dma_start3A_853 = arith.constant 0 : i32
          %dma_start3A_854 = arith.constant 0 : i32
          %dma_start3A_855 = tpu.memref_slice %arg2[%dma_start3A_853, %dma_start3A_854] : memref<10000x128xf32, #tpu.memory_space<hbm>> -> memref<10000x128xf32, #tpu.memory_space<hbm>>
          tpu.enqueue_indirect_dma source(%dma_start3A_855 : memref<10000x128xf32, #tpu.memory_space<hbm>>) target(%dma_start3A_849 : memref<64x128xf32, #tpu.memory_space<vmem>>) offsets(%dma_start3A_852 : memref<64xi32, #tpu.memory_space<vmem>>) semaphore(%arg14 : memref<!tpu.dma_semaphore, #tpu.memory_space<semaphore_mem>>)
        } else {
        }
      }
      %scan3A_758 = arith.constant 10 : i32
    } else {
    }
    %eq3A_516 = arith.constant 1 : i32
    %eq3A_517 = arith.cmpi eq, %arg0, %eq3A_516 : i32
    %convert_element_type3A_518 = arith.extui %eq3A_517 : i1 to i32
    %cond3A_519 = arith.constant 0 : i32
    %cond3A_520 = arith.cmpi ne, %convert_element_type3A_518, %cond3A_519 : i32
    scf.if %cond3A_520 {
      %add3A = arith.constant 32 : i32
      %add3A_525 = arith.addi %add3A, %arg1 : i32
      %mul3A_526 = arith.constant 80 : i32
      %mul3A_527 = arith.muli %add3A_525, %mul3A_526 : i32
      %add3A_528 = arith.constant 0 : i32
      %add3A_529 = arith.addi %mul3A_527, %add3A_528 : i32
      "tpu.region"() ({
        %run_scoped3A = tpu.sem_alloc : memref<!tpu.dma_semaphore, #tpu.memory_space<semaphore_mem>>
        %dma_start3A_759 = arith.constant 0 : i32
        %dma_start3A_760 = tpu.memref_slice %arg3[%add3A_529, %dma_start3A_759] : memref<5120x64xi32, #tpu.memory_space<hbm>> -> memref<40x64xi32, #tpu.memory_space<hbm>>
        %dma_start3A_761 = arith.constant 0 : i32
        %dma_start3A_762 = tpu.memref_slice %arg3[%add3A_529, %dma_start3A_761] : memref<5120x64xi32, #tpu.memory_space<hbm>> -> memref<40x64xi32, #tpu.memory_space<hbm>>
        tpu.enqueue_dma source(%dma_start3A_762 : memref<40x64xi32, #tpu.memory_space<hbm>>) target(%arg6 : memref<40x64xi32, #tpu.memory_space<vmem>>) target_semaphore(%run_scoped3A : memref<!tpu.dma_semaphore, #tpu.memory_space<semaphore_mem>>)
        %dma_wait3A = arith.constant 0 : i32
        %dma_wait3A_763 = tpu.memref_slice %arg3[%add3A_529, %dma_wait3A] : memref<5120x64xi32, #tpu.memory_space<hbm>> -> memref<40x64xi32, #tpu.memory_space<hbm>>
        %dma_wait3A_764 = arith.constant 0 : i32
        %dma_wait3A_765 = tpu.memref_slice %arg3[%add3A_529, %dma_wait3A_764] : memref<5120x64xi32, #tpu.memory_space<hbm>> -> memref<40x64xi32, #tpu.memory_space<hbm>>
        tpu.wait_dma2 semaphore(%run_scoped3A : memref<!tpu.dma_semaphore, #tpu.memory_space<semaphore_mem>>) src(%dma_wait3A_765 : memref<40x64xi32, #tpu.memory_space<hbm>>) dst(%arg6 : memref<40x64xi32, #tpu.memory_space<vmem>>)
        tpu.yield
      }) : () -> ()
      "tpu.region"() ({
        %run_scoped3A = tpu.sem_alloc : memref<!tpu.dma_semaphore, #tpu.memory_space<semaphore_mem>>
        %dma_start3A_759 = arith.constant 0 : i32
        %dma_start3A_760 = tpu.memref_slice %arg4[%add3A_529, %dma_start3A_759] : memref<5120x64xi32, #tpu.memory_space<hbm>> -> memref<40x64xi32, #tpu.memory_space<hbm>>
        %dma_start3A_761 = arith.constant 0 : i32
        %dma_start3A_762 = tpu.memref_slice %arg4[%add3A_529, %dma_start3A_761] : memref<5120x64xi32, #tpu.memory_space<hbm>> -> memref<40x64xi32, #tpu.memory_space<hbm>>
        tpu.enqueue_dma source(%dma_start3A_762 : memref<40x64xi32, #tpu.memory_space<hbm>>) target(%arg7 : memref<40x64xi32, #tpu.memory_space<vmem>>) target_semaphore(%run_scoped3A : memref<!tpu.dma_semaphore, #tpu.memory_space<semaphore_mem>>)
        %dma_wait3A = arith.constant 0 : i32
        %dma_wait3A_763 = tpu.memref_slice %arg4[%add3A_529, %dma_wait3A] : memref<5120x64xi32, #tpu.memory_space<hbm>> -> memref<40x64xi32, #tpu.memory_space<hbm>>
        %dma_wait3A_764 = arith.constant 0 : i32
        %dma_wait3A_765 = tpu.memref_slice %arg4[%add3A_529, %dma_wait3A_764] : memref<5120x64xi32, #tpu.memory_space<hbm>> -> memref<40x64xi32, #tpu.memory_space<hbm>>
        tpu.wait_dma2 semaphore(%run_scoped3A : memref<!tpu.dma_semaphore, #tpu.memory_space<semaphore_mem>>) src(%dma_wait3A_765 : memref<40x64xi32, #tpu.memory_space<hbm>>) dst(%arg7 : memref<40x64xi32, #tpu.memory_space<vmem>>)
        tpu.yield
      }) : () -> ()
      %dma_start3A = arith.constant 0 : i32
      %dma_start3A_530 = arith.constant 0 : i32
      %dma_start3A_531 = arith.constant 0 : i32
      %dma_start3A_532 = arith.constant 0 : i32
      %dma_start3A_533 = tpu.memref_slice %arg8[%dma_start3A_530, %dma_start3A_531, %dma_start3A_532] : memref<4x64x128xf32, #tpu.memory_space<vmem>> -> memref<1x64x128xf32, #tpu.memory_space<vmem>>
      %dma_start3A_534 = tpu.memref_squeeze %dma_start3A_533 : memref<1x64x128xf32, #tpu.memory_space<vmem>> -> memref<64x128xf32, #tpu.memory_space<vmem>>
      %dma_start3A_535 = arith.constant 0 : i32
      %dma_start3A_536 = tpu.memref_slice %arg6[%dma_start3A, %dma_start3A_535] : memref<40x64xi32, #tpu.memory_space<vmem>> -> memref<1x64xi32, #tpu.memory_space<vmem>>
      %dma_start3A_537 = tpu.memref_squeeze %dma_start3A_536 : memref<1x64xi32, #tpu.memory_space<vmem>> -> memref<64xi32, #tpu.memory_space<vmem>>
      %dma_start3A_538 = arith.constant 0 : i32
      %dma_start3A_539 = arith.constant 0 : i32
      %dma_start3A_540 = tpu.memref_slice %arg2[%dma_start3A_538, %dma_start3A_539] : memref<10000x128xf32, #tpu.memory_space<hbm>> -> memref<10000x128xf32, #tpu.memory_space<hbm>>
      tpu.enqueue_indirect_dma source(%dma_start3A_540 : memref<10000x128xf32, #tpu.memory_space<hbm>>) target(%dma_start3A_534 : memref<64x128xf32, #tpu.memory_space<vmem>>) offsets(%dma_start3A_537 : memref<64xi32, #tpu.memory_space<vmem>>) semaphore(%arg11 : memref<!tpu.dma_semaphore, #tpu.memory_space<semaphore_mem>>)
      %dma_start3A_541 = arith.constant 1 : i32
      %dma_start3A_542 = arith.constant 1 : i32
      %dma_start3A_543 = arith.constant 0 : i32
      %dma_start3A_544 = arith.constant 0 : i32
      %dma_start3A_545 = tpu.memref_slice %arg8[%dma_start3A_542, %dma_start3A_543, %dma_start3A_544] : memref<4x64x128xf32, #tpu.memory_space<vmem>> -> memref<1x64x128xf32, #tpu.memory_space<vmem>>
      %dma_start3A_546 = tpu.memref_squeeze %dma_start3A_545 : memref<1x64x128xf32, #tpu.memory_space<vmem>> -> memref<64x128xf32, #tpu.memory_space<vmem>>
      %dma_start3A_547 = arith.constant 0 : i32
      %dma_start3A_548 = tpu.memref_slice %arg6[%dma_start3A_541, %dma_start3A_547] : memref<40x64xi32, #tpu.memory_space<vmem>> -> memref<1x64xi32, #tpu.memory_space<vmem>>
      %dma_start3A_549 = tpu.memref_squeeze %dma_start3A_548 : memref<1x64xi32, #tpu.memory_space<vmem>> -> memref<64xi32, #tpu.memory_space<vmem>>
      %dma_start3A_550 = arith.constant 0 : i32
      %dma_start3A_551 = arith.constant 0 : i32
      %dma_start3A_552 = tpu.memref_slice %arg2[%dma_start3A_550, %dma_start3A_551] : memref<10000x128xf32, #tpu.memory_space<hbm>> -> memref<10000x128xf32, #tpu.memory_space<hbm>>
      tpu.enqueue_indirect_dma source(%dma_start3A_552 : memref<10000x128xf32, #tpu.memory_space<hbm>>) target(%dma_start3A_546 : memref<64x128xf32, #tpu.memory_space<vmem>>) offsets(%dma_start3A_549 : memref<64xi32, #tpu.memory_space<vmem>>) semaphore(%arg12 : memref<!tpu.dma_semaphore, #tpu.memory_space<semaphore_mem>>)
      %dma_start3A_553 = arith.constant 2 : i32
      %dma_start3A_554 = arith.constant 2 : i32
      %dma_start3A_555 = arith.constant 0 : i32
      %dma_start3A_556 = arith.constant 0 : i32
      %dma_start3A_557 = tpu.memref_slice %arg8[%dma_start3A_554, %dma_start3A_555, %dma_start3A_556] : memref<4x64x128xf32, #tpu.memory_space<vmem>> -> memref<1x64x128xf32, #tpu.memory_space<vmem>>
      %dma_start3A_558 = tpu.memref_squeeze %dma_start3A_557 : memref<1x64x128xf32, #tpu.memory_space<vmem>> -> memref<64x128xf32, #tpu.memory_space<vmem>>
      %dma_start3A_559 = arith.constant 0 : i32
      %dma_start3A_560 = tpu.memref_slice %arg6[%dma_start3A_553, %dma_start3A_559] : memref<40x64xi32, #tpu.memory_space<vmem>> -> memref<1x64xi32, #tpu.memory_space<vmem>>
      %dma_start3A_561 = tpu.memref_squeeze %dma_start3A_560 : memref<1x64xi32, #tpu.memory_space<vmem>> -> memref<64xi32, #tpu.memory_space<vmem>>
      %dma_start3A_562 = arith.constant 0 : i32
      %dma_start3A_563 = arith.constant 0 : i32
      %dma_start3A_564 = tpu.memref_slice %arg2[%dma_start3A_562, %dma_start3A_563] : memref<10000x128xf32, #tpu.memory_space<hbm>> -> memref<10000x128xf32, #tpu.memory_space<hbm>>
      tpu.enqueue_indirect_dma source(%dma_start3A_564 : memref<10000x128xf32, #tpu.memory_space<hbm>>) target(%dma_start3A_558 : memref<64x128xf32, #tpu.memory_space<vmem>>) offsets(%dma_start3A_561 : memref<64xi32, #tpu.memory_space<vmem>>) semaphore(%arg13 : memref<!tpu.dma_semaphore, #tpu.memory_space<semaphore_mem>>)
      %dma_start3A_565 = arith.constant 3 : i32
      %dma_start3A_566 = arith.constant 3 : i32
      %dma_start3A_567 = arith.constant 0 : i32
      %dma_start3A_568 = arith.constant 0 : i32
      %dma_start3A_569 = tpu.memref_slice %arg8[%dma_start3A_566, %dma_start3A_567, %dma_start3A_568] : memref<4x64x128xf32, #tpu.memory_space<vmem>> -> memref<1x64x128xf32, #tpu.memory_space<vmem>>
      %dma_start3A_570 = tpu.memref_squeeze %dma_start3A_569 : memref<1x64x128xf32, #tpu.memory_space<vmem>> -> memref<64x128xf32, #tpu.memory_space<vmem>>
      %dma_start3A_571 = arith.constant 0 : i32
      %dma_start3A_572 = tpu.memref_slice %arg6[%dma_start3A_565, %dma_start3A_571] : memref<40x64xi32, #tpu.memory_space<vmem>> -> memref<1x64xi32, #tpu.memory_space<vmem>>
      %dma_start3A_573 = tpu.memref_squeeze %dma_start3A_572 : memref<1x64xi32, #tpu.memory_space<vmem>> -> memref<64xi32, #tpu.memory_space<vmem>>
      %dma_start3A_574 = arith.constant 0 : i32
      %dma_start3A_575 = arith.constant 0 : i32
      %dma_start3A_576 = tpu.memref_slice %arg2[%dma_start3A_574, %dma_start3A_575] : memref<10000x128xf32, #tpu.memory_space<hbm>> -> memref<10000x128xf32, #tpu.memory_space<hbm>>
      tpu.enqueue_indirect_dma source(%dma_start3A_576 : memref<10000x128xf32, #tpu.memory_space<hbm>>) target(%dma_start3A_570 : memref<64x128xf32, #tpu.memory_space<vmem>>) offsets(%dma_start3A_573 : memref<64xi32, #tpu.memory_space<vmem>>) semaphore(%arg14 : memref<!tpu.dma_semaphore, #tpu.memory_space<semaphore_mem>>)
      %scan3A_577 = arith.constant 0 : i32
      %scan3A_578 = arith.constant 10 : i32
      %scan3A_579 = arith.addi %scan3A_577, %scan3A_578 : i32
      %scan3A_580 = arith.constant 1 : i32
      scf.for %scan3A_759 = %scan3A_577 to %scan3A_579 step %scan3A_580  : i32 {
        %mul3A_760 = arith.constant 4 : i32
        %mul3A_761 = arith.muli %mul3A_760, %scan3A_759 : i32
        %add3A_762 = arith.constant 0 : i32
        %add3A_763 = arith.addi %mul3A_761, %add3A_762 : i32
        %dma_wait3A = arith.constant 0 : i32
        %dma_wait3A_764 = arith.constant 0 : i32
        %dma_wait3A_765 = arith.constant 0 : i32
        %dma_wait3A_766 = tpu.memref_slice %arg8[%dma_wait3A, %dma_wait3A_764, %dma_wait3A_765] : memref<4x64x128xf32, #tpu.memory_space<vmem>> -> memref<1x64x128xf32, #tpu.memory_space<vmem>>
        %dma_wait3A_767 = tpu.memref_squeeze %dma_wait3A_766 : memref<1x64x128xf32, #tpu.memory_space<vmem>> -> memref<64x128xf32, #tpu.memory_space<vmem>>
        %dma_wait3A_768 = arith.constant 0 : i32
        %dma_wait3A_769 = tpu.memref_slice %arg6[%add3A_763, %dma_wait3A_768] : memref<40x64xi32, #tpu.memory_space<vmem>> -> memref<1x64xi32, #tpu.memory_space<vmem>>
        %dma_wait3A_770 = tpu.memref_squeeze %dma_wait3A_769 : memref<1x64xi32, #tpu.memory_space<vmem>> -> memref<64xi32, #tpu.memory_space<vmem>>
        %dma_wait3A_771 = arith.constant 0 : i32
        %dma_wait3A_772 = arith.constant 0 : i32
        %dma_wait3A_773 = tpu.memref_slice %arg2[%dma_wait3A_771, %dma_wait3A_772] : memref<10000x128xf32, #tpu.memory_space<hbm>> -> memref<10000x128xf32, #tpu.memory_space<hbm>>
        tpu.wait_indirect_dma semaphore(%arg11 : memref<!tpu.dma_semaphore, #tpu.memory_space<semaphore_mem>>) src(%dma_wait3A_773 : memref<10000x128xf32, #tpu.memory_space<hbm>>) dst(%dma_wait3A_767 : memref<64x128xf32, #tpu.memory_space<vmem>>)
        %run_scoped3A = arith.constant 0 : i32
        "tpu.region"() ({
          %run_scoped3A_843 = tpu.sem_alloc : memref<!tpu.dma_semaphore, #tpu.memory_space<semaphore_mem>>
          %dma_start3A_844 = arith.constant 0 : i32
          %dma_start3A_845 = arith.constant 0 : i32
          %dma_start3A_846 = tpu.memref_slice %arg8[%run_scoped3A, %dma_start3A_844, %dma_start3A_845] : memref<4x64x128xf32, #tpu.memory_space<vmem>> -> memref<1x64x128xf32, #tpu.memory_space<vmem>>
          %dma_start3A_847 = tpu.memref_squeeze %dma_start3A_846 : memref<1x64x128xf32, #tpu.memory_space<vmem>> -> memref<64x128xf32, #tpu.memory_space<vmem>>
          %dma_start3A_848 = arith.constant 0 : i32
          %dma_start3A_849 = tpu.memref_slice %arg7[%add3A_763, %dma_start3A_848] : memref<40x64xi32, #tpu.memory_space<vmem>> -> memref<1x64xi32, #tpu.memory_space<vmem>>
          %dma_start3A_850 = tpu.memref_squeeze %dma_start3A_849 : memref<1x64xi32, #tpu.memory_space<vmem>> -> memref<64xi32, #tpu.memory_space<vmem>>
          %dma_start3A_851 = arith.constant 0 : i32
          %dma_start3A_852 = arith.constant 0 : i32
          %dma_start3A_853 = tpu.memref_slice %arg10[%dma_start3A_851, %dma_start3A_852] : memref<10240x128xf32, #tpu.memory_space<vmem_shared>> -> memref<10240x128xf32, #tpu.memory_space<vmem_shared>>
          tpu.enqueue_indirect_dma source(%dma_start3A_847 : memref<64x128xf32, #tpu.memory_space<vmem>>) target(%dma_start3A_853 : memref<10240x128xf32, #tpu.memory_space<vmem_shared>>) offsets(%dma_start3A_850 : memref<64xi32, #tpu.memory_space<vmem>>) semaphore(%run_scoped3A_843 : memref<!tpu.dma_semaphore, #tpu.memory_space<semaphore_mem>>) {add = true}
          %dma_wait3A_854 = arith.constant 0 : i32
          %dma_wait3A_855 = arith.constant 0 : i32
          %dma_wait3A_856 = tpu.memref_slice %arg8[%run_scoped3A, %dma_wait3A_854, %dma_wait3A_855] : memref<4x64x128xf32, #tpu.memory_space<vmem>> -> memref<1x64x128xf32, #tpu.memory_space<vmem>>
          %dma_wait3A_857 = tpu.memref_squeeze %dma_wait3A_856 : memref<1x64x128xf32, #tpu.memory_space<vmem>> -> memref<64x128xf32, #tpu.memory_space<vmem>>
          %dma_wait3A_858 = arith.constant 0 : i32
          %dma_wait3A_859 = tpu.memref_slice %arg7[%add3A_763, %dma_wait3A_858] : memref<40x64xi32, #tpu.memory_space<vmem>> -> memref<1x64xi32, #tpu.memory_space<vmem>>
          %dma_wait3A_860 = tpu.memref_squeeze %dma_wait3A_859 : memref<1x64xi32, #tpu.memory_space<vmem>> -> memref<64xi32, #tpu.memory_space<vmem>>
          %dma_wait3A_861 = arith.constant 0 : i32
          %dma_wait3A_862 = arith.constant 0 : i32
          %dma_wait3A_863 = tpu.memref_slice %arg10[%dma_wait3A_861, %dma_wait3A_862] : memref<10240x128xf32, #tpu.memory_space<vmem_shared>> -> memref<10240x128xf32, #tpu.memory_space<vmem_shared>>
          tpu.wait_indirect_dma semaphore(%run_scoped3A_843 : memref<!tpu.dma_semaphore, #tpu.memory_space<semaphore_mem>>) src(%dma_wait3A_857 : memref<64x128xf32, #tpu.memory_space<vmem>>) dst(%dma_wait3A_863 : memref<10240x128xf32, #tpu.memory_space<vmem_shared>>)
          tpu.yield
        }) : () -> ()
        %add3A_774 = arith.constant 4 : i32
        %add3A_775 = arith.addi %add3A_763, %add3A_774 : i32
        %lt3A = arith.constant 40 : i32
        %lt3A_776 = arith.cmpi slt, %add3A_775, %lt3A : i32
        %convert_element_type3A_777 = arith.extui %lt3A_776 : i1 to i32
        %cond3A_778 = arith.constant 0 : i32
        %cond3A_779 = arith.cmpi ne, %convert_element_type3A_777, %cond3A_778 : i32
        scf.if %cond3A_779 {
          %add3A_843 = arith.constant 4 : i32
          %add3A_844 = arith.addi %add3A_763, %add3A_843 : i32
          %dma_start3A_845 = arith.constant 0 : i32
          %dma_start3A_846 = arith.constant 0 : i32
          %dma_start3A_847 = arith.constant 0 : i32
          %dma_start3A_848 = tpu.memref_slice %arg8[%dma_start3A_845, %dma_start3A_846, %dma_start3A_847] : memref<4x64x128xf32, #tpu.memory_space<vmem>> -> memref<1x64x128xf32, #tpu.memory_space<vmem>>
          %dma_start3A_849 = tpu.memref_squeeze %dma_start3A_848 : memref<1x64x128xf32, #tpu.memory_space<vmem>> -> memref<64x128xf32, #tpu.memory_space<vmem>>
          %dma_start3A_850 = arith.constant 0 : i32
          %dma_start3A_851 = tpu.memref_slice %arg6[%add3A_844, %dma_start3A_850] : memref<40x64xi32, #tpu.memory_space<vmem>> -> memref<1x64xi32, #tpu.memory_space<vmem>>
          %dma_start3A_852 = tpu.memref_squeeze %dma_start3A_851 : memref<1x64xi32, #tpu.memory_space<vmem>> -> memref<64xi32, #tpu.memory_space<vmem>>
          %dma_start3A_853 = arith.constant 0 : i32
          %dma_start3A_854 = arith.constant 0 : i32
          %dma_start3A_855 = tpu.memref_slice %arg2[%dma_start3A_853, %dma_start3A_854] : memref<10000x128xf32, #tpu.memory_space<hbm>> -> memref<10000x128xf32, #tpu.memory_space<hbm>>
          tpu.enqueue_indirect_dma source(%dma_start3A_855 : memref<10000x128xf32, #tpu.memory_space<hbm>>) target(%dma_start3A_849 : memref<64x128xf32, #tpu.memory_space<vmem>>) offsets(%dma_start3A_852 : memref<64xi32, #tpu.memory_space<vmem>>) semaphore(%arg11 : memref<!tpu.dma_semaphore, #tpu.memory_space<semaphore_mem>>)
        } else {
        }
        %add3A_780 = arith.constant 1 : i32
        %add3A_781 = arith.addi %mul3A_761, %add3A_780 : i32
        %dma_wait3A_782 = arith.constant 1 : i32
        %dma_wait3A_783 = arith.constant 0 : i32
        %dma_wait3A_784 = arith.constant 0 : i32
        %dma_wait3A_785 = tpu.memref_slice %arg8[%dma_wait3A_782, %dma_wait3A_783, %dma_wait3A_784] : memref<4x64x128xf32, #tpu.memory_space<vmem>> -> memref<1x64x128xf32, #tpu.memory_space<vmem>>
        %dma_wait3A_786 = tpu.memref_squeeze %dma_wait3A_785 : memref<1x64x128xf32, #tpu.memory_space<vmem>> -> memref<64x128xf32, #tpu.memory_space<vmem>>
        %dma_wait3A_787 = arith.constant 0 : i32
        %dma_wait3A_788 = tpu.memref_slice %arg6[%add3A_781, %dma_wait3A_787] : memref<40x64xi32, #tpu.memory_space<vmem>> -> memref<1x64xi32, #tpu.memory_space<vmem>>
        %dma_wait3A_789 = tpu.memref_squeeze %dma_wait3A_788 : memref<1x64xi32, #tpu.memory_space<vmem>> -> memref<64xi32, #tpu.memory_space<vmem>>
        %dma_wait3A_790 = arith.constant 0 : i32
        %dma_wait3A_791 = arith.constant 0 : i32
        %dma_wait3A_792 = tpu.memref_slice %arg2[%dma_wait3A_790, %dma_wait3A_791] : memref<10000x128xf32, #tpu.memory_space<hbm>> -> memref<10000x128xf32, #tpu.memory_space<hbm>>
        tpu.wait_indirect_dma semaphore(%arg12 : memref<!tpu.dma_semaphore, #tpu.memory_space<semaphore_mem>>) src(%dma_wait3A_792 : memref<10000x128xf32, #tpu.memory_space<hbm>>) dst(%dma_wait3A_786 : memref<64x128xf32, #tpu.memory_space<vmem>>)
        %run_scoped3A_793 = arith.constant 1 : i32
        "tpu.region"() ({
          %run_scoped3A_843 = tpu.sem_alloc : memref<!tpu.dma_semaphore, #tpu.memory_space<semaphore_mem>>
          %dma_start3A_844 = arith.constant 0 : i32
          %dma_start3A_845 = arith.constant 0 : i32
          %dma_start3A_846 = tpu.memref_slice %arg8[%run_scoped3A_793, %dma_start3A_844, %dma_start3A_845] : memref<4x64x128xf32, #tpu.memory_space<vmem>> -> memref<1x64x128xf32, #tpu.memory_space<vmem>>
          %dma_start3A_847 = tpu.memref_squeeze %dma_start3A_846 : memref<1x64x128xf32, #tpu.memory_space<vmem>> -> memref<64x128xf32, #tpu.memory_space<vmem>>
          %dma_start3A_848 = arith.constant 0 : i32
          %dma_start3A_849 = tpu.memref_slice %arg7[%add3A_781, %dma_start3A_848] : memref<40x64xi32, #tpu.memory_space<vmem>> -> memref<1x64xi32, #tpu.memory_space<vmem>>
          %dma_start3A_850 = tpu.memref_squeeze %dma_start3A_849 : memref<1x64xi32, #tpu.memory_space<vmem>> -> memref<64xi32, #tpu.memory_space<vmem>>
          %dma_start3A_851 = arith.constant 0 : i32
          %dma_start3A_852 = arith.constant 0 : i32
          %dma_start3A_853 = tpu.memref_slice %arg10[%dma_start3A_851, %dma_start3A_852] : memref<10240x128xf32, #tpu.memory_space<vmem_shared>> -> memref<10240x128xf32, #tpu.memory_space<vmem_shared>>
          tpu.enqueue_indirect_dma source(%dma_start3A_847 : memref<64x128xf32, #tpu.memory_space<vmem>>) target(%dma_start3A_853 : memref<10240x128xf32, #tpu.memory_space<vmem_shared>>) offsets(%dma_start3A_850 : memref<64xi32, #tpu.memory_space<vmem>>) semaphore(%run_scoped3A_843 : memref<!tpu.dma_semaphore, #tpu.memory_space<semaphore_mem>>) {add = true}
          %dma_wait3A_854 = arith.constant 0 : i32
          %dma_wait3A_855 = arith.constant 0 : i32
          %dma_wait3A_856 = tpu.memref_slice %arg8[%run_scoped3A_793, %dma_wait3A_854, %dma_wait3A_855] : memref<4x64x128xf32, #tpu.memory_space<vmem>> -> memref<1x64x128xf32, #tpu.memory_space<vmem>>
          %dma_wait3A_857 = tpu.memref_squeeze %dma_wait3A_856 : memref<1x64x128xf32, #tpu.memory_space<vmem>> -> memref<64x128xf32, #tpu.memory_space<vmem>>
          %dma_wait3A_858 = arith.constant 0 : i32
          %dma_wait3A_859 = tpu.memref_slice %arg7[%add3A_781, %dma_wait3A_858] : memref<40x64xi32, #tpu.memory_space<vmem>> -> memref<1x64xi32, #tpu.memory_space<vmem>>
          %dma_wait3A_860 = tpu.memref_squeeze %dma_wait3A_859 : memref<1x64xi32, #tpu.memory_space<vmem>> -> memref<64xi32, #tpu.memory_space<vmem>>
          %dma_wait3A_861 = arith.constant 0 : i32
          %dma_wait3A_862 = arith.constant 0 : i32
          %dma_wait3A_863 = tpu.memref_slice %arg10[%dma_wait3A_861, %dma_wait3A_862] : memref<10240x128xf32, #tpu.memory_space<vmem_shared>> -> memref<10240x128xf32, #tpu.memory_space<vmem_shared>>
          tpu.wait_indirect_dma semaphore(%run_scoped3A_843 : memref<!tpu.dma_semaphore, #tpu.memory_space<semaphore_mem>>) src(%dma_wait3A_857 : memref<64x128xf32, #tpu.memory_space<vmem>>) dst(%dma_wait3A_863 : memref<10240x128xf32, #tpu.memory_space<vmem_shared>>)
          tpu.yield
        }) : () -> ()
        %add3A_794 = arith.constant 4 : i32
        %add3A_795 = arith.addi %add3A_781, %add3A_794 : i32
        %lt3A_796 = arith.constant 40 : i32
        %lt3A_797 = arith.cmpi slt, %add3A_795, %lt3A_796 : i32
        %convert_element_type3A_798 = arith.extui %lt3A_797 : i1 to i32
        %cond3A_799 = arith.constant 0 : i32
        %cond3A_800 = arith.cmpi ne, %convert_element_type3A_798, %cond3A_799 : i32
        scf.if %cond3A_800 {
          %add3A_843 = arith.constant 4 : i32
          %add3A_844 = arith.addi %add3A_781, %add3A_843 : i32
          %dma_start3A_845 = arith.constant 1 : i32
          %dma_start3A_846 = arith.constant 0 : i32
          %dma_start3A_847 = arith.constant 0 : i32
          %dma_start3A_848 = tpu.memref_slice %arg8[%dma_start3A_845, %dma_start3A_846, %dma_start3A_847] : memref<4x64x128xf32, #tpu.memory_space<vmem>> -> memref<1x64x128xf32, #tpu.memory_space<vmem>>
          %dma_start3A_849 = tpu.memref_squeeze %dma_start3A_848 : memref<1x64x128xf32, #tpu.memory_space<vmem>> -> memref<64x128xf32, #tpu.memory_space<vmem>>
          %dma_start3A_850 = arith.constant 0 : i32
          %dma_start3A_851 = tpu.memref_slice %arg6[%add3A_844, %dma_start3A_850] : memref<40x64xi32, #tpu.memory_space<vmem>> -> memref<1x64xi32, #tpu.memory_space<vmem>>
          %dma_start3A_852 = tpu.memref_squeeze %dma_start3A_851 : memref<1x64xi32, #tpu.memory_space<vmem>> -> memref<64xi32, #tpu.memory_space<vmem>>
          %dma_start3A_853 = arith.constant 0 : i32
          %dma_start3A_854 = arith.constant 0 : i32
          %dma_start3A_855 = tpu.memref_slice %arg2[%dma_start3A_853, %dma_start3A_854] : memref<10000x128xf32, #tpu.memory_space<hbm>> -> memref<10000x128xf32, #tpu.memory_space<hbm>>
          tpu.enqueue_indirect_dma source(%dma_start3A_855 : memref<10000x128xf32, #tpu.memory_space<hbm>>) target(%dma_start3A_849 : memref<64x128xf32, #tpu.memory_space<vmem>>) offsets(%dma_start3A_852 : memref<64xi32, #tpu.memory_space<vmem>>) semaphore(%arg12 : memref<!tpu.dma_semaphore, #tpu.memory_space<semaphore_mem>>)
        } else {
        }
        %add3A_801 = arith.constant 2 : i32
        %add3A_802 = arith.addi %mul3A_761, %add3A_801 : i32
        %dma_wait3A_803 = arith.constant 2 : i32
        %dma_wait3A_804 = arith.constant 0 : i32
        %dma_wait3A_805 = arith.constant 0 : i32
        %dma_wait3A_806 = tpu.memref_slice %arg8[%dma_wait3A_803, %dma_wait3A_804, %dma_wait3A_805] : memref<4x64x128xf32, #tpu.memory_space<vmem>> -> memref<1x64x128xf32, #tpu.memory_space<vmem>>
        %dma_wait3A_807 = tpu.memref_squeeze %dma_wait3A_806 : memref<1x64x128xf32, #tpu.memory_space<vmem>> -> memref<64x128xf32, #tpu.memory_space<vmem>>
        %dma_wait3A_808 = arith.constant 0 : i32
        %dma_wait3A_809 = tpu.memref_slice %arg6[%add3A_802, %dma_wait3A_808] : memref<40x64xi32, #tpu.memory_space<vmem>> -> memref<1x64xi32, #tpu.memory_space<vmem>>
        %dma_wait3A_810 = tpu.memref_squeeze %dma_wait3A_809 : memref<1x64xi32, #tpu.memory_space<vmem>> -> memref<64xi32, #tpu.memory_space<vmem>>
        %dma_wait3A_811 = arith.constant 0 : i32
        %dma_wait3A_812 = arith.constant 0 : i32
        %dma_wait3A_813 = tpu.memref_slice %arg2[%dma_wait3A_811, %dma_wait3A_812] : memref<10000x128xf32, #tpu.memory_space<hbm>> -> memref<10000x128xf32, #tpu.memory_space<hbm>>
        tpu.wait_indirect_dma semaphore(%arg13 : memref<!tpu.dma_semaphore, #tpu.memory_space<semaphore_mem>>) src(%dma_wait3A_813 : memref<10000x128xf32, #tpu.memory_space<hbm>>) dst(%dma_wait3A_807 : memref<64x128xf32, #tpu.memory_space<vmem>>)
        %run_scoped3A_814 = arith.constant 2 : i32
        "tpu.region"() ({
          %run_scoped3A_843 = tpu.sem_alloc : memref<!tpu.dma_semaphore, #tpu.memory_space<semaphore_mem>>
          %dma_start3A_844 = arith.constant 0 : i32
          %dma_start3A_845 = arith.constant 0 : i32
          %dma_start3A_846 = tpu.memref_slice %arg8[%run_scoped3A_814, %dma_start3A_844, %dma_start3A_845] : memref<4x64x128xf32, #tpu.memory_space<vmem>> -> memref<1x64x128xf32, #tpu.memory_space<vmem>>
          %dma_start3A_847 = tpu.memref_squeeze %dma_start3A_846 : memref<1x64x128xf32, #tpu.memory_space<vmem>> -> memref<64x128xf32, #tpu.memory_space<vmem>>
          %dma_start3A_848 = arith.constant 0 : i32
          %dma_start3A_849 = tpu.memref_slice %arg7[%add3A_802, %dma_start3A_848] : memref<40x64xi32, #tpu.memory_space<vmem>> -> memref<1x64xi32, #tpu.memory_space<vmem>>
          %dma_start3A_850 = tpu.memref_squeeze %dma_start3A_849 : memref<1x64xi32, #tpu.memory_space<vmem>> -> memref<64xi32, #tpu.memory_space<vmem>>
          %dma_start3A_851 = arith.constant 0 : i32
          %dma_start3A_852 = arith.constant 0 : i32
          %dma_start3A_853 = tpu.memref_slice %arg10[%dma_start3A_851, %dma_start3A_852] : memref<10240x128xf32, #tpu.memory_space<vmem_shared>> -> memref<10240x128xf32, #tpu.memory_space<vmem_shared>>
          tpu.enqueue_indirect_dma source(%dma_start3A_847 : memref<64x128xf32, #tpu.memory_space<vmem>>) target(%dma_start3A_853 : memref<10240x128xf32, #tpu.memory_space<vmem_shared>>) offsets(%dma_start3A_850 : memref<64xi32, #tpu.memory_space<vmem>>) semaphore(%run_scoped3A_843 : memref<!tpu.dma_semaphore, #tpu.memory_space<semaphore_mem>>) {add = true}
          %dma_wait3A_854 = arith.constant 0 : i32
          %dma_wait3A_855 = arith.constant 0 : i32
          %dma_wait3A_856 = tpu.memref_slice %arg8[%run_scoped3A_814, %dma_wait3A_854, %dma_wait3A_855] : memref<4x64x128xf32, #tpu.memory_space<vmem>> -> memref<1x64x128xf32, #tpu.memory_space<vmem>>
          %dma_wait3A_857 = tpu.memref_squeeze %dma_wait3A_856 : memref<1x64x128xf32, #tpu.memory_space<vmem>> -> memref<64x128xf32, #tpu.memory_space<vmem>>
          %dma_wait3A_858 = arith.constant 0 : i32
          %dma_wait3A_859 = tpu.memref_slice %arg7[%add3A_802, %dma_wait3A_858] : memref<40x64xi32, #tpu.memory_space<vmem>> -> memref<1x64xi32, #tpu.memory_space<vmem>>
          %dma_wait3A_860 = tpu.memref_squeeze %dma_wait3A_859 : memref<1x64xi32, #tpu.memory_space<vmem>> -> memref<64xi32, #tpu.memory_space<vmem>>
          %dma_wait3A_861 = arith.constant 0 : i32
          %dma_wait3A_862 = arith.constant 0 : i32
          %dma_wait3A_863 = tpu.memref_slice %arg10[%dma_wait3A_861, %dma_wait3A_862] : memref<10240x128xf32, #tpu.memory_space<vmem_shared>> -> memref<10240x128xf32, #tpu.memory_space<vmem_shared>>
          tpu.wait_indirect_dma semaphore(%run_scoped3A_843 : memref<!tpu.dma_semaphore, #tpu.memory_space<semaphore_mem>>) src(%dma_wait3A_857 : memref<64x128xf32, #tpu.memory_space<vmem>>) dst(%dma_wait3A_863 : memref<10240x128xf32, #tpu.memory_space<vmem_shared>>)
          tpu.yield
        }) : () -> ()
        %add3A_815 = arith.constant 4 : i32
        %add3A_816 = arith.addi %add3A_802, %add3A_815 : i32
        %lt3A_817 = arith.constant 40 : i32
        %lt3A_818 = arith.cmpi slt, %add3A_816, %lt3A_817 : i32
        %convert_element_type3A_819 = arith.extui %lt3A_818 : i1 to i32
        %cond3A_820 = arith.constant 0 : i32
        %cond3A_821 = arith.cmpi ne, %convert_element_type3A_819, %cond3A_820 : i32
        scf.if %cond3A_821 {
          %add3A_843 = arith.constant 4 : i32
          %add3A_844 = arith.addi %add3A_802, %add3A_843 : i32
          %dma_start3A_845 = arith.constant 2 : i32
          %dma_start3A_846 = arith.constant 0 : i32
          %dma_start3A_847 = arith.constant 0 : i32
          %dma_start3A_848 = tpu.memref_slice %arg8[%dma_start3A_845, %dma_start3A_846, %dma_start3A_847] : memref<4x64x128xf32, #tpu.memory_space<vmem>> -> memref<1x64x128xf32, #tpu.memory_space<vmem>>
          %dma_start3A_849 = tpu.memref_squeeze %dma_start3A_848 : memref<1x64x128xf32, #tpu.memory_space<vmem>> -> memref<64x128xf32, #tpu.memory_space<vmem>>
          %dma_start3A_850 = arith.constant 0 : i32
          %dma_start3A_851 = tpu.memref_slice %arg6[%add3A_844, %dma_start3A_850] : memref<40x64xi32, #tpu.memory_space<vmem>> -> memref<1x64xi32, #tpu.memory_space<vmem>>
          %dma_start3A_852 = tpu.memref_squeeze %dma_start3A_851 : memref<1x64xi32, #tpu.memory_space<vmem>> -> memref<64xi32, #tpu.memory_space<vmem>>
          %dma_start3A_853 = arith.constant 0 : i32
          %dma_start3A_854 = arith.constant 0 : i32
          %dma_start3A_855 = tpu.memref_slice %arg2[%dma_start3A_853, %dma_start3A_854] : memref<10000x128xf32, #tpu.memory_space<hbm>> -> memref<10000x128xf32, #tpu.memory_space<hbm>>
          tpu.enqueue_indirect_dma source(%dma_start3A_855 : memref<10000x128xf32, #tpu.memory_space<hbm>>) target(%dma_start3A_849 : memref<64x128xf32, #tpu.memory_space<vmem>>) offsets(%dma_start3A_852 : memref<64xi32, #tpu.memory_space<vmem>>) semaphore(%arg13 : memref<!tpu.dma_semaphore, #tpu.memory_space<semaphore_mem>>)
        } else {
        }
        %add3A_822 = arith.constant 3 : i32
        %add3A_823 = arith.addi %mul3A_761, %add3A_822 : i32
        %dma_wait3A_824 = arith.constant 3 : i32
        %dma_wait3A_825 = arith.constant 0 : i32
        %dma_wait3A_826 = arith.constant 0 : i32
        %dma_wait3A_827 = tpu.memref_slice %arg8[%dma_wait3A_824, %dma_wait3A_825, %dma_wait3A_826] : memref<4x64x128xf32, #tpu.memory_space<vmem>> -> memref<1x64x128xf32, #tpu.memory_space<vmem>>
        %dma_wait3A_828 = tpu.memref_squeeze %dma_wait3A_827 : memref<1x64x128xf32, #tpu.memory_space<vmem>> -> memref<64x128xf32, #tpu.memory_space<vmem>>
        %dma_wait3A_829 = arith.constant 0 : i32
        %dma_wait3A_830 = tpu.memref_slice %arg6[%add3A_823, %dma_wait3A_829] : memref<40x64xi32, #tpu.memory_space<vmem>> -> memref<1x64xi32, #tpu.memory_space<vmem>>
        %dma_wait3A_831 = tpu.memref_squeeze %dma_wait3A_830 : memref<1x64xi32, #tpu.memory_space<vmem>> -> memref<64xi32, #tpu.memory_space<vmem>>
        %dma_wait3A_832 = arith.constant 0 : i32
        %dma_wait3A_833 = arith.constant 0 : i32
        %dma_wait3A_834 = tpu.memref_slice %arg2[%dma_wait3A_832, %dma_wait3A_833] : memref<10000x128xf32, #tpu.memory_space<hbm>> -> memref<10000x128xf32, #tpu.memory_space<hbm>>
        tpu.wait_indirect_dma semaphore(%arg14 : memref<!tpu.dma_semaphore, #tpu.memory_space<semaphore_mem>>) src(%dma_wait3A_834 : memref<10000x128xf32, #tpu.memory_space<hbm>>) dst(%dma_wait3A_828 : memref<64x128xf32, #tpu.memory_space<vmem>>)
        %run_scoped3A_835 = arith.constant 3 : i32
        "tpu.region"() ({
          %run_scoped3A_843 = tpu.sem_alloc : memref<!tpu.dma_semaphore, #tpu.memory_space<semaphore_mem>>
          %dma_start3A_844 = arith.constant 0 : i32
          %dma_start3A_845 = arith.constant 0 : i32
          %dma_start3A_846 = tpu.memref_slice %arg8[%run_scoped3A_835, %dma_start3A_844, %dma_start3A_845] : memref<4x64x128xf32, #tpu.memory_space<vmem>> -> memref<1x64x128xf32, #tpu.memory_space<vmem>>
          %dma_start3A_847 = tpu.memref_squeeze %dma_start3A_846 : memref<1x64x128xf32, #tpu.memory_space<vmem>> -> memref<64x128xf32, #tpu.memory_space<vmem>>
          %dma_start3A_848 = arith.constant 0 : i32
          %dma_start3A_849 = tpu.memref_slice %arg7[%add3A_823, %dma_start3A_848] : memref<40x64xi32, #tpu.memory_space<vmem>> -> memref<1x64xi32, #tpu.memory_space<vmem>>
          %dma_start3A_850 = tpu.memref_squeeze %dma_start3A_849 : memref<1x64xi32, #tpu.memory_space<vmem>> -> memref<64xi32, #tpu.memory_space<vmem>>
          %dma_start3A_851 = arith.constant 0 : i32
          %dma_start3A_852 = arith.constant 0 : i32
          %dma_start3A_853 = tpu.memref_slice %arg10[%dma_start3A_851, %dma_start3A_852] : memref<10240x128xf32, #tpu.memory_space<vmem_shared>> -> memref<10240x128xf32, #tpu.memory_space<vmem_shared>>
          tpu.enqueue_indirect_dma source(%dma_start3A_847 : memref<64x128xf32, #tpu.memory_space<vmem>>) target(%dma_start3A_853 : memref<10240x128xf32, #tpu.memory_space<vmem_shared>>) offsets(%dma_start3A_850 : memref<64xi32, #tpu.memory_space<vmem>>) semaphore(%run_scoped3A_843 : memref<!tpu.dma_semaphore, #tpu.memory_space<semaphore_mem>>) {add = true}
          %dma_wait3A_854 = arith.constant 0 : i32
          %dma_wait3A_855 = arith.constant 0 : i32
          %dma_wait3A_856 = tpu.memref_slice %arg8[%run_scoped3A_835, %dma_wait3A_854, %dma_wait3A_855] : memref<4x64x128xf32, #tpu.memory_space<vmem>> -> memref<1x64x128xf32, #tpu.memory_space<vmem>>
          %dma_wait3A_857 = tpu.memref_squeeze %dma_wait3A_856 : memref<1x64x128xf32, #tpu.memory_space<vmem>> -> memref<64x128xf32, #tpu.memory_space<vmem>>
          %dma_wait3A_858 = arith.constant 0 : i32
          %dma_wait3A_859 = tpu.memref_slice %arg7[%add3A_823, %dma_wait3A_858] : memref<40x64xi32, #tpu.memory_space<vmem>> -> memref<1x64xi32, #tpu.memory_space<vmem>>
          %dma_wait3A_860 = tpu.memref_squeeze %dma_wait3A_859 : memref<1x64xi32, #tpu.memory_space<vmem>> -> memref<64xi32, #tpu.memory_space<vmem>>
          %dma_wait3A_861 = arith.constant 0 : i32
          %dma_wait3A_862 = arith.constant 0 : i32
          %dma_wait3A_863 = tpu.memref_slice %arg10[%dma_wait3A_861, %dma_wait3A_862] : memref<10240x128xf32, #tpu.memory_space<vmem_shared>> -> memref<10240x128xf32, #tpu.memory_space<vmem_shared>>
          tpu.wait_indirect_dma semaphore(%run_scoped3A_843 : memref<!tpu.dma_semaphore, #tpu.memory_space<semaphore_mem>>) src(%dma_wait3A_857 : memref<64x128xf32, #tpu.memory_space<vmem>>) dst(%dma_wait3A_863 : memref<10240x128xf32, #tpu.memory_space<vmem_shared>>)
          tpu.yield
        }) : () -> ()
        %add3A_836 = arith.constant 4 : i32
        %add3A_837 = arith.addi %add3A_823, %add3A_836 : i32
        %lt3A_838 = arith.constant 40 : i32
        %lt3A_839 = arith.cmpi slt, %add3A_837, %lt3A_838 : i32
        %convert_element_type3A_840 = arith.extui %lt3A_839 : i1 to i32
        %cond3A_841 = arith.constant 0 : i32
        %cond3A_842 = arith.cmpi ne, %convert_element_type3A_840, %cond3A_841 : i32
        scf.if %cond3A_842 {
          %add3A_843 = arith.constant 4 : i32
          %add3A_844 = arith.addi %add3A_823, %add3A_843 : i32
          %dma_start3A_845 = arith.constant 3 : i32
          %dma_start3A_846 = arith.constant 0 : i32
          %dma_start3A_847 = arith.constant 0 : i32
          %dma_start3A_848 = tpu.memref_slice %arg8[%dma_start3A_845, %dma_start3A_846, %dma_start3A_847] : memref<4x64x128xf32, #tpu.memory_space<vmem>> -> memref<1x64x128xf32, #tpu.memory_space<vmem>>
          %dma_start3A_849 = tpu.memref_squeeze %dma_start3A_848 : memref<1x64x128xf32, #tpu.memory_space<vmem>> -> memref<64x128xf32, #tpu.memory_space<vmem>>
          %dma_start3A_850 = arith.constant 0 : i32
          %dma_start3A_851 = tpu.memref_slice %arg6[%add3A_844, %dma_start3A_850] : memref<40x64xi32, #tpu.memory_space<vmem>> -> memref<1x64xi32, #tpu.memory_space<vmem>>
          %dma_start3A_852 = tpu.memref_squeeze %dma_start3A_851 : memref<1x64xi32, #tpu.memory_space<vmem>> -> memref<64xi32, #tpu.memory_space<vmem>>
          %dma_start3A_853 = arith.constant 0 : i32
          %dma_start3A_854 = arith.constant 0 : i32
          %dma_start3A_855 = tpu.memref_slice %arg2[%dma_start3A_853, %dma_start3A_854] : memref<10000x128xf32, #tpu.memory_space<hbm>> -> memref<10000x128xf32, #tpu.memory_space<hbm>>
          tpu.enqueue_indirect_dma source(%dma_start3A_855 : memref<10000x128xf32, #tpu.memory_space<hbm>>) target(%dma_start3A_849 : memref<64x128xf32, #tpu.memory_space<vmem>>) offsets(%dma_start3A_852 : memref<64xi32, #tpu.memory_space<vmem>>) semaphore(%arg14 : memref<!tpu.dma_semaphore, #tpu.memory_space<semaphore_mem>>)
        } else {
        }
      }
      %scan3A_581 = arith.constant 10 : i32
      %add3A_582 = arith.constant 32 : i32
      %add3A_583 = arith.addi %add3A_582, %arg1 : i32
      %mul3A_584 = arith.constant 80 : i32
      %mul3A_585 = arith.muli %add3A_583, %mul3A_584 : i32
      %add3A_586 = arith.constant 40 : i32
      %add3A_587 = arith.addi %mul3A_585, %add3A_586 : i32
      "tpu.region"() ({
        %run_scoped3A = tpu.sem_alloc : memref<!tpu.dma_semaphore, #tpu.memory_space<semaphore_mem>>
        %dma_start3A_759 = arith.constant 0 : i32
        %dma_start3A_760 = tpu.memref_slice %arg3[%add3A_587, %dma_start3A_759] : memref<5120x64xi32, #tpu.memory_space<hbm>> -> memref<40x64xi32, #tpu.memory_space<hbm>>
        %dma_start3A_761 = arith.constant 0 : i32
        %dma_start3A_762 = tpu.memref_slice %arg3[%add3A_587, %dma_start3A_761] : memref<5120x64xi32, #tpu.memory_space<hbm>> -> memref<40x64xi32, #tpu.memory_space<hbm>>
        tpu.enqueue_dma source(%dma_start3A_762 : memref<40x64xi32, #tpu.memory_space<hbm>>) target(%arg6 : memref<40x64xi32, #tpu.memory_space<vmem>>) target_semaphore(%run_scoped3A : memref<!tpu.dma_semaphore, #tpu.memory_space<semaphore_mem>>)
        %dma_wait3A = arith.constant 0 : i32
        %dma_wait3A_763 = tpu.memref_slice %arg3[%add3A_587, %dma_wait3A] : memref<5120x64xi32, #tpu.memory_space<hbm>> -> memref<40x64xi32, #tpu.memory_space<hbm>>
        %dma_wait3A_764 = arith.constant 0 : i32
        %dma_wait3A_765 = tpu.memref_slice %arg3[%add3A_587, %dma_wait3A_764] : memref<5120x64xi32, #tpu.memory_space<hbm>> -> memref<40x64xi32, #tpu.memory_space<hbm>>
        tpu.wait_dma2 semaphore(%run_scoped3A : memref<!tpu.dma_semaphore, #tpu.memory_space<semaphore_mem>>) src(%dma_wait3A_765 : memref<40x64xi32, #tpu.memory_space<hbm>>) dst(%arg6 : memref<40x64xi32, #tpu.memory_space<vmem>>)
        tpu.yield
      }) : () -> ()
      "tpu.region"() ({
        %run_scoped3A = tpu.sem_alloc : memref<!tpu.dma_semaphore, #tpu.memory_space<semaphore_mem>>
        %dma_start3A_759 = arith.constant 0 : i32
        %dma_start3A_760 = tpu.memref_slice %arg4[%add3A_587, %dma_start3A_759] : memref<5120x64xi32, #tpu.memory_space<hbm>> -> memref<40x64xi32, #tpu.memory_space<hbm>>
        %dma_start3A_761 = arith.constant 0 : i32
        %dma_start3A_762 = tpu.memref_slice %arg4[%add3A_587, %dma_start3A_761] : memref<5120x64xi32, #tpu.memory_space<hbm>> -> memref<40x64xi32, #tpu.memory_space<hbm>>
        tpu.enqueue_dma source(%dma_start3A_762 : memref<40x64xi32, #tpu.memory_space<hbm>>) target(%arg7 : memref<40x64xi32, #tpu.memory_space<vmem>>) target_semaphore(%run_scoped3A : memref<!tpu.dma_semaphore, #tpu.memory_space<semaphore_mem>>)
        %dma_wait3A = arith.constant 0 : i32
        %dma_wait3A_763 = tpu.memref_slice %arg4[%add3A_587, %dma_wait3A] : memref<5120x64xi32, #tpu.memory_space<hbm>> -> memref<40x64xi32, #tpu.memory_space<hbm>>
        %dma_wait3A_764 = arith.constant 0 : i32
        %dma_wait3A_765 = tpu.memref_slice %arg4[%add3A_587, %dma_wait3A_764] : memref<5120x64xi32, #tpu.memory_space<hbm>> -> memref<40x64xi32, #tpu.memory_space<hbm>>
        tpu.wait_dma2 semaphore(%run_scoped3A : memref<!tpu.dma_semaphore, #tpu.memory_space<semaphore_mem>>) src(%dma_wait3A_765 : memref<40x64xi32, #tpu.memory_space<hbm>>) dst(%arg7 : memref<40x64xi32, #tpu.memory_space<vmem>>)
        tpu.yield
      }) : () -> ()
      %dma_start3A_588 = arith.constant 0 : i32
      %dma_start3A_589 = arith.constant 0 : i32
      %dma_start3A_590 = arith.constant 0 : i32
      %dma_start3A_591 = arith.constant 0 : i32
      %dma_start3A_592 = tpu.memref_slice %arg8[%dma_start3A_589, %dma_start3A_590, %dma_start3A_591] : memref<4x64x128xf32, #tpu.memory_space<vmem>> -> memref<1x64x128xf32, #tpu.memory_space<vmem>>
      %dma_start3A_593 = tpu.memref_squeeze %dma_start3A_592 : memref<1x64x128xf32, #tpu.memory_space<vmem>> -> memref<64x128xf32, #tpu.memory_space<vmem>>
      %dma_start3A_594 = arith.constant 0 : i32
      %dma_start3A_595 = tpu.memref_slice %arg6[%dma_start3A_588, %dma_start3A_594] : memref<40x64xi32, #tpu.memory_space<vmem>> -> memref<1x64xi32, #tpu.memory_space<vmem>>
      %dma_start3A_596 = tpu.memref_squeeze %dma_start3A_595 : memref<1x64xi32, #tpu.memory_space<vmem>> -> memref<64xi32, #tpu.memory_space<vmem>>
      %dma_start3A_597 = arith.constant 0 : i32
      %dma_start3A_598 = arith.constant 0 : i32
      %dma_start3A_599 = tpu.memref_slice %arg2[%dma_start3A_597, %dma_start3A_598] : memref<10000x128xf32, #tpu.memory_space<hbm>> -> memref<10000x128xf32, #tpu.memory_space<hbm>>
      tpu.enqueue_indirect_dma source(%dma_start3A_599 : memref<10000x128xf32, #tpu.memory_space<hbm>>) target(%dma_start3A_593 : memref<64x128xf32, #tpu.memory_space<vmem>>) offsets(%dma_start3A_596 : memref<64xi32, #tpu.memory_space<vmem>>) semaphore(%arg11 : memref<!tpu.dma_semaphore, #tpu.memory_space<semaphore_mem>>)
      %dma_start3A_600 = arith.constant 1 : i32
      %dma_start3A_601 = arith.constant 1 : i32
      %dma_start3A_602 = arith.constant 0 : i32
      %dma_start3A_603 = arith.constant 0 : i32
      %dma_start3A_604 = tpu.memref_slice %arg8[%dma_start3A_601, %dma_start3A_602, %dma_start3A_603] : memref<4x64x128xf32, #tpu.memory_space<vmem>> -> memref<1x64x128xf32, #tpu.memory_space<vmem>>
      %dma_start3A_605 = tpu.memref_squeeze %dma_start3A_604 : memref<1x64x128xf32, #tpu.memory_space<vmem>> -> memref<64x128xf32, #tpu.memory_space<vmem>>
      %dma_start3A_606 = arith.constant 0 : i32
      %dma_start3A_607 = tpu.memref_slice %arg6[%dma_start3A_600, %dma_start3A_606] : memref<40x64xi32, #tpu.memory_space<vmem>> -> memref<1x64xi32, #tpu.memory_space<vmem>>
      %dma_start3A_608 = tpu.memref_squeeze %dma_start3A_607 : memref<1x64xi32, #tpu.memory_space<vmem>> -> memref<64xi32, #tpu.memory_space<vmem>>
      %dma_start3A_609 = arith.constant 0 : i32
      %dma_start3A_610 = arith.constant 0 : i32
      %dma_start3A_611 = tpu.memref_slice %arg2[%dma_start3A_609, %dma_start3A_610] : memref<10000x128xf32, #tpu.memory_space<hbm>> -> memref<10000x128xf32, #tpu.memory_space<hbm>>
      tpu.enqueue_indirect_dma source(%dma_start3A_611 : memref<10000x128xf32, #tpu.memory_space<hbm>>) target(%dma_start3A_605 : memref<64x128xf32, #tpu.memory_space<vmem>>) offsets(%dma_start3A_608 : memref<64xi32, #tpu.memory_space<vmem>>) semaphore(%arg12 : memref<!tpu.dma_semaphore, #tpu.memory_space<semaphore_mem>>)
      %dma_start3A_612 = arith.constant 2 : i32
      %dma_start3A_613 = arith.constant 2 : i32
      %dma_start3A_614 = arith.constant 0 : i32
      %dma_start3A_615 = arith.constant 0 : i32
      %dma_start3A_616 = tpu.memref_slice %arg8[%dma_start3A_613, %dma_start3A_614, %dma_start3A_615] : memref<4x64x128xf32, #tpu.memory_space<vmem>> -> memref<1x64x128xf32, #tpu.memory_space<vmem>>
      %dma_start3A_617 = tpu.memref_squeeze %dma_start3A_616 : memref<1x64x128xf32, #tpu.memory_space<vmem>> -> memref<64x128xf32, #tpu.memory_space<vmem>>
      %dma_start3A_618 = arith.constant 0 : i32
      %dma_start3A_619 = tpu.memref_slice %arg6[%dma_start3A_612, %dma_start3A_618] : memref<40x64xi32, #tpu.memory_space<vmem>> -> memref<1x64xi32, #tpu.memory_space<vmem>>
      %dma_start3A_620 = tpu.memref_squeeze %dma_start3A_619 : memref<1x64xi32, #tpu.memory_space<vmem>> -> memref<64xi32, #tpu.memory_space<vmem>>
      %dma_start3A_621 = arith.constant 0 : i32
      %dma_start3A_622 = arith.constant 0 : i32
      %dma_start3A_623 = tpu.memref_slice %arg2[%dma_start3A_621, %dma_start3A_622] : memref<10000x128xf32, #tpu.memory_space<hbm>> -> memref<10000x128xf32, #tpu.memory_space<hbm>>
      tpu.enqueue_indirect_dma source(%dma_start3A_623 : memref<10000x128xf32, #tpu.memory_space<hbm>>) target(%dma_start3A_617 : memref<64x128xf32, #tpu.memory_space<vmem>>) offsets(%dma_start3A_620 : memref<64xi32, #tpu.memory_space<vmem>>) semaphore(%arg13 : memref<!tpu.dma_semaphore, #tpu.memory_space<semaphore_mem>>)
      %dma_start3A_624 = arith.constant 3 : i32
      %dma_start3A_625 = arith.constant 3 : i32
      %dma_start3A_626 = arith.constant 0 : i32
      %dma_start3A_627 = arith.constant 0 : i32
      %dma_start3A_628 = tpu.memref_slice %arg8[%dma_start3A_625, %dma_start3A_626, %dma_start3A_627] : memref<4x64x128xf32, #tpu.memory_space<vmem>> -> memref<1x64x128xf32, #tpu.memory_space<vmem>>
      %dma_start3A_629 = tpu.memref_squeeze %dma_start3A_628 : memref<1x64x128xf32, #tpu.memory_space<vmem>> -> memref<64x128xf32, #tpu.memory_space<vmem>>
      %dma_start3A_630 = arith.constant 0 : i32
      %dma_start3A_631 = tpu.memref_slice %arg6[%dma_start3A_624, %dma_start3A_630] : memref<40x64xi32, #tpu.memory_space<vmem>> -> memref<1x64xi32, #tpu.memory_space<vmem>>
      %dma_start3A_632 = tpu.memref_squeeze %dma_start3A_631 : memref<1x64xi32, #tpu.memory_space<vmem>> -> memref<64xi32, #tpu.memory_space<vmem>>
      %dma_start3A_633 = arith.constant 0 : i32
      %dma_start3A_634 = arith.constant 0 : i32
      %dma_start3A_635 = tpu.memref_slice %arg2[%dma_start3A_633, %dma_start3A_634] : memref<10000x128xf32, #tpu.memory_space<hbm>> -> memref<10000x128xf32, #tpu.memory_space<hbm>>
      tpu.enqueue_indirect_dma source(%dma_start3A_635 : memref<10000x128xf32, #tpu.memory_space<hbm>>) target(%dma_start3A_629 : memref<64x128xf32, #tpu.memory_space<vmem>>) offsets(%dma_start3A_632 : memref<64xi32, #tpu.memory_space<vmem>>) semaphore(%arg14 : memref<!tpu.dma_semaphore, #tpu.memory_space<semaphore_mem>>)
      %scan3A_636 = arith.constant 0 : i32
      %scan3A_637 = arith.constant 10 : i32
      %scan3A_638 = arith.addi %scan3A_636, %scan3A_637 : i32
      %scan3A_639 = arith.constant 1 : i32
      scf.for %scan3A_759 = %scan3A_636 to %scan3A_638 step %scan3A_639  : i32 {
        %mul3A_760 = arith.constant 4 : i32
        %mul3A_761 = arith.muli %mul3A_760, %scan3A_759 : i32
        %add3A_762 = arith.constant 0 : i32
        %add3A_763 = arith.addi %mul3A_761, %add3A_762 : i32
        %dma_wait3A = arith.constant 0 : i32
        %dma_wait3A_764 = arith.constant 0 : i32
        %dma_wait3A_765 = arith.constant 0 : i32
        %dma_wait3A_766 = tpu.memref_slice %arg8[%dma_wait3A, %dma_wait3A_764, %dma_wait3A_765] : memref<4x64x128xf32, #tpu.memory_space<vmem>> -> memref<1x64x128xf32, #tpu.memory_space<vmem>>
        %dma_wait3A_767 = tpu.memref_squeeze %dma_wait3A_766 : memref<1x64x128xf32, #tpu.memory_space<vmem>> -> memref<64x128xf32, #tpu.memory_space<vmem>>
        %dma_wait3A_768 = arith.constant 0 : i32
        %dma_wait3A_769 = tpu.memref_slice %arg6[%add3A_763, %dma_wait3A_768] : memref<40x64xi32, #tpu.memory_space<vmem>> -> memref<1x64xi32, #tpu.memory_space<vmem>>
        %dma_wait3A_770 = tpu.memref_squeeze %dma_wait3A_769 : memref<1x64xi32, #tpu.memory_space<vmem>> -> memref<64xi32, #tpu.memory_space<vmem>>
        %dma_wait3A_771 = arith.constant 0 : i32
        %dma_wait3A_772 = arith.constant 0 : i32
        %dma_wait3A_773 = tpu.memref_slice %arg2[%dma_wait3A_771, %dma_wait3A_772] : memref<10000x128xf32, #tpu.memory_space<hbm>> -> memref<10000x128xf32, #tpu.memory_space<hbm>>
        tpu.wait_indirect_dma semaphore(%arg11 : memref<!tpu.dma_semaphore, #tpu.memory_space<semaphore_mem>>) src(%dma_wait3A_773 : memref<10000x128xf32, #tpu.memory_space<hbm>>) dst(%dma_wait3A_767 : memref<64x128xf32, #tpu.memory_space<vmem>>)
        %run_scoped3A = arith.constant 0 : i32
        "tpu.region"() ({
          %run_scoped3A_843 = tpu.sem_alloc : memref<!tpu.dma_semaphore, #tpu.memory_space<semaphore_mem>>
          %dma_start3A_844 = arith.constant 0 : i32
          %dma_start3A_845 = arith.constant 0 : i32
          %dma_start3A_846 = tpu.memref_slice %arg8[%run_scoped3A, %dma_start3A_844, %dma_start3A_845] : memref<4x64x128xf32, #tpu.memory_space<vmem>> -> memref<1x64x128xf32, #tpu.memory_space<vmem>>
          %dma_start3A_847 = tpu.memref_squeeze %dma_start3A_846 : memref<1x64x128xf32, #tpu.memory_space<vmem>> -> memref<64x128xf32, #tpu.memory_space<vmem>>
          %dma_start3A_848 = arith.constant 0 : i32
          %dma_start3A_849 = tpu.memref_slice %arg7[%add3A_763, %dma_start3A_848] : memref<40x64xi32, #tpu.memory_space<vmem>> -> memref<1x64xi32, #tpu.memory_space<vmem>>
          %dma_start3A_850 = tpu.memref_squeeze %dma_start3A_849 : memref<1x64xi32, #tpu.memory_space<vmem>> -> memref<64xi32, #tpu.memory_space<vmem>>
          %dma_start3A_851 = arith.constant 0 : i32
          %dma_start3A_852 = arith.constant 0 : i32
          %dma_start3A_853 = tpu.memref_slice %arg10[%dma_start3A_851, %dma_start3A_852] : memref<10240x128xf32, #tpu.memory_space<vmem_shared>> -> memref<10240x128xf32, #tpu.memory_space<vmem_shared>>
          tpu.enqueue_indirect_dma source(%dma_start3A_847 : memref<64x128xf32, #tpu.memory_space<vmem>>) target(%dma_start3A_853 : memref<10240x128xf32, #tpu.memory_space<vmem_shared>>) offsets(%dma_start3A_850 : memref<64xi32, #tpu.memory_space<vmem>>) semaphore(%run_scoped3A_843 : memref<!tpu.dma_semaphore, #tpu.memory_space<semaphore_mem>>) {add = true}
          %dma_wait3A_854 = arith.constant 0 : i32
          %dma_wait3A_855 = arith.constant 0 : i32
          %dma_wait3A_856 = tpu.memref_slice %arg8[%run_scoped3A, %dma_wait3A_854, %dma_wait3A_855] : memref<4x64x128xf32, #tpu.memory_space<vmem>> -> memref<1x64x128xf32, #tpu.memory_space<vmem>>
          %dma_wait3A_857 = tpu.memref_squeeze %dma_wait3A_856 : memref<1x64x128xf32, #tpu.memory_space<vmem>> -> memref<64x128xf32, #tpu.memory_space<vmem>>
          %dma_wait3A_858 = arith.constant 0 : i32
          %dma_wait3A_859 = tpu.memref_slice %arg7[%add3A_763, %dma_wait3A_858] : memref<40x64xi32, #tpu.memory_space<vmem>> -> memref<1x64xi32, #tpu.memory_space<vmem>>
          %dma_wait3A_860 = tpu.memref_squeeze %dma_wait3A_859 : memref<1x64xi32, #tpu.memory_space<vmem>> -> memref<64xi32, #tpu.memory_space<vmem>>
          %dma_wait3A_861 = arith.constant 0 : i32
          %dma_wait3A_862 = arith.constant 0 : i32
          %dma_wait3A_863 = tpu.memref_slice %arg10[%dma_wait3A_861, %dma_wait3A_862] : memref<10240x128xf32, #tpu.memory_space<vmem_shared>> -> memref<10240x128xf32, #tpu.memory_space<vmem_shared>>
          tpu.wait_indirect_dma semaphore(%run_scoped3A_843 : memref<!tpu.dma_semaphore, #tpu.memory_space<semaphore_mem>>) src(%dma_wait3A_857 : memref<64x128xf32, #tpu.memory_space<vmem>>) dst(%dma_wait3A_863 : memref<10240x128xf32, #tpu.memory_space<vmem_shared>>)
          tpu.yield
        }) : () -> ()
        %add3A_774 = arith.constant 4 : i32
        %add3A_775 = arith.addi %add3A_763, %add3A_774 : i32
        %lt3A = arith.constant 40 : i32
        %lt3A_776 = arith.cmpi slt, %add3A_775, %lt3A : i32
        %convert_element_type3A_777 = arith.extui %lt3A_776 : i1 to i32
        %cond3A_778 = arith.constant 0 : i32
        %cond3A_779 = arith.cmpi ne, %convert_element_type3A_777, %cond3A_778 : i32
        scf.if %cond3A_779 {
          %add3A_843 = arith.constant 4 : i32
          %add3A_844 = arith.addi %add3A_763, %add3A_843 : i32
          %dma_start3A_845 = arith.constant 0 : i32
          %dma_start3A_846 = arith.constant 0 : i32
          %dma_start3A_847 = arith.constant 0 : i32
          %dma_start3A_848 = tpu.memref_slice %arg8[%dma_start3A_845, %dma_start3A_846, %dma_start3A_847] : memref<4x64x128xf32, #tpu.memory_space<vmem>> -> memref<1x64x128xf32, #tpu.memory_space<vmem>>
          %dma_start3A_849 = tpu.memref_squeeze %dma_start3A_848 : memref<1x64x128xf32, #tpu.memory_space<vmem>> -> memref<64x128xf32, #tpu.memory_space<vmem>>
          %dma_start3A_850 = arith.constant 0 : i32
          %dma_start3A_851 = tpu.memref_slice %arg6[%add3A_844, %dma_start3A_850] : memref<40x64xi32, #tpu.memory_space<vmem>> -> memref<1x64xi32, #tpu.memory_space<vmem>>
          %dma_start3A_852 = tpu.memref_squeeze %dma_start3A_851 : memref<1x64xi32, #tpu.memory_space<vmem>> -> memref<64xi32, #tpu.memory_space<vmem>>
          %dma_start3A_853 = arith.constant 0 : i32
          %dma_start3A_854 = arith.constant 0 : i32
          %dma_start3A_855 = tpu.memref_slice %arg2[%dma_start3A_853, %dma_start3A_854] : memref<10000x128xf32, #tpu.memory_space<hbm>> -> memref<10000x128xf32, #tpu.memory_space<hbm>>
          tpu.enqueue_indirect_dma source(%dma_start3A_855 : memref<10000x128xf32, #tpu.memory_space<hbm>>) target(%dma_start3A_849 : memref<64x128xf32, #tpu.memory_space<vmem>>) offsets(%dma_start3A_852 : memref<64xi32, #tpu.memory_space<vmem>>) semaphore(%arg11 : memref<!tpu.dma_semaphore, #tpu.memory_space<semaphore_mem>>)
        } else {
        }
        %add3A_780 = arith.constant 1 : i32
        %add3A_781 = arith.addi %mul3A_761, %add3A_780 : i32
        %dma_wait3A_782 = arith.constant 1 : i32
        %dma_wait3A_783 = arith.constant 0 : i32
        %dma_wait3A_784 = arith.constant 0 : i32
        %dma_wait3A_785 = tpu.memref_slice %arg8[%dma_wait3A_782, %dma_wait3A_783, %dma_wait3A_784] : memref<4x64x128xf32, #tpu.memory_space<vmem>> -> memref<1x64x128xf32, #tpu.memory_space<vmem>>
        %dma_wait3A_786 = tpu.memref_squeeze %dma_wait3A_785 : memref<1x64x128xf32, #tpu.memory_space<vmem>> -> memref<64x128xf32, #tpu.memory_space<vmem>>
        %dma_wait3A_787 = arith.constant 0 : i32
        %dma_wait3A_788 = tpu.memref_slice %arg6[%add3A_781, %dma_wait3A_787] : memref<40x64xi32, #tpu.memory_space<vmem>> -> memref<1x64xi32, #tpu.memory_space<vmem>>
        %dma_wait3A_789 = tpu.memref_squeeze %dma_wait3A_788 : memref<1x64xi32, #tpu.memory_space<vmem>> -> memref<64xi32, #tpu.memory_space<vmem>>
        %dma_wait3A_790 = arith.constant 0 : i32
        %dma_wait3A_791 = arith.constant 0 : i32
        %dma_wait3A_792 = tpu.memref_slice %arg2[%dma_wait3A_790, %dma_wait3A_791] : memref<10000x128xf32, #tpu.memory_space<hbm>> -> memref<10000x128xf32, #tpu.memory_space<hbm>>
        tpu.wait_indirect_dma semaphore(%arg12 : memref<!tpu.dma_semaphore, #tpu.memory_space<semaphore_mem>>) src(%dma_wait3A_792 : memref<10000x128xf32, #tpu.memory_space<hbm>>) dst(%dma_wait3A_786 : memref<64x128xf32, #tpu.memory_space<vmem>>)
        %run_scoped3A_793 = arith.constant 1 : i32
        "tpu.region"() ({
          %run_scoped3A_843 = tpu.sem_alloc : memref<!tpu.dma_semaphore, #tpu.memory_space<semaphore_mem>>
          %dma_start3A_844 = arith.constant 0 : i32
          %dma_start3A_845 = arith.constant 0 : i32
          %dma_start3A_846 = tpu.memref_slice %arg8[%run_scoped3A_793, %dma_start3A_844, %dma_start3A_845] : memref<4x64x128xf32, #tpu.memory_space<vmem>> -> memref<1x64x128xf32, #tpu.memory_space<vmem>>
          %dma_start3A_847 = tpu.memref_squeeze %dma_start3A_846 : memref<1x64x128xf32, #tpu.memory_space<vmem>> -> memref<64x128xf32, #tpu.memory_space<vmem>>
          %dma_start3A_848 = arith.constant 0 : i32
          %dma_start3A_849 = tpu.memref_slice %arg7[%add3A_781, %dma_start3A_848] : memref<40x64xi32, #tpu.memory_space<vmem>> -> memref<1x64xi32, #tpu.memory_space<vmem>>
          %dma_start3A_850 = tpu.memref_squeeze %dma_start3A_849 : memref<1x64xi32, #tpu.memory_space<vmem>> -> memref<64xi32, #tpu.memory_space<vmem>>
          %dma_start3A_851 = arith.constant 0 : i32
          %dma_start3A_852 = arith.constant 0 : i32
          %dma_start3A_853 = tpu.memref_slice %arg10[%dma_start3A_851, %dma_start3A_852] : memref<10240x128xf32, #tpu.memory_space<vmem_shared>> -> memref<10240x128xf32, #tpu.memory_space<vmem_shared>>
          tpu.enqueue_indirect_dma source(%dma_start3A_847 : memref<64x128xf32, #tpu.memory_space<vmem>>) target(%dma_start3A_853 : memref<10240x128xf32, #tpu.memory_space<vmem_shared>>) offsets(%dma_start3A_850 : memref<64xi32, #tpu.memory_space<vmem>>) semaphore(%run_scoped3A_843 : memref<!tpu.dma_semaphore, #tpu.memory_space<semaphore_mem>>) {add = true}
          %dma_wait3A_854 = arith.constant 0 : i32
          %dma_wait3A_855 = arith.constant 0 : i32
          %dma_wait3A_856 = tpu.memref_slice %arg8[%run_scoped3A_793, %dma_wait3A_854, %dma_wait3A_855] : memref<4x64x128xf32, #tpu.memory_space<vmem>> -> memref<1x64x128xf32, #tpu.memory_space<vmem>>
          %dma_wait3A_857 = tpu.memref_squeeze %dma_wait3A_856 : memref<1x64x128xf32, #tpu.memory_space<vmem>> -> memref<64x128xf32, #tpu.memory_space<vmem>>
          %dma_wait3A_858 = arith.constant 0 : i32
          %dma_wait3A_859 = tpu.memref_slice %arg7[%add3A_781, %dma_wait3A_858] : memref<40x64xi32, #tpu.memory_space<vmem>> -> memref<1x64xi32, #tpu.memory_space<vmem>>
          %dma_wait3A_860 = tpu.memref_squeeze %dma_wait3A_859 : memref<1x64xi32, #tpu.memory_space<vmem>> -> memref<64xi32, #tpu.memory_space<vmem>>
          %dma_wait3A_861 = arith.constant 0 : i32
          %dma_wait3A_862 = arith.constant 0 : i32
          %dma_wait3A_863 = tpu.memref_slice %arg10[%dma_wait3A_861, %dma_wait3A_862] : memref<10240x128xf32, #tpu.memory_space<vmem_shared>> -> memref<10240x128xf32, #tpu.memory_space<vmem_shared>>
          tpu.wait_indirect_dma semaphore(%run_scoped3A_843 : memref<!tpu.dma_semaphore, #tpu.memory_space<semaphore_mem>>) src(%dma_wait3A_857 : memref<64x128xf32, #tpu.memory_space<vmem>>) dst(%dma_wait3A_863 : memref<10240x128xf32, #tpu.memory_space<vmem_shared>>)
          tpu.yield
        }) : () -> ()
        %add3A_794 = arith.constant 4 : i32
        %add3A_795 = arith.addi %add3A_781, %add3A_794 : i32
        %lt3A_796 = arith.constant 40 : i32
        %lt3A_797 = arith.cmpi slt, %add3A_795, %lt3A_796 : i32
        %convert_element_type3A_798 = arith.extui %lt3A_797 : i1 to i32
        %cond3A_799 = arith.constant 0 : i32
        %cond3A_800 = arith.cmpi ne, %convert_element_type3A_798, %cond3A_799 : i32
        scf.if %cond3A_800 {
          %add3A_843 = arith.constant 4 : i32
          %add3A_844 = arith.addi %add3A_781, %add3A_843 : i32
          %dma_start3A_845 = arith.constant 1 : i32
          %dma_start3A_846 = arith.constant 0 : i32
          %dma_start3A_847 = arith.constant 0 : i32
          %dma_start3A_848 = tpu.memref_slice %arg8[%dma_start3A_845, %dma_start3A_846, %dma_start3A_847] : memref<4x64x128xf32, #tpu.memory_space<vmem>> -> memref<1x64x128xf32, #tpu.memory_space<vmem>>
          %dma_start3A_849 = tpu.memref_squeeze %dma_start3A_848 : memref<1x64x128xf32, #tpu.memory_space<vmem>> -> memref<64x128xf32, #tpu.memory_space<vmem>>
          %dma_start3A_850 = arith.constant 0 : i32
          %dma_start3A_851 = tpu.memref_slice %arg6[%add3A_844, %dma_start3A_850] : memref<40x64xi32, #tpu.memory_space<vmem>> -> memref<1x64xi32, #tpu.memory_space<vmem>>
          %dma_start3A_852 = tpu.memref_squeeze %dma_start3A_851 : memref<1x64xi32, #tpu.memory_space<vmem>> -> memref<64xi32, #tpu.memory_space<vmem>>
          %dma_start3A_853 = arith.constant 0 : i32
          %dma_start3A_854 = arith.constant 0 : i32
          %dma_start3A_855 = tpu.memref_slice %arg2[%dma_start3A_853, %dma_start3A_854] : memref<10000x128xf32, #tpu.memory_space<hbm>> -> memref<10000x128xf32, #tpu.memory_space<hbm>>
          tpu.enqueue_indirect_dma source(%dma_start3A_855 : memref<10000x128xf32, #tpu.memory_space<hbm>>) target(%dma_start3A_849 : memref<64x128xf32, #tpu.memory_space<vmem>>) offsets(%dma_start3A_852 : memref<64xi32, #tpu.memory_space<vmem>>) semaphore(%arg12 : memref<!tpu.dma_semaphore, #tpu.memory_space<semaphore_mem>>)
        } else {
        }
        %add3A_801 = arith.constant 2 : i32
        %add3A_802 = arith.addi %mul3A_761, %add3A_801 : i32
        %dma_wait3A_803 = arith.constant 2 : i32
        %dma_wait3A_804 = arith.constant 0 : i32
        %dma_wait3A_805 = arith.constant 0 : i32
        %dma_wait3A_806 = tpu.memref_slice %arg8[%dma_wait3A_803, %dma_wait3A_804, %dma_wait3A_805] : memref<4x64x128xf32, #tpu.memory_space<vmem>> -> memref<1x64x128xf32, #tpu.memory_space<vmem>>
        %dma_wait3A_807 = tpu.memref_squeeze %dma_wait3A_806 : memref<1x64x128xf32, #tpu.memory_space<vmem>> -> memref<64x128xf32, #tpu.memory_space<vmem>>
        %dma_wait3A_808 = arith.constant 0 : i32
        %dma_wait3A_809 = tpu.memref_slice %arg6[%add3A_802, %dma_wait3A_808] : memref<40x64xi32, #tpu.memory_space<vmem>> -> memref<1x64xi32, #tpu.memory_space<vmem>>
        %dma_wait3A_810 = tpu.memref_squeeze %dma_wait3A_809 : memref<1x64xi32, #tpu.memory_space<vmem>> -> memref<64xi32, #tpu.memory_space<vmem>>
        %dma_wait3A_811 = arith.constant 0 : i32
        %dma_wait3A_812 = arith.constant 0 : i32
        %dma_wait3A_813 = tpu.memref_slice %arg2[%dma_wait3A_811, %dma_wait3A_812] : memref<10000x128xf32, #tpu.memory_space<hbm>> -> memref<10000x128xf32, #tpu.memory_space<hbm>>
        tpu.wait_indirect_dma semaphore(%arg13 : memref<!tpu.dma_semaphore, #tpu.memory_space<semaphore_mem>>) src(%dma_wait3A_813 : memref<10000x128xf32, #tpu.memory_space<hbm>>) dst(%dma_wait3A_807 : memref<64x128xf32, #tpu.memory_space<vmem>>)
        %run_scoped3A_814 = arith.constant 2 : i32
        "tpu.region"() ({
          %run_scoped3A_843 = tpu.sem_alloc : memref<!tpu.dma_semaphore, #tpu.memory_space<semaphore_mem>>
          %dma_start3A_844 = arith.constant 0 : i32
          %dma_start3A_845 = arith.constant 0 : i32
          %dma_start3A_846 = tpu.memref_slice %arg8[%run_scoped3A_814, %dma_start3A_844, %dma_start3A_845] : memref<4x64x128xf32, #tpu.memory_space<vmem>> -> memref<1x64x128xf32, #tpu.memory_space<vmem>>
          %dma_start3A_847 = tpu.memref_squeeze %dma_start3A_846 : memref<1x64x128xf32, #tpu.memory_space<vmem>> -> memref<64x128xf32, #tpu.memory_space<vmem>>
          %dma_start3A_848 = arith.constant 0 : i32
          %dma_start3A_849 = tpu.memref_slice %arg7[%add3A_802, %dma_start3A_848] : memref<40x64xi32, #tpu.memory_space<vmem>> -> memref<1x64xi32, #tpu.memory_space<vmem>>
          %dma_start3A_850 = tpu.memref_squeeze %dma_start3A_849 : memref<1x64xi32, #tpu.memory_space<vmem>> -> memref<64xi32, #tpu.memory_space<vmem>>
          %dma_start3A_851 = arith.constant 0 : i32
          %dma_start3A_852 = arith.constant 0 : i32
          %dma_start3A_853 = tpu.memref_slice %arg10[%dma_start3A_851, %dma_start3A_852] : memref<10240x128xf32, #tpu.memory_space<vmem_shared>> -> memref<10240x128xf32, #tpu.memory_space<vmem_shared>>
          tpu.enqueue_indirect_dma source(%dma_start3A_847 : memref<64x128xf32, #tpu.memory_space<vmem>>) target(%dma_start3A_853 : memref<10240x128xf32, #tpu.memory_space<vmem_shared>>) offsets(%dma_start3A_850 : memref<64xi32, #tpu.memory_space<vmem>>) semaphore(%run_scoped3A_843 : memref<!tpu.dma_semaphore, #tpu.memory_space<semaphore_mem>>) {add = true}
          %dma_wait3A_854 = arith.constant 0 : i32
          %dma_wait3A_855 = arith.constant 0 : i32
          %dma_wait3A_856 = tpu.memref_slice %arg8[%run_scoped3A_814, %dma_wait3A_854, %dma_wait3A_855] : memref<4x64x128xf32, #tpu.memory_space<vmem>> -> memref<1x64x128xf32, #tpu.memory_space<vmem>>
          %dma_wait3A_857 = tpu.memref_squeeze %dma_wait3A_856 : memref<1x64x128xf32, #tpu.memory_space<vmem>> -> memref<64x128xf32, #tpu.memory_space<vmem>>
          %dma_wait3A_858 = arith.constant 0 : i32
          %dma_wait3A_859 = tpu.memref_slice %arg7[%add3A_802, %dma_wait3A_858] : memref<40x64xi32, #tpu.memory_space<vmem>> -> memref<1x64xi32, #tpu.memory_space<vmem>>
          %dma_wait3A_860 = tpu.memref_squeeze %dma_wait3A_859 : memref<1x64xi32, #tpu.memory_space<vmem>> -> memref<64xi32, #tpu.memory_space<vmem>>
          %dma_wait3A_861 = arith.constant 0 : i32
          %dma_wait3A_862 = arith.constant 0 : i32
          %dma_wait3A_863 = tpu.memref_slice %arg10[%dma_wait3A_861, %dma_wait3A_862] : memref<10240x128xf32, #tpu.memory_space<vmem_shared>> -> memref<10240x128xf32, #tpu.memory_space<vmem_shared>>
          tpu.wait_indirect_dma semaphore(%run_scoped3A_843 : memref<!tpu.dma_semaphore, #tpu.memory_space<semaphore_mem>>) src(%dma_wait3A_857 : memref<64x128xf32, #tpu.memory_space<vmem>>) dst(%dma_wait3A_863 : memref<10240x128xf32, #tpu.memory_space<vmem_shared>>)
          tpu.yield
        }) : () -> ()
        %add3A_815 = arith.constant 4 : i32
        %add3A_816 = arith.addi %add3A_802, %add3A_815 : i32
        %lt3A_817 = arith.constant 40 : i32
        %lt3A_818 = arith.cmpi slt, %add3A_816, %lt3A_817 : i32
        %convert_element_type3A_819 = arith.extui %lt3A_818 : i1 to i32
        %cond3A_820 = arith.constant 0 : i32
        %cond3A_821 = arith.cmpi ne, %convert_element_type3A_819, %cond3A_820 : i32
        scf.if %cond3A_821 {
          %add3A_843 = arith.constant 4 : i32
          %add3A_844 = arith.addi %add3A_802, %add3A_843 : i32
          %dma_start3A_845 = arith.constant 2 : i32
          %dma_start3A_846 = arith.constant 0 : i32
          %dma_start3A_847 = arith.constant 0 : i32
          %dma_start3A_848 = tpu.memref_slice %arg8[%dma_start3A_845, %dma_start3A_846, %dma_start3A_847] : memref<4x64x128xf32, #tpu.memory_space<vmem>> -> memref<1x64x128xf32, #tpu.memory_space<vmem>>
          %dma_start3A_849 = tpu.memref_squeeze %dma_start3A_848 : memref<1x64x128xf32, #tpu.memory_space<vmem>> -> memref<64x128xf32, #tpu.memory_space<vmem>>
          %dma_start3A_850 = arith.constant 0 : i32
          %dma_start3A_851 = tpu.memref_slice %arg6[%add3A_844, %dma_start3A_850] : memref<40x64xi32, #tpu.memory_space<vmem>> -> memref<1x64xi32, #tpu.memory_space<vmem>>
          %dma_start3A_852 = tpu.memref_squeeze %dma_start3A_851 : memref<1x64xi32, #tpu.memory_space<vmem>> -> memref<64xi32, #tpu.memory_space<vmem>>
          %dma_start3A_853 = arith.constant 0 : i32
          %dma_start3A_854 = arith.constant 0 : i32
          %dma_start3A_855 = tpu.memref_slice %arg2[%dma_start3A_853, %dma_start3A_854] : memref<10000x128xf32, #tpu.memory_space<hbm>> -> memref<10000x128xf32, #tpu.memory_space<hbm>>
          tpu.enqueue_indirect_dma source(%dma_start3A_855 : memref<10000x128xf32, #tpu.memory_space<hbm>>) target(%dma_start3A_849 : memref<64x128xf32, #tpu.memory_space<vmem>>) offsets(%dma_start3A_852 : memref<64xi32, #tpu.memory_space<vmem>>) semaphore(%arg13 : memref<!tpu.dma_semaphore, #tpu.memory_space<semaphore_mem>>)
        } else {
        }
        %add3A_822 = arith.constant 3 : i32
        %add3A_823 = arith.addi %mul3A_761, %add3A_822 : i32
        %dma_wait3A_824 = arith.constant 3 : i32
        %dma_wait3A_825 = arith.constant 0 : i32
        %dma_wait3A_826 = arith.constant 0 : i32
        %dma_wait3A_827 = tpu.memref_slice %arg8[%dma_wait3A_824, %dma_wait3A_825, %dma_wait3A_826] : memref<4x64x128xf32, #tpu.memory_space<vmem>> -> memref<1x64x128xf32, #tpu.memory_space<vmem>>
        %dma_wait3A_828 = tpu.memref_squeeze %dma_wait3A_827 : memref<1x64x128xf32, #tpu.memory_space<vmem>> -> memref<64x128xf32, #tpu.memory_space<vmem>>
        %dma_wait3A_829 = arith.constant 0 : i32
        %dma_wait3A_830 = tpu.memref_slice %arg6[%add3A_823, %dma_wait3A_829] : memref<40x64xi32, #tpu.memory_space<vmem>> -> memref<1x64xi32, #tpu.memory_space<vmem>>
        %dma_wait3A_831 = tpu.memref_squeeze %dma_wait3A_830 : memref<1x64xi32, #tpu.memory_space<vmem>> -> memref<64xi32, #tpu.memory_space<vmem>>
        %dma_wait3A_832 = arith.constant 0 : i32
        %dma_wait3A_833 = arith.constant 0 : i32
        %dma_wait3A_834 = tpu.memref_slice %arg2[%dma_wait3A_832, %dma_wait3A_833] : memref<10000x128xf32, #tpu.memory_space<hbm>> -> memref<10000x128xf32, #tpu.memory_space<hbm>>
        tpu.wait_indirect_dma semaphore(%arg14 : memref<!tpu.dma_semaphore, #tpu.memory_space<semaphore_mem>>) src(%dma_wait3A_834 : memref<10000x128xf32, #tpu.memory_space<hbm>>) dst(%dma_wait3A_828 : memref<64x128xf32, #tpu.memory_space<vmem>>)
        %run_scoped3A_835 = arith.constant 3 : i32
        "tpu.region"() ({
          %run_scoped3A_843 = tpu.sem_alloc : memref<!tpu.dma_semaphore, #tpu.memory_space<semaphore_mem>>
          %dma_start3A_844 = arith.constant 0 : i32
          %dma_start3A_845 = arith.constant 0 : i32
          %dma_start3A_846 = tpu.memref_slice %arg8[%run_scoped3A_835, %dma_start3A_844, %dma_start3A_845] : memref<4x64x128xf32, #tpu.memory_space<vmem>> -> memref<1x64x128xf32, #tpu.memory_space<vmem>>
          %dma_start3A_847 = tpu.memref_squeeze %dma_start3A_846 : memref<1x64x128xf32, #tpu.memory_space<vmem>> -> memref<64x128xf32, #tpu.memory_space<vmem>>
          %dma_start3A_848 = arith.constant 0 : i32
          %dma_start3A_849 = tpu.memref_slice %arg7[%add3A_823, %dma_start3A_848] : memref<40x64xi32, #tpu.memory_space<vmem>> -> memref<1x64xi32, #tpu.memory_space<vmem>>
          %dma_start3A_850 = tpu.memref_squeeze %dma_start3A_849 : memref<1x64xi32, #tpu.memory_space<vmem>> -> memref<64xi32, #tpu.memory_space<vmem>>
          %dma_start3A_851 = arith.constant 0 : i32
          %dma_start3A_852 = arith.constant 0 : i32
          %dma_start3A_853 = tpu.memref_slice %arg10[%dma_start3A_851, %dma_start3A_852] : memref<10240x128xf32, #tpu.memory_space<vmem_shared>> -> memref<10240x128xf32, #tpu.memory_space<vmem_shared>>
          tpu.enqueue_indirect_dma source(%dma_start3A_847 : memref<64x128xf32, #tpu.memory_space<vmem>>) target(%dma_start3A_853 : memref<10240x128xf32, #tpu.memory_space<vmem_shared>>) offsets(%dma_start3A_850 : memref<64xi32, #tpu.memory_space<vmem>>) semaphore(%run_scoped3A_843 : memref<!tpu.dma_semaphore, #tpu.memory_space<semaphore_mem>>) {add = true}
          %dma_wait3A_854 = arith.constant 0 : i32
          %dma_wait3A_855 = arith.constant 0 : i32
          %dma_wait3A_856 = tpu.memref_slice %arg8[%run_scoped3A_835, %dma_wait3A_854, %dma_wait3A_855] : memref<4x64x128xf32, #tpu.memory_space<vmem>> -> memref<1x64x128xf32, #tpu.memory_space<vmem>>
          %dma_wait3A_857 = tpu.memref_squeeze %dma_wait3A_856 : memref<1x64x128xf32, #tpu.memory_space<vmem>> -> memref<64x128xf32, #tpu.memory_space<vmem>>
          %dma_wait3A_858 = arith.constant 0 : i32
          %dma_wait3A_859 = tpu.memref_slice %arg7[%add3A_823, %dma_wait3A_858] : memref<40x64xi32, #tpu.memory_space<vmem>> -> memref<1x64xi32, #tpu.memory_space<vmem>>
          %dma_wait3A_860 = tpu.memref_squeeze %dma_wait3A_859 : memref<1x64xi32, #tpu.memory_space<vmem>> -> memref<64xi32, #tpu.memory_space<vmem>>
          %dma_wait3A_861 = arith.constant 0 : i32
          %dma_wait3A_862 = arith.constant 0 : i32
          %dma_wait3A_863 = tpu.memref_slice %arg10[%dma_wait3A_861, %dma_wait3A_862] : memref<10240x128xf32, #tpu.memory_space<vmem_shared>> -> memref<10240x128xf32, #tpu.memory_space<vmem_shared>>
          tpu.wait_indirect_dma semaphore(%run_scoped3A_843 : memref<!tpu.dma_semaphore, #tpu.memory_space<semaphore_mem>>) src(%dma_wait3A_857 : memref<64x128xf32, #tpu.memory_space<vmem>>) dst(%dma_wait3A_863 : memref<10240x128xf32, #tpu.memory_space<vmem_shared>>)
          tpu.yield
        }) : () -> ()
        %add3A_836 = arith.constant 4 : i32
        %add3A_837 = arith.addi %add3A_823, %add3A_836 : i32
        %lt3A_838 = arith.constant 40 : i32
        %lt3A_839 = arith.cmpi slt, %add3A_837, %lt3A_838 : i32
        %convert_element_type3A_840 = arith.extui %lt3A_839 : i1 to i32
        %cond3A_841 = arith.constant 0 : i32
        %cond3A_842 = arith.cmpi ne, %convert_element_type3A_840, %cond3A_841 : i32
        scf.if %cond3A_842 {
          %add3A_843 = arith.constant 4 : i32
          %add3A_844 = arith.addi %add3A_823, %add3A_843 : i32
          %dma_start3A_845 = arith.constant 3 : i32
          %dma_start3A_846 = arith.constant 0 : i32
          %dma_start3A_847 = arith.constant 0 : i32
          %dma_start3A_848 = tpu.memref_slice %arg8[%dma_start3A_845, %dma_start3A_846, %dma_start3A_847] : memref<4x64x128xf32, #tpu.memory_space<vmem>> -> memref<1x64x128xf32, #tpu.memory_space<vmem>>
          %dma_start3A_849 = tpu.memref_squeeze %dma_start3A_848 : memref<1x64x128xf32, #tpu.memory_space<vmem>> -> memref<64x128xf32, #tpu.memory_space<vmem>>
          %dma_start3A_850 = arith.constant 0 : i32
          %dma_start3A_851 = tpu.memref_slice %arg6[%add3A_844, %dma_start3A_850] : memref<40x64xi32, #tpu.memory_space<vmem>> -> memref<1x64xi32, #tpu.memory_space<vmem>>
          %dma_start3A_852 = tpu.memref_squeeze %dma_start3A_851 : memref<1x64xi32, #tpu.memory_space<vmem>> -> memref<64xi32, #tpu.memory_space<vmem>>
          %dma_start3A_853 = arith.constant 0 : i32
          %dma_start3A_854 = arith.constant 0 : i32
          %dma_start3A_855 = tpu.memref_slice %arg2[%dma_start3A_853, %dma_start3A_854] : memref<10000x128xf32, #tpu.memory_space<hbm>> -> memref<10000x128xf32, #tpu.memory_space<hbm>>
          tpu.enqueue_indirect_dma source(%dma_start3A_855 : memref<10000x128xf32, #tpu.memory_space<hbm>>) target(%dma_start3A_849 : memref<64x128xf32, #tpu.memory_space<vmem>>) offsets(%dma_start3A_852 : memref<64xi32, #tpu.memory_space<vmem>>) semaphore(%arg14 : memref<!tpu.dma_semaphore, #tpu.memory_space<semaphore_mem>>)
        } else {
        }
      }
      %scan3A_640 = arith.constant 10 : i32
      %add3A_641 = arith.constant 48 : i32
      %add3A_642 = arith.addi %add3A_641, %arg1 : i32
      %mul3A_643 = arith.constant 80 : i32
      %mul3A_644 = arith.muli %add3A_642, %mul3A_643 : i32
      %add3A_645 = arith.constant 0 : i32
      %add3A_646 = arith.addi %mul3A_644, %add3A_645 : i32
      "tpu.region"() ({
        %run_scoped3A = tpu.sem_alloc : memref<!tpu.dma_semaphore, #tpu.memory_space<semaphore_mem>>
        %dma_start3A_759 = arith.constant 0 : i32
        %dma_start3A_760 = tpu.memref_slice %arg3[%add3A_646, %dma_start3A_759] : memref<5120x64xi32, #tpu.memory_space<hbm>> -> memref<40x64xi32, #tpu.memory_space<hbm>>
        %dma_start3A_761 = arith.constant 0 : i32
        %dma_start3A_762 = tpu.memref_slice %arg3[%add3A_646, %dma_start3A_761] : memref<5120x64xi32, #tpu.memory_space<hbm>> -> memref<40x64xi32, #tpu.memory_space<hbm>>
        tpu.enqueue_dma source(%dma_start3A_762 : memref<40x64xi32, #tpu.memory_space<hbm>>) target(%arg6 : memref<40x64xi32, #tpu.memory_space<vmem>>) target_semaphore(%run_scoped3A : memref<!tpu.dma_semaphore, #tpu.memory_space<semaphore_mem>>)
        %dma_wait3A = arith.constant 0 : i32
        %dma_wait3A_763 = tpu.memref_slice %arg3[%add3A_646, %dma_wait3A] : memref<5120x64xi32, #tpu.memory_space<hbm>> -> memref<40x64xi32, #tpu.memory_space<hbm>>
        %dma_wait3A_764 = arith.constant 0 : i32
        %dma_wait3A_765 = tpu.memref_slice %arg3[%add3A_646, %dma_wait3A_764] : memref<5120x64xi32, #tpu.memory_space<hbm>> -> memref<40x64xi32, #tpu.memory_space<hbm>>
        tpu.wait_dma2 semaphore(%run_scoped3A : memref<!tpu.dma_semaphore, #tpu.memory_space<semaphore_mem>>) src(%dma_wait3A_765 : memref<40x64xi32, #tpu.memory_space<hbm>>) dst(%arg6 : memref<40x64xi32, #tpu.memory_space<vmem>>)
        tpu.yield
      }) : () -> ()
      "tpu.region"() ({
        %run_scoped3A = tpu.sem_alloc : memref<!tpu.dma_semaphore, #tpu.memory_space<semaphore_mem>>
        %dma_start3A_759 = arith.constant 0 : i32
        %dma_start3A_760 = tpu.memref_slice %arg4[%add3A_646, %dma_start3A_759] : memref<5120x64xi32, #tpu.memory_space<hbm>> -> memref<40x64xi32, #tpu.memory_space<hbm>>
        %dma_start3A_761 = arith.constant 0 : i32
        %dma_start3A_762 = tpu.memref_slice %arg4[%add3A_646, %dma_start3A_761] : memref<5120x64xi32, #tpu.memory_space<hbm>> -> memref<40x64xi32, #tpu.memory_space<hbm>>
        tpu.enqueue_dma source(%dma_start3A_762 : memref<40x64xi32, #tpu.memory_space<hbm>>) target(%arg7 : memref<40x64xi32, #tpu.memory_space<vmem>>) target_semaphore(%run_scoped3A : memref<!tpu.dma_semaphore, #tpu.memory_space<semaphore_mem>>)
        %dma_wait3A = arith.constant 0 : i32
        %dma_wait3A_763 = tpu.memref_slice %arg4[%add3A_646, %dma_wait3A] : memref<5120x64xi32, #tpu.memory_space<hbm>> -> memref<40x64xi32, #tpu.memory_space<hbm>>
        %dma_wait3A_764 = arith.constant 0 : i32
        %dma_wait3A_765 = tpu.memref_slice %arg4[%add3A_646, %dma_wait3A_764] : memref<5120x64xi32, #tpu.memory_space<hbm>> -> memref<40x64xi32, #tpu.memory_space<hbm>>
        tpu.wait_dma2 semaphore(%run_scoped3A : memref<!tpu.dma_semaphore, #tpu.memory_space<semaphore_mem>>) src(%dma_wait3A_765 : memref<40x64xi32, #tpu.memory_space<hbm>>) dst(%arg7 : memref<40x64xi32, #tpu.memory_space<vmem>>)
        tpu.yield
      }) : () -> ()
      %dma_start3A_647 = arith.constant 0 : i32
      %dma_start3A_648 = arith.constant 0 : i32
      %dma_start3A_649 = arith.constant 0 : i32
      %dma_start3A_650 = arith.constant 0 : i32
      %dma_start3A_651 = tpu.memref_slice %arg8[%dma_start3A_648, %dma_start3A_649, %dma_start3A_650] : memref<4x64x128xf32, #tpu.memory_space<vmem>> -> memref<1x64x128xf32, #tpu.memory_space<vmem>>
      %dma_start3A_652 = tpu.memref_squeeze %dma_start3A_651 : memref<1x64x128xf32, #tpu.memory_space<vmem>> -> memref<64x128xf32, #tpu.memory_space<vmem>>
      %dma_start3A_653 = arith.constant 0 : i32
      %dma_start3A_654 = tpu.memref_slice %arg6[%dma_start3A_647, %dma_start3A_653] : memref<40x64xi32, #tpu.memory_space<vmem>> -> memref<1x64xi32, #tpu.memory_space<vmem>>
      %dma_start3A_655 = tpu.memref_squeeze %dma_start3A_654 : memref<1x64xi32, #tpu.memory_space<vmem>> -> memref<64xi32, #tpu.memory_space<vmem>>
      %dma_start3A_656 = arith.constant 0 : i32
      %dma_start3A_657 = arith.constant 0 : i32
      %dma_start3A_658 = tpu.memref_slice %arg2[%dma_start3A_656, %dma_start3A_657] : memref<10000x128xf32, #tpu.memory_space<hbm>> -> memref<10000x128xf32, #tpu.memory_space<hbm>>
      tpu.enqueue_indirect_dma source(%dma_start3A_658 : memref<10000x128xf32, #tpu.memory_space<hbm>>) target(%dma_start3A_652 : memref<64x128xf32, #tpu.memory_space<vmem>>) offsets(%dma_start3A_655 : memref<64xi32, #tpu.memory_space<vmem>>) semaphore(%arg11 : memref<!tpu.dma_semaphore, #tpu.memory_space<semaphore_mem>>)
      %dma_start3A_659 = arith.constant 1 : i32
      %dma_start3A_660 = arith.constant 1 : i32
      %dma_start3A_661 = arith.constant 0 : i32
      %dma_start3A_662 = arith.constant 0 : i32
      %dma_start3A_663 = tpu.memref_slice %arg8[%dma_start3A_660, %dma_start3A_661, %dma_start3A_662] : memref<4x64x128xf32, #tpu.memory_space<vmem>> -> memref<1x64x128xf32, #tpu.memory_space<vmem>>
      %dma_start3A_664 = tpu.memref_squeeze %dma_start3A_663 : memref<1x64x128xf32, #tpu.memory_space<vmem>> -> memref<64x128xf32, #tpu.memory_space<vmem>>
      %dma_start3A_665 = arith.constant 0 : i32
      %dma_start3A_666 = tpu.memref_slice %arg6[%dma_start3A_659, %dma_start3A_665] : memref<40x64xi32, #tpu.memory_space<vmem>> -> memref<1x64xi32, #tpu.memory_space<vmem>>
      %dma_start3A_667 = tpu.memref_squeeze %dma_start3A_666 : memref<1x64xi32, #tpu.memory_space<vmem>> -> memref<64xi32, #tpu.memory_space<vmem>>
      %dma_start3A_668 = arith.constant 0 : i32
      %dma_start3A_669 = arith.constant 0 : i32
      %dma_start3A_670 = tpu.memref_slice %arg2[%dma_start3A_668, %dma_start3A_669] : memref<10000x128xf32, #tpu.memory_space<hbm>> -> memref<10000x128xf32, #tpu.memory_space<hbm>>
      tpu.enqueue_indirect_dma source(%dma_start3A_670 : memref<10000x128xf32, #tpu.memory_space<hbm>>) target(%dma_start3A_664 : memref<64x128xf32, #tpu.memory_space<vmem>>) offsets(%dma_start3A_667 : memref<64xi32, #tpu.memory_space<vmem>>) semaphore(%arg12 : memref<!tpu.dma_semaphore, #tpu.memory_space<semaphore_mem>>)
      %dma_start3A_671 = arith.constant 2 : i32
      %dma_start3A_672 = arith.constant 2 : i32
      %dma_start3A_673 = arith.constant 0 : i32
      %dma_start3A_674 = arith.constant 0 : i32
      %dma_start3A_675 = tpu.memref_slice %arg8[%dma_start3A_672, %dma_start3A_673, %dma_start3A_674] : memref<4x64x128xf32, #tpu.memory_space<vmem>> -> memref<1x64x128xf32, #tpu.memory_space<vmem>>
      %dma_start3A_676 = tpu.memref_squeeze %dma_start3A_675 : memref<1x64x128xf32, #tpu.memory_space<vmem>> -> memref<64x128xf32, #tpu.memory_space<vmem>>
      %dma_start3A_677 = arith.constant 0 : i32
      %dma_start3A_678 = tpu.memref_slice %arg6[%dma_start3A_671, %dma_start3A_677] : memref<40x64xi32, #tpu.memory_space<vmem>> -> memref<1x64xi32, #tpu.memory_space<vmem>>
      %dma_start3A_679 = tpu.memref_squeeze %dma_start3A_678 : memref<1x64xi32, #tpu.memory_space<vmem>> -> memref<64xi32, #tpu.memory_space<vmem>>
      %dma_start3A_680 = arith.constant 0 : i32
      %dma_start3A_681 = arith.constant 0 : i32
      %dma_start3A_682 = tpu.memref_slice %arg2[%dma_start3A_680, %dma_start3A_681] : memref<10000x128xf32, #tpu.memory_space<hbm>> -> memref<10000x128xf32, #tpu.memory_space<hbm>>
      tpu.enqueue_indirect_dma source(%dma_start3A_682 : memref<10000x128xf32, #tpu.memory_space<hbm>>) target(%dma_start3A_676 : memref<64x128xf32, #tpu.memory_space<vmem>>) offsets(%dma_start3A_679 : memref<64xi32, #tpu.memory_space<vmem>>) semaphore(%arg13 : memref<!tpu.dma_semaphore, #tpu.memory_space<semaphore_mem>>)
      %dma_start3A_683 = arith.constant 3 : i32
      %dma_start3A_684 = arith.constant 3 : i32
      %dma_start3A_685 = arith.constant 0 : i32
      %dma_start3A_686 = arith.constant 0 : i32
      %dma_start3A_687 = tpu.memref_slice %arg8[%dma_start3A_684, %dma_start3A_685, %dma_start3A_686] : memref<4x64x128xf32, #tpu.memory_space<vmem>> -> memref<1x64x128xf32, #tpu.memory_space<vmem>>
      %dma_start3A_688 = tpu.memref_squeeze %dma_start3A_687 : memref<1x64x128xf32, #tpu.memory_space<vmem>> -> memref<64x128xf32, #tpu.memory_space<vmem>>
      %dma_start3A_689 = arith.constant 0 : i32
      %dma_start3A_690 = tpu.memref_slice %arg6[%dma_start3A_683, %dma_start3A_689] : memref<40x64xi32, #tpu.memory_space<vmem>> -> memref<1x64xi32, #tpu.memory_space<vmem>>
      %dma_start3A_691 = tpu.memref_squeeze %dma_start3A_690 : memref<1x64xi32, #tpu.memory_space<vmem>> -> memref<64xi32, #tpu.memory_space<vmem>>
      %dma_start3A_692 = arith.constant 0 : i32
      %dma_start3A_693 = arith.constant 0 : i32
      %dma_start3A_694 = tpu.memref_slice %arg2[%dma_start3A_692, %dma_start3A_693] : memref<10000x128xf32, #tpu.memory_space<hbm>> -> memref<10000x128xf32, #tpu.memory_space<hbm>>
      tpu.enqueue_indirect_dma source(%dma_start3A_694 : memref<10000x128xf32, #tpu.memory_space<hbm>>) target(%dma_start3A_688 : memref<64x128xf32, #tpu.memory_space<vmem>>) offsets(%dma_start3A_691 : memref<64xi32, #tpu.memory_space<vmem>>) semaphore(%arg14 : memref<!tpu.dma_semaphore, #tpu.memory_space<semaphore_mem>>)
      %scan3A_695 = arith.constant 0 : i32
      %scan3A_696 = arith.constant 10 : i32
      %scan3A_697 = arith.addi %scan3A_695, %scan3A_696 : i32
      %scan3A_698 = arith.constant 1 : i32
      scf.for %scan3A_759 = %scan3A_695 to %scan3A_697 step %scan3A_698  : i32 {
        %mul3A_760 = arith.constant 4 : i32
        %mul3A_761 = arith.muli %mul3A_760, %scan3A_759 : i32
        %add3A_762 = arith.constant 0 : i32
        %add3A_763 = arith.addi %mul3A_761, %add3A_762 : i32
        %dma_wait3A = arith.constant 0 : i32
        %dma_wait3A_764 = arith.constant 0 : i32
        %dma_wait3A_765 = arith.constant 0 : i32
        %dma_wait3A_766 = tpu.memref_slice %arg8[%dma_wait3A, %dma_wait3A_764, %dma_wait3A_765] : memref<4x64x128xf32, #tpu.memory_space<vmem>> -> memref<1x64x128xf32, #tpu.memory_space<vmem>>
        %dma_wait3A_767 = tpu.memref_squeeze %dma_wait3A_766 : memref<1x64x128xf32, #tpu.memory_space<vmem>> -> memref<64x128xf32, #tpu.memory_space<vmem>>
        %dma_wait3A_768 = arith.constant 0 : i32
        %dma_wait3A_769 = tpu.memref_slice %arg6[%add3A_763, %dma_wait3A_768] : memref<40x64xi32, #tpu.memory_space<vmem>> -> memref<1x64xi32, #tpu.memory_space<vmem>>
        %dma_wait3A_770 = tpu.memref_squeeze %dma_wait3A_769 : memref<1x64xi32, #tpu.memory_space<vmem>> -> memref<64xi32, #tpu.memory_space<vmem>>
        %dma_wait3A_771 = arith.constant 0 : i32
        %dma_wait3A_772 = arith.constant 0 : i32
        %dma_wait3A_773 = tpu.memref_slice %arg2[%dma_wait3A_771, %dma_wait3A_772] : memref<10000x128xf32, #tpu.memory_space<hbm>> -> memref<10000x128xf32, #tpu.memory_space<hbm>>
        tpu.wait_indirect_dma semaphore(%arg11 : memref<!tpu.dma_semaphore, #tpu.memory_space<semaphore_mem>>) src(%dma_wait3A_773 : memref<10000x128xf32, #tpu.memory_space<hbm>>) dst(%dma_wait3A_767 : memref<64x128xf32, #tpu.memory_space<vmem>>)
        %run_scoped3A = arith.constant 0 : i32
        "tpu.region"() ({
          %run_scoped3A_843 = tpu.sem_alloc : memref<!tpu.dma_semaphore, #tpu.memory_space<semaphore_mem>>
          %dma_start3A_844 = arith.constant 0 : i32
          %dma_start3A_845 = arith.constant 0 : i32
          %dma_start3A_846 = tpu.memref_slice %arg8[%run_scoped3A, %dma_start3A_844, %dma_start3A_845] : memref<4x64x128xf32, #tpu.memory_space<vmem>> -> memref<1x64x128xf32, #tpu.memory_space<vmem>>
          %dma_start3A_847 = tpu.memref_squeeze %dma_start3A_846 : memref<1x64x128xf32, #tpu.memory_space<vmem>> -> memref<64x128xf32, #tpu.memory_space<vmem>>
          %dma_start3A_848 = arith.constant 0 : i32
          %dma_start3A_849 = tpu.memref_slice %arg7[%add3A_763, %dma_start3A_848] : memref<40x64xi32, #tpu.memory_space<vmem>> -> memref<1x64xi32, #tpu.memory_space<vmem>>
          %dma_start3A_850 = tpu.memref_squeeze %dma_start3A_849 : memref<1x64xi32, #tpu.memory_space<vmem>> -> memref<64xi32, #tpu.memory_space<vmem>>
          %dma_start3A_851 = arith.constant 0 : i32
          %dma_start3A_852 = arith.constant 0 : i32
          %dma_start3A_853 = tpu.memref_slice %arg10[%dma_start3A_851, %dma_start3A_852] : memref<10240x128xf32, #tpu.memory_space<vmem_shared>> -> memref<10240x128xf32, #tpu.memory_space<vmem_shared>>
          tpu.enqueue_indirect_dma source(%dma_start3A_847 : memref<64x128xf32, #tpu.memory_space<vmem>>) target(%dma_start3A_853 : memref<10240x128xf32, #tpu.memory_space<vmem_shared>>) offsets(%dma_start3A_850 : memref<64xi32, #tpu.memory_space<vmem>>) semaphore(%run_scoped3A_843 : memref<!tpu.dma_semaphore, #tpu.memory_space<semaphore_mem>>) {add = true}
          %dma_wait3A_854 = arith.constant 0 : i32
          %dma_wait3A_855 = arith.constant 0 : i32
          %dma_wait3A_856 = tpu.memref_slice %arg8[%run_scoped3A, %dma_wait3A_854, %dma_wait3A_855] : memref<4x64x128xf32, #tpu.memory_space<vmem>> -> memref<1x64x128xf32, #tpu.memory_space<vmem>>
          %dma_wait3A_857 = tpu.memref_squeeze %dma_wait3A_856 : memref<1x64x128xf32, #tpu.memory_space<vmem>> -> memref<64x128xf32, #tpu.memory_space<vmem>>
          %dma_wait3A_858 = arith.constant 0 : i32
          %dma_wait3A_859 = tpu.memref_slice %arg7[%add3A_763, %dma_wait3A_858] : memref<40x64xi32, #tpu.memory_space<vmem>> -> memref<1x64xi32, #tpu.memory_space<vmem>>
          %dma_wait3A_860 = tpu.memref_squeeze %dma_wait3A_859 : memref<1x64xi32, #tpu.memory_space<vmem>> -> memref<64xi32, #tpu.memory_space<vmem>>
          %dma_wait3A_861 = arith.constant 0 : i32
          %dma_wait3A_862 = arith.constant 0 : i32
          %dma_wait3A_863 = tpu.memref_slice %arg10[%dma_wait3A_861, %dma_wait3A_862] : memref<10240x128xf32, #tpu.memory_space<vmem_shared>> -> memref<10240x128xf32, #tpu.memory_space<vmem_shared>>
          tpu.wait_indirect_dma semaphore(%run_scoped3A_843 : memref<!tpu.dma_semaphore, #tpu.memory_space<semaphore_mem>>) src(%dma_wait3A_857 : memref<64x128xf32, #tpu.memory_space<vmem>>) dst(%dma_wait3A_863 : memref<10240x128xf32, #tpu.memory_space<vmem_shared>>)
          tpu.yield
        }) : () -> ()
        %add3A_774 = arith.constant 4 : i32
        %add3A_775 = arith.addi %add3A_763, %add3A_774 : i32
        %lt3A = arith.constant 40 : i32
        %lt3A_776 = arith.cmpi slt, %add3A_775, %lt3A : i32
        %convert_element_type3A_777 = arith.extui %lt3A_776 : i1 to i32
        %cond3A_778 = arith.constant 0 : i32
        %cond3A_779 = arith.cmpi ne, %convert_element_type3A_777, %cond3A_778 : i32
        scf.if %cond3A_779 {
          %add3A_843 = arith.constant 4 : i32
          %add3A_844 = arith.addi %add3A_763, %add3A_843 : i32
          %dma_start3A_845 = arith.constant 0 : i32
          %dma_start3A_846 = arith.constant 0 : i32
          %dma_start3A_847 = arith.constant 0 : i32
          %dma_start3A_848 = tpu.memref_slice %arg8[%dma_start3A_845, %dma_start3A_846, %dma_start3A_847] : memref<4x64x128xf32, #tpu.memory_space<vmem>> -> memref<1x64x128xf32, #tpu.memory_space<vmem>>
          %dma_start3A_849 = tpu.memref_squeeze %dma_start3A_848 : memref<1x64x128xf32, #tpu.memory_space<vmem>> -> memref<64x128xf32, #tpu.memory_space<vmem>>
          %dma_start3A_850 = arith.constant 0 : i32
          %dma_start3A_851 = tpu.memref_slice %arg6[%add3A_844, %dma_start3A_850] : memref<40x64xi32, #tpu.memory_space<vmem>> -> memref<1x64xi32, #tpu.memory_space<vmem>>
          %dma_start3A_852 = tpu.memref_squeeze %dma_start3A_851 : memref<1x64xi32, #tpu.memory_space<vmem>> -> memref<64xi32, #tpu.memory_space<vmem>>
          %dma_start3A_853 = arith.constant 0 : i32
          %dma_start3A_854 = arith.constant 0 : i32
          %dma_start3A_855 = tpu.memref_slice %arg2[%dma_start3A_853, %dma_start3A_854] : memref<10000x128xf32, #tpu.memory_space<hbm>> -> memref<10000x128xf32, #tpu.memory_space<hbm>>
          tpu.enqueue_indirect_dma source(%dma_start3A_855 : memref<10000x128xf32, #tpu.memory_space<hbm>>) target(%dma_start3A_849 : memref<64x128xf32, #tpu.memory_space<vmem>>) offsets(%dma_start3A_852 : memref<64xi32, #tpu.memory_space<vmem>>) semaphore(%arg11 : memref<!tpu.dma_semaphore, #tpu.memory_space<semaphore_mem>>)
        } else {
        }
        %add3A_780 = arith.constant 1 : i32
        %add3A_781 = arith.addi %mul3A_761, %add3A_780 : i32
        %dma_wait3A_782 = arith.constant 1 : i32
        %dma_wait3A_783 = arith.constant 0 : i32
        %dma_wait3A_784 = arith.constant 0 : i32
        %dma_wait3A_785 = tpu.memref_slice %arg8[%dma_wait3A_782, %dma_wait3A_783, %dma_wait3A_784] : memref<4x64x128xf32, #tpu.memory_space<vmem>> -> memref<1x64x128xf32, #tpu.memory_space<vmem>>
        %dma_wait3A_786 = tpu.memref_squeeze %dma_wait3A_785 : memref<1x64x128xf32, #tpu.memory_space<vmem>> -> memref<64x128xf32, #tpu.memory_space<vmem>>
        %dma_wait3A_787 = arith.constant 0 : i32
        %dma_wait3A_788 = tpu.memref_slice %arg6[%add3A_781, %dma_wait3A_787] : memref<40x64xi32, #tpu.memory_space<vmem>> -> memref<1x64xi32, #tpu.memory_space<vmem>>
        %dma_wait3A_789 = tpu.memref_squeeze %dma_wait3A_788 : memref<1x64xi32, #tpu.memory_space<vmem>> -> memref<64xi32, #tpu.memory_space<vmem>>
        %dma_wait3A_790 = arith.constant 0 : i32
        %dma_wait3A_791 = arith.constant 0 : i32
        %dma_wait3A_792 = tpu.memref_slice %arg2[%dma_wait3A_790, %dma_wait3A_791] : memref<10000x128xf32, #tpu.memory_space<hbm>> -> memref<10000x128xf32, #tpu.memory_space<hbm>>
        tpu.wait_indirect_dma semaphore(%arg12 : memref<!tpu.dma_semaphore, #tpu.memory_space<semaphore_mem>>) src(%dma_wait3A_792 : memref<10000x128xf32, #tpu.memory_space<hbm>>) dst(%dma_wait3A_786 : memref<64x128xf32, #tpu.memory_space<vmem>>)
        %run_scoped3A_793 = arith.constant 1 : i32
        "tpu.region"() ({
          %run_scoped3A_843 = tpu.sem_alloc : memref<!tpu.dma_semaphore, #tpu.memory_space<semaphore_mem>>
          %dma_start3A_844 = arith.constant 0 : i32
          %dma_start3A_845 = arith.constant 0 : i32
          %dma_start3A_846 = tpu.memref_slice %arg8[%run_scoped3A_793, %dma_start3A_844, %dma_start3A_845] : memref<4x64x128xf32, #tpu.memory_space<vmem>> -> memref<1x64x128xf32, #tpu.memory_space<vmem>>
          %dma_start3A_847 = tpu.memref_squeeze %dma_start3A_846 : memref<1x64x128xf32, #tpu.memory_space<vmem>> -> memref<64x128xf32, #tpu.memory_space<vmem>>
          %dma_start3A_848 = arith.constant 0 : i32
          %dma_start3A_849 = tpu.memref_slice %arg7[%add3A_781, %dma_start3A_848] : memref<40x64xi32, #tpu.memory_space<vmem>> -> memref<1x64xi32, #tpu.memory_space<vmem>>
          %dma_start3A_850 = tpu.memref_squeeze %dma_start3A_849 : memref<1x64xi32, #tpu.memory_space<vmem>> -> memref<64xi32, #tpu.memory_space<vmem>>
          %dma_start3A_851 = arith.constant 0 : i32
          %dma_start3A_852 = arith.constant 0 : i32
          %dma_start3A_853 = tpu.memref_slice %arg10[%dma_start3A_851, %dma_start3A_852] : memref<10240x128xf32, #tpu.memory_space<vmem_shared>> -> memref<10240x128xf32, #tpu.memory_space<vmem_shared>>
          tpu.enqueue_indirect_dma source(%dma_start3A_847 : memref<64x128xf32, #tpu.memory_space<vmem>>) target(%dma_start3A_853 : memref<10240x128xf32, #tpu.memory_space<vmem_shared>>) offsets(%dma_start3A_850 : memref<64xi32, #tpu.memory_space<vmem>>) semaphore(%run_scoped3A_843 : memref<!tpu.dma_semaphore, #tpu.memory_space<semaphore_mem>>) {add = true}
          %dma_wait3A_854 = arith.constant 0 : i32
          %dma_wait3A_855 = arith.constant 0 : i32
          %dma_wait3A_856 = tpu.memref_slice %arg8[%run_scoped3A_793, %dma_wait3A_854, %dma_wait3A_855] : memref<4x64x128xf32, #tpu.memory_space<vmem>> -> memref<1x64x128xf32, #tpu.memory_space<vmem>>
          %dma_wait3A_857 = tpu.memref_squeeze %dma_wait3A_856 : memref<1x64x128xf32, #tpu.memory_space<vmem>> -> memref<64x128xf32, #tpu.memory_space<vmem>>
          %dma_wait3A_858 = arith.constant 0 : i32
          %dma_wait3A_859 = tpu.memref_slice %arg7[%add3A_781, %dma_wait3A_858] : memref<40x64xi32, #tpu.memory_space<vmem>> -> memref<1x64xi32, #tpu.memory_space<vmem>>
          %dma_wait3A_860 = tpu.memref_squeeze %dma_wait3A_859 : memref<1x64xi32, #tpu.memory_space<vmem>> -> memref<64xi32, #tpu.memory_space<vmem>>
          %dma_wait3A_861 = arith.constant 0 : i32
          %dma_wait3A_862 = arith.constant 0 : i32
          %dma_wait3A_863 = tpu.memref_slice %arg10[%dma_wait3A_861, %dma_wait3A_862] : memref<10240x128xf32, #tpu.memory_space<vmem_shared>> -> memref<10240x128xf32, #tpu.memory_space<vmem_shared>>
          tpu.wait_indirect_dma semaphore(%run_scoped3A_843 : memref<!tpu.dma_semaphore, #tpu.memory_space<semaphore_mem>>) src(%dma_wait3A_857 : memref<64x128xf32, #tpu.memory_space<vmem>>) dst(%dma_wait3A_863 : memref<10240x128xf32, #tpu.memory_space<vmem_shared>>)
          tpu.yield
        }) : () -> ()
        %add3A_794 = arith.constant 4 : i32
        %add3A_795 = arith.addi %add3A_781, %add3A_794 : i32
        %lt3A_796 = arith.constant 40 : i32
        %lt3A_797 = arith.cmpi slt, %add3A_795, %lt3A_796 : i32
        %convert_element_type3A_798 = arith.extui %lt3A_797 : i1 to i32
        %cond3A_799 = arith.constant 0 : i32
        %cond3A_800 = arith.cmpi ne, %convert_element_type3A_798, %cond3A_799 : i32
        scf.if %cond3A_800 {
          %add3A_843 = arith.constant 4 : i32
          %add3A_844 = arith.addi %add3A_781, %add3A_843 : i32
          %dma_start3A_845 = arith.constant 1 : i32
          %dma_start3A_846 = arith.constant 0 : i32
          %dma_start3A_847 = arith.constant 0 : i32
          %dma_start3A_848 = tpu.memref_slice %arg8[%dma_start3A_845, %dma_start3A_846, %dma_start3A_847] : memref<4x64x128xf32, #tpu.memory_space<vmem>> -> memref<1x64x128xf32, #tpu.memory_space<vmem>>
          %dma_start3A_849 = tpu.memref_squeeze %dma_start3A_848 : memref<1x64x128xf32, #tpu.memory_space<vmem>> -> memref<64x128xf32, #tpu.memory_space<vmem>>
          %dma_start3A_850 = arith.constant 0 : i32
          %dma_start3A_851 = tpu.memref_slice %arg6[%add3A_844, %dma_start3A_850] : memref<40x64xi32, #tpu.memory_space<vmem>> -> memref<1x64xi32, #tpu.memory_space<vmem>>
          %dma_start3A_852 = tpu.memref_squeeze %dma_start3A_851 : memref<1x64xi32, #tpu.memory_space<vmem>> -> memref<64xi32, #tpu.memory_space<vmem>>
          %dma_start3A_853 = arith.constant 0 : i32
          %dma_start3A_854 = arith.constant 0 : i32
          %dma_start3A_855 = tpu.memref_slice %arg2[%dma_start3A_853, %dma_start3A_854] : memref<10000x128xf32, #tpu.memory_space<hbm>> -> memref<10000x128xf32, #tpu.memory_space<hbm>>
          tpu.enqueue_indirect_dma source(%dma_start3A_855 : memref<10000x128xf32, #tpu.memory_space<hbm>>) target(%dma_start3A_849 : memref<64x128xf32, #tpu.memory_space<vmem>>) offsets(%dma_start3A_852 : memref<64xi32, #tpu.memory_space<vmem>>) semaphore(%arg12 : memref<!tpu.dma_semaphore, #tpu.memory_space<semaphore_mem>>)
        } else {
        }
        %add3A_801 = arith.constant 2 : i32
        %add3A_802 = arith.addi %mul3A_761, %add3A_801 : i32
        %dma_wait3A_803 = arith.constant 2 : i32
        %dma_wait3A_804 = arith.constant 0 : i32
        %dma_wait3A_805 = arith.constant 0 : i32
        %dma_wait3A_806 = tpu.memref_slice %arg8[%dma_wait3A_803, %dma_wait3A_804, %dma_wait3A_805] : memref<4x64x128xf32, #tpu.memory_space<vmem>> -> memref<1x64x128xf32, #tpu.memory_space<vmem>>
        %dma_wait3A_807 = tpu.memref_squeeze %dma_wait3A_806 : memref<1x64x128xf32, #tpu.memory_space<vmem>> -> memref<64x128xf32, #tpu.memory_space<vmem>>
        %dma_wait3A_808 = arith.constant 0 : i32
        %dma_wait3A_809 = tpu.memref_slice %arg6[%add3A_802, %dma_wait3A_808] : memref<40x64xi32, #tpu.memory_space<vmem>> -> memref<1x64xi32, #tpu.memory_space<vmem>>
        %dma_wait3A_810 = tpu.memref_squeeze %dma_wait3A_809 : memref<1x64xi32, #tpu.memory_space<vmem>> -> memref<64xi32, #tpu.memory_space<vmem>>
        %dma_wait3A_811 = arith.constant 0 : i32
        %dma_wait3A_812 = arith.constant 0 : i32
        %dma_wait3A_813 = tpu.memref_slice %arg2[%dma_wait3A_811, %dma_wait3A_812] : memref<10000x128xf32, #tpu.memory_space<hbm>> -> memref<10000x128xf32, #tpu.memory_space<hbm>>
        tpu.wait_indirect_dma semaphore(%arg13 : memref<!tpu.dma_semaphore, #tpu.memory_space<semaphore_mem>>) src(%dma_wait3A_813 : memref<10000x128xf32, #tpu.memory_space<hbm>>) dst(%dma_wait3A_807 : memref<64x128xf32, #tpu.memory_space<vmem>>)
        %run_scoped3A_814 = arith.constant 2 : i32
        "tpu.region"() ({
          %run_scoped3A_843 = tpu.sem_alloc : memref<!tpu.dma_semaphore, #tpu.memory_space<semaphore_mem>>
          %dma_start3A_844 = arith.constant 0 : i32
          %dma_start3A_845 = arith.constant 0 : i32
          %dma_start3A_846 = tpu.memref_slice %arg8[%run_scoped3A_814, %dma_start3A_844, %dma_start3A_845] : memref<4x64x128xf32, #tpu.memory_space<vmem>> -> memref<1x64x128xf32, #tpu.memory_space<vmem>>
          %dma_start3A_847 = tpu.memref_squeeze %dma_start3A_846 : memref<1x64x128xf32, #tpu.memory_space<vmem>> -> memref<64x128xf32, #tpu.memory_space<vmem>>
          %dma_start3A_848 = arith.constant 0 : i32
          %dma_start3A_849 = tpu.memref_slice %arg7[%add3A_802, %dma_start3A_848] : memref<40x64xi32, #tpu.memory_space<vmem>> -> memref<1x64xi32, #tpu.memory_space<vmem>>
          %dma_start3A_850 = tpu.memref_squeeze %dma_start3A_849 : memref<1x64xi32, #tpu.memory_space<vmem>> -> memref<64xi32, #tpu.memory_space<vmem>>
          %dma_start3A_851 = arith.constant 0 : i32
          %dma_start3A_852 = arith.constant 0 : i32
          %dma_start3A_853 = tpu.memref_slice %arg10[%dma_start3A_851, %dma_start3A_852] : memref<10240x128xf32, #tpu.memory_space<vmem_shared>> -> memref<10240x128xf32, #tpu.memory_space<vmem_shared>>
          tpu.enqueue_indirect_dma source(%dma_start3A_847 : memref<64x128xf32, #tpu.memory_space<vmem>>) target(%dma_start3A_853 : memref<10240x128xf32, #tpu.memory_space<vmem_shared>>) offsets(%dma_start3A_850 : memref<64xi32, #tpu.memory_space<vmem>>) semaphore(%run_scoped3A_843 : memref<!tpu.dma_semaphore, #tpu.memory_space<semaphore_mem>>) {add = true}
          %dma_wait3A_854 = arith.constant 0 : i32
          %dma_wait3A_855 = arith.constant 0 : i32
          %dma_wait3A_856 = tpu.memref_slice %arg8[%run_scoped3A_814, %dma_wait3A_854, %dma_wait3A_855] : memref<4x64x128xf32, #tpu.memory_space<vmem>> -> memref<1x64x128xf32, #tpu.memory_space<vmem>>
          %dma_wait3A_857 = tpu.memref_squeeze %dma_wait3A_856 : memref<1x64x128xf32, #tpu.memory_space<vmem>> -> memref<64x128xf32, #tpu.memory_space<vmem>>
          %dma_wait3A_858 = arith.constant 0 : i32
          %dma_wait3A_859 = tpu.memref_slice %arg7[%add3A_802, %dma_wait3A_858] : memref<40x64xi32, #tpu.memory_space<vmem>> -> memref<1x64xi32, #tpu.memory_space<vmem>>
          %dma_wait3A_860 = tpu.memref_squeeze %dma_wait3A_859 : memref<1x64xi32, #tpu.memory_space<vmem>> -> memref<64xi32, #tpu.memory_space<vmem>>
          %dma_wait3A_861 = arith.constant 0 : i32
          %dma_wait3A_862 = arith.constant 0 : i32
          %dma_wait3A_863 = tpu.memref_slice %arg10[%dma_wait3A_861, %dma_wait3A_862] : memref<10240x128xf32, #tpu.memory_space<vmem_shared>> -> memref<10240x128xf32, #tpu.memory_space<vmem_shared>>
          tpu.wait_indirect_dma semaphore(%run_scoped3A_843 : memref<!tpu.dma_semaphore, #tpu.memory_space<semaphore_mem>>) src(%dma_wait3A_857 : memref<64x128xf32, #tpu.memory_space<vmem>>) dst(%dma_wait3A_863 : memref<10240x128xf32, #tpu.memory_space<vmem_shared>>)
          tpu.yield
        }) : () -> ()
        %add3A_815 = arith.constant 4 : i32
        %add3A_816 = arith.addi %add3A_802, %add3A_815 : i32
        %lt3A_817 = arith.constant 40 : i32
        %lt3A_818 = arith.cmpi slt, %add3A_816, %lt3A_817 : i32
        %convert_element_type3A_819 = arith.extui %lt3A_818 : i1 to i32
        %cond3A_820 = arith.constant 0 : i32
        %cond3A_821 = arith.cmpi ne, %convert_element_type3A_819, %cond3A_820 : i32
        scf.if %cond3A_821 {
          %add3A_843 = arith.constant 4 : i32
          %add3A_844 = arith.addi %add3A_802, %add3A_843 : i32
          %dma_start3A_845 = arith.constant 2 : i32
          %dma_start3A_846 = arith.constant 0 : i32
          %dma_start3A_847 = arith.constant 0 : i32
          %dma_start3A_848 = tpu.memref_slice %arg8[%dma_start3A_845, %dma_start3A_846, %dma_start3A_847] : memref<4x64x128xf32, #tpu.memory_space<vmem>> -> memref<1x64x128xf32, #tpu.memory_space<vmem>>
          %dma_start3A_849 = tpu.memref_squeeze %dma_start3A_848 : memref<1x64x128xf32, #tpu.memory_space<vmem>> -> memref<64x128xf32, #tpu.memory_space<vmem>>
          %dma_start3A_850 = arith.constant 0 : i32
          %dma_start3A_851 = tpu.memref_slice %arg6[%add3A_844, %dma_start3A_850] : memref<40x64xi32, #tpu.memory_space<vmem>> -> memref<1x64xi32, #tpu.memory_space<vmem>>
          %dma_start3A_852 = tpu.memref_squeeze %dma_start3A_851 : memref<1x64xi32, #tpu.memory_space<vmem>> -> memref<64xi32, #tpu.memory_space<vmem>>
          %dma_start3A_853 = arith.constant 0 : i32
          %dma_start3A_854 = arith.constant 0 : i32
          %dma_start3A_855 = tpu.memref_slice %arg2[%dma_start3A_853, %dma_start3A_854] : memref<10000x128xf32, #tpu.memory_space<hbm>> -> memref<10000x128xf32, #tpu.memory_space<hbm>>
          tpu.enqueue_indirect_dma source(%dma_start3A_855 : memref<10000x128xf32, #tpu.memory_space<hbm>>) target(%dma_start3A_849 : memref<64x128xf32, #tpu.memory_space<vmem>>) offsets(%dma_start3A_852 : memref<64xi32, #tpu.memory_space<vmem>>) semaphore(%arg13 : memref<!tpu.dma_semaphore, #tpu.memory_space<semaphore_mem>>)
        } else {
        }
        %add3A_822 = arith.constant 3 : i32
        %add3A_823 = arith.addi %mul3A_761, %add3A_822 : i32
        %dma_wait3A_824 = arith.constant 3 : i32
        %dma_wait3A_825 = arith.constant 0 : i32
        %dma_wait3A_826 = arith.constant 0 : i32
        %dma_wait3A_827 = tpu.memref_slice %arg8[%dma_wait3A_824, %dma_wait3A_825, %dma_wait3A_826] : memref<4x64x128xf32, #tpu.memory_space<vmem>> -> memref<1x64x128xf32, #tpu.memory_space<vmem>>
        %dma_wait3A_828 = tpu.memref_squeeze %dma_wait3A_827 : memref<1x64x128xf32, #tpu.memory_space<vmem>> -> memref<64x128xf32, #tpu.memory_space<vmem>>
        %dma_wait3A_829 = arith.constant 0 : i32
        %dma_wait3A_830 = tpu.memref_slice %arg6[%add3A_823, %dma_wait3A_829] : memref<40x64xi32, #tpu.memory_space<vmem>> -> memref<1x64xi32, #tpu.memory_space<vmem>>
        %dma_wait3A_831 = tpu.memref_squeeze %dma_wait3A_830 : memref<1x64xi32, #tpu.memory_space<vmem>> -> memref<64xi32, #tpu.memory_space<vmem>>
        %dma_wait3A_832 = arith.constant 0 : i32
        %dma_wait3A_833 = arith.constant 0 : i32
        %dma_wait3A_834 = tpu.memref_slice %arg2[%dma_wait3A_832, %dma_wait3A_833] : memref<10000x128xf32, #tpu.memory_space<hbm>> -> memref<10000x128xf32, #tpu.memory_space<hbm>>
        tpu.wait_indirect_dma semaphore(%arg14 : memref<!tpu.dma_semaphore, #tpu.memory_space<semaphore_mem>>) src(%dma_wait3A_834 : memref<10000x128xf32, #tpu.memory_space<hbm>>) dst(%dma_wait3A_828 : memref<64x128xf32, #tpu.memory_space<vmem>>)
        %run_scoped3A_835 = arith.constant 3 : i32
        "tpu.region"() ({
          %run_scoped3A_843 = tpu.sem_alloc : memref<!tpu.dma_semaphore, #tpu.memory_space<semaphore_mem>>
          %dma_start3A_844 = arith.constant 0 : i32
          %dma_start3A_845 = arith.constant 0 : i32
          %dma_start3A_846 = tpu.memref_slice %arg8[%run_scoped3A_835, %dma_start3A_844, %dma_start3A_845] : memref<4x64x128xf32, #tpu.memory_space<vmem>> -> memref<1x64x128xf32, #tpu.memory_space<vmem>>
          %dma_start3A_847 = tpu.memref_squeeze %dma_start3A_846 : memref<1x64x128xf32, #tpu.memory_space<vmem>> -> memref<64x128xf32, #tpu.memory_space<vmem>>
          %dma_start3A_848 = arith.constant 0 : i32
          %dma_start3A_849 = tpu.memref_slice %arg7[%add3A_823, %dma_start3A_848] : memref<40x64xi32, #tpu.memory_space<vmem>> -> memref<1x64xi32, #tpu.memory_space<vmem>>
          %dma_start3A_850 = tpu.memref_squeeze %dma_start3A_849 : memref<1x64xi32, #tpu.memory_space<vmem>> -> memref<64xi32, #tpu.memory_space<vmem>>
          %dma_start3A_851 = arith.constant 0 : i32
          %dma_start3A_852 = arith.constant 0 : i32
          %dma_start3A_853 = tpu.memref_slice %arg10[%dma_start3A_851, %dma_start3A_852] : memref<10240x128xf32, #tpu.memory_space<vmem_shared>> -> memref<10240x128xf32, #tpu.memory_space<vmem_shared>>
          tpu.enqueue_indirect_dma source(%dma_start3A_847 : memref<64x128xf32, #tpu.memory_space<vmem>>) target(%dma_start3A_853 : memref<10240x128xf32, #tpu.memory_space<vmem_shared>>) offsets(%dma_start3A_850 : memref<64xi32, #tpu.memory_space<vmem>>) semaphore(%run_scoped3A_843 : memref<!tpu.dma_semaphore, #tpu.memory_space<semaphore_mem>>) {add = true}
          %dma_wait3A_854 = arith.constant 0 : i32
          %dma_wait3A_855 = arith.constant 0 : i32
          %dma_wait3A_856 = tpu.memref_slice %arg8[%run_scoped3A_835, %dma_wait3A_854, %dma_wait3A_855] : memref<4x64x128xf32, #tpu.memory_space<vmem>> -> memref<1x64x128xf32, #tpu.memory_space<vmem>>
          %dma_wait3A_857 = tpu.memref_squeeze %dma_wait3A_856 : memref<1x64x128xf32, #tpu.memory_space<vmem>> -> memref<64x128xf32, #tpu.memory_space<vmem>>
          %dma_wait3A_858 = arith.constant 0 : i32
          %dma_wait3A_859 = tpu.memref_slice %arg7[%add3A_823, %dma_wait3A_858] : memref<40x64xi32, #tpu.memory_space<vmem>> -> memref<1x64xi32, #tpu.memory_space<vmem>>
          %dma_wait3A_860 = tpu.memref_squeeze %dma_wait3A_859 : memref<1x64xi32, #tpu.memory_space<vmem>> -> memref<64xi32, #tpu.memory_space<vmem>>
          %dma_wait3A_861 = arith.constant 0 : i32
          %dma_wait3A_862 = arith.constant 0 : i32
          %dma_wait3A_863 = tpu.memref_slice %arg10[%dma_wait3A_861, %dma_wait3A_862] : memref<10240x128xf32, #tpu.memory_space<vmem_shared>> -> memref<10240x128xf32, #tpu.memory_space<vmem_shared>>
          tpu.wait_indirect_dma semaphore(%run_scoped3A_843 : memref<!tpu.dma_semaphore, #tpu.memory_space<semaphore_mem>>) src(%dma_wait3A_857 : memref<64x128xf32, #tpu.memory_space<vmem>>) dst(%dma_wait3A_863 : memref<10240x128xf32, #tpu.memory_space<vmem_shared>>)
          tpu.yield
        }) : () -> ()
        %add3A_836 = arith.constant 4 : i32
        %add3A_837 = arith.addi %add3A_823, %add3A_836 : i32
        %lt3A_838 = arith.constant 40 : i32
        %lt3A_839 = arith.cmpi slt, %add3A_837, %lt3A_838 : i32
        %convert_element_type3A_840 = arith.extui %lt3A_839 : i1 to i32
        %cond3A_841 = arith.constant 0 : i32
        %cond3A_842 = arith.cmpi ne, %convert_element_type3A_840, %cond3A_841 : i32
        scf.if %cond3A_842 {
          %add3A_843 = arith.constant 4 : i32
          %add3A_844 = arith.addi %add3A_823, %add3A_843 : i32
          %dma_start3A_845 = arith.constant 3 : i32
          %dma_start3A_846 = arith.constant 0 : i32
          %dma_start3A_847 = arith.constant 0 : i32
          %dma_start3A_848 = tpu.memref_slice %arg8[%dma_start3A_845, %dma_start3A_846, %dma_start3A_847] : memref<4x64x128xf32, #tpu.memory_space<vmem>> -> memref<1x64x128xf32, #tpu.memory_space<vmem>>
          %dma_start3A_849 = tpu.memref_squeeze %dma_start3A_848 : memref<1x64x128xf32, #tpu.memory_space<vmem>> -> memref<64x128xf32, #tpu.memory_space<vmem>>
          %dma_start3A_850 = arith.constant 0 : i32
          %dma_start3A_851 = tpu.memref_slice %arg6[%add3A_844, %dma_start3A_850] : memref<40x64xi32, #tpu.memory_space<vmem>> -> memref<1x64xi32, #tpu.memory_space<vmem>>
          %dma_start3A_852 = tpu.memref_squeeze %dma_start3A_851 : memref<1x64xi32, #tpu.memory_space<vmem>> -> memref<64xi32, #tpu.memory_space<vmem>>
          %dma_start3A_853 = arith.constant 0 : i32
          %dma_start3A_854 = arith.constant 0 : i32
          %dma_start3A_855 = tpu.memref_slice %arg2[%dma_start3A_853, %dma_start3A_854] : memref<10000x128xf32, #tpu.memory_space<hbm>> -> memref<10000x128xf32, #tpu.memory_space<hbm>>
          tpu.enqueue_indirect_dma source(%dma_start3A_855 : memref<10000x128xf32, #tpu.memory_space<hbm>>) target(%dma_start3A_849 : memref<64x128xf32, #tpu.memory_space<vmem>>) offsets(%dma_start3A_852 : memref<64xi32, #tpu.memory_space<vmem>>) semaphore(%arg14 : memref<!tpu.dma_semaphore, #tpu.memory_space<semaphore_mem>>)
        } else {
        }
      }
      %scan3A_699 = arith.constant 10 : i32
      %add3A_700 = arith.constant 48 : i32
      %add3A_701 = arith.addi %add3A_700, %arg1 : i32
      %mul3A_702 = arith.constant 80 : i32
      %mul3A_703 = arith.muli %add3A_701, %mul3A_702 : i32
      %add3A_704 = arith.constant 40 : i32
      %add3A_705 = arith.addi %mul3A_703, %add3A_704 : i32
      "tpu.region"() ({
        %run_scoped3A = tpu.sem_alloc : memref<!tpu.dma_semaphore, #tpu.memory_space<semaphore_mem>>
        %dma_start3A_759 = arith.constant 0 : i32
        %dma_start3A_760 = tpu.memref_slice %arg3[%add3A_705, %dma_start3A_759] : memref<5120x64xi32, #tpu.memory_space<hbm>> -> memref<40x64xi32, #tpu.memory_space<hbm>>
        %dma_start3A_761 = arith.constant 0 : i32
        %dma_start3A_762 = tpu.memref_slice %arg3[%add3A_705, %dma_start3A_761] : memref<5120x64xi32, #tpu.memory_space<hbm>> -> memref<40x64xi32, #tpu.memory_space<hbm>>
        tpu.enqueue_dma source(%dma_start3A_762 : memref<40x64xi32, #tpu.memory_space<hbm>>) target(%arg6 : memref<40x64xi32, #tpu.memory_space<vmem>>) target_semaphore(%run_scoped3A : memref<!tpu.dma_semaphore, #tpu.memory_space<semaphore_mem>>)
        %dma_wait3A = arith.constant 0 : i32
        %dma_wait3A_763 = tpu.memref_slice %arg3[%add3A_705, %dma_wait3A] : memref<5120x64xi32, #tpu.memory_space<hbm>> -> memref<40x64xi32, #tpu.memory_space<hbm>>
        %dma_wait3A_764 = arith.constant 0 : i32
        %dma_wait3A_765 = tpu.memref_slice %arg3[%add3A_705, %dma_wait3A_764] : memref<5120x64xi32, #tpu.memory_space<hbm>> -> memref<40x64xi32, #tpu.memory_space<hbm>>
        tpu.wait_dma2 semaphore(%run_scoped3A : memref<!tpu.dma_semaphore, #tpu.memory_space<semaphore_mem>>) src(%dma_wait3A_765 : memref<40x64xi32, #tpu.memory_space<hbm>>) dst(%arg6 : memref<40x64xi32, #tpu.memory_space<vmem>>)
        tpu.yield
      }) : () -> ()
      "tpu.region"() ({
        %run_scoped3A = tpu.sem_alloc : memref<!tpu.dma_semaphore, #tpu.memory_space<semaphore_mem>>
        %dma_start3A_759 = arith.constant 0 : i32
        %dma_start3A_760 = tpu.memref_slice %arg4[%add3A_705, %dma_start3A_759] : memref<5120x64xi32, #tpu.memory_space<hbm>> -> memref<40x64xi32, #tpu.memory_space<hbm>>
        %dma_start3A_761 = arith.constant 0 : i32
        %dma_start3A_762 = tpu.memref_slice %arg4[%add3A_705, %dma_start3A_761] : memref<5120x64xi32, #tpu.memory_space<hbm>> -> memref<40x64xi32, #tpu.memory_space<hbm>>
        tpu.enqueue_dma source(%dma_start3A_762 : memref<40x64xi32, #tpu.memory_space<hbm>>) target(%arg7 : memref<40x64xi32, #tpu.memory_space<vmem>>) target_semaphore(%run_scoped3A : memref<!tpu.dma_semaphore, #tpu.memory_space<semaphore_mem>>)
        %dma_wait3A = arith.constant 0 : i32
        %dma_wait3A_763 = tpu.memref_slice %arg4[%add3A_705, %dma_wait3A] : memref<5120x64xi32, #tpu.memory_space<hbm>> -> memref<40x64xi32, #tpu.memory_space<hbm>>
        %dma_wait3A_764 = arith.constant 0 : i32
        %dma_wait3A_765 = tpu.memref_slice %arg4[%add3A_705, %dma_wait3A_764] : memref<5120x64xi32, #tpu.memory_space<hbm>> -> memref<40x64xi32, #tpu.memory_space<hbm>>
        tpu.wait_dma2 semaphore(%run_scoped3A : memref<!tpu.dma_semaphore, #tpu.memory_space<semaphore_mem>>) src(%dma_wait3A_765 : memref<40x64xi32, #tpu.memory_space<hbm>>) dst(%arg7 : memref<40x64xi32, #tpu.memory_space<vmem>>)
        tpu.yield
      }) : () -> ()
      %dma_start3A_706 = arith.constant 0 : i32
      %dma_start3A_707 = arith.constant 0 : i32
      %dma_start3A_708 = arith.constant 0 : i32
      %dma_start3A_709 = arith.constant 0 : i32
      %dma_start3A_710 = tpu.memref_slice %arg8[%dma_start3A_707, %dma_start3A_708, %dma_start3A_709] : memref<4x64x128xf32, #tpu.memory_space<vmem>> -> memref<1x64x128xf32, #tpu.memory_space<vmem>>
      %dma_start3A_711 = tpu.memref_squeeze %dma_start3A_710 : memref<1x64x128xf32, #tpu.memory_space<vmem>> -> memref<64x128xf32, #tpu.memory_space<vmem>>
      %dma_start3A_712 = arith.constant 0 : i32
      %dma_start3A_713 = tpu.memref_slice %arg6[%dma_start3A_706, %dma_start3A_712] : memref<40x64xi32, #tpu.memory_space<vmem>> -> memref<1x64xi32, #tpu.memory_space<vmem>>
      %dma_start3A_714 = tpu.memref_squeeze %dma_start3A_713 : memref<1x64xi32, #tpu.memory_space<vmem>> -> memref<64xi32, #tpu.memory_space<vmem>>
      %dma_start3A_715 = arith.constant 0 : i32
      %dma_start3A_716 = arith.constant 0 : i32
      %dma_start3A_717 = tpu.memref_slice %arg2[%dma_start3A_715, %dma_start3A_716] : memref<10000x128xf32, #tpu.memory_space<hbm>> -> memref<10000x128xf32, #tpu.memory_space<hbm>>
      tpu.enqueue_indirect_dma source(%dma_start3A_717 : memref<10000x128xf32, #tpu.memory_space<hbm>>) target(%dma_start3A_711 : memref<64x128xf32, #tpu.memory_space<vmem>>) offsets(%dma_start3A_714 : memref<64xi32, #tpu.memory_space<vmem>>) semaphore(%arg11 : memref<!tpu.dma_semaphore, #tpu.memory_space<semaphore_mem>>)
      %dma_start3A_718 = arith.constant 1 : i32
      %dma_start3A_719 = arith.constant 1 : i32
      %dma_start3A_720 = arith.constant 0 : i32
      %dma_start3A_721 = arith.constant 0 : i32
      %dma_start3A_722 = tpu.memref_slice %arg8[%dma_start3A_719, %dma_start3A_720, %dma_start3A_721] : memref<4x64x128xf32, #tpu.memory_space<vmem>> -> memref<1x64x128xf32, #tpu.memory_space<vmem>>
      %dma_start3A_723 = tpu.memref_squeeze %dma_start3A_722 : memref<1x64x128xf32, #tpu.memory_space<vmem>> -> memref<64x128xf32, #tpu.memory_space<vmem>>
      %dma_start3A_724 = arith.constant 0 : i32
      %dma_start3A_725 = tpu.memref_slice %arg6[%dma_start3A_718, %dma_start3A_724] : memref<40x64xi32, #tpu.memory_space<vmem>> -> memref<1x64xi32, #tpu.memory_space<vmem>>
      %dma_start3A_726 = tpu.memref_squeeze %dma_start3A_725 : memref<1x64xi32, #tpu.memory_space<vmem>> -> memref<64xi32, #tpu.memory_space<vmem>>
      %dma_start3A_727 = arith.constant 0 : i32
      %dma_start3A_728 = arith.constant 0 : i32
      %dma_start3A_729 = tpu.memref_slice %arg2[%dma_start3A_727, %dma_start3A_728] : memref<10000x128xf32, #tpu.memory_space<hbm>> -> memref<10000x128xf32, #tpu.memory_space<hbm>>
      tpu.enqueue_indirect_dma source(%dma_start3A_729 : memref<10000x128xf32, #tpu.memory_space<hbm>>) target(%dma_start3A_723 : memref<64x128xf32, #tpu.memory_space<vmem>>) offsets(%dma_start3A_726 : memref<64xi32, #tpu.memory_space<vmem>>) semaphore(%arg12 : memref<!tpu.dma_semaphore, #tpu.memory_space<semaphore_mem>>)
      %dma_start3A_730 = arith.constant 2 : i32
      %dma_start3A_731 = arith.constant 2 : i32
      %dma_start3A_732 = arith.constant 0 : i32
      %dma_start3A_733 = arith.constant 0 : i32
      %dma_start3A_734 = tpu.memref_slice %arg8[%dma_start3A_731, %dma_start3A_732, %dma_start3A_733] : memref<4x64x128xf32, #tpu.memory_space<vmem>> -> memref<1x64x128xf32, #tpu.memory_space<vmem>>
      %dma_start3A_735 = tpu.memref_squeeze %dma_start3A_734 : memref<1x64x128xf32, #tpu.memory_space<vmem>> -> memref<64x128xf32, #tpu.memory_space<vmem>>
      %dma_start3A_736 = arith.constant 0 : i32
      %dma_start3A_737 = tpu.memref_slice %arg6[%dma_start3A_730, %dma_start3A_736] : memref<40x64xi32, #tpu.memory_space<vmem>> -> memref<1x64xi32, #tpu.memory_space<vmem>>
      %dma_start3A_738 = tpu.memref_squeeze %dma_start3A_737 : memref<1x64xi32, #tpu.memory_space<vmem>> -> memref<64xi32, #tpu.memory_space<vmem>>
      %dma_start3A_739 = arith.constant 0 : i32
      %dma_start3A_740 = arith.constant 0 : i32
      %dma_start3A_741 = tpu.memref_slice %arg2[%dma_start3A_739, %dma_start3A_740] : memref<10000x128xf32, #tpu.memory_space<hbm>> -> memref<10000x128xf32, #tpu.memory_space<hbm>>
      tpu.enqueue_indirect_dma source(%dma_start3A_741 : memref<10000x128xf32, #tpu.memory_space<hbm>>) target(%dma_start3A_735 : memref<64x128xf32, #tpu.memory_space<vmem>>) offsets(%dma_start3A_738 : memref<64xi32, #tpu.memory_space<vmem>>) semaphore(%arg13 : memref<!tpu.dma_semaphore, #tpu.memory_space<semaphore_mem>>)
      %dma_start3A_742 = arith.constant 3 : i32
      %dma_start3A_743 = arith.constant 3 : i32
      %dma_start3A_744 = arith.constant 0 : i32
      %dma_start3A_745 = arith.constant 0 : i32
      %dma_start3A_746 = tpu.memref_slice %arg8[%dma_start3A_743, %dma_start3A_744, %dma_start3A_745] : memref<4x64x128xf32, #tpu.memory_space<vmem>> -> memref<1x64x128xf32, #tpu.memory_space<vmem>>
      %dma_start3A_747 = tpu.memref_squeeze %dma_start3A_746 : memref<1x64x128xf32, #tpu.memory_space<vmem>> -> memref<64x128xf32, #tpu.memory_space<vmem>>
      %dma_start3A_748 = arith.constant 0 : i32
      %dma_start3A_749 = tpu.memref_slice %arg6[%dma_start3A_742, %dma_start3A_748] : memref<40x64xi32, #tpu.memory_space<vmem>> -> memref<1x64xi32, #tpu.memory_space<vmem>>
      %dma_start3A_750 = tpu.memref_squeeze %dma_start3A_749 : memref<1x64xi32, #tpu.memory_space<vmem>> -> memref<64xi32, #tpu.memory_space<vmem>>
      %dma_start3A_751 = arith.constant 0 : i32
      %dma_start3A_752 = arith.constant 0 : i32
      %dma_start3A_753 = tpu.memref_slice %arg2[%dma_start3A_751, %dma_start3A_752] : memref<10000x128xf32, #tpu.memory_space<hbm>> -> memref<10000x128xf32, #tpu.memory_space<hbm>>
      tpu.enqueue_indirect_dma source(%dma_start3A_753 : memref<10000x128xf32, #tpu.memory_space<hbm>>) target(%dma_start3A_747 : memref<64x128xf32, #tpu.memory_space<vmem>>) offsets(%dma_start3A_750 : memref<64xi32, #tpu.memory_space<vmem>>) semaphore(%arg14 : memref<!tpu.dma_semaphore, #tpu.memory_space<semaphore_mem>>)
      %scan3A_754 = arith.constant 0 : i32
      %scan3A_755 = arith.constant 10 : i32
      %scan3A_756 = arith.addi %scan3A_754, %scan3A_755 : i32
      %scan3A_757 = arith.constant 1 : i32
      scf.for %scan3A_759 = %scan3A_754 to %scan3A_756 step %scan3A_757  : i32 {
        %mul3A_760 = arith.constant 4 : i32
        %mul3A_761 = arith.muli %mul3A_760, %scan3A_759 : i32
        %add3A_762 = arith.constant 0 : i32
        %add3A_763 = arith.addi %mul3A_761, %add3A_762 : i32
        %dma_wait3A = arith.constant 0 : i32
        %dma_wait3A_764 = arith.constant 0 : i32
        %dma_wait3A_765 = arith.constant 0 : i32
        %dma_wait3A_766 = tpu.memref_slice %arg8[%dma_wait3A, %dma_wait3A_764, %dma_wait3A_765] : memref<4x64x128xf32, #tpu.memory_space<vmem>> -> memref<1x64x128xf32, #tpu.memory_space<vmem>>
        %dma_wait3A_767 = tpu.memref_squeeze %dma_wait3A_766 : memref<1x64x128xf32, #tpu.memory_space<vmem>> -> memref<64x128xf32, #tpu.memory_space<vmem>>
        %dma_wait3A_768 = arith.constant 0 : i32
        %dma_wait3A_769 = tpu.memref_slice %arg6[%add3A_763, %dma_wait3A_768] : memref<40x64xi32, #tpu.memory_space<vmem>> -> memref<1x64xi32, #tpu.memory_space<vmem>>
        %dma_wait3A_770 = tpu.memref_squeeze %dma_wait3A_769 : memref<1x64xi32, #tpu.memory_space<vmem>> -> memref<64xi32, #tpu.memory_space<vmem>>
        %dma_wait3A_771 = arith.constant 0 : i32
        %dma_wait3A_772 = arith.constant 0 : i32
        %dma_wait3A_773 = tpu.memref_slice %arg2[%dma_wait3A_771, %dma_wait3A_772] : memref<10000x128xf32, #tpu.memory_space<hbm>> -> memref<10000x128xf32, #tpu.memory_space<hbm>>
        tpu.wait_indirect_dma semaphore(%arg11 : memref<!tpu.dma_semaphore, #tpu.memory_space<semaphore_mem>>) src(%dma_wait3A_773 : memref<10000x128xf32, #tpu.memory_space<hbm>>) dst(%dma_wait3A_767 : memref<64x128xf32, #tpu.memory_space<vmem>>)
        %run_scoped3A = arith.constant 0 : i32
        "tpu.region"() ({
          %run_scoped3A_843 = tpu.sem_alloc : memref<!tpu.dma_semaphore, #tpu.memory_space<semaphore_mem>>
          %dma_start3A_844 = arith.constant 0 : i32
          %dma_start3A_845 = arith.constant 0 : i32
          %dma_start3A_846 = tpu.memref_slice %arg8[%run_scoped3A, %dma_start3A_844, %dma_start3A_845] : memref<4x64x128xf32, #tpu.memory_space<vmem>> -> memref<1x64x128xf32, #tpu.memory_space<vmem>>
          %dma_start3A_847 = tpu.memref_squeeze %dma_start3A_846 : memref<1x64x128xf32, #tpu.memory_space<vmem>> -> memref<64x128xf32, #tpu.memory_space<vmem>>
          %dma_start3A_848 = arith.constant 0 : i32
          %dma_start3A_849 = tpu.memref_slice %arg7[%add3A_763, %dma_start3A_848] : memref<40x64xi32, #tpu.memory_space<vmem>> -> memref<1x64xi32, #tpu.memory_space<vmem>>
          %dma_start3A_850 = tpu.memref_squeeze %dma_start3A_849 : memref<1x64xi32, #tpu.memory_space<vmem>> -> memref<64xi32, #tpu.memory_space<vmem>>
          %dma_start3A_851 = arith.constant 0 : i32
          %dma_start3A_852 = arith.constant 0 : i32
          %dma_start3A_853 = tpu.memref_slice %arg10[%dma_start3A_851, %dma_start3A_852] : memref<10240x128xf32, #tpu.memory_space<vmem_shared>> -> memref<10240x128xf32, #tpu.memory_space<vmem_shared>>
          tpu.enqueue_indirect_dma source(%dma_start3A_847 : memref<64x128xf32, #tpu.memory_space<vmem>>) target(%dma_start3A_853 : memref<10240x128xf32, #tpu.memory_space<vmem_shared>>) offsets(%dma_start3A_850 : memref<64xi32, #tpu.memory_space<vmem>>) semaphore(%run_scoped3A_843 : memref<!tpu.dma_semaphore, #tpu.memory_space<semaphore_mem>>) {add = true}
          %dma_wait3A_854 = arith.constant 0 : i32
          %dma_wait3A_855 = arith.constant 0 : i32
          %dma_wait3A_856 = tpu.memref_slice %arg8[%run_scoped3A, %dma_wait3A_854, %dma_wait3A_855] : memref<4x64x128xf32, #tpu.memory_space<vmem>> -> memref<1x64x128xf32, #tpu.memory_space<vmem>>
          %dma_wait3A_857 = tpu.memref_squeeze %dma_wait3A_856 : memref<1x64x128xf32, #tpu.memory_space<vmem>> -> memref<64x128xf32, #tpu.memory_space<vmem>>
          %dma_wait3A_858 = arith.constant 0 : i32
          %dma_wait3A_859 = tpu.memref_slice %arg7[%add3A_763, %dma_wait3A_858] : memref<40x64xi32, #tpu.memory_space<vmem>> -> memref<1x64xi32, #tpu.memory_space<vmem>>
          %dma_wait3A_860 = tpu.memref_squeeze %dma_wait3A_859 : memref<1x64xi32, #tpu.memory_space<vmem>> -> memref<64xi32, #tpu.memory_space<vmem>>
          %dma_wait3A_861 = arith.constant 0 : i32
          %dma_wait3A_862 = arith.constant 0 : i32
          %dma_wait3A_863 = tpu.memref_slice %arg10[%dma_wait3A_861, %dma_wait3A_862] : memref<10240x128xf32, #tpu.memory_space<vmem_shared>> -> memref<10240x128xf32, #tpu.memory_space<vmem_shared>>
          tpu.wait_indirect_dma semaphore(%run_scoped3A_843 : memref<!tpu.dma_semaphore, #tpu.memory_space<semaphore_mem>>) src(%dma_wait3A_857 : memref<64x128xf32, #tpu.memory_space<vmem>>) dst(%dma_wait3A_863 : memref<10240x128xf32, #tpu.memory_space<vmem_shared>>)
          tpu.yield
        }) : () -> ()
        %add3A_774 = arith.constant 4 : i32
        %add3A_775 = arith.addi %add3A_763, %add3A_774 : i32
        %lt3A = arith.constant 40 : i32
        %lt3A_776 = arith.cmpi slt, %add3A_775, %lt3A : i32
        %convert_element_type3A_777 = arith.extui %lt3A_776 : i1 to i32
        %cond3A_778 = arith.constant 0 : i32
        %cond3A_779 = arith.cmpi ne, %convert_element_type3A_777, %cond3A_778 : i32
        scf.if %cond3A_779 {
          %add3A_843 = arith.constant 4 : i32
          %add3A_844 = arith.addi %add3A_763, %add3A_843 : i32
          %dma_start3A_845 = arith.constant 0 : i32
          %dma_start3A_846 = arith.constant 0 : i32
          %dma_start3A_847 = arith.constant 0 : i32
          %dma_start3A_848 = tpu.memref_slice %arg8[%dma_start3A_845, %dma_start3A_846, %dma_start3A_847] : memref<4x64x128xf32, #tpu.memory_space<vmem>> -> memref<1x64x128xf32, #tpu.memory_space<vmem>>
          %dma_start3A_849 = tpu.memref_squeeze %dma_start3A_848 : memref<1x64x128xf32, #tpu.memory_space<vmem>> -> memref<64x128xf32, #tpu.memory_space<vmem>>
          %dma_start3A_850 = arith.constant 0 : i32
          %dma_start3A_851 = tpu.memref_slice %arg6[%add3A_844, %dma_start3A_850] : memref<40x64xi32, #tpu.memory_space<vmem>> -> memref<1x64xi32, #tpu.memory_space<vmem>>
          %dma_start3A_852 = tpu.memref_squeeze %dma_start3A_851 : memref<1x64xi32, #tpu.memory_space<vmem>> -> memref<64xi32, #tpu.memory_space<vmem>>
          %dma_start3A_853 = arith.constant 0 : i32
          %dma_start3A_854 = arith.constant 0 : i32
          %dma_start3A_855 = tpu.memref_slice %arg2[%dma_start3A_853, %dma_start3A_854] : memref<10000x128xf32, #tpu.memory_space<hbm>> -> memref<10000x128xf32, #tpu.memory_space<hbm>>
          tpu.enqueue_indirect_dma source(%dma_start3A_855 : memref<10000x128xf32, #tpu.memory_space<hbm>>) target(%dma_start3A_849 : memref<64x128xf32, #tpu.memory_space<vmem>>) offsets(%dma_start3A_852 : memref<64xi32, #tpu.memory_space<vmem>>) semaphore(%arg11 : memref<!tpu.dma_semaphore, #tpu.memory_space<semaphore_mem>>)
        } else {
        }
        %add3A_780 = arith.constant 1 : i32
        %add3A_781 = arith.addi %mul3A_761, %add3A_780 : i32
        %dma_wait3A_782 = arith.constant 1 : i32
        %dma_wait3A_783 = arith.constant 0 : i32
        %dma_wait3A_784 = arith.constant 0 : i32
        %dma_wait3A_785 = tpu.memref_slice %arg8[%dma_wait3A_782, %dma_wait3A_783, %dma_wait3A_784] : memref<4x64x128xf32, #tpu.memory_space<vmem>> -> memref<1x64x128xf32, #tpu.memory_space<vmem>>
        %dma_wait3A_786 = tpu.memref_squeeze %dma_wait3A_785 : memref<1x64x128xf32, #tpu.memory_space<vmem>> -> memref<64x128xf32, #tpu.memory_space<vmem>>
        %dma_wait3A_787 = arith.constant 0 : i32
        %dma_wait3A_788 = tpu.memref_slice %arg6[%add3A_781, %dma_wait3A_787] : memref<40x64xi32, #tpu.memory_space<vmem>> -> memref<1x64xi32, #tpu.memory_space<vmem>>
        %dma_wait3A_789 = tpu.memref_squeeze %dma_wait3A_788 : memref<1x64xi32, #tpu.memory_space<vmem>> -> memref<64xi32, #tpu.memory_space<vmem>>
        %dma_wait3A_790 = arith.constant 0 : i32
        %dma_wait3A_791 = arith.constant 0 : i32
        %dma_wait3A_792 = tpu.memref_slice %arg2[%dma_wait3A_790, %dma_wait3A_791] : memref<10000x128xf32, #tpu.memory_space<hbm>> -> memref<10000x128xf32, #tpu.memory_space<hbm>>
        tpu.wait_indirect_dma semaphore(%arg12 : memref<!tpu.dma_semaphore, #tpu.memory_space<semaphore_mem>>) src(%dma_wait3A_792 : memref<10000x128xf32, #tpu.memory_space<hbm>>) dst(%dma_wait3A_786 : memref<64x128xf32, #tpu.memory_space<vmem>>)
        %run_scoped3A_793 = arith.constant 1 : i32
        "tpu.region"() ({
          %run_scoped3A_843 = tpu.sem_alloc : memref<!tpu.dma_semaphore, #tpu.memory_space<semaphore_mem>>
          %dma_start3A_844 = arith.constant 0 : i32
          %dma_start3A_845 = arith.constant 0 : i32
          %dma_start3A_846 = tpu.memref_slice %arg8[%run_scoped3A_793, %dma_start3A_844, %dma_start3A_845] : memref<4x64x128xf32, #tpu.memory_space<vmem>> -> memref<1x64x128xf32, #tpu.memory_space<vmem>>
          %dma_start3A_847 = tpu.memref_squeeze %dma_start3A_846 : memref<1x64x128xf32, #tpu.memory_space<vmem>> -> memref<64x128xf32, #tpu.memory_space<vmem>>
          %dma_start3A_848 = arith.constant 0 : i32
          %dma_start3A_849 = tpu.memref_slice %arg7[%add3A_781, %dma_start3A_848] : memref<40x64xi32, #tpu.memory_space<vmem>> -> memref<1x64xi32, #tpu.memory_space<vmem>>
          %dma_start3A_850 = tpu.memref_squeeze %dma_start3A_849 : memref<1x64xi32, #tpu.memory_space<vmem>> -> memref<64xi32, #tpu.memory_space<vmem>>
          %dma_start3A_851 = arith.constant 0 : i32
          %dma_start3A_852 = arith.constant 0 : i32
          %dma_start3A_853 = tpu.memref_slice %arg10[%dma_start3A_851, %dma_start3A_852] : memref<10240x128xf32, #tpu.memory_space<vmem_shared>> -> memref<10240x128xf32, #tpu.memory_space<vmem_shared>>
          tpu.enqueue_indirect_dma source(%dma_start3A_847 : memref<64x128xf32, #tpu.memory_space<vmem>>) target(%dma_start3A_853 : memref<10240x128xf32, #tpu.memory_space<vmem_shared>>) offsets(%dma_start3A_850 : memref<64xi32, #tpu.memory_space<vmem>>) semaphore(%run_scoped3A_843 : memref<!tpu.dma_semaphore, #tpu.memory_space<semaphore_mem>>) {add = true}
          %dma_wait3A_854 = arith.constant 0 : i32
          %dma_wait3A_855 = arith.constant 0 : i32
          %dma_wait3A_856 = tpu.memref_slice %arg8[%run_scoped3A_793, %dma_wait3A_854, %dma_wait3A_855] : memref<4x64x128xf32, #tpu.memory_space<vmem>> -> memref<1x64x128xf32, #tpu.memory_space<vmem>>
          %dma_wait3A_857 = tpu.memref_squeeze %dma_wait3A_856 : memref<1x64x128xf32, #tpu.memory_space<vmem>> -> memref<64x128xf32, #tpu.memory_space<vmem>>
          %dma_wait3A_858 = arith.constant 0 : i32
          %dma_wait3A_859 = tpu.memref_slice %arg7[%add3A_781, %dma_wait3A_858] : memref<40x64xi32, #tpu.memory_space<vmem>> -> memref<1x64xi32, #tpu.memory_space<vmem>>
          %dma_wait3A_860 = tpu.memref_squeeze %dma_wait3A_859 : memref<1x64xi32, #tpu.memory_space<vmem>> -> memref<64xi32, #tpu.memory_space<vmem>>
          %dma_wait3A_861 = arith.constant 0 : i32
          %dma_wait3A_862 = arith.constant 0 : i32
          %dma_wait3A_863 = tpu.memref_slice %arg10[%dma_wait3A_861, %dma_wait3A_862] : memref<10240x128xf32, #tpu.memory_space<vmem_shared>> -> memref<10240x128xf32, #tpu.memory_space<vmem_shared>>
          tpu.wait_indirect_dma semaphore(%run_scoped3A_843 : memref<!tpu.dma_semaphore, #tpu.memory_space<semaphore_mem>>) src(%dma_wait3A_857 : memref<64x128xf32, #tpu.memory_space<vmem>>) dst(%dma_wait3A_863 : memref<10240x128xf32, #tpu.memory_space<vmem_shared>>)
          tpu.yield
        }) : () -> ()
        %add3A_794 = arith.constant 4 : i32
        %add3A_795 = arith.addi %add3A_781, %add3A_794 : i32
        %lt3A_796 = arith.constant 40 : i32
        %lt3A_797 = arith.cmpi slt, %add3A_795, %lt3A_796 : i32
        %convert_element_type3A_798 = arith.extui %lt3A_797 : i1 to i32
        %cond3A_799 = arith.constant 0 : i32
        %cond3A_800 = arith.cmpi ne, %convert_element_type3A_798, %cond3A_799 : i32
        scf.if %cond3A_800 {
          %add3A_843 = arith.constant 4 : i32
          %add3A_844 = arith.addi %add3A_781, %add3A_843 : i32
          %dma_start3A_845 = arith.constant 1 : i32
          %dma_start3A_846 = arith.constant 0 : i32
          %dma_start3A_847 = arith.constant 0 : i32
          %dma_start3A_848 = tpu.memref_slice %arg8[%dma_start3A_845, %dma_start3A_846, %dma_start3A_847] : memref<4x64x128xf32, #tpu.memory_space<vmem>> -> memref<1x64x128xf32, #tpu.memory_space<vmem>>
          %dma_start3A_849 = tpu.memref_squeeze %dma_start3A_848 : memref<1x64x128xf32, #tpu.memory_space<vmem>> -> memref<64x128xf32, #tpu.memory_space<vmem>>
          %dma_start3A_850 = arith.constant 0 : i32
          %dma_start3A_851 = tpu.memref_slice %arg6[%add3A_844, %dma_start3A_850] : memref<40x64xi32, #tpu.memory_space<vmem>> -> memref<1x64xi32, #tpu.memory_space<vmem>>
          %dma_start3A_852 = tpu.memref_squeeze %dma_start3A_851 : memref<1x64xi32, #tpu.memory_space<vmem>> -> memref<64xi32, #tpu.memory_space<vmem>>
          %dma_start3A_853 = arith.constant 0 : i32
          %dma_start3A_854 = arith.constant 0 : i32
          %dma_start3A_855 = tpu.memref_slice %arg2[%dma_start3A_853, %dma_start3A_854] : memref<10000x128xf32, #tpu.memory_space<hbm>> -> memref<10000x128xf32, #tpu.memory_space<hbm>>
          tpu.enqueue_indirect_dma source(%dma_start3A_855 : memref<10000x128xf32, #tpu.memory_space<hbm>>) target(%dma_start3A_849 : memref<64x128xf32, #tpu.memory_space<vmem>>) offsets(%dma_start3A_852 : memref<64xi32, #tpu.memory_space<vmem>>) semaphore(%arg12 : memref<!tpu.dma_semaphore, #tpu.memory_space<semaphore_mem>>)
        } else {
        }
        %add3A_801 = arith.constant 2 : i32
        %add3A_802 = arith.addi %mul3A_761, %add3A_801 : i32
        %dma_wait3A_803 = arith.constant 2 : i32
        %dma_wait3A_804 = arith.constant 0 : i32
        %dma_wait3A_805 = arith.constant 0 : i32
        %dma_wait3A_806 = tpu.memref_slice %arg8[%dma_wait3A_803, %dma_wait3A_804, %dma_wait3A_805] : memref<4x64x128xf32, #tpu.memory_space<vmem>> -> memref<1x64x128xf32, #tpu.memory_space<vmem>>
        %dma_wait3A_807 = tpu.memref_squeeze %dma_wait3A_806 : memref<1x64x128xf32, #tpu.memory_space<vmem>> -> memref<64x128xf32, #tpu.memory_space<vmem>>
        %dma_wait3A_808 = arith.constant 0 : i32
        %dma_wait3A_809 = tpu.memref_slice %arg6[%add3A_802, %dma_wait3A_808] : memref<40x64xi32, #tpu.memory_space<vmem>> -> memref<1x64xi32, #tpu.memory_space<vmem>>
        %dma_wait3A_810 = tpu.memref_squeeze %dma_wait3A_809 : memref<1x64xi32, #tpu.memory_space<vmem>> -> memref<64xi32, #tpu.memory_space<vmem>>
        %dma_wait3A_811 = arith.constant 0 : i32
        %dma_wait3A_812 = arith.constant 0 : i32
        %dma_wait3A_813 = tpu.memref_slice %arg2[%dma_wait3A_811, %dma_wait3A_812] : memref<10000x128xf32, #tpu.memory_space<hbm>> -> memref<10000x128xf32, #tpu.memory_space<hbm>>
        tpu.wait_indirect_dma semaphore(%arg13 : memref<!tpu.dma_semaphore, #tpu.memory_space<semaphore_mem>>) src(%dma_wait3A_813 : memref<10000x128xf32, #tpu.memory_space<hbm>>) dst(%dma_wait3A_807 : memref<64x128xf32, #tpu.memory_space<vmem>>)
        %run_scoped3A_814 = arith.constant 2 : i32
        "tpu.region"() ({
          %run_scoped3A_843 = tpu.sem_alloc : memref<!tpu.dma_semaphore, #tpu.memory_space<semaphore_mem>>
          %dma_start3A_844 = arith.constant 0 : i32
          %dma_start3A_845 = arith.constant 0 : i32
          %dma_start3A_846 = tpu.memref_slice %arg8[%run_scoped3A_814, %dma_start3A_844, %dma_start3A_845] : memref<4x64x128xf32, #tpu.memory_space<vmem>> -> memref<1x64x128xf32, #tpu.memory_space<vmem>>
          %dma_start3A_847 = tpu.memref_squeeze %dma_start3A_846 : memref<1x64x128xf32, #tpu.memory_space<vmem>> -> memref<64x128xf32, #tpu.memory_space<vmem>>
          %dma_start3A_848 = arith.constant 0 : i32
          %dma_start3A_849 = tpu.memref_slice %arg7[%add3A_802, %dma_start3A_848] : memref<40x64xi32, #tpu.memory_space<vmem>> -> memref<1x64xi32, #tpu.memory_space<vmem>>
          %dma_start3A_850 = tpu.memref_squeeze %dma_start3A_849 : memref<1x64xi32, #tpu.memory_space<vmem>> -> memref<64xi32, #tpu.memory_space<vmem>>
          %dma_start3A_851 = arith.constant 0 : i32
          %dma_start3A_852 = arith.constant 0 : i32
          %dma_start3A_853 = tpu.memref_slice %arg10[%dma_start3A_851, %dma_start3A_852] : memref<10240x128xf32, #tpu.memory_space<vmem_shared>> -> memref<10240x128xf32, #tpu.memory_space<vmem_shared>>
          tpu.enqueue_indirect_dma source(%dma_start3A_847 : memref<64x128xf32, #tpu.memory_space<vmem>>) target(%dma_start3A_853 : memref<10240x128xf32, #tpu.memory_space<vmem_shared>>) offsets(%dma_start3A_850 : memref<64xi32, #tpu.memory_space<vmem>>) semaphore(%run_scoped3A_843 : memref<!tpu.dma_semaphore, #tpu.memory_space<semaphore_mem>>) {add = true}
          %dma_wait3A_854 = arith.constant 0 : i32
          %dma_wait3A_855 = arith.constant 0 : i32
          %dma_wait3A_856 = tpu.memref_slice %arg8[%run_scoped3A_814, %dma_wait3A_854, %dma_wait3A_855] : memref<4x64x128xf32, #tpu.memory_space<vmem>> -> memref<1x64x128xf32, #tpu.memory_space<vmem>>
          %dma_wait3A_857 = tpu.memref_squeeze %dma_wait3A_856 : memref<1x64x128xf32, #tpu.memory_space<vmem>> -> memref<64x128xf32, #tpu.memory_space<vmem>>
          %dma_wait3A_858 = arith.constant 0 : i32
          %dma_wait3A_859 = tpu.memref_slice %arg7[%add3A_802, %dma_wait3A_858] : memref<40x64xi32, #tpu.memory_space<vmem>> -> memref<1x64xi32, #tpu.memory_space<vmem>>
          %dma_wait3A_860 = tpu.memref_squeeze %dma_wait3A_859 : memref<1x64xi32, #tpu.memory_space<vmem>> -> memref<64xi32, #tpu.memory_space<vmem>>
          %dma_wait3A_861 = arith.constant 0 : i32
          %dma_wait3A_862 = arith.constant 0 : i32
          %dma_wait3A_863 = tpu.memref_slice %arg10[%dma_wait3A_861, %dma_wait3A_862] : memref<10240x128xf32, #tpu.memory_space<vmem_shared>> -> memref<10240x128xf32, #tpu.memory_space<vmem_shared>>
          tpu.wait_indirect_dma semaphore(%run_scoped3A_843 : memref<!tpu.dma_semaphore, #tpu.memory_space<semaphore_mem>>) src(%dma_wait3A_857 : memref<64x128xf32, #tpu.memory_space<vmem>>) dst(%dma_wait3A_863 : memref<10240x128xf32, #tpu.memory_space<vmem_shared>>)
          tpu.yield
        }) : () -> ()
        %add3A_815 = arith.constant 4 : i32
        %add3A_816 = arith.addi %add3A_802, %add3A_815 : i32
        %lt3A_817 = arith.constant 40 : i32
        %lt3A_818 = arith.cmpi slt, %add3A_816, %lt3A_817 : i32
        %convert_element_type3A_819 = arith.extui %lt3A_818 : i1 to i32
        %cond3A_820 = arith.constant 0 : i32
        %cond3A_821 = arith.cmpi ne, %convert_element_type3A_819, %cond3A_820 : i32
        scf.if %cond3A_821 {
          %add3A_843 = arith.constant 4 : i32
          %add3A_844 = arith.addi %add3A_802, %add3A_843 : i32
          %dma_start3A_845 = arith.constant 2 : i32
          %dma_start3A_846 = arith.constant 0 : i32
          %dma_start3A_847 = arith.constant 0 : i32
          %dma_start3A_848 = tpu.memref_slice %arg8[%dma_start3A_845, %dma_start3A_846, %dma_start3A_847] : memref<4x64x128xf32, #tpu.memory_space<vmem>> -> memref<1x64x128xf32, #tpu.memory_space<vmem>>
          %dma_start3A_849 = tpu.memref_squeeze %dma_start3A_848 : memref<1x64x128xf32, #tpu.memory_space<vmem>> -> memref<64x128xf32, #tpu.memory_space<vmem>>
          %dma_start3A_850 = arith.constant 0 : i32
          %dma_start3A_851 = tpu.memref_slice %arg6[%add3A_844, %dma_start3A_850] : memref<40x64xi32, #tpu.memory_space<vmem>> -> memref<1x64xi32, #tpu.memory_space<vmem>>
          %dma_start3A_852 = tpu.memref_squeeze %dma_start3A_851 : memref<1x64xi32, #tpu.memory_space<vmem>> -> memref<64xi32, #tpu.memory_space<vmem>>
          %dma_start3A_853 = arith.constant 0 : i32
          %dma_start3A_854 = arith.constant 0 : i32
          %dma_start3A_855 = tpu.memref_slice %arg2[%dma_start3A_853, %dma_start3A_854] : memref<10000x128xf32, #tpu.memory_space<hbm>> -> memref<10000x128xf32, #tpu.memory_space<hbm>>
          tpu.enqueue_indirect_dma source(%dma_start3A_855 : memref<10000x128xf32, #tpu.memory_space<hbm>>) target(%dma_start3A_849 : memref<64x128xf32, #tpu.memory_space<vmem>>) offsets(%dma_start3A_852 : memref<64xi32, #tpu.memory_space<vmem>>) semaphore(%arg13 : memref<!tpu.dma_semaphore, #tpu.memory_space<semaphore_mem>>)
        } else {
        }
        %add3A_822 = arith.constant 3 : i32
        %add3A_823 = arith.addi %mul3A_761, %add3A_822 : i32
        %dma_wait3A_824 = arith.constant 3 : i32
        %dma_wait3A_825 = arith.constant 0 : i32
        %dma_wait3A_826 = arith.constant 0 : i32
        %dma_wait3A_827 = tpu.memref_slice %arg8[%dma_wait3A_824, %dma_wait3A_825, %dma_wait3A_826] : memref<4x64x128xf32, #tpu.memory_space<vmem>> -> memref<1x64x128xf32, #tpu.memory_space<vmem>>
        %dma_wait3A_828 = tpu.memref_squeeze %dma_wait3A_827 : memref<1x64x128xf32, #tpu.memory_space<vmem>> -> memref<64x128xf32, #tpu.memory_space<vmem>>
        %dma_wait3A_829 = arith.constant 0 : i32
        %dma_wait3A_830 = tpu.memref_slice %arg6[%add3A_823, %dma_wait3A_829] : memref<40x64xi32, #tpu.memory_space<vmem>> -> memref<1x64xi32, #tpu.memory_space<vmem>>
        %dma_wait3A_831 = tpu.memref_squeeze %dma_wait3A_830 : memref<1x64xi32, #tpu.memory_space<vmem>> -> memref<64xi32, #tpu.memory_space<vmem>>
        %dma_wait3A_832 = arith.constant 0 : i32
        %dma_wait3A_833 = arith.constant 0 : i32
        %dma_wait3A_834 = tpu.memref_slice %arg2[%dma_wait3A_832, %dma_wait3A_833] : memref<10000x128xf32, #tpu.memory_space<hbm>> -> memref<10000x128xf32, #tpu.memory_space<hbm>>
        tpu.wait_indirect_dma semaphore(%arg14 : memref<!tpu.dma_semaphore, #tpu.memory_space<semaphore_mem>>) src(%dma_wait3A_834 : memref<10000x128xf32, #tpu.memory_space<hbm>>) dst(%dma_wait3A_828 : memref<64x128xf32, #tpu.memory_space<vmem>>)
        %run_scoped3A_835 = arith.constant 3 : i32
        "tpu.region"() ({
          %run_scoped3A_843 = tpu.sem_alloc : memref<!tpu.dma_semaphore, #tpu.memory_space<semaphore_mem>>
          %dma_start3A_844 = arith.constant 0 : i32
          %dma_start3A_845 = arith.constant 0 : i32
          %dma_start3A_846 = tpu.memref_slice %arg8[%run_scoped3A_835, %dma_start3A_844, %dma_start3A_845] : memref<4x64x128xf32, #tpu.memory_space<vmem>> -> memref<1x64x128xf32, #tpu.memory_space<vmem>>
          %dma_start3A_847 = tpu.memref_squeeze %dma_start3A_846 : memref<1x64x128xf32, #tpu.memory_space<vmem>> -> memref<64x128xf32, #tpu.memory_space<vmem>>
          %dma_start3A_848 = arith.constant 0 : i32
          %dma_start3A_849 = tpu.memref_slice %arg7[%add3A_823, %dma_start3A_848] : memref<40x64xi32, #tpu.memory_space<vmem>> -> memref<1x64xi32, #tpu.memory_space<vmem>>
          %dma_start3A_850 = tpu.memref_squeeze %dma_start3A_849 : memref<1x64xi32, #tpu.memory_space<vmem>> -> memref<64xi32, #tpu.memory_space<vmem>>
          %dma_start3A_851 = arith.constant 0 : i32
          %dma_start3A_852 = arith.constant 0 : i32
          %dma_start3A_853 = tpu.memref_slice %arg10[%dma_start3A_851, %dma_start3A_852] : memref<10240x128xf32, #tpu.memory_space<vmem_shared>> -> memref<10240x128xf32, #tpu.memory_space<vmem_shared>>
          tpu.enqueue_indirect_dma source(%dma_start3A_847 : memref<64x128xf32, #tpu.memory_space<vmem>>) target(%dma_start3A_853 : memref<10240x128xf32, #tpu.memory_space<vmem_shared>>) offsets(%dma_start3A_850 : memref<64xi32, #tpu.memory_space<vmem>>) semaphore(%run_scoped3A_843 : memref<!tpu.dma_semaphore, #tpu.memory_space<semaphore_mem>>) {add = true}
          %dma_wait3A_854 = arith.constant 0 : i32
          %dma_wait3A_855 = arith.constant 0 : i32
          %dma_wait3A_856 = tpu.memref_slice %arg8[%run_scoped3A_835, %dma_wait3A_854, %dma_wait3A_855] : memref<4x64x128xf32, #tpu.memory_space<vmem>> -> memref<1x64x128xf32, #tpu.memory_space<vmem>>
          %dma_wait3A_857 = tpu.memref_squeeze %dma_wait3A_856 : memref<1x64x128xf32, #tpu.memory_space<vmem>> -> memref<64x128xf32, #tpu.memory_space<vmem>>
          %dma_wait3A_858 = arith.constant 0 : i32
          %dma_wait3A_859 = tpu.memref_slice %arg7[%add3A_823, %dma_wait3A_858] : memref<40x64xi32, #tpu.memory_space<vmem>> -> memref<1x64xi32, #tpu.memory_space<vmem>>
          %dma_wait3A_860 = tpu.memref_squeeze %dma_wait3A_859 : memref<1x64xi32, #tpu.memory_space<vmem>> -> memref<64xi32, #tpu.memory_space<vmem>>
          %dma_wait3A_861 = arith.constant 0 : i32
          %dma_wait3A_862 = arith.constant 0 : i32
          %dma_wait3A_863 = tpu.memref_slice %arg10[%dma_wait3A_861, %dma_wait3A_862] : memref<10240x128xf32, #tpu.memory_space<vmem_shared>> -> memref<10240x128xf32, #tpu.memory_space<vmem_shared>>
          tpu.wait_indirect_dma semaphore(%run_scoped3A_843 : memref<!tpu.dma_semaphore, #tpu.memory_space<semaphore_mem>>) src(%dma_wait3A_857 : memref<64x128xf32, #tpu.memory_space<vmem>>) dst(%dma_wait3A_863 : memref<10240x128xf32, #tpu.memory_space<vmem_shared>>)
          tpu.yield
        }) : () -> ()
        %add3A_836 = arith.constant 4 : i32
        %add3A_837 = arith.addi %add3A_823, %add3A_836 : i32
        %lt3A_838 = arith.constant 40 : i32
        %lt3A_839 = arith.cmpi slt, %add3A_837, %lt3A_838 : i32
        %convert_element_type3A_840 = arith.extui %lt3A_839 : i1 to i32
        %cond3A_841 = arith.constant 0 : i32
        %cond3A_842 = arith.cmpi ne, %convert_element_type3A_840, %cond3A_841 : i32
        scf.if %cond3A_842 {
          %add3A_843 = arith.constant 4 : i32
          %add3A_844 = arith.addi %add3A_823, %add3A_843 : i32
          %dma_start3A_845 = arith.constant 3 : i32
          %dma_start3A_846 = arith.constant 0 : i32
          %dma_start3A_847 = arith.constant 0 : i32
          %dma_start3A_848 = tpu.memref_slice %arg8[%dma_start3A_845, %dma_start3A_846, %dma_start3A_847] : memref<4x64x128xf32, #tpu.memory_space<vmem>> -> memref<1x64x128xf32, #tpu.memory_space<vmem>>
          %dma_start3A_849 = tpu.memref_squeeze %dma_start3A_848 : memref<1x64x128xf32, #tpu.memory_space<vmem>> -> memref<64x128xf32, #tpu.memory_space<vmem>>
          %dma_start3A_850 = arith.constant 0 : i32
          %dma_start3A_851 = tpu.memref_slice %arg6[%add3A_844, %dma_start3A_850] : memref<40x64xi32, #tpu.memory_space<vmem>> -> memref<1x64xi32, #tpu.memory_space<vmem>>
          %dma_start3A_852 = tpu.memref_squeeze %dma_start3A_851 : memref<1x64xi32, #tpu.memory_space<vmem>> -> memref<64xi32, #tpu.memory_space<vmem>>
          %dma_start3A_853 = arith.constant 0 : i32
          %dma_start3A_854 = arith.constant 0 : i32
          %dma_start3A_855 = tpu.memref_slice %arg2[%dma_start3A_853, %dma_start3A_854] : memref<10000x128xf32, #tpu.memory_space<hbm>> -> memref<10000x128xf32, #tpu.memory_space<hbm>>
          tpu.enqueue_indirect_dma source(%dma_start3A_855 : memref<10000x128xf32, #tpu.memory_space<hbm>>) target(%dma_start3A_849 : memref<64x128xf32, #tpu.memory_space<vmem>>) offsets(%dma_start3A_852 : memref<64xi32, #tpu.memory_space<vmem>>) semaphore(%arg14 : memref<!tpu.dma_semaphore, #tpu.memory_space<semaphore_mem>>)
        } else {
        }
      }
      %scan3A_758 = arith.constant 10 : i32
    } else {
    }
    %barrier3A_521 = arith.constant 0 : index
    tpu.barrier barrier_id(%barrier3A_521)
    %mul3A = arith.constant 640 : i32
    %mul3A_522 = arith.muli %arg1, %mul3A : i32
    %mul3A_523 = arith.constant 640 : i32
    %mul3A_524 = arith.muli %arg1, %mul3A_523 : i32
    "tpu.region"() ({
      %run_scoped3A = tpu.sem_alloc : memref<!tpu.dma_semaphore, #tpu.memory_space<semaphore_mem>>
      %dma_start3A = arith.constant 0 : i32
      %dma_start3A_525 = tpu.memref_slice %arg5[%arg0, %mul3A_524, %dma_start3A] : memref<2x10240x128xf32, #tpu.memory_space<hbm>> -> memref<1x640x128xf32, #tpu.memory_space<hbm>>
      %dma_start3A_526 = tpu.memref_squeeze %dma_start3A_525 : memref<1x640x128xf32, #tpu.memory_space<hbm>> -> memref<640x128xf32, #tpu.memory_space<hbm>>
      %dma_start3A_527 = arith.constant 0 : i32
      %dma_start3A_528 = tpu.memref_slice %arg10[%mul3A_522, %dma_start3A_527] : memref<10240x128xf32, #tpu.memory_space<vmem_shared>> -> memref<640x128xf32, #tpu.memory_space<vmem_shared>>
      tpu.enqueue_dma source(%dma_start3A_528 : memref<640x128xf32, #tpu.memory_space<vmem_shared>>) target(%dma_start3A_526 : memref<640x128xf32, #tpu.memory_space<hbm>>) target_semaphore(%run_scoped3A : memref<!tpu.dma_semaphore, #tpu.memory_space<semaphore_mem>>)
      %dma_wait3A = arith.constant 0 : i32
      %dma_wait3A_529 = tpu.memref_slice %arg5[%arg0, %mul3A_524, %dma_wait3A] : memref<2x10240x128xf32, #tpu.memory_space<hbm>> -> memref<1x640x128xf32, #tpu.memory_space<hbm>>
      %dma_wait3A_530 = tpu.memref_squeeze %dma_wait3A_529 : memref<1x640x128xf32, #tpu.memory_space<hbm>> -> memref<640x128xf32, #tpu.memory_space<hbm>>
      %dma_wait3A_531 = arith.constant 0 : i32
      %dma_wait3A_532 = tpu.memref_slice %arg10[%mul3A_522, %dma_wait3A_531] : memref<10240x128xf32, #tpu.memory_space<vmem_shared>> -> memref<640x128xf32, #tpu.memory_space<vmem_shared>>
      tpu.wait_dma2 semaphore(%run_scoped3A : memref<!tpu.dma_semaphore, #tpu.memory_space<semaphore_mem>>) src(%dma_wait3A_532 : memref<640x128xf32, #tpu.memory_space<vmem_shared>>) dst(%dma_wait3A_530 : memref<640x128xf32, #tpu.memory_space<hbm>>)
      tpu.yield
    }) : () -> ()
    return
  }
}

module attributes {stable_mosaic.version = 14 : i64} {
  func.func @_mm_fn(%arg0: i32, %arg1: memref<1000x128xf32, #tpu.memory_space<vmem>>, %arg2: memref<128x128xf32, #tpu.memory_space<vmem>>, %arg3: memref<1000x2xf32, #tpu.memory_space<vmem>>, %arg4: memref<1000x128xf32, #tpu.memory_space<vmem>>) attributes {dimension_semantics = [#tpu.dimension_semantics<arbitrary>], iteration_bounds = array<i64: 10>, scalar_prefetch = 0 : i64, scratch_operands = 0 : i64, tpu.core_type = #tpu.core_type<tc>, window_params = [{transform_indices = @transform_0, window_bounds = array<i64: 1000, 128>}, {pipeline_mode = #tpu.pipeline_mode<synchronous>, transform_indices = @transform_1, window_bounds = array<i64: 128, 128>}, {transform_indices = @transform_2, window_bounds = array<i64: 1000, 2>}, {transform_indices = @transform_3, window_bounds = array<i64: 1000, 128>}]} {
    %get3A = arith.constant 0 : index
    %get3A_0 = arith.constant 0 : index
    %get3A_1 = vector.load %arg3[%get3A, %get3A_0] : memref<1000x2xf32, #tpu.memory_space<vmem>>, vector<1000x1xf32>
    %get3A_2 = vector.shape_cast %get3A_1 : vector<1000x1xf32> to vector<1000xf32>
    %get3A_3 = arith.constant 0 : index
    %get3A_4 = arith.constant 1 : index
    %get3A_5 = vector.load %arg3[%get3A_3, %get3A_4] : memref<1000x2xf32, #tpu.memory_space<vmem>>, vector<1000x1xf32>
    %get3A_6 = vector.shape_cast %get3A_5 : vector<1000x1xf32> to vector<1000xf32>
    %add3A = arith.addf %get3A_2, %get3A_6 : vector<1000xf32>
    %gt3A = arith.constant 0.000000e+00 : f32
    %gt3A_7 = vector.broadcast %gt3A : f32 to vector<1000xf32>
    %gt3A_8 = arith.cmpf ogt, %add3A, %gt3A_7 : vector<1000xf32>
    %max3A = arith.constant 9.99999996E-13 : f32
    %max3A_9 = vector.broadcast %max3A : f32 to vector<1000xf32>
    %max3A_10 = arith.maximumf %add3A, %max3A_9 : vector<1000xf32>
    %rsqrt3A = math.rsqrt %max3A_10 : vector<1000xf32>
    %jit3A = arith.constant 0.000000e+00 : f32
    %broadcast_in_dim3A = vector.broadcast %jit3A : f32 to vector<1000xf32>
    %select_n3A = arith.select %gt3A_8, %rsqrt3A, %broadcast_in_dim3A : vector<1000xi1>, vector<1000xf32>
    %get3A_11 = arith.constant 0 : index
    %get3A_12 = arith.constant 0 : index
    %get3A_13 = vector.load %arg1[%get3A_11, %get3A_12] : memref<1000x128xf32, #tpu.memory_space<vmem>>, vector<1000x128xf32>
    %get3A_14 = arith.constant 0 : index
    %get3A_15 = arith.constant 0 : index
    %get3A_16 = vector.load %arg2[%get3A_14, %get3A_15] : memref<128x128xf32, #tpu.memory_space<vmem>>, vector<128x128xf32>
    %dot_general3A = arith.constant dense<0.000000e+00> : vector<1000x128xf32>
    %dot_general3A_17 = tpu.matmul %get3A_13, %get3A_16, %dot_general3A {dimension_numbers = #tpu.dot_dimension_numbers<[1], [0], [0], [1], [0, 0, 1, 1], [], []>, transpose_lhs_hint = false} : vector<1000x128xf32>, vector<128x128xf32>, vector<1000x128xf32> -> vector<1000x128xf32>
    %broadcast_in_dim3A_18 = vector.shape_cast %select_n3A : vector<1000xf32> to vector<1000x1xf32>
    %mul3A = vector.broadcast %broadcast_in_dim3A_18 : vector<1000x1xf32> to vector<1000x128xf32>
    %mul3A_19 = arith.mulf %dot_general3A_17, %mul3A : vector<1000x128xf32>
    %swap3A = arith.constant 0 : index
    %swap3A_20 = arith.constant 0 : index
    %swap3A_21 = vector.load %arg4[%swap3A, %swap3A_20] : memref<1000x128xf32, #tpu.memory_space<vmem>>, vector<1000x128xf32>
    tpu.vector_store %arg4[%swap3A, %swap3A_20], %mul3A_19 {strides = array<i32>} : memref<1000x128xf32, #tpu.memory_space<vmem>>, vector<1000x128xf32>,
    return
  }
  func.func @transform_0(%arg0: i32) -> (i32, i32) {
    %c0_i32 = arith.constant 0 : i32
    %c0_i32_0 = arith.constant 0 : i32
    return %arg0, %c0_i32 : i32, i32
  }
  func.func @transform_1(%arg0: i32) -> (i32, i32) {
    %c0_i32 = arith.constant 0 : i32
    %c0_i32_0 = arith.constant 0 : i32
    %c0_i32_1 = arith.constant 0 : i32
    return %c0_i32, %c0_i32_0 : i32, i32
  }
  func.func @transform_2(%arg0: i32) -> (i32, i32) {
    %c0_i32 = arith.constant 0 : i32
    %c0_i32_0 = arith.constant 0 : i32
    return %arg0, %c0_i32 : i32, i32
  }
  func.func @transform_3(%arg0: i32) -> (i32, i32) {
    %c0_i32 = arith.constant 0 : i32
    %c0_i32_0 = arith.constant 0 : i32
    return %arg0, %c0_i32 : i32, i32
  }
}

module attributes {stable_mosaic.version = 14 : i64} {
  func.func @_fin_fn(%arg0: i32, %arg1: memref<2x1000x128xf32, #tpu.memory_space<vmem>>, %arg2: memref<1000x2xf32, #tpu.memory_space<vmem>>, %arg3: memref<1000x128xf32, #tpu.memory_space<vmem>>, %arg4: memref<1x128xf32, #tpu.memory_space<vmem>>, %arg5: memref<1000x128xf32, #tpu.memory_space<vmem>>) attributes {dimension_semantics = [#tpu.dimension_semantics<arbitrary>], iteration_bounds = array<i64: 10>, scalar_prefetch = 0 : i64, scratch_operands = 0 : i64, tpu.core_type = #tpu.core_type<tc>, window_params = [{transform_indices = @transform_0, window_bounds = array<i64: 2, 1000, 128>}, {transform_indices = @transform_1, window_bounds = array<i64: 1000, 2>}, {transform_indices = @transform_2, window_bounds = array<i64: 1000, 128>}, {pipeline_mode = #tpu.pipeline_mode<synchronous>, transform_indices = @transform_3, window_bounds = array<i64: 1, 128>}, {transform_indices = @transform_4, window_bounds = array<i64: 1000, 128>}]} {
    %get3A = arith.constant 0 : index
    %get3A_0 = arith.constant 0 : index
    %get3A_1 = vector.load %arg2[%get3A, %get3A_0] : memref<1000x2xf32, #tpu.memory_space<vmem>>, vector<1000x1xf32>
    %get3A_2 = vector.shape_cast %get3A_1 : vector<1000x1xf32> to vector<1000xf32>
    %get3A_3 = arith.constant 0 : index
    %get3A_4 = arith.constant 1 : index
    %get3A_5 = vector.load %arg2[%get3A_3, %get3A_4] : memref<1000x2xf32, #tpu.memory_space<vmem>>, vector<1000x1xf32>
    %get3A_6 = vector.shape_cast %get3A_5 : vector<1000x1xf32> to vector<1000xf32>
    %add3A = arith.addf %get3A_2, %get3A_6 : vector<1000xf32>
    %gt3A = arith.constant 0.000000e+00 : f32
    %gt3A_7 = vector.broadcast %gt3A : f32 to vector<1000xf32>
    %gt3A_8 = arith.cmpf ogt, %add3A, %gt3A_7 : vector<1000xf32>
    %max3A = arith.constant 9.99999996E-13 : f32
    %max3A_9 = vector.broadcast %max3A : f32 to vector<1000xf32>
    %max3A_10 = arith.maximumf %add3A, %max3A_9 : vector<1000xf32>
    %rsqrt3A = math.rsqrt %max3A_10 : vector<1000xf32>
    %jit3A = arith.constant 0.000000e+00 : f32
    %broadcast_in_dim3A = vector.broadcast %jit3A : f32 to vector<1000xf32>
    %select_n3A = arith.select %gt3A_8, %rsqrt3A, %broadcast_in_dim3A : vector<1000xi1>, vector<1000xf32>
    %get3A_11 = arith.constant 0 : index
    %get3A_12 = arith.constant 0 : index
    %get3A_13 = arith.constant 0 : index
    %get3A_14 = vector.load %arg1[%get3A_11, %get3A_12, %get3A_13] : memref<2x1000x128xf32, #tpu.memory_space<vmem>>, vector<1x1000x128xf32>
    %get3A_15 = vector.shape_cast %get3A_14 : vector<1x1000x128xf32> to vector<1000x128xf32>
    %get3A_16 = arith.constant 1 : index
    %get3A_17 = arith.constant 0 : index
    %get3A_18 = arith.constant 0 : index
    %get3A_19 = vector.load %arg1[%get3A_16, %get3A_17, %get3A_18] : memref<2x1000x128xf32, #tpu.memory_space<vmem>>, vector<1x1000x128xf32>
    %get3A_20 = vector.shape_cast %get3A_19 : vector<1x1000x128xf32> to vector<1000x128xf32>
    %add3A_21 = arith.addf %get3A_15, %get3A_20 : vector<1000x128xf32>
    %broadcast_in_dim3A_22 = vector.shape_cast %select_n3A : vector<1000xf32> to vector<1000x1xf32>
    %mul3A = vector.broadcast %broadcast_in_dim3A_22 : vector<1000x1xf32> to vector<1000x128xf32>
    %mul3A_23 = arith.mulf %add3A_21, %mul3A : vector<1000x128xf32>
    %get3A_24 = arith.constant 0 : index
    %get3A_25 = arith.constant 0 : index
    %get3A_26 = vector.load %arg4[%get3A_24, %get3A_25] : memref<1x128xf32, #tpu.memory_space<vmem>>, vector<1x128xf32>
    %add3A_27 = vector.broadcast %get3A_26 : vector<1x128xf32> to vector<1000x128xf32>
    %add3A_28 = arith.addf %mul3A_23, %add3A_27 : vector<1000x128xf32>
    %max3A_29 = arith.constant 0.000000e+00 : f32
    %max3A_30 = vector.broadcast %max3A_29 : f32 to vector<1000x128xf32>
    %max3A_31 = arith.maximumf %add3A_28, %max3A_30 : vector<1000x128xf32>
    %get3A_32 = arith.constant 0 : index
    %get3A_33 = arith.constant 0 : index
    %get3A_34 = vector.load %arg3[%get3A_32, %get3A_33] : memref<1000x128xf32, #tpu.memory_space<vmem>>, vector<1000x128xf32>
    %add3A_35 = arith.addf %max3A_31, %get3A_34 : vector<1000x128xf32>
    %swap3A = arith.constant 0 : index
    %swap3A_36 = arith.constant 0 : index
    %swap3A_37 = vector.load %arg5[%swap3A, %swap3A_36] : memref<1000x128xf32, #tpu.memory_space<vmem>>, vector<1000x128xf32>
    tpu.vector_store %arg5[%swap3A, %swap3A_36], %add3A_35 {strides = array<i32>} : memref<1000x128xf32, #tpu.memory_space<vmem>>, vector<1000x128xf32>,
    return
  }
  func.func @transform_0(%arg0: i32) -> (i32, i32, i32) {
    %c0_i32 = arith.constant 0 : i32
    %c0_i32_0 = arith.constant 0 : i32
    %c0_i32_1 = arith.constant 0 : i32
    return %c0_i32, %arg0, %c0_i32_0 : i32, i32, i32
  }
  func.func @transform_1(%arg0: i32) -> (i32, i32) {
    %c0_i32 = arith.constant 0 : i32
    %c0_i32_0 = arith.constant 0 : i32
    return %arg0, %c0_i32 : i32, i32
  }
  func.func @transform_2(%arg0: i32) -> (i32, i32) {
    %c0_i32 = arith.constant 0 : i32
    %c0_i32_0 = arith.constant 0 : i32
    return %arg0, %c0_i32 : i32, i32
  }
  func.func @transform_3(%arg0: i32) -> (i32, i32) {
    %c0_i32 = arith.constant 0 : i32
    %c0_i32_0 = arith.constant 0 : i32
    %c0_i32_1 = arith.constant 0 : i32
    return %c0_i32, %c0_i32_0 : i32, i32
  }
  func.func @transform_4(%arg0: i32) -> (i32, i32) {
    %c0_i32 = arith.constant 0 : i32
    %c0_i32_0 = arith.constant 0 : i32
    return %arg0, %c0_i32 : i32, i32
  }
}

</mosaic_0001>

<sc_bundles>
// kernel: kernel.6.cloned.1.call-start
scs
__scs_entry_jumppad:
0x0: {  	(pc) =	sbr.rel $0x88, $3  }
0x1: {  	(tag) =	ssettag $0x0;
	lr =	simm.s32 $0x1  }
0x2: {  	[smem:$0x3F9D] =	sst lr;
	_ =	strace $0xD0000000  }
0x3: {  	_ = 	snop  }
0x4: {  	_ = 	snop  }
0x5: {  	_ = 	snop  }
0x6: {  	_ = 	snop  }
0x7: {  	_ = 	snop  }
__scs_overlays_trampoline_lowered:
0x8: {  	[smem:$0x3FAC] =	sst s0  }
0x9: {  	[smem:$0x3FAD] =	sst s1  }
0xa: {  	[smem:$0x3FAE] =	sst s2  }
0xb: {  	[smem:$0x3FAF] =	sst s3  }
0xc: {  	[smem:$0x3FB0] =	sst s4  }
0xd: {  	[smem:$0x3FB1] =	sst s5  }
0xe: {  	[smem:$0x3FB2] =	sst s6  }
0xf: {  	[smem:$0x3FB3] =	sst s7  }
0x10: {  	[smem:$0x3FB4] =	sst s8  }
0x11: {  	[smem:$0x3FB5] =	sst s9;
	s0 =	simm.s32 @!p0 $0x0  }
0x12: {  	s1 =	sld [smem:$0x3F9B];
	s0 =	simm.s32 @p0 $0x1  }
0x13: {  	[smem:$0x3FB6] =	sst s0;
	s0 =	simm.s32 @!p1 $0x0  }
0x14: {  	s2 =	sld [smem:$0x3F9A];
	s0 =	simm.s32 @p1 $0x1  }
0x15: {  	[smem:$0x3FB7] =	sst s0;
	s0 =	simm.s32 @!p2 $0x0  }
0x16: {  	s3 =	sld [smem:$0x3FDB];
	s0 =	simm.s32 @p2 $0x1  }
0x17: {  	s4 =	simm.s32 $0x1BF5;
	[smem:$0x3FB9] =	sst s0  }
0x18: {  	s0 =	sld [smem:$0x3F9C];
	_ =	swait.ge [sflag:s4], $0x0  }
0x19: {  	s7 =	sld [smem:$0x3F9D]  }
0x1a: {  	s8 =	sadd.s32 $0xFFFFE003, lr  }
0x1b: {  	s9 =	sadd.s32 $0xFFFFFEF7, lr;
	s5 =	simm.s32 $0xFFFFFFFF;
	p2 =	slt.u32 s8, $0xFFFFF086  }
0x1c: {  	p1 =	slt.u32 s9, $0xF7A;
	s5 =	simm.s32 @!p2 $0x0  }
0x1d: {  	s5 =	simm.s32 @p1 $0x1;
	p0 =	seq.s32 s7, s2  }
0x1e: {  	s7 =	smul.u32 @!p0 $0xF7A, s2;
	p2 =	seq.s32 @!p0 s5, $0x0  }
0x1f: {  	s9 =	smul.u32 $0xF7A, s1;
	s8 =	simm.s32 @!p0 $0x1BF5;
	p2 =	por !p2, p0  }
0x20: {  	[sflag:s8] =	ssyncset.s32 @!p0 $0xFFFFF086;
	s6 =	sadd.s32 @!p0 s3, s7;
	s7 =	simm.s32 @!p0 $0x108  }
0x21: {  	s3 =	sadd.s32 s3, s9;
	s6 =	sadd.s32 @!p0 $0x88, s6;
	s7 =	simm.s32 @p2 $0x1082  }
0x22: {  	[simem:s7], [sflag:s8] =	dma.local @!p0 [hbm:s6], $0xF7A  }
0x23: {  	s9 =	sor.u32 $0xD0000000, s2;
	s6 =	simm.s32 $0x108;
	_ =	swait.ge @!p0 [sflag:s8], $0x0  }
0x24: {  	s3 =	sadd.s32 $0x88, s3;
	s6 =	simm.s32 @!p1 $0x1082;
	[sflag:s4] =	ssyncset.s32 $0xFFFFF086  }
0x25: {  	[simem:s6], [sflag:s4] =	dma.local [hbm:s3], $0xF7A  }
0x26: {  	[smem:$0x3F9D] =	sst s1;
	(tag) =	ssettag s2;
	_ =	strace s9  }
0x27: {  	s1 =	sld [smem:$0x3FAD]  }
0x28: {  	s2 =	sld [smem:$0x3FAE]  }
0x29: {  	s4 =	sld [smem:$0x3FB0]  }
0x2a: {  	p0 =	seq.s32 s5, $0x0;
	s5 =	sld [smem:$0x3FB1]  }
0x2b: {  	s6 =	sld [smem:$0x3FB2]  }
0x2c: {  	s7 =	sld [smem:$0x3FB3]  }
0x2d: {  	s3 =	simm.s32 $0x108;
	s8 =	sld [smem:$0x3FB4]  }
0x2e: {  	s3 =	simm.s32 @!p0 $0x1082;
	s9 =	sld [smem:$0x3FB5]  }
0x2f: {  	lr =	sadd.s32 s0, s3;
	s0 =	sld [smem:$0x3FAC]  }
0x30: {  	s3 =	sld [smem:$0x3FAF]  }
0x31: {  	[smem:$0x3FB8] =	sst s10  }
0x32: {  	s10 =	sld [smem:$0x3FB6];
	_ =	sdelay $0x3  }
0x33: {  	p0 =	seq.s32 s10, $0x1;
	s10 =	sld [smem:$0x3FB8];
	_ =	sdelay $0x3  }
0x34: {  	[smem:$0x3FB8] =	sst s10  }
0x35: {  	s10 =	sld [smem:$0x3FB7];
	_ =	sdelay $0x3  }
0x36: {  	p1 =	seq.s32 s10, $0x1;
	s10 =	sld [smem:$0x3FB8];
	_ =	sdelay $0x3  }
0x37: {  	[smem:$0x3FB8] =	sst s10  }
0x38: {  	s10 =	sld [smem:$0x3FB9]  }
0x39: {  	_ = 	snop;
	(pc) =	sbr.ind lr, $3  }
0x3a: {  	_ = 	snop  }
0x3b: {  	_ = 	snop  }
0x3c: {  	p2 =	seq.s32 s10, $0x1;
	s10 =	sld [smem:$0x3FB8]  }
0x3d: {  	_ =	shalt  }
0x3e: {  	_ =	shalt  }
0x3f: {  	_ =	shalt  }
0x40: {  	_ =	shalt  }
0x41: {  	_ =	shalt  }
0x42: {  	_ =	shalt  }
0x43: {  	_ =	shalt  }
0x44: {  	_ =	shalt  }
0x45: {  	_ =	shalt  }
0x46: {  	_ =	shalt  }
0x47: {  	_ =	shalt  }
0x48: {  	_ =	shalt  }
0x49: {  	_ =	shalt  }
0x4a: {  	_ =	shalt  }
0x4b: {  	_ =	shalt  }
0x4c: {  	_ =	shalt  }
0x4d: {  	_ =	shalt  }
0x4e: {  	_ =	shalt  }
0x4f: {  	_ =	shalt  }
0x50: {  	_ =	shalt  }
0x51: {  	_ =	shalt  }
0x52: {  	_ =	shalt  }
0x53: {  	_ =	shalt  }
0x54: {  	_ =	shalt  }
0x55: {  	_ =	shalt  }
0x56: {  	_ =	shalt  }
0x57: {  	_ =	shalt  }
0x58: {  	_ =	shalt  }
0x59: {  	_ =	shalt  }
0x5a: {  	_ =	shalt  }
0x5b: {  	_ =	shalt  }
0x5c: {  	_ =	shalt  }
0x5d: {  	_ =	shalt  }
0x5e: {  	_ =	shalt  }
0x5f: {  	_ =	shalt  }
0x60: {  	_ =	shalt  }
0x61: {  	_ =	shalt  }
0x62: {  	_ =	shalt  }
0x63: {  	_ =	shalt  }
0x64: {  	_ =	shalt  }
0x65: {  	_ =	shalt  }
0x66: {  	_ =	shalt  }
0x67: {  	_ =	shalt  }
0x68: {  	_ =	shalt  }
0x69: {  	_ =	shalt  }
0x6a: {  	_ =	shalt  }
0x6b: {  	_ =	shalt  }
0x6c: {  	_ =	shalt  }
0x6d: {  	_ =	shalt  }
0x6e: {  	_ =	shalt  }
0x6f: {  	_ =	shalt  }
0x70: {  	_ =	shalt  }
0x71: {  	_ =	shalt  }
0x72: {  	_ =	shalt  }
0x73: {  	_ =	shalt  }
0x74: {  	_ =	shalt  }
0x75: {  	_ =	shalt  }
0x76: {  	_ =	shalt  }
0x77: {  	_ =	shalt  }
0x78: {  	_ =	shalt  }
0x79: {  	_ =	shalt  }
0x7a: {  	_ =	shalt  }
0x7b: {  	_ =	shalt  }
0x7c: {  	_ =	shalt  }
0x7d: {  	_ =	shalt  }
0x7e: {  	_ =	shalt  }
0x7f: {  	_ =	shalt  }
0x80: {  	_ =	shalt  }
0x81: {  	_ =	shalt  }
0x82: {  	_ =	shalt  }
0x83: {  	_ =	shalt  }
0x84: {  	_ =	shalt  }
0x85: {  	_ =	shalt  }
0x86: {  	_ =	shalt  }
0x87: {  	_ =	shalt  }
.Lfunc_end0:
.L_simem_size_0:
called_computation_lowered:
.L_overlay_start_0:
0x88: {  	s2 =	sld [smem:$0x3FD9]  }
0x89: {  	s3 =	sld [smem:$0x3FFE];
	_ =	sdelay $0x1  }
0x8a: {  	s1 =	srdreg.scid  }
0x8b: {  	s0 =	sand.u32 $0x1, s1  }
0x8c: {  	s17 =	sshll.u32 s0, $0xA;
	s2 =	sadd.s32 s3, s2  }
0x8d: {  	s2 =	sadd.s32 s2, s17  }
0x8e: {  	[smem:$0x3FC4] =	sst s2  }
0x8f: {  	_ = 	snop  }
0x90: {  	s2 =	sld [smem:$0x3FD0];
	(tm) =	ssettm $0x1  }
0x91: {  	s18 =	sld [smem:$0x3FFB];
	_ =	sdelay $0x3  }
0x92: {  	_ =	strace s18  }
0x93: {  	s3 =	sld [smem:$0x3FFC];
	_ =	sdelay $0x3  }
0x94: {  	_ =	strace s3  }
0x95: {  	s3 =	sld [smem:$0x3FFD];
	_ =	sdelay $0x3  }
0x96: {  	_ =	strace s3  }
0x97: {  	_ =	strace $0x8FFFFFFF  }
0x98: {  	s19 =	sld [smem:$0x3FDB];
	_ =	sdelay $0x1  }
0x99: {  	s4 =	simm.s32 $_scs_section_size  }
0x9a: {  	s5 =	simm.s32 $_size__tile_overlayer_lowered;
	s6 =	simm.s32 $_tile_overlayer_lowered  }
0x9b: {  	s22 =	simm.s32 $0x1BFF;
	s21 =	sshll.u32 s6, $0x1;
	s3 =	sadd.s32 s4, s19  }
0x9c: {  	s7 =	simm.s32 $0x0;
	s20 =	sshll.u32 s5, $0x1;
	s5 =	sadd.s32 s21, s3  }
0x9d: {  	[timem:s7], [sflag:s22] =	dma.local [hbm:s5], s20  }
0x9e: {  	_ =	swait.ge [sflag:s22], s20  }
0x9f: {  	s4 =	ssub.s32 $0x0, s20;
	[sflag:s22] =	ssyncset.done $0x0  }
0xa0: {  	[sflag:s22] =	ssyncadd.s32 s4;
	_ =	sdelay $0x1  }
0xa1: {  	s23 =	simm.s32 $0x1B8B  }
0xa2: {  	_ =	swait.ge [sflag:s23], $0x1  }
0xa3: {  	[sflag:s23] =	ssyncset.done $0x0  }
0xa4: {  	s25 =	simm.s32 $0x1B8E;
	s24 =	sld [smem:$0x3FFE];
	[sflag:s23] =	ssyncadd.s32 $0xFFFFFFFF  }
0xa5: {  	s26 =	simm.s32 $execute0_lowered;
	[smem:$0x3FD2] =	sst s25  }
0xa6: {  	s5 =	sshll.u32 s26, $0x1;
	_ =	strace $0x80000046;
	[dreg:$0x1] =	wrdreg $0xFFFFFFFF  }
0xa7: {  	s28 =	simm.s32 $_size_execute0_lowered;
	s3 =	sadd.s32 s3, s5;
	[dreg:$0x0] =	wrdreg $0x0  }
0xa8: {  	s5 =	sshll.u32 s28, $0x1;
	[dreg:$0x2] =	wrdreg s3  }
0xa9: {  	[dreg:$0x3] =	wrdreg s5  }
0xaa: {  	[dreg:$0x4] =	wrdreg $0xC0  }
0xab: {  	_ =	task [dreg:s7], $0x5FFFF  }
0xac: {  	[dreg:$0x1] =	wrdreg $0xFFFFFFFF  }
0xad: {  	[dreg:$0x0] =	wrdreg $0x60  }
0xae: {  	[dreg:$0x2] =	wrdreg s2  }
0xaf: {  	[dreg:$0x3] =	wrdreg s24  }
0xb0: {  	[dreg:$0x4] =	wrdreg $0x53000  }
0xb1: {  	[dreg:$0x5] =	wrdreg $0x9  }
0xb2: {  	_ =	task.clear_ibuf [dreg:s7], $0x6FFFF;
	_ =	strace $0x90000046  }
0xb3: {  	s29 =	simm.s32 $0x9;
	_ =	strace $0x80000048  }
0xb4: {  	_ =	swait.ge [sflag:s29], $0x1  }
0xb5: {  	[sflag:s29] =	ssyncadd.s32 $0xFFFFFFFF  }
0xb6: {  	_ =	strace $0x90000048  }
0xb7: {  	_ =	sfence  }
0xb8: {  	s30 =	sld [smem:$0x0];
	_ =	sdelay $0x2  }
0xb9: {  	s31 =	sshll.u32 s1, $0xD;
	s1 =	sshrl.u32 s1, $0x2  }
0xba: {  	s3 =	sand.u32 $0x4000, s31;
	s1 =	sadd.s32 s1, s30  }
0xbb: {  	s0 =	sor.u32 s3, s0;
	s1 =	sshll.u32 s1, $0x11  }
0xbc: {  	s0 =	sor.u32 s1, s0  }
0xbd: {  	s0 =	sadd.s32 $0x8F2B, s0  }
0xbe: {  	[sflag:s0] =	ssyncadd.remote.s32 $0x1  }
0xbf: {  	_ =	sfence.sel $0xFFFF  }
0xc0: {  	[dreg:$0x0] =	wrdreg $0xFFFFFFFF;
	(pc) =	sbr.abs _section_cstart, $3  }
0xc1: {  	[dreg:$0x1] =	wrdreg $0xFFFFFFFF  }
0xc2: {  	_ =	task.clear_ibuf [dreg:s7], $0x2FFFF;
	_ =	strace $0x9FFFFFFF  }
0xc3: {  	(tm) =	ssettm $0x7FFFFFFF  }
tec
execute0_lowered:
.L_overlay_start_1:
0x0: {  	(tag) =	ssettag $0x1  }
0x1: {  	s5 =	rddreg [dreg:$0x0]  }
0x2: {  	s4 =	rddreg [dreg:$0x1]  }
0x3: {  	s2 =	rddreg [dreg:$0x2]  }
0x4: {  	s0 =	rddreg [dreg:$0x3]  }
0x5: {  	s3 =	simm.s32 $0x0;
	s6 =	srdreg.scid;
	s1 =	stileid.u32  }
0x6: {  	s11 =	simm.s32 $0x5000;
	s14 =	simm.s32 $0x20;
	s15 =	simm.s32 $0x10  }
0x7: {  	s16 =	simm.s32 $0x0;
	[smem:$0x7FF] =	sst s3;
	s7 =	smul.u32 $0x500, s1  }
0x8: {  	s6 =	sand.u32 $0x1, s6;
	s9 =	sshll.u32 s1, $0x1;
	s30 =	smul.u32 $0xA00, s1  }
0x9: {  	s12 =	sshll.u32 s1, $0x6;
	_ =	strace $0x80000047;
	s8 =	sshll.u32 s6, $0x7  }
0xa: {  	s29 =	sor.u32 s6, s9;
	s6 =	ssub.s32 $0x2, s6;
	s12 =	sor.u32 $0x1C01, s12  }
0xb: {  	s7 =	sor.u32 s8, s7;
	s8 =	smul.u32 $0xA00, s29;
	s31 =	sshrl.u32 s6, $0x1  }
0xc: {  	s9 =	sshrl.u32 s30, $0x2;
	s7 =	sshrl.u32 s7, $0x3;
	s10 =	ssub.s32 s6, s31  }
0xd: {  	s7 =	sadd.s32 s7, s4;
	s4 =	sadd.s32 s9, s2;
	s5 =	sadd.s32 s5, s8  }
0xe: {  	s8 =	simm.s32 $0x5080;
	s9 =	simm.s32 $0x1;
	s6 =	sadd.s32 $0x1000, s7  }
0xf: {  	v0 =	vimm.f32 $1.000000000e+00;
	v1 =	vimm.f32 $0.0e+00;
	s7 =	smax.u32 s10, $0x1;
	s10 =	simm.s32 $0x40;
	s13 =	sshrl.u32 s4, $0x3  }
.LBB2_1:
0x10: {  	[tilespmem:$0x5000] =	vst v0  }
0x11: {  	[tilespmem:$0x5010] =	vst v0  }
0x12: {  	[tilespmem:$0x5020] =	vst v0  }
0x13: {  	[tilespmem:$0x5030] =	vst v0  }
0x14: {  	[tilespmem:$0x5080] =	vst v1  }
0x15: {  	[tilespmem:$0x5090] =	vst v1  }
0x16: {  	[tilespmem:$0x50A0] =	vst v1  }
0x17: {  	[tilespmem:$0x50B0] =	vst v1  }
0x18: {  	[tilespmem:$0x50C0] =	vst v1  }
0x19: {  	[tilespmem:$0x50D0] =	vst v1  }
0x1a: {  	[tilespmem:$0x50E0] =	vst v1  }
0x1b: {  	[tilespmem:$0x50F0] =	vst v1  }
0x1c: {  	[tilespmem:$0x5100] =	vst v1  }
0x1d: {  	[tilespmem:$0x5110] =	vst v1  }
0x1e: {  	[tilespmem:$0x5120] =	vst v1  }
0x1f: {  	[tilespmem:$0x5130] =	vst v1  }
0x20: {  	[tilespmem:$0x5140] =	vst v1  }
0x21: {  	[tilespmem:$0x5150] =	vst v1  }
0x22: {  	[tilespmem:$0x5160] =	vst v1  }
0x23: {  	[tilespmem:$0x5170] =	vst v1  }
0x24: {  	[tilespmem:$0x5180] =	vst v1  }
0x25: {  	[tilespmem:$0x5190] =	vst v1  }
0x26: {  	[tilespmem:$0x51A0] =	vst v1  }
0x27: {  	[tilespmem:$0x51B0] =	vst v1  }
0x28: {  	[tilespmem:$0x51C0] =	vst v1  }
0x29: {  	[tilespmem:$0x51D0] =	vst v1  }
0x2a: {  	[tilespmem:$0x51E0] =	vst v1  }
0x2b: {  	[tilespmem:$0x51F0] =	vst v1  }
0x2c: {  	[tilespmem:$0x5200] =	vst v1  }
0x2d: {  	[tilespmem:$0x5210] =	vst v1  }
0x2e: {  	[tilespmem:$0x5220] =	vst v1  }
0x2f: {  	[tilespmem:$0x5230] =	vst v1  }
0x30: {  	[tilespmem:$0x5240] =	vst v1  }
0x31: {  	[tilespmem:$0x5250] =	vst v1  }
0x32: {  	[tilespmem:$0x5260] =	vst v1  }
0x33: {  	[tilespmem:$0x5270] =	vst v1  }
0x34: {  	[tilespmem:$0x5280] =	vst v1  }
0x35: {  	[tilespmem:$0x5290] =	vst v1  }
0x36: {  	[tilespmem:$0x52A0] =	vst v1  }
0x37: {  	[tilespmem:$0x52B0] =	vst v1  }
0x38: {  	[tilespmem:$0x52C0] =	vst v1  }
0x39: {  	[tilespmem:$0x52D0] =	vst v1  }
0x3a: {  	[tilespmem:$0x52E0] =	vst v1  }
0x3b: {  	[tilespmem:$0x52F0] =	vst v1  }
0x3c: {  	[spmem:s4] =	stream.linear.scatter [tilespmem:s8], [sflag:$0x1], $0x280, $0x38;
	[tilespmem:$0x5580] =	vst v63  }
0x3d: {  	_ =	swait.ge [sflag:s9], $0x280  }
0x3e: {  	[sflag:s9] =	ssyncset.done $0x0  }
0x3f: {  	[sflag:s9] =	ssyncadd.s32 $0xFFFFFD80  }
0x40: {  	[tilespmem:s3], [sflag:$0x1] =	stream.linear.gather [hbm4b:s5+s3], $0x5000, $0x38;
	[tilespmem:$0x5580] =	vst v63  }
0x41: {  	_ =	swait.ge [sflag:s9], $0x5000  }
0x42: {  	[sflag:s9] =	ssyncset.done $0x0  }
0x43: {  	[sflag:s9] =	ssyncadd.s32 $0xFFFFB000  }
0x44: {  	s17 =	simm.s32 $0x0;
	[bflag:$0x0] =	sbarrier.arrive $0xFFFF  }
0x45: {  	[spmem:s2] =	stream.indirect.scatter.add.f32 [tilespmem:s11], [sflag:$0x1], $0x1, s17, s10, $0xb8;
	[tilespmem:$0x5580] =	vst v63  }
0x46: {  	_ =	swait.ge [sflag:s9], $0x40  }
0x47: {  	s17 =	simm.s32 $0x200;
	[sflag:s9] =	ssyncset.done $0x0  }
.LBB2_2:
0x48: {  	s18 =	sshra.s32 s17, $0x2;
	[sflag:s9] =	ssyncadd.s32 $0xFFFFFFC0;
	p0 =	sne.s32 s17, $0x13E00  }
0x49: {  	[spmem:s2] =	stream.indirect.scatter.add.f32 [tilespmem:s11], [sflag:$0x1], $0x1, s18, s10, $0xb8;
	[tilespmem:$0x5580] =	vst v63  }
.Ltmp0:
0x4a: {  	_ = 	snop;
	(pc) =	sbr.rel @p0 .LBB2_2-.Ltmp0, $4  }
0x4b: {  	_ = 	snop  }
0x4c: {  	s17 =	sadd.s32 $0x200, s17  }
0x4d: {  	_ =	swait.ge [sflag:s9], $0x40  }
0x4e: {  	[sflag:s9] =	ssyncset.done $0x0  }
0x4f: {  	s16 =	sadd.s32 $0x1, s16  }
0x50: {  	[sflag:s9] =	ssyncadd.s32 $0xFFFFFFC0;
	p0 =	sne.s32 s16, s7  }
.Ltmp1:
0x51: {  	[bflag:$0x0] =	sbarrier.arrive $0xFFFF;
	(pc) =	sbr.rel @p0 .LBB2_1-.Ltmp1, $4  }
0x52: {  	[hbm:s6@s14], [sflag:s12] =	dma.strided [spmem:s13@s15], $0x50, s9, $0x10   }
0x53: {  	_ =	swait.ge [sflag:s9], $0x50  }
0x54: {  	[sflag:s9] =	ssyncset.done $0x0  }
0x55: {  	[sflag:s9] =	ssyncadd.s32 $0xFFFFFFB0  }
0x56: {  	_ =	sfence.sel $0x180000  }
0x57: {  	[bflag:$0x0] =	sbarrier.arrive $0xFFFF  }
0x58: {  	p0 =	sne.s32 s1, $0x0;
	_ =	strace $0x90000047  }
0x59: {  	s0 =	sadd.s32 @!p0 $0x100000, s0;
	[bflag:$0x2] =	sbarrier.arrive $0xFFFF  }
0x5a: {  	[sflag:s0] =	ssyncadd.tile.s32 @!p0 $0x1;
	_ =	shalt  }
.Lfunc_end2:
_tile_overlayer_lowered:
.L_overlay_start_2:
0x5b: {  	(tag) =	ssettag $0x2  }
0x5c: {  	s0 =	rddreg [dreg:$0x0];
	s2 =	stileid.u32  }
0x5d: {  	s1 =	rddreg [dreg:$0x1];
	p0 =	sne.s32 s2, $0x0  }
0x5e: {  	s3 =	rddreg [dreg:$0x2];
	[bflag:$0x3] =	sbarrier.arrive $0xFFFF;
	s2 =	simm.s32 @!p0 $0x1C01  }
0x5f: {  	[timem:s3], [sflag:s2] =	dma.local @!p0 [hbm:s0], s1  }
0x60: {  	s0 =	simm.s32 @!p0 $0x1  }
0x61: {  	_ =	swait.ge @!p0 [sflag:s0], s1  }
0x62: {  	s1 =	ssub.s32 @!p0 $0x0, s1;
	[sflag:s0] =	ssyncset.done @!p0 $0x0  }
0x63: {  	[sflag:s0] =	ssyncadd.s32 @!p0 s1  }
0x64: {  	[bflag:$0x3] =	sbarrier.arrive $0xFFFF  }
0x65: {  	_ =	shalt  }

// kernel: kernel.9.cloned.1.call-start
scs
__scs_entry_jumppad:
0x0: {  	(pc) =	sbr.rel $0x88, $3  }
0x1: {  	(tag) =	ssettag $0x0;
	lr =	simm.s32 $0x1  }
0x2: {  	[smem:$0x3F9D] =	sst lr;
	_ =	strace $0xD0000000  }
0x3: {  	_ = 	snop  }
0x4: {  	_ = 	snop  }
0x5: {  	_ = 	snop  }
0x6: {  	_ = 	snop  }
0x7: {  	_ = 	snop  }
__scs_overlays_trampoline_lowered:
0x8: {  	[smem:$0x3FAC] =	sst s0  }
0x9: {  	[smem:$0x3FAD] =	sst s1  }
0xa: {  	[smem:$0x3FAE] =	sst s2  }
0xb: {  	[smem:$0x3FAF] =	sst s3  }
0xc: {  	[smem:$0x3FB0] =	sst s4  }
0xd: {  	[smem:$0x3FB1] =	sst s5  }
0xe: {  	[smem:$0x3FB2] =	sst s6  }
0xf: {  	[smem:$0x3FB3] =	sst s7  }
0x10: {  	[smem:$0x3FB4] =	sst s8  }
0x11: {  	[smem:$0x3FB5] =	sst s9;
	s0 =	simm.s32 @!p0 $0x0  }
0x12: {  	s1 =	sld [smem:$0x3F9B];
	s0 =	simm.s32 @p0 $0x1  }
0x13: {  	[smem:$0x3FB6] =	sst s0;
	s0 =	simm.s32 @!p1 $0x0  }
0x14: {  	s2 =	sld [smem:$0x3F9A];
	s0 =	simm.s32 @p1 $0x1  }
0x15: {  	[smem:$0x3FB7] =	sst s0;
	s0 =	simm.s32 @!p2 $0x0  }
0x16: {  	s3 =	sld [smem:$0x3FDB];
	s0 =	simm.s32 @p2 $0x1  }
0x17: {  	s4 =	simm.s32 $0x1BF5;
	[smem:$0x3FB9] =	sst s0  }
0x18: {  	s0 =	sld [smem:$0x3F9C];
	_ =	swait.ge [sflag:s4], $0x0  }
0x19: {  	s7 =	sld [smem:$0x3F9D]  }
0x1a: {  	s8 =	sadd.s32 $0xFFFFE003, lr  }
0x1b: {  	s9 =	sadd.s32 $0xFFFFFEF7, lr;
	s5 =	simm.s32 $0xFFFFFFFF;
	p2 =	slt.u32 s8, $0xFFFFF086  }
0x1c: {  	p1 =	slt.u32 s9, $0xF7A;
	s5 =	simm.s32 @!p2 $0x0  }
0x1d: {  	s5 =	simm.s32 @p1 $0x1;
	p0 =	seq.s32 s7, s2  }
0x1e: {  	s7 =	smul.u32 @!p0 $0xF7A, s2;
	p2 =	seq.s32 @!p0 s5, $0x0  }
0x1f: {  	s9 =	smul.u32 $0xF7A, s1;
	s8 =	simm.s32 @!p0 $0x1BF5;
	p2 =	por !p2, p0  }
0x20: {  	[sflag:s8] =	ssyncset.s32 @!p0 $0xFFFFF086;
	s6 =	sadd.s32 @!p0 s3, s7;
	s7 =	simm.s32 @!p0 $0x108  }
0x21: {  	s3 =	sadd.s32 s3, s9;
	s6 =	sadd.s32 @!p0 $0x88, s6;
	s7 =	simm.s32 @p2 $0x1082  }
0x22: {  	[simem:s7], [sflag:s8] =	dma.local @!p0 [hbm:s6], $0xF7A  }
0x23: {  	s9 =	sor.u32 $0xD0000000, s2;
	s6 =	simm.s32 $0x108;
	_ =	swait.ge @!p0 [sflag:s8], $0x0  }
0x24: {  	s3 =	sadd.s32 $0x88, s3;
	s6 =	simm.s32 @!p1 $0x1082;
	[sflag:s4] =	ssyncset.s32 $0xFFFFF086  }
0x25: {  	[simem:s6], [sflag:s4] =	dma.local [hbm:s3], $0xF7A  }
0x26: {  	[smem:$0x3F9D] =	sst s1;
	(tag) =	ssettag s2;
	_ =	strace s9  }
0x27: {  	s1 =	sld [smem:$0x3FAD]  }
0x28: {  	s2 =	sld [smem:$0x3FAE]  }
0x29: {  	s4 =	sld [smem:$0x3FB0]  }
0x2a: {  	p0 =	seq.s32 s5, $0x0;
	s5 =	sld [smem:$0x3FB1]  }
0x2b: {  	s6 =	sld [smem:$0x3FB2]  }
0x2c: {  	s7 =	sld [smem:$0x3FB3]  }
0x2d: {  	s3 =	simm.s32 $0x108;
	s8 =	sld [smem:$0x3FB4]  }
0x2e: {  	s3 =	simm.s32 @!p0 $0x1082;
	s9 =	sld [smem:$0x3FB5]  }
0x2f: {  	lr =	sadd.s32 s0, s3;
	s0 =	sld [smem:$0x3FAC]  }
0x30: {  	s3 =	sld [smem:$0x3FAF]  }
0x31: {  	[smem:$0x3FB8] =	sst s10  }
0x32: {  	s10 =	sld [smem:$0x3FB6];
	_ =	sdelay $0x3  }
0x33: {  	p0 =	seq.s32 s10, $0x1;
	s10 =	sld [smem:$0x3FB8];
	_ =	sdelay $0x3  }
0x34: {  	[smem:$0x3FB8] =	sst s10  }
0x35: {  	s10 =	sld [smem:$0x3FB7];
	_ =	sdelay $0x3  }
0x36: {  	p1 =	seq.s32 s10, $0x1;
	s10 =	sld [smem:$0x3FB8];
	_ =	sdelay $0x3  }
0x37: {  	[smem:$0x3FB8] =	sst s10  }
0x38: {  	s10 =	sld [smem:$0x3FB9]  }
0x39: {  	_ = 	snop;
	(pc) =	sbr.ind lr, $3  }
0x3a: {  	_ = 	snop  }
0x3b: {  	_ = 	snop  }
0x3c: {  	p2 =	seq.s32 s10, $0x1;
	s10 =	sld [smem:$0x3FB8]  }
0x3d: {  	_ =	shalt  }
0x3e: {  	_ =	shalt  }
0x3f: {  	_ =	shalt  }
0x40: {  	_ =	shalt  }
0x41: {  	_ =	shalt  }
0x42: {  	_ =	shalt  }
0x43: {  	_ =	shalt  }
0x44: {  	_ =	shalt  }
0x45: {  	_ =	shalt  }
0x46: {  	_ =	shalt  }
0x47: {  	_ =	shalt  }
0x48: {  	_ =	shalt  }
0x49: {  	_ =	shalt  }
0x4a: {  	_ =	shalt  }
0x4b: {  	_ =	shalt  }
0x4c: {  	_ =	shalt  }
0x4d: {  	_ =	shalt  }
0x4e: {  	_ =	shalt  }
0x4f: {  	_ =	shalt  }
0x50: {  	_ =	shalt  }
0x51: {  	_ =	shalt  }
0x52: {  	_ =	shalt  }
0x53: {  	_ =	shalt  }
0x54: {  	_ =	shalt  }
0x55: {  	_ =	shalt  }
0x56: {  	_ =	shalt  }
0x57: {  	_ =	shalt  }
0x58: {  	_ =	shalt  }
0x59: {  	_ =	shalt  }
0x5a: {  	_ =	shalt  }
0x5b: {  	_ =	shalt  }
0x5c: {  	_ =	shalt  }
0x5d: {  	_ =	shalt  }
0x5e: {  	_ =	shalt  }
0x5f: {  	_ =	shalt  }
0x60: {  	_ =	shalt  }
0x61: {  	_ =	shalt  }
0x62: {  	_ =	shalt  }
0x63: {  	_ =	shalt  }
0x64: {  	_ =	shalt  }
0x65: {  	_ =	shalt  }
0x66: {  	_ =	shalt  }
0x67: {  	_ =	shalt  }
0x68: {  	_ =	shalt  }
0x69: {  	_ =	shalt  }
0x6a: {  	_ =	shalt  }
0x6b: {  	_ =	shalt  }
0x6c: {  	_ =	shalt  }
0x6d: {  	_ =	shalt  }
0x6e: {  	_ =	shalt  }
0x6f: {  	_ =	shalt  }
0x70: {  	_ =	shalt  }
0x71: {  	_ =	shalt  }
0x72: {  	_ =	shalt  }
0x73: {  	_ =	shalt  }
0x74: {  	_ =	shalt  }
0x75: {  	_ =	shalt  }
0x76: {  	_ =	shalt  }
0x77: {  	_ =	shalt  }
0x78: {  	_ =	shalt  }
0x79: {  	_ =	shalt  }
0x7a: {  	_ =	shalt  }
0x7b: {  	_ =	shalt  }
0x7c: {  	_ =	shalt  }
0x7d: {  	_ =	shalt  }
0x7e: {  	_ =	shalt  }
0x7f: {  	_ =	shalt  }
0x80: {  	_ =	shalt  }
0x81: {  	_ =	shalt  }
0x82: {  	_ =	shalt  }
0x83: {  	_ =	shalt  }
0x84: {  	_ =	shalt  }
0x85: {  	_ =	shalt  }
0x86: {  	_ =	shalt  }
0x87: {  	_ =	shalt  }
.Lfunc_end0:
.L_simem_size_0:
called_computation.1_lowered:
.L_overlay_start_0:
0x88: {  	s2 =	sld [smem:$0x3FD9]  }
0x89: {  	s3 =	sld [smem:$0x3FFE];
	_ =	sdelay $0x1  }
0x8a: {  	s1 =	srdreg.scid  }
0x8b: {  	s0 =	sand.u32 $0x1, s1  }
0x8c: {  	s17 =	sshll.u32 s0, $0xA;
	s2 =	sadd.s32 s3, s2  }
0x8d: {  	s2 =	sadd.s32 s2, s17  }
0x8e: {  	[smem:$0x3FC4] =	sst s2  }
0x8f: {  	_ = 	snop  }
0x90: {  	s2 =	sld [smem:$0x3FD0];
	(tm) =	ssettm $0x1  }
0x91: {  	s18 =	sld [smem:$0x3FFB];
	_ =	sdelay $0x3  }
0x92: {  	_ =	strace s18  }
0x93: {  	s3 =	sld [smem:$0x3FFC];
	_ =	sdelay $0x3  }
0x94: {  	_ =	strace s3  }
0x95: {  	s3 =	sld [smem:$0x3FFD];
	_ =	sdelay $0x3  }
0x96: {  	_ =	strace s3  }
0x97: {  	_ =	strace $0x8FFFFFFF  }
0x98: {  	s19 =	sld [smem:$0x3FDB];
	_ =	sdelay $0x1  }
0x99: {  	s4 =	simm.s32 $_scs_section_size  }
0x9a: {  	s5 =	simm.s32 $_size__tile_overlayer_lowered;
	s6 =	simm.s32 $_tile_overlayer_lowered  }
0x9b: {  	s22 =	simm.s32 $0x1BFF;
	s21 =	sshll.u32 s6, $0x1;
	s3 =	sadd.s32 s4, s19  }
0x9c: {  	s7 =	simm.s32 $0x0;
	s20 =	sshll.u32 s5, $0x1;
	s5 =	sadd.s32 s21, s3  }
0x9d: {  	[timem:s7], [sflag:s22] =	dma.local [hbm:s5], s20  }
0x9e: {  	_ =	swait.ge [sflag:s22], s20  }
0x9f: {  	s4 =	ssub.s32 $0x0, s20;
	[sflag:s22] =	ssyncset.done $0x0  }
0xa0: {  	[sflag:s22] =	ssyncadd.s32 s4;
	_ =	sdelay $0x1  }
0xa1: {  	s23 =	simm.s32 $0x1B8B  }
0xa2: {  	_ =	swait.ge [sflag:s23], $0x1  }
0xa3: {  	[sflag:s23] =	ssyncset.done $0x0  }
0xa4: {  	s25 =	simm.s32 $0x1B8E;
	s24 =	sld [smem:$0x3FFE];
	[sflag:s23] =	ssyncadd.s32 $0xFFFFFFFF  }
0xa5: {  	s26 =	simm.s32 $execute0_lowered;
	[smem:$0x3FD2] =	sst s25  }
0xa6: {  	s5 =	sshll.u32 s26, $0x1;
	_ =	strace $0x80000049;
	[dreg:$0x1] =	wrdreg $0xFFFFFFFF  }
0xa7: {  	s28 =	simm.s32 $_size_execute0_lowered;
	s3 =	sadd.s32 s3, s5;
	[dreg:$0x0] =	wrdreg $0x0  }
0xa8: {  	s5 =	sshll.u32 s28, $0x1;
	[dreg:$0x2] =	wrdreg s3  }
0xa9: {  	[dreg:$0x3] =	wrdreg s5  }
0xaa: {  	[dreg:$0x4] =	wrdreg $0xC0  }
0xab: {  	_ =	task [dreg:s7], $0x5FFFF  }
0xac: {  	[dreg:$0x1] =	wrdreg $0xFFFFFFFF  }
0xad: {  	[dreg:$0x0] =	wrdreg $0x60  }
0xae: {  	[dreg:$0x2] =	wrdreg s2  }
0xaf: {  	[dreg:$0x3] =	wrdreg s24  }
0xb0: {  	[dreg:$0x4] =	wrdreg $0xAC000  }
0xb1: {  	[dreg:$0x5] =	wrdreg $0x9  }
0xb2: {  	_ =	task.clear_ibuf [dreg:s7], $0x6FFFF;
	_ =	strace $0x90000049  }
0xb3: {  	s29 =	simm.s32 $0x9;
	_ =	strace $0x8000004B  }
0xb4: {  	_ =	swait.ge [sflag:s29], $0x1  }
0xb5: {  	[sflag:s29] =	ssyncadd.s32 $0xFFFFFFFF  }
0xb6: {  	_ =	strace $0x9000004B  }
0xb7: {  	_ =	sfence  }
0xb8: {  	s30 =	sld [smem:$0x0];
	_ =	sdelay $0x2  }
0xb9: {  	s31 =	sshll.u32 s1, $0xD;
	s1 =	sshrl.u32 s1, $0x2  }
0xba: {  	s3 =	sand.u32 $0x4000, s31;
	s1 =	sadd.s32 s1, s30  }
0xbb: {  	s0 =	sor.u32 s3, s0;
	s1 =	sshll.u32 s1, $0x11  }
0xbc: {  	s0 =	sor.u32 s1, s0  }
0xbd: {  	s0 =	sadd.s32 $0x8F2B, s0  }
0xbe: {  	[sflag:s0] =	ssyncadd.remote.s32 $0x1  }
0xbf: {  	_ =	sfence.sel $0xFFFF  }
0xc0: {  	[dreg:$0x0] =	wrdreg $0xFFFFFFFF;
	(pc) =	sbr.abs _section_cstart, $3  }
0xc1: {  	[dreg:$0x1] =	wrdreg $0xFFFFFFFF  }
0xc2: {  	_ =	task.clear_ibuf [dreg:s7], $0x2FFFF;
	_ =	strace $0x9FFFFFFF  }
0xc3: {  	(tm) =	ssettm $0x7FFFFFFF  }
tec
execute0_lowered:
.L_overlay_start_1:
0x0: {  	(tag) =	ssettag $0x1  }
0x1: {  	s0 =	rddreg [dreg:$0x0]  }
0x2: {  	s1 =	rddreg [dreg:$0x1]  }
0x3: {  	s2 =	srdreg.scid;
	s3 =	rddreg [dreg:$0x2]  }
0x4: {  	s4 =	simm.s32 $0x0;
	s28 =	simm.s32 $0x40;
	s6 =	sand.u32 $0x1, s2  }
0x5: {  	s29 =	simm.s32 $0x2800;
	s2 =	stileid.u32;
	s5 =	smul.u32 $0x140000, s6  }
0x6: {  	s30 =	simm.s32 $0x80;
	s31 =	simm.s32 $0x4800;
	s7 =	smul.u32 $0x14000, s2  }
0x7: {  	[smem:$0x7FF] =	sst s4;
	s8 =	sadd.s32 $0x15A00, s1;
	s9 =	smul.u32 $0x50000, s2  }
0x8: {  	_ =	strace $0x8000004A;
	s24 =	ssub.s32 $0x2, s6;
	s10 =	smul.u32 $0x2800, s2  }
0x9: {  	s12 =	smul.u32 $0x500, s2;
	p0 =	seq.s32 s6, $0x1;
	s11 =	sshrl.u32 s24, $0x1  }
0xa: {  	s5 =	sadd.s32 s7, s5;
	s7 =	sadd.s32 $0x1A00, s1;
	s9 =	sshrl.u32 s9, $0x2  }
0xb: {  	s11 =	ssub.s32 s24, s11;
	s25 =	sadd.s32 s8, s12;
	s15 =	sadd.s32 $0x5000, s12  }
0xc: {  	s19 =	sadd.s32 $0xA000, s12;
	s23 =	sadd.s32 $0xF000, s12;
	s5 =	sshrl.u32 s5, $0x3  }
0xd: {  	[dreg:$0x4] =	wrdreg s25;
	s13 =	sadd.s32 s7, s12;
	s16 =	sadd.s32 s8, s15  }
0xe: {  	s20 =	sadd.s32 s8, s19;
	s24 =	sadd.s32 s8, s23;
	[dreg:$0x5] =	wrdreg s13  }
0xf: {  	s12 =	simm.s32 $0x4;
	s1 =	sadd.s32 s5, s1;
	[dreg:$0x8] =	wrdreg s16  }
0x10: {  	s5 =	sadd.s32 s9, s3;
	s9 =	sshrl.u32 s10, $0x3;
	[dreg:$0xc] =	wrdreg s20  }
0x11: {  	s10 =	sadd.s32 s7, s15;
	[dreg:$0x10] =	wrdreg s24;
	s24 =	simm.s32 $0xA800  }
0x12: {  	s13 =	simm.s32 $0x2600;
	s15 =	simm.s32 $0x2700;
	s16 =	simm.s32 $0x2780  }
0x13: {  	s26 =	sadd.s32 $0x280, s9;
	s17 =	sadd.s32 $0x5280, s9;
	[dreg:$0x9] =	wrdreg s10  }
0x14: {  	s21 =	sadd.s32 $0xA280, s9;
	s10 =	sadd.s32 s7, s19;
	s25 =	sadd.s32 $0xF280, s9  }
0x15: {  	s9 =	simm.s32 $0x1;
	s14 =	sadd.s32 s8, s26;
	s6 =	sadd.s32 s7, s26  }
0x16: {  	s18 =	sadd.s32 s8, s17;
	[dreg:$0xd] =	wrdreg s10;
	s22 =	sadd.s32 s8, s21  }
0x17: {  	s26 =	sadd.s32 s7, s23;
	s20 =	sadd.s32 s8, s25;
	[dreg:$0x6] =	wrdreg s14  }
0x18: {  	s23 =	smax.u32 s11, $0x1;
	s8 =	simm.s32 $0x8800;
	[dreg:$0x7] =	wrdreg s6  }
0x19: {  	s10 =	simm.s32 $0x2;
	s11 =	simm.s32 $0x3;
	[dreg:$0xa] =	wrdreg s18  }
.Ltmp0:
0x1a: {  	s6 =	sadd.s32 s7, s17;
	[dreg:$0xe] =	wrdreg s22;
	(pc) =	sbr.rel .LBB2_1-.Ltmp0, $4  }
0x1b: {  	[dreg:$0x11] =	wrdreg s26;
	s22 =	sadd.s32 $0x29A00, s1;
	s26 =	simm.s32 $0x1400  }
0x1c: {  	s1 =	simm.s32 $0x100;
	s14 =	simm.s32 $0x2680;
	[dreg:$0xb] =	wrdreg s6  }
0x1d: {  	s6 =	sadd.s32 s7, s21;
	s21 =	sadd.s32 s7, s25;
	s25 =	simm.s32 $0x5  }
0x1e: {  	v0 =	vimm.f32 $0.0e+00;
	s7 =	simm.s32 $0x180;
	[dreg:$0xf] =	wrdreg s6;
	s6 =	simm.s32 $0x6800  }
.LBB2_12:
0x1f: {  	[tilespmem:s8], [sflag:$0x4] =	stream.indirect.gather [hbm4b:s0+s28], $0x80, s18, s28, $0xb8;
	[tilespmem:$0x1EC00] =	vst v63  }
.LBB2_22:
0x20: {  	_ =	swait.ge [sflag:s9], $0x2000  }
0x21: {  	[sflag:s9] =	ssyncset.done $0x0  }
0x22: {  	[sflag:s9] =	ssyncadd.s32 $0xFFFFE000  }
0x23: {  	[spmem:s3] =	stream.indirect.scatter.add.f32 [tilespmem:s29], [sflag:$0x5], $0x80, s13, s28, $0xb8;
	[tilespmem:$0x1EC00] =	vst v63  }
0x24: {  	_ =	swait.ge [sflag:s25], $0x2000  }
0x25: {  	[sflag:s25] =	ssyncset.done $0x0  }
0x26: {  	[sflag:s25] =	ssyncadd.s32 $0xFFFFE000  }
0x27: {  	_ =	swait.ge [sflag:s10], $0x2000  }
0x28: {  	[sflag:s10] =	ssyncset.done $0x0  }
0x29: {  	[sflag:s10] =	ssyncadd.s32 $0xFFFFE000  }
0x2a: {  	[spmem:s3] =	stream.indirect.scatter.add.f32 [tilespmem:s31], [sflag:$0x5], $0x80, s14, s28, $0xb8;
	[tilespmem:$0x1EC00] =	vst v63  }
0x2b: {  	_ =	swait.ge [sflag:s25], $0x2000  }
0x2c: {  	[sflag:s25] =	ssyncset.done $0x0  }
0x2d: {  	[sflag:s25] =	ssyncadd.s32 $0xFFFFE000  }
0x2e: {  	_ =	swait.ge [sflag:s11], $0x2000  }
0x2f: {  	[sflag:s11] =	ssyncset.done $0x0  }
0x30: {  	[sflag:s11] =	ssyncadd.s32 $0xFFFFE000  }
0x31: {  	[spmem:s3] =	stream.indirect.scatter.add.f32 [tilespmem:s6], [sflag:$0x5], $0x80, s15, s28, $0xb8;
	[tilespmem:$0x1EC00] =	vst v63  }
0x32: {  	_ =	swait.ge [sflag:s25], $0x2000  }
0x33: {  	[sflag:s25] =	ssyncset.done $0x0  }
0x34: {  	[sflag:s25] =	ssyncadd.s32 $0xFFFFE000  }
0x35: {  	_ =	swait.ge [sflag:s12], $0x2000  }
0x36: {  	[sflag:s12] =	ssyncset.done $0x0  }
0x37: {  	[sflag:s12] =	ssyncadd.s32 $0xFFFFE000  }
0x38: {  	[spmem:s3] =	stream.indirect.scatter.add.f32 [tilespmem:s8], [sflag:$0x5], $0x80, s16, s28, $0xb8;
	[tilespmem:$0x1EC00] =	vst v63  }
0x39: {  	_ =	swait.ge [sflag:s25], $0x2000  }
0x3a: {  	s17 =	sshll.u32 s2, $0x6;
	s4 =	sadd.s32 $0x1, s4;
	[sflag:s25] =	ssyncset.done $0x0  }
0x3b: {  	s18 =	sshrl.u32 s5, $0x3;
	p1 =	sne.s32 s4, s23;
	[sflag:s25] =	ssyncadd.s32 $0xFFFFE000  }
.Ltmp1:
0x3c: {  	s17 =	sor.u32 $0x1C05, s17;
	[bflag:$0x0] =	sbarrier.arrive $0xFFFF;
	(pc) =	sbr.rel @!p1 .LBB2_23-.Ltmp1, $4  }
0x3d: {  	[hbm:s22], [sflag:s17] =	dma.local [spmem:s18], $0x2800  }
0x3e: {  	_ =	swait.ge [sflag:s25], $0x2800  }
0x3f: {  	[sflag:s25] =	ssyncset.done $0x0  }
0x40: {  	[sflag:s25] =	ssyncadd.s32 $0xFFFFD800  }
.LBB2_1:
0x41: {  	[tilespmem:$0xA800] =	vst v0  }
0x42: {  	[tilespmem:$0xA810] =	vst v0  }
0x43: {  	[tilespmem:$0xA820] =	vst v0  }
0x44: {  	[tilespmem:$0xA830] =	vst v0  }
0x45: {  	[tilespmem:$0xA840] =	vst v0  }
0x46: {  	[tilespmem:$0xA850] =	vst v0  }
0x47: {  	[tilespmem:$0xA860] =	vst v0  }
0x48: {  	[tilespmem:$0xA870] =	vst v0  }
0x49: {  	[tilespmem:$0xA880] =	vst v0  }
0x4a: {  	[tilespmem:$0xA890] =	vst v0  }
0x4b: {  	[tilespmem:$0xA8A0] =	vst v0  }
0x4c: {  	[tilespmem:$0xA8B0] =	vst v0  }
0x4d: {  	[tilespmem:$0xA8C0] =	vst v0  }
0x4e: {  	[tilespmem:$0xA8D0] =	vst v0  }
0x4f: {  	[tilespmem:$0xA8E0] =	vst v0  }
0x50: {  	[tilespmem:$0xA8F0] =	vst v0  }
0x51: {  	[tilespmem:$0xA900] =	vst v0  }
0x52: {  	[tilespmem:$0xA910] =	vst v0  }
0x53: {  	[tilespmem:$0xA920] =	vst v0  }
0x54: {  	[tilespmem:$0xA930] =	vst v0  }
0x55: {  	[tilespmem:$0xA940] =	vst v0  }
0x56: {  	[tilespmem:$0xA950] =	vst v0  }
0x57: {  	[tilespmem:$0xA960] =	vst v0  }
0x58: {  	[tilespmem:$0xA970] =	vst v0  }
0x59: {  	[tilespmem:$0xA980] =	vst v0  }
0x5a: {  	[tilespmem:$0xA990] =	vst v0  }
0x5b: {  	[tilespmem:$0xA9A0] =	vst v0  }
0x5c: {  	[tilespmem:$0xA9B0] =	vst v0  }
0x5d: {  	[tilespmem:$0xA9C0] =	vst v0  }
0x5e: {  	[tilespmem:$0xA9D0] =	vst v0  }
0x5f: {  	[tilespmem:$0xA9E0] =	vst v0  }
0x60: {  	[tilespmem:$0xA9F0] =	vst v0  }
0x61: {  	[tilespmem:$0xAA00] =	vst v0  }
0x62: {  	[tilespmem:$0xAA10] =	vst v0  }
0x63: {  	[tilespmem:$0xAA20] =	vst v0  }
0x64: {  	[tilespmem:$0xAA30] =	vst v0  }
0x65: {  	[tilespmem:$0xAA40] =	vst v0  }
0x66: {  	[tilespmem:$0xAA50] =	vst v0  }
0x67: {  	[tilespmem:$0xAA60] =	vst v0  }
0x68: {  	[tilespmem:$0xAA70] =	vst v0  }
0x69: {  	[tilespmem:$0xAA80] =	vst v0  }
0x6a: {  	[tilespmem:$0xAA90] =	vst v0  }
0x6b: {  	[tilespmem:$0xAAA0] =	vst v0  }
0x6c: {  	[tilespmem:$0xAAB0] =	vst v0  }
0x6d: {  	[tilespmem:$0xAAC0] =	vst v0  }
0x6e: {  	[tilespmem:$0xAAD0] =	vst v0  }
0x6f: {  	[tilespmem:$0xAAE0] =	vst v0  }
0x70: {  	[tilespmem:$0xAAF0] =	vst v0  }
0x71: {  	[tilespmem:$0xAB00] =	vst v0  }
0x72: {  	[tilespmem:$0xAB10] =	vst v0  }
0x73: {  	[tilespmem:$0xAB20] =	vst v0  }
0x74: {  	[tilespmem:$0xAB30] =	vst v0  }
0x75: {  	[tilespmem:$0xAB40] =	vst v0  }
0x76: {  	[tilespmem:$0xAB50] =	vst v0  }
0x77: {  	[tilespmem:$0xAB60] =	vst v0  }
0x78: {  	[tilespmem:$0xAB70] =	vst v0  }
0x79: {  	[tilespmem:$0xAB80] =	vst v0  }
0x7a: {  	[tilespmem:$0xAB90] =	vst v0  }
0x7b: {  	[tilespmem:$0xABA0] =	vst v0  }
0x7c: {  	[tilespmem:$0xABB0] =	vst v0  }
0x7d: {  	[tilespmem:$0xABC0] =	vst v0  }
0x7e: {  	[tilespmem:$0xABD0] =	vst v0  }
0x7f: {  	[tilespmem:$0xABE0] =	vst v0  }
0x80: {  	[tilespmem:$0xABF0] =	vst v0;
	s17 =	sadd.s32 $0x0, s5  }
0x81: {  	[spmem:s17] =	stream.linear.scatter [tilespmem:s24], [sflag:$0x5], $0x400, $0x38;
	[tilespmem:$0x1EC00] =	vst v63  }
0x82: {  	s17 =	simm.s32 $0x1000;
	_ =	swait.ge [sflag:s25], $0x400  }
.LBB2_2:
0x83: {  	s18 =	sshra.s32 s17, $0x2;
	[sflag:s25] =	ssyncset.done $0x0;
	p1 =	sne.s32 s17, $0x4F000  }
.Ltmp2:
0x84: {  	s18 =	sadd.s32 s18, s5;
	[sflag:s25] =	ssyncadd.s32 $0xFFFFFC00;
	(pc) =	sbr.rel @p1 .LBB2_2-.Ltmp2, $3  }
0x85: {  	[spmem:s18] =	stream.linear.scatter [tilespmem:s24], [sflag:$0x5], $0x400, $0x38;
	[tilespmem:$0x1EC00] =	vst v63  }
0x86: {  	s17 =	sadd.s32 $0x1000, s17;
	_ =	sdelay $0x1  }
0x87: {  	_ =	swait.ge [sflag:s25], $0x400  }
.Ltmp3:
0x88: {  	(pc) =	sbr.rel @!p0 .LBB2_4-.Ltmp3, $4  }
0x89: {  	[sflag:s25] =	ssyncset.done $0x0  }
0x8a: {  	[sflag:s25] =	ssyncadd.s32 $0xFFFFFC00  }
0x8b: {  	[bflag:$0x0] =	sbarrier.arrive $0xFFFF  }
0x8c: {  	s17 =	simm.s32 $0x0  }
0x8d: {  	s18 =	rddreg [dreg:$0xc]  }
0x8e: {  	[tilespmem:s17], [sflag:$0x5] =	stream.linear.gather [hbm4b:s18+s17], $0x1400, $0x38;
	[tilespmem:$0x1EC00] =	vst v63  }
0x8f: {  	_ =	swait.ge [sflag:s25], $0x1400  }
0x90: {  	[sflag:s25] =	ssyncset.done $0x0  }
0x91: {  	s19 =	rddreg [dreg:$0xd];
	[sflag:s25] =	ssyncadd.s32 $0xFFFFEC00  }
0x92: {  	[tilespmem:s26], [sflag:$0x5] =	stream.linear.gather [hbm4b:s19+s17], $0x1400, $0x38;
	[tilespmem:$0x1EC00] =	vst v63  }
0x93: {  	_ =	swait.ge [sflag:s25], $0x1400  }
0x94: {  	[sflag:s25] =	ssyncset.done $0x0  }
0x95: {  	[sflag:s25] =	ssyncadd.s32 $0xFFFFEC00  }
0x96: {  	[tilespmem:s29], [sflag:$0x1] =	stream.indirect.gather [hbm4b:s0+s28], $0x80, s17, s28, $0xb8;
	[tilespmem:$0x1EC00] =	vst v63  }
0x97: {  	_ = 	snop  }
0x98: {  	[tilespmem:s31], [sflag:$0x2] =	stream.indirect.gather [hbm4b:s0+s28], $0x80, s30, s28, $0xb8;
	[tilespmem:$0x1EC00] =	vst v63  }
0x99: {  	_ = 	snop  }
0x9a: {  	[tilespmem:s6], [sflag:$0x3] =	stream.indirect.gather [hbm4b:s0+s28], $0x80, s1, s28, $0xb8;
	[tilespmem:$0x1EC00] =	vst v63  }
0x9b: {  	_ = 	snop  }
0x9c: {  	[tilespmem:s8], [sflag:$0x4] =	stream.indirect.gather [hbm4b:s0+s28], $0x80, s7, s28, $0xb8;
	[tilespmem:$0x1EC00] =	vst v63  }
0x9d: {  	_ =	swait.ge [sflag:s9], $0x2000  }
0x9e: {  	[sflag:s9] =	ssyncset.done $0x0  }
0x9f: {  	s19 =	simm.s32 $0x1400;
	[sflag:s9] =	ssyncadd.s32 $0xFFFFE000  }
0xa0: {  	[spmem:s3] =	stream.indirect.scatter.add.f32 [tilespmem:s29], [sflag:$0x5], $0x80, s19, s28, $0xb8;
	[tilespmem:$0x1EC00] =	vst v63  }
0xa1: {  	_ =	swait.ge [sflag:s25], $0x2000  }
0xa2: {  	[sflag:s25] =	ssyncset.done $0x0  }
0xa3: {  	s18 =	simm.s32 $0x200;
	[sflag:s25] =	ssyncadd.s32 $0xFFFFE000  }
0xa4: {  	[tilespmem:s29], [sflag:$0x1] =	stream.indirect.gather [hbm4b:s0+s28], $0x80, s18, s28, $0xb8;
	[tilespmem:$0x1EC00] =	vst v63  }
0xa5: {  	_ =	swait.ge [sflag:s10], $0x2000  }
0xa6: {  	[sflag:s10] =	ssyncset.done $0x0  }
0xa7: {  	s19 =	simm.s32 $0x1480;
	[sflag:s10] =	ssyncadd.s32 $0xFFFFE000  }
0xa8: {  	[spmem:s3] =	stream.indirect.scatter.add.f32 [tilespmem:s31], [sflag:$0x5], $0x80, s19, s28, $0xb8;
	[tilespmem:$0x1EC00] =	vst v63  }
0xa9: {  	_ =	swait.ge [sflag:s25], $0x2000  }
0xaa: {  	[sflag:s25] =	ssyncset.done $0x0  }
0xab: {  	s18 =	simm.s32 $0x280;
	[sflag:s25] =	ssyncadd.s32 $0xFFFFE000  }
0xac: {  	[tilespmem:s31], [sflag:$0x2] =	stream.indirect.gather [hbm4b:s0+s28], $0x80, s18, s28, $0xb8;
	[tilespmem:$0x1EC00] =	vst v63  }
0xad: {  	_ =	swait.ge [sflag:s11], $0x2000  }
0xae: {  	[sflag:s11] =	ssyncset.done $0x0  }
0xaf: {  	s19 =	simm.s32 $0x1500;
	[sflag:s11] =	ssyncadd.s32 $0xFFFFE000  }
0xb0: {  	[spmem:s3] =	stream.indirect.scatter.add.f32 [tilespmem:s6], [sflag:$0x5], $0x80, s19, s28, $0xb8;
	[tilespmem:$0x1EC00] =	vst v63  }
0xb1: {  	_ =	swait.ge [sflag:s25], $0x2000  }
0xb2: {  	[sflag:s25] =	ssyncset.done $0x0  }
0xb3: {  	s18 =	simm.s32 $0x300;
	[sflag:s25] =	ssyncadd.s32 $0xFFFFE000  }
0xb4: {  	[tilespmem:s6], [sflag:$0x3] =	stream.indirect.gather [hbm4b:s0+s28], $0x80, s18, s28, $0xb8;
	[tilespmem:$0x1EC00] =	vst v63  }
0xb5: {  	_ =	swait.ge [sflag:s12], $0x2000  }
0xb6: {  	[sflag:s12] =	ssyncset.done $0x0  }
0xb7: {  	s19 =	simm.s32 $0x1580;
	[sflag:s12] =	ssyncadd.s32 $0xFFFFE000  }
0xb8: {  	[spmem:s3] =	stream.indirect.scatter.add.f32 [tilespmem:s8], [sflag:$0x5], $0x80, s19, s28, $0xb8;
	[tilespmem:$0x1EC00] =	vst v63  }
0xb9: {  	_ =	swait.ge [sflag:s25], $0x2000  }
0xba: {  	[sflag:s25] =	ssyncset.done $0x0  }
0xbb: {  	s17 =	simm.s32 $0x800;
	s18 =	simm.s32 $0x380;
	[sflag:s25] =	ssyncadd.s32 $0xFFFFE000  }
.LBB2_14:
0xbc: {  	[tilespmem:s8], [sflag:$0x4] =	stream.indirect.gather [hbm4b:s0+s28], $0x80, s18, s28, $0xb8;
	[tilespmem:$0x1EC00] =	vst v63  }
0xbd: {  	s18 =	smov.u32 s17  }
0xbe: {  	p1 =	sne.s32 s17, $0x4000;
	s17 =	sadd.s32 $0x800, s17;
	_ =	swait.ge [sflag:s9], $0x2000  }
0xbf: {  	s18 =	sshra.s32 s18, $0x2;
	[sflag:s9] =	ssyncset.done $0x0  }
0xc0: {  	s19 =	sadd.s32 $0x1400, s18;
	[sflag:s9] =	ssyncadd.s32 $0xFFFFE000  }
0xc1: {  	[spmem:s3] =	stream.indirect.scatter.add.f32 [tilespmem:s29], [sflag:$0x5], $0x80, s19, s28, $0xb8;
	[tilespmem:$0x1EC00] =	vst v63  }
0xc2: {  	_ =	swait.ge [sflag:s25], $0x2000  }
0xc3: {  	[sflag:s25] =	ssyncset.done $0x0  }
0xc4: {  	s19 =	sadd.s32 $0x200, s18;
	[sflag:s25] =	ssyncadd.s32 $0xFFFFE000  }
0xc5: {  	[tilespmem:s29], [sflag:$0x1] =	stream.indirect.gather [hbm4b:s0+s28], $0x80, s19, s28, $0xb8;
	[tilespmem:$0x1EC00] =	vst v63  }
0xc6: {  	_ =	swait.ge [sflag:s10], $0x2000  }
0xc7: {  	[sflag:s10] =	ssyncset.done $0x0  }
0xc8: {  	s19 =	sadd.s32 $0x1480, s18;
	[sflag:s10] =	ssyncadd.s32 $0xFFFFE000  }
0xc9: {  	[spmem:s3] =	stream.indirect.scatter.add.f32 [tilespmem:s31], [sflag:$0x5], $0x80, s19, s28, $0xb8;
	[tilespmem:$0x1EC00] =	vst v63  }
0xca: {  	_ =	swait.ge [sflag:s25], $0x2000  }
0xcb: {  	[sflag:s25] =	ssyncset.done $0x0  }
0xcc: {  	s19 =	sadd.s32 $0x280, s18;
	[sflag:s25] =	ssyncadd.s32 $0xFFFFE000  }
0xcd: {  	[tilespmem:s31], [sflag:$0x2] =	stream.indirect.gather [hbm4b:s0+s28], $0x80, s19, s28, $0xb8;
	[tilespmem:$0x1EC00] =	vst v63  }
0xce: {  	_ =	swait.ge [sflag:s11], $0x2000  }
0xcf: {  	[sflag:s11] =	ssyncset.done $0x0  }
0xd0: {  	s19 =	sadd.s32 $0x1500, s18;
	[sflag:s11] =	ssyncadd.s32 $0xFFFFE000  }
0xd1: {  	[spmem:s3] =	stream.indirect.scatter.add.f32 [tilespmem:s6], [sflag:$0x5], $0x80, s19, s28, $0xb8;
	[tilespmem:$0x1EC00] =	vst v63  }
0xd2: {  	_ =	swait.ge [sflag:s25], $0x2000  }
0xd3: {  	[sflag:s25] =	ssyncset.done $0x0  }
0xd4: {  	s19 =	sadd.s32 $0x300, s18;
	[sflag:s25] =	ssyncadd.s32 $0xFFFFE000  }
0xd5: {  	[tilespmem:s6], [sflag:$0x3] =	stream.indirect.gather [hbm4b:s0+s28], $0x80, s19, s28, $0xb8;
	[tilespmem:$0x1EC00] =	vst v63  }
0xd6: {  	_ =	swait.ge [sflag:s12], $0x2000  }
0xd7: {  	[sflag:s12] =	ssyncset.done $0x0  }
.Ltmp4:
0xd8: {  	s19 =	sadd.s32 $0x1580, s18;
	[sflag:s12] =	ssyncadd.s32 $0xFFFFE000;
	(pc) =	sbr.rel @p1 .LBB2_14-.Ltmp4, $4  }
0xd9: {  	[spmem:s3] =	stream.indirect.scatter.add.f32 [tilespmem:s8], [sflag:$0x5], $0x80, s19, s28, $0xb8;
	[tilespmem:$0x1EC00] =	vst v63  }
0xda: {  	_ =	swait.ge [sflag:s25], $0x2000  }
0xdb: {  	[sflag:s25] =	ssyncset.done $0x0  }
0xdc: {  	s18 =	sadd.s32 $0x380, s18;
	[sflag:s25] =	ssyncadd.s32 $0xFFFFE000  }
0xdd: {  	[tilespmem:s8], [sflag:$0x4] =	stream.indirect.gather [hbm4b:s0+s28], $0x80, s18, s28, $0xb8;
	[tilespmem:$0x1EC00] =	vst v63  }
0xde: {  	_ =	swait.ge [sflag:s9], $0x2000  }
0xdf: {  	[sflag:s9] =	ssyncset.done $0x0  }
0xe0: {  	[sflag:s9] =	ssyncadd.s32 $0xFFFFE000  }
0xe1: {  	[spmem:s3] =	stream.indirect.scatter.add.f32 [tilespmem:s29], [sflag:$0x5], $0x80, s13, s28, $0xb8;
	[tilespmem:$0x1EC00] =	vst v63  }
0xe2: {  	_ =	swait.ge [sflag:s25], $0x2000  }
0xe3: {  	[sflag:s25] =	ssyncset.done $0x0  }
0xe4: {  	[sflag:s25] =	ssyncadd.s32 $0xFFFFE000  }
0xe5: {  	_ =	swait.ge [sflag:s10], $0x2000  }
0xe6: {  	[sflag:s10] =	ssyncset.done $0x0  }
0xe7: {  	[sflag:s10] =	ssyncadd.s32 $0xFFFFE000  }
0xe8: {  	[spmem:s3] =	stream.indirect.scatter.add.f32 [tilespmem:s31], [sflag:$0x5], $0x80, s14, s28, $0xb8;
	[tilespmem:$0x1EC00] =	vst v63  }
0xe9: {  	_ =	swait.ge [sflag:s25], $0x2000  }
0xea: {  	[sflag:s25] =	ssyncset.done $0x0  }
0xeb: {  	[sflag:s25] =	ssyncadd.s32 $0xFFFFE000  }
0xec: {  	_ =	swait.ge [sflag:s11], $0x2000  }
0xed: {  	[sflag:s11] =	ssyncset.done $0x0  }
0xee: {  	[sflag:s11] =	ssyncadd.s32 $0xFFFFE000  }
0xef: {  	[spmem:s3] =	stream.indirect.scatter.add.f32 [tilespmem:s6], [sflag:$0x5], $0x80, s15, s28, $0xb8;
	[tilespmem:$0x1EC00] =	vst v63  }
0xf0: {  	_ =	swait.ge [sflag:s25], $0x2000  }
0xf1: {  	[sflag:s25] =	ssyncset.done $0x0  }
0xf2: {  	[sflag:s25] =	ssyncadd.s32 $0xFFFFE000  }
0xf3: {  	_ =	swait.ge [sflag:s12], $0x2000  }
0xf4: {  	[sflag:s12] =	ssyncset.done $0x0  }
0xf5: {  	[sflag:s12] =	ssyncadd.s32 $0xFFFFE000  }
0xf6: {  	[spmem:s3] =	stream.indirect.scatter.add.f32 [tilespmem:s8], [sflag:$0x5], $0x80, s16, s28, $0xb8;
	[tilespmem:$0x1EC00] =	vst v63  }
0xf7: {  	_ =	swait.ge [sflag:s25], $0x2000  }
0xf8: {  	[sflag:s25] =	ssyncset.done $0x0  }
0xf9: {  	s17 =	simm.s32 $0x0;
	s19 =	rddreg [dreg:$0xe];
	[sflag:s25] =	ssyncadd.s32 $0xFFFFE000  }
0xfa: {  	[tilespmem:s17], [sflag:$0x5] =	stream.linear.gather [hbm4b:s19+s17], $0x1400, $0x38;
	[tilespmem:$0x1EC00] =	vst v63  }
0xfb: {  	_ =	swait.ge [sflag:s25], $0x1400  }
0xfc: {  	[sflag:s25] =	ssyncset.done $0x0  }
0xfd: {  	s19 =	rddreg [dreg:$0xf];
	[sflag:s25] =	ssyncadd.s32 $0xFFFFEC00  }
0xfe: {  	[tilespmem:s26], [sflag:$0x5] =	stream.linear.gather [hbm4b:s19+s17], $0x1400, $0x38;
	[tilespmem:$0x1EC00] =	vst v63  }
0xff: {  	_ =	swait.ge [sflag:s25], $0x1400  }
0x100: {  	[sflag:s25] =	ssyncset.done $0x0  }
0x101: {  	[sflag:s25] =	ssyncadd.s32 $0xFFFFEC00  }
0x102: {  	[tilespmem:s29], [sflag:$0x1] =	stream.indirect.gather [hbm4b:s0+s28], $0x80, s17, s28, $0xb8;
	[tilespmem:$0x1EC00] =	vst v63  }
0x103: {  	_ = 	snop  }
0x104: {  	[tilespmem:s31], [sflag:$0x2] =	stream.indirect.gather [hbm4b:s0+s28], $0x80, s30, s28, $0xb8;
	[tilespmem:$0x1EC00] =	vst v63  }
0x105: {  	_ = 	snop  }
0x106: {  	[tilespmem:s6], [sflag:$0x3] =	stream.indirect.gather [hbm4b:s0+s28], $0x80, s1, s28, $0xb8;
	[tilespmem:$0x1EC00] =	vst v63  }
0x107: {  	_ = 	snop  }
0x108: {  	[tilespmem:s8], [sflag:$0x4] =	stream.indirect.gather [hbm4b:s0+s28], $0x80, s7, s28, $0xb8;
	[tilespmem:$0x1EC00] =	vst v63  }
0x109: {  	_ =	swait.ge [sflag:s9], $0x2000  }
0x10a: {  	[sflag:s9] =	ssyncset.done $0x0  }
0x10b: {  	s19 =	simm.s32 $0x1400;
	[sflag:s9] =	ssyncadd.s32 $0xFFFFE000  }
0x10c: {  	[spmem:s3] =	stream.indirect.scatter.add.f32 [tilespmem:s29], [sflag:$0x5], $0x80, s19, s28, $0xb8;
	[tilespmem:$0x1EC00] =	vst v63  }
0x10d: {  	_ =	swait.ge [sflag:s25], $0x2000  }
0x10e: {  	[sflag:s25] =	ssyncset.done $0x0  }
0x10f: {  	s18 =	simm.s32 $0x200;
	[sflag:s25] =	ssyncadd.s32 $0xFFFFE000  }
0x110: {  	[tilespmem:s29], [sflag:$0x1] =	stream.indirect.gather [hbm4b:s0+s28], $0x80, s18, s28, $0xb8;
	[tilespmem:$0x1EC00] =	vst v63  }
0x111: {  	_ =	swait.ge [sflag:s10], $0x2000  }
0x112: {  	[sflag:s10] =	ssyncset.done $0x0  }
0x113: {  	s19 =	simm.s32 $0x1480;
	[sflag:s10] =	ssyncadd.s32 $0xFFFFE000  }
0x114: {  	[spmem:s3] =	stream.indirect.scatter.add.f32 [tilespmem:s31], [sflag:$0x5], $0x80, s19, s28, $0xb8;
	[tilespmem:$0x1EC00] =	vst v63  }
0x115: {  	_ =	swait.ge [sflag:s25], $0x2000  }
0x116: {  	[sflag:s25] =	ssyncset.done $0x0  }
0x117: {  	s18 =	simm.s32 $0x280;
	[sflag:s25] =	ssyncadd.s32 $0xFFFFE000  }
0x118: {  	[tilespmem:s31], [sflag:$0x2] =	stream.indirect.gather [hbm4b:s0+s28], $0x80, s18, s28, $0xb8;
	[tilespmem:$0x1EC00] =	vst v63  }
0x119: {  	_ =	swait.ge [sflag:s11], $0x2000  }
0x11a: {  	[sflag:s11] =	ssyncset.done $0x0  }
0x11b: {  	s19 =	simm.s32 $0x1500;
	[sflag:s11] =	ssyncadd.s32 $0xFFFFE000  }
0x11c: {  	[spmem:s3] =	stream.indirect.scatter.add.f32 [tilespmem:s6], [sflag:$0x5], $0x80, s19, s28, $0xb8;
	[tilespmem:$0x1EC00] =	vst v63  }
0x11d: {  	_ =	swait.ge [sflag:s25], $0x2000  }
0x11e: {  	[sflag:s25] =	ssyncset.done $0x0  }
0x11f: {  	s18 =	simm.s32 $0x300;
	[sflag:s25] =	ssyncadd.s32 $0xFFFFE000  }
0x120: {  	[tilespmem:s6], [sflag:$0x3] =	stream.indirect.gather [hbm4b:s0+s28], $0x80, s18, s28, $0xb8;
	[tilespmem:$0x1EC00] =	vst v63  }
0x121: {  	_ =	swait.ge [sflag:s12], $0x2000  }
0x122: {  	[sflag:s12] =	ssyncset.done $0x0  }
0x123: {  	s19 =	simm.s32 $0x1580;
	[sflag:s12] =	ssyncadd.s32 $0xFFFFE000  }
0x124: {  	[spmem:s3] =	stream.indirect.scatter.add.f32 [tilespmem:s8], [sflag:$0x5], $0x80, s19, s28, $0xb8;
	[tilespmem:$0x1EC00] =	vst v63  }
0x125: {  	_ =	swait.ge [sflag:s25], $0x2000  }
0x126: {  	[sflag:s25] =	ssyncset.done $0x0  }
0x127: {  	s17 =	simm.s32 $0x800;
	s18 =	simm.s32 $0x380;
	[sflag:s25] =	ssyncadd.s32 $0xFFFFE000  }
.LBB2_16:
0x128: {  	[tilespmem:s8], [sflag:$0x4] =	stream.indirect.gather [hbm4b:s0+s28], $0x80, s18, s28, $0xb8;
	[tilespmem:$0x1EC00] =	vst v63  }
0x129: {  	s18 =	smov.u32 s17  }
0x12a: {  	p1 =	sne.s32 s17, $0x4000;
	s17 =	sadd.s32 $0x800, s17;
	_ =	swait.ge [sflag:s9], $0x2000  }
0x12b: {  	s18 =	sshra.s32 s18, $0x2;
	[sflag:s9] =	ssyncset.done $0x0  }
0x12c: {  	s19 =	sadd.s32 $0x1400, s18;
	[sflag:s9] =	ssyncadd.s32 $0xFFFFE000  }
0x12d: {  	[spmem:s3] =	stream.indirect.scatter.add.f32 [tilespmem:s29], [sflag:$0x5], $0x80, s19, s28, $0xb8;
	[tilespmem:$0x1EC00] =	vst v63  }
0x12e: {  	_ =	swait.ge [sflag:s25], $0x2000  }
0x12f: {  	[sflag:s25] =	ssyncset.done $0x0  }
0x130: {  	s19 =	sadd.s32 $0x200, s18;
	[sflag:s25] =	ssyncadd.s32 $0xFFFFE000  }
0x131: {  	[tilespmem:s29], [sflag:$0x1] =	stream.indirect.gather [hbm4b:s0+s28], $0x80, s19, s28, $0xb8;
	[tilespmem:$0x1EC00] =	vst v63  }
0x132: {  	_ =	swait.ge [sflag:s10], $0x2000  }
0x133: {  	[sflag:s10] =	ssyncset.done $0x0  }
0x134: {  	s19 =	sadd.s32 $0x1480, s18;
	[sflag:s10] =	ssyncadd.s32 $0xFFFFE000  }
0x135: {  	[spmem:s3] =	stream.indirect.scatter.add.f32 [tilespmem:s31], [sflag:$0x5], $0x80, s19, s28, $0xb8;
	[tilespmem:$0x1EC00] =	vst v63  }
0x136: {  	_ =	swait.ge [sflag:s25], $0x2000  }
0x137: {  	[sflag:s25] =	ssyncset.done $0x0  }
0x138: {  	s19 =	sadd.s32 $0x280, s18;
	[sflag:s25] =	ssyncadd.s32 $0xFFFFE000  }
0x139: {  	[tilespmem:s31], [sflag:$0x2] =	stream.indirect.gather [hbm4b:s0+s28], $0x80, s19, s28, $0xb8;
	[tilespmem:$0x1EC00] =	vst v63  }
0x13a: {  	_ =	swait.ge [sflag:s11], $0x2000  }
0x13b: {  	[sflag:s11] =	ssyncset.done $0x0  }
0x13c: {  	s19 =	sadd.s32 $0x1500, s18;
	[sflag:s11] =	ssyncadd.s32 $0xFFFFE000  }
0x13d: {  	[spmem:s3] =	stream.indirect.scatter.add.f32 [tilespmem:s6], [sflag:$0x5], $0x80, s19, s28, $0xb8;
	[tilespmem:$0x1EC00] =	vst v63  }
0x13e: {  	_ =	swait.ge [sflag:s25], $0x2000  }
0x13f: {  	[sflag:s25] =	ssyncset.done $0x0  }
0x140: {  	s19 =	sadd.s32 $0x300, s18;
	[sflag:s25] =	ssyncadd.s32 $0xFFFFE000  }
0x141: {  	[tilespmem:s6], [sflag:$0x3] =	stream.indirect.gather [hbm4b:s0+s28], $0x80, s19, s28, $0xb8;
	[tilespmem:$0x1EC00] =	vst v63  }
0x142: {  	_ =	swait.ge [sflag:s12], $0x2000  }
0x143: {  	[sflag:s12] =	ssyncset.done $0x0  }
.Ltmp5:
0x144: {  	s19 =	sadd.s32 $0x1580, s18;
	[sflag:s12] =	ssyncadd.s32 $0xFFFFE000;
	(pc) =	sbr.rel @p1 .LBB2_16-.Ltmp5, $4  }
0x145: {  	[spmem:s3] =	stream.indirect.scatter.add.f32 [tilespmem:s8], [sflag:$0x5], $0x80, s19, s28, $0xb8;
	[tilespmem:$0x1EC00] =	vst v63  }
0x146: {  	_ =	swait.ge [sflag:s25], $0x2000  }
0x147: {  	[sflag:s25] =	ssyncset.done $0x0  }
0x148: {  	s18 =	sadd.s32 $0x380, s18;
	[sflag:s25] =	ssyncadd.s32 $0xFFFFE000  }
0x149: {  	[tilespmem:s8], [sflag:$0x4] =	stream.indirect.gather [hbm4b:s0+s28], $0x80, s18, s28, $0xb8;
	[tilespmem:$0x1EC00] =	vst v63  }
0x14a: {  	_ =	swait.ge [sflag:s9], $0x2000  }
0x14b: {  	[sflag:s9] =	ssyncset.done $0x0  }
0x14c: {  	[sflag:s9] =	ssyncadd.s32 $0xFFFFE000  }
0x14d: {  	[spmem:s3] =	stream.indirect.scatter.add.f32 [tilespmem:s29], [sflag:$0x5], $0x80, s13, s28, $0xb8;
	[tilespmem:$0x1EC00] =	vst v63  }
0x14e: {  	_ =	swait.ge [sflag:s25], $0x2000  }
0x14f: {  	[sflag:s25] =	ssyncset.done $0x0  }
0x150: {  	[sflag:s25] =	ssyncadd.s32 $0xFFFFE000  }
0x151: {  	_ =	swait.ge [sflag:s10], $0x2000  }
0x152: {  	[sflag:s10] =	ssyncset.done $0x0  }
0x153: {  	[sflag:s10] =	ssyncadd.s32 $0xFFFFE000  }
0x154: {  	[spmem:s3] =	stream.indirect.scatter.add.f32 [tilespmem:s31], [sflag:$0x5], $0x80, s14, s28, $0xb8;
	[tilespmem:$0x1EC00] =	vst v63  }
0x155: {  	_ =	swait.ge [sflag:s25], $0x2000  }
0x156: {  	[sflag:s25] =	ssyncset.done $0x0  }
0x157: {  	[sflag:s25] =	ssyncadd.s32 $0xFFFFE000  }
0x158: {  	_ =	swait.ge [sflag:s11], $0x2000  }
0x159: {  	[sflag:s11] =	ssyncset.done $0x0  }
0x15a: {  	[sflag:s11] =	ssyncadd.s32 $0xFFFFE000  }
0x15b: {  	[spmem:s3] =	stream.indirect.scatter.add.f32 [tilespmem:s6], [sflag:$0x5], $0x80, s15, s28, $0xb8;
	[tilespmem:$0x1EC00] =	vst v63  }
0x15c: {  	_ =	swait.ge [sflag:s25], $0x2000  }
0x15d: {  	[sflag:s25] =	ssyncset.done $0x0  }
0x15e: {  	[sflag:s25] =	ssyncadd.s32 $0xFFFFE000  }
0x15f: {  	_ =	swait.ge [sflag:s12], $0x2000  }
0x160: {  	[sflag:s12] =	ssyncset.done $0x0  }
0x161: {  	[sflag:s12] =	ssyncadd.s32 $0xFFFFE000  }
0x162: {  	[spmem:s3] =	stream.indirect.scatter.add.f32 [tilespmem:s8], [sflag:$0x5], $0x80, s16, s28, $0xb8;
	[tilespmem:$0x1EC00] =	vst v63  }
0x163: {  	_ =	swait.ge [sflag:s25], $0x2000  }
0x164: {  	[sflag:s25] =	ssyncset.done $0x0  }
0x165: {  	s17 =	simm.s32 $0x0;
	s19 =	rddreg [dreg:$0x10];
	[sflag:s25] =	ssyncadd.s32 $0xFFFFE000  }
0x166: {  	[tilespmem:s17], [sflag:$0x5] =	stream.linear.gather [hbm4b:s19+s17], $0x1400, $0x38;
	[tilespmem:$0x1EC00] =	vst v63  }
0x167: {  	_ =	swait.ge [sflag:s25], $0x1400  }
0x168: {  	[sflag:s25] =	ssyncset.done $0x0  }
0x169: {  	s19 =	rddreg [dreg:$0x11];
	[sflag:s25] =	ssyncadd.s32 $0xFFFFEC00  }
0x16a: {  	[tilespmem:s26], [sflag:$0x5] =	stream.linear.gather [hbm4b:s19+s17], $0x1400, $0x38;
	[tilespmem:$0x1EC00] =	vst v63  }
0x16b: {  	_ =	swait.ge [sflag:s25], $0x1400  }
0x16c: {  	[sflag:s25] =	ssyncset.done $0x0  }
0x16d: {  	[sflag:s25] =	ssyncadd.s32 $0xFFFFEC00  }
0x16e: {  	[tilespmem:s29], [sflag:$0x1] =	stream.indirect.gather [hbm4b:s0+s28], $0x80, s17, s28, $0xb8;
	[tilespmem:$0x1EC00] =	vst v63  }
0x16f: {  	_ = 	snop  }
0x170: {  	[tilespmem:s31], [sflag:$0x2] =	stream.indirect.gather [hbm4b:s0+s28], $0x80, s30, s28, $0xb8;
	[tilespmem:$0x1EC00] =	vst v63  }
0x171: {  	_ = 	snop  }
0x172: {  	[tilespmem:s6], [sflag:$0x3] =	stream.indirect.gather [hbm4b:s0+s28], $0x80, s1, s28, $0xb8;
	[tilespmem:$0x1EC00] =	vst v63  }
0x173: {  	_ = 	snop  }
0x174: {  	[tilespmem:s8], [sflag:$0x4] =	stream.indirect.gather [hbm4b:s0+s28], $0x80, s7, s28, $0xb8;
	[tilespmem:$0x1EC00] =	vst v63  }
0x175: {  	_ =	swait.ge [sflag:s9], $0x2000  }
0x176: {  	[sflag:s9] =	ssyncset.done $0x0  }
0x177: {  	s19 =	simm.s32 $0x1400;
	[sflag:s9] =	ssyncadd.s32 $0xFFFFE000  }
0x178: {  	[spmem:s3] =	stream.indirect.scatter.add.f32 [tilespmem:s29], [sflag:$0x5], $0x80, s19, s28, $0xb8;
	[tilespmem:$0x1EC00] =	vst v63  }
0x179: {  	_ =	swait.ge [sflag:s25], $0x2000  }
0x17a: {  	[sflag:s25] =	ssyncset.done $0x0  }
0x17b: {  	s18 =	simm.s32 $0x200;
	[sflag:s25] =	ssyncadd.s32 $0xFFFFE000  }
0x17c: {  	[tilespmem:s29], [sflag:$0x1] =	stream.indirect.gather [hbm4b:s0+s28], $0x80, s18, s28, $0xb8;
	[tilespmem:$0x1EC00] =	vst v63  }
0x17d: {  	_ =	swait.ge [sflag:s10], $0x2000  }
0x17e: {  	[sflag:s10] =	ssyncset.done $0x0  }
0x17f: {  	s19 =	simm.s32 $0x1480;
	[sflag:s10] =	ssyncadd.s32 $0xFFFFE000  }
0x180: {  	[spmem:s3] =	stream.indirect.scatter.add.f32 [tilespmem:s31], [sflag:$0x5], $0x80, s19, s28, $0xb8;
	[tilespmem:$0x1EC00] =	vst v63  }
0x181: {  	_ =	swait.ge [sflag:s25], $0x2000  }
0x182: {  	[sflag:s25] =	ssyncset.done $0x0  }
0x183: {  	s18 =	simm.s32 $0x280;
	[sflag:s25] =	ssyncadd.s32 $0xFFFFE000  }
0x184: {  	[tilespmem:s31], [sflag:$0x2] =	stream.indirect.gather [hbm4b:s0+s28], $0x80, s18, s28, $0xb8;
	[tilespmem:$0x1EC00] =	vst v63  }
0x185: {  	_ =	swait.ge [sflag:s11], $0x2000  }
0x186: {  	[sflag:s11] =	ssyncset.done $0x0  }
0x187: {  	s19 =	simm.s32 $0x1500;
	[sflag:s11] =	ssyncadd.s32 $0xFFFFE000  }
0x188: {  	[spmem:s3] =	stream.indirect.scatter.add.f32 [tilespmem:s6], [sflag:$0x5], $0x80, s19, s28, $0xb8;
	[tilespmem:$0x1EC00] =	vst v63  }
0x189: {  	_ =	swait.ge [sflag:s25], $0x2000  }
0x18a: {  	[sflag:s25] =	ssyncset.done $0x0  }
0x18b: {  	s18 =	simm.s32 $0x300;
	[sflag:s25] =	ssyncadd.s32 $0xFFFFE000  }
0x18c: {  	[tilespmem:s6], [sflag:$0x3] =	stream.indirect.gather [hbm4b:s0+s28], $0x80, s18, s28, $0xb8;
	[tilespmem:$0x1EC00] =	vst v63  }
0x18d: {  	_ =	swait.ge [sflag:s12], $0x2000  }
0x18e: {  	[sflag:s12] =	ssyncset.done $0x0  }
0x18f: {  	s19 =	simm.s32 $0x1580;
	[sflag:s12] =	ssyncadd.s32 $0xFFFFE000  }
0x190: {  	[spmem:s3] =	stream.indirect.scatter.add.f32 [tilespmem:s8], [sflag:$0x5], $0x80, s19, s28, $0xb8;
	[tilespmem:$0x1EC00] =	vst v63  }
0x191: {  	_ =	swait.ge [sflag:s25], $0x2000  }
0x192: {  	[sflag:s25] =	ssyncset.done $0x0  }
0x193: {  	s17 =	simm.s32 $0x800;
	s18 =	simm.s32 $0x380;
	[sflag:s25] =	ssyncadd.s32 $0xFFFFE000  }
.LBB2_18:
0x194: {  	[tilespmem:s8], [sflag:$0x4] =	stream.indirect.gather [hbm4b:s0+s28], $0x80, s18, s28, $0xb8;
	[tilespmem:$0x1EC00] =	vst v63  }
0x195: {  	s18 =	smov.u32 s17  }
0x196: {  	p1 =	sne.s32 s17, $0x4000;
	s17 =	sadd.s32 $0x800, s17;
	_ =	swait.ge [sflag:s9], $0x2000  }
0x197: {  	s18 =	sshra.s32 s18, $0x2;
	[sflag:s9] =	ssyncset.done $0x0  }
0x198: {  	s19 =	sadd.s32 $0x1400, s18;
	[sflag:s9] =	ssyncadd.s32 $0xFFFFE000  }
0x199: {  	[spmem:s3] =	stream.indirect.scatter.add.f32 [tilespmem:s29], [sflag:$0x5], $0x80, s19, s28, $0xb8;
	[tilespmem:$0x1EC00] =	vst v63  }
0x19a: {  	_ =	swait.ge [sflag:s25], $0x2000  }
0x19b: {  	[sflag:s25] =	ssyncset.done $0x0  }
0x19c: {  	s19 =	sadd.s32 $0x200, s18;
	[sflag:s25] =	ssyncadd.s32 $0xFFFFE000  }
0x19d: {  	[tilespmem:s29], [sflag:$0x1] =	stream.indirect.gather [hbm4b:s0+s28], $0x80, s19, s28, $0xb8;
	[tilespmem:$0x1EC00] =	vst v63  }
0x19e: {  	_ =	swait.ge [sflag:s10], $0x2000  }
0x19f: {  	[sflag:s10] =	ssyncset.done $0x0  }
0x1a0: {  	s19 =	sadd.s32 $0x1480, s18;
	[sflag:s10] =	ssyncadd.s32 $0xFFFFE000  }
0x1a1: {  	[spmem:s3] =	stream.indirect.scatter.add.f32 [tilespmem:s31], [sflag:$0x5], $0x80, s19, s28, $0xb8;
	[tilespmem:$0x1EC00] =	vst v63  }
0x1a2: {  	_ =	swait.ge [sflag:s25], $0x2000  }
0x1a3: {  	[sflag:s25] =	ssyncset.done $0x0  }
0x1a4: {  	s19 =	sadd.s32 $0x280, s18;
	[sflag:s25] =	ssyncadd.s32 $0xFFFFE000  }
0x1a5: {  	[tilespmem:s31], [sflag:$0x2] =	stream.indirect.gather [hbm4b:s0+s28], $0x80, s19, s28, $0xb8;
	[tilespmem:$0x1EC00] =	vst v63  }
0x1a6: {  	_ =	swait.ge [sflag:s11], $0x2000  }
0x1a7: {  	[sflag:s11] =	ssyncset.done $0x0  }
0x1a8: {  	s19 =	sadd.s32 $0x1500, s18;
	[sflag:s11] =	ssyncadd.s32 $0xFFFFE000  }
0x1a9: {  	[spmem:s3] =	stream.indirect.scatter.add.f32 [tilespmem:s6], [sflag:$0x5], $0x80, s19, s28, $0xb8;
	[tilespmem:$0x1EC00] =	vst v63  }
0x1aa: {  	_ =	swait.ge [sflag:s25], $0x2000  }
0x1ab: {  	[sflag:s25] =	ssyncset.done $0x0  }
0x1ac: {  	s19 =	sadd.s32 $0x300, s18;
	[sflag:s25] =	ssyncadd.s32 $0xFFFFE000  }
0x1ad: {  	[tilespmem:s6], [sflag:$0x3] =	stream.indirect.gather [hbm4b:s0+s28], $0x80, s19, s28, $0xb8;
	[tilespmem:$0x1EC00] =	vst v63  }
0x1ae: {  	_ =	swait.ge [sflag:s12], $0x2000  }
0x1af: {  	[sflag:s12] =	ssyncset.done $0x0  }
.Ltmp6:
0x1b0: {  	s19 =	sadd.s32 $0x1580, s18;
	[sflag:s12] =	ssyncadd.s32 $0xFFFFE000;
	(pc) =	sbr.rel @p1 .LBB2_18-.Ltmp6, $4  }
0x1b1: {  	[spmem:s3] =	stream.indirect.scatter.add.f32 [tilespmem:s8], [sflag:$0x5], $0x80, s19, s28, $0xb8;
	[tilespmem:$0x1EC00] =	vst v63  }
0x1b2: {  	_ =	swait.ge [sflag:s25], $0x2000  }
0x1b3: {  	[sflag:s25] =	ssyncset.done $0x0  }
0x1b4: {  	s18 =	sadd.s32 $0x380, s18;
	[sflag:s25] =	ssyncadd.s32 $0xFFFFE000  }
0x1b5: {  	[tilespmem:s8], [sflag:$0x4] =	stream.indirect.gather [hbm4b:s0+s28], $0x80, s18, s28, $0xb8;
	[tilespmem:$0x1EC00] =	vst v63  }
0x1b6: {  	_ =	swait.ge [sflag:s9], $0x2000  }
0x1b7: {  	[sflag:s9] =	ssyncset.done $0x0  }
0x1b8: {  	[sflag:s9] =	ssyncadd.s32 $0xFFFFE000  }
0x1b9: {  	[spmem:s3] =	stream.indirect.scatter.add.f32 [tilespmem:s29], [sflag:$0x5], $0x80, s13, s28, $0xb8;
	[tilespmem:$0x1EC00] =	vst v63  }
0x1ba: {  	_ =	swait.ge [sflag:s25], $0x2000  }
0x1bb: {  	[sflag:s25] =	ssyncset.done $0x0  }
0x1bc: {  	[sflag:s25] =	ssyncadd.s32 $0xFFFFE000  }
0x1bd: {  	_ =	swait.ge [sflag:s10], $0x2000  }
0x1be: {  	[sflag:s10] =	ssyncset.done $0x0  }
0x1bf: {  	[sflag:s10] =	ssyncadd.s32 $0xFFFFE000  }
0x1c0: {  	[spmem:s3] =	stream.indirect.scatter.add.f32 [tilespmem:s31], [sflag:$0x5], $0x80, s14, s28, $0xb8;
	[tilespmem:$0x1EC00] =	vst v63  }
0x1c1: {  	_ =	swait.ge [sflag:s25], $0x2000  }
0x1c2: {  	[sflag:s25] =	ssyncset.done $0x0  }
0x1c3: {  	[sflag:s25] =	ssyncadd.s32 $0xFFFFE000  }
0x1c4: {  	_ =	swait.ge [sflag:s11], $0x2000  }
0x1c5: {  	[sflag:s11] =	ssyncset.done $0x0  }
0x1c6: {  	[sflag:s11] =	ssyncadd.s32 $0xFFFFE000  }
0x1c7: {  	[spmem:s3] =	stream.indirect.scatter.add.f32 [tilespmem:s6], [sflag:$0x5], $0x80, s15, s28, $0xb8;
	[tilespmem:$0x1EC00] =	vst v63  }
0x1c8: {  	_ =	swait.ge [sflag:s25], $0x2000  }
0x1c9: {  	[sflag:s25] =	ssyncset.done $0x0  }
0x1ca: {  	[sflag:s25] =	ssyncadd.s32 $0xFFFFE000  }
0x1cb: {  	_ =	swait.ge [sflag:s12], $0x2000  }
0x1cc: {  	[sflag:s12] =	ssyncset.done $0x0  }
0x1cd: {  	[sflag:s12] =	ssyncadd.s32 $0xFFFFE000  }
0x1ce: {  	[spmem:s3] =	stream.indirect.scatter.add.f32 [tilespmem:s8], [sflag:$0x5], $0x80, s16, s28, $0xb8;
	[tilespmem:$0x1EC00] =	vst v63  }
0x1cf: {  	_ =	swait.ge [sflag:s25], $0x2000  }
0x1d0: {  	[sflag:s25] =	ssyncset.done $0x0  }
0x1d1: {  	s17 =	simm.s32 $0x0;
	[sflag:s25] =	ssyncadd.s32 $0xFFFFE000  }
0x1d2: {  	[tilespmem:s17], [sflag:$0x5] =	stream.linear.gather [hbm4b:s20+s17], $0x1400, $0x38;
	[tilespmem:$0x1EC00] =	vst v63  }
0x1d3: {  	_ =	swait.ge [sflag:s25], $0x1400  }
0x1d4: {  	[sflag:s25] =	ssyncset.done $0x0  }
0x1d5: {  	[sflag:s25] =	ssyncadd.s32 $0xFFFFEC00  }
0x1d6: {  	[tilespmem:s26], [sflag:$0x5] =	stream.linear.gather [hbm4b:s21+s17], $0x1400, $0x38;
	[tilespmem:$0x1EC00] =	vst v63  }
0x1d7: {  	_ =	swait.ge [sflag:s25], $0x1400  }
0x1d8: {  	[sflag:s25] =	ssyncset.done $0x0  }
0x1d9: {  	[sflag:s25] =	ssyncadd.s32 $0xFFFFEC00  }
0x1da: {  	[tilespmem:s29], [sflag:$0x1] =	stream.indirect.gather [hbm4b:s0+s28], $0x80, s17, s28, $0xb8;
	[tilespmem:$0x1EC00] =	vst v63  }
0x1db: {  	_ = 	snop  }
0x1dc: {  	[tilespmem:s31], [sflag:$0x2] =	stream.indirect.gather [hbm4b:s0+s28], $0x80, s30, s28, $0xb8;
	[tilespmem:$0x1EC00] =	vst v63  }
0x1dd: {  	_ = 	snop  }
0x1de: {  	[tilespmem:s6], [sflag:$0x3] =	stream.indirect.gather [hbm4b:s0+s28], $0x80, s1, s28, $0xb8;
	[tilespmem:$0x1EC00] =	vst v63  }
0x1df: {  	_ = 	snop  }
0x1e0: {  	[tilespmem:s8], [sflag:$0x4] =	stream.indirect.gather [hbm4b:s0+s28], $0x80, s7, s28, $0xb8;
	[tilespmem:$0x1EC00] =	vst v63  }
0x1e1: {  	_ =	swait.ge [sflag:s9], $0x2000  }
0x1e2: {  	[sflag:s9] =	ssyncset.done $0x0  }
0x1e3: {  	s19 =	simm.s32 $0x1400;
	[sflag:s9] =	ssyncadd.s32 $0xFFFFE000  }
0x1e4: {  	[spmem:s3] =	stream.indirect.scatter.add.f32 [tilespmem:s29], [sflag:$0x5], $0x80, s19, s28, $0xb8;
	[tilespmem:$0x1EC00] =	vst v63  }
0x1e5: {  	_ =	swait.ge [sflag:s25], $0x2000  }
0x1e6: {  	[sflag:s25] =	ssyncset.done $0x0  }
0x1e7: {  	s18 =	simm.s32 $0x200;
	[sflag:s25] =	ssyncadd.s32 $0xFFFFE000  }
0x1e8: {  	[tilespmem:s29], [sflag:$0x1] =	stream.indirect.gather [hbm4b:s0+s28], $0x80, s18, s28, $0xb8;
	[tilespmem:$0x1EC00] =	vst v63  }
0x1e9: {  	_ =	swait.ge [sflag:s10], $0x2000  }
0x1ea: {  	[sflag:s10] =	ssyncset.done $0x0  }
0x1eb: {  	s19 =	simm.s32 $0x1480;
	[sflag:s10] =	ssyncadd.s32 $0xFFFFE000  }
0x1ec: {  	[spmem:s3] =	stream.indirect.scatter.add.f32 [tilespmem:s31], [sflag:$0x5], $0x80, s19, s28, $0xb8;
	[tilespmem:$0x1EC00] =	vst v63  }
0x1ed: {  	_ =	swait.ge [sflag:s25], $0x2000  }
0x1ee: {  	[sflag:s25] =	ssyncset.done $0x0  }
0x1ef: {  	s18 =	simm.s32 $0x280;
	[sflag:s25] =	ssyncadd.s32 $0xFFFFE000  }
0x1f0: {  	[tilespmem:s31], [sflag:$0x2] =	stream.indirect.gather [hbm4b:s0+s28], $0x80, s18, s28, $0xb8;
	[tilespmem:$0x1EC00] =	vst v63  }
0x1f1: {  	_ =	swait.ge [sflag:s11], $0x2000  }
0x1f2: {  	[sflag:s11] =	ssyncset.done $0x0  }
0x1f3: {  	s19 =	simm.s32 $0x1500;
	[sflag:s11] =	ssyncadd.s32 $0xFFFFE000  }
0x1f4: {  	[spmem:s3] =	stream.indirect.scatter.add.f32 [tilespmem:s6], [sflag:$0x5], $0x80, s19, s28, $0xb8;
	[tilespmem:$0x1EC00] =	vst v63  }
0x1f5: {  	_ =	swait.ge [sflag:s25], $0x2000  }
0x1f6: {  	[sflag:s25] =	ssyncset.done $0x0  }
0x1f7: {  	s18 =	simm.s32 $0x300;
	[sflag:s25] =	ssyncadd.s32 $0xFFFFE000  }
0x1f8: {  	[tilespmem:s6], [sflag:$0x3] =	stream.indirect.gather [hbm4b:s0+s28], $0x80, s18, s28, $0xb8;
	[tilespmem:$0x1EC00] =	vst v63  }
0x1f9: {  	_ =	swait.ge [sflag:s12], $0x2000  }
0x1fa: {  	[sflag:s12] =	ssyncset.done $0x0  }
0x1fb: {  	s19 =	simm.s32 $0x1580;
	[sflag:s12] =	ssyncadd.s32 $0xFFFFE000  }
0x1fc: {  	[spmem:s3] =	stream.indirect.scatter.add.f32 [tilespmem:s8], [sflag:$0x5], $0x80, s19, s28, $0xb8;
	[tilespmem:$0x1EC00] =	vst v63  }
0x1fd: {  	_ =	swait.ge [sflag:s25], $0x2000  }
0x1fe: {  	[sflag:s25] =	ssyncset.done $0x0  }
0x1ff: {  	s17 =	simm.s32 $0x800;
	s18 =	simm.s32 $0x380;
	[sflag:s25] =	ssyncadd.s32 $0xFFFFE000  }
.LBB2_20:
0x200: {  	[tilespmem:s8], [sflag:$0x4] =	stream.indirect.gather [hbm4b:s0+s28], $0x80, s18, s28, $0xb8;
	[tilespmem:$0x1EC00] =	vst v63  }
0x201: {  	s18 =	smov.u32 s17  }
0x202: {  	p1 =	sne.s32 s17, $0x4000;
	s17 =	sadd.s32 $0x800, s17;
	_ =	swait.ge [sflag:s9], $0x2000  }
0x203: {  	s18 =	sshra.s32 s18, $0x2;
	[sflag:s9] =	ssyncset.done $0x0  }
0x204: {  	s19 =	sadd.s32 $0x1400, s18;
	[sflag:s9] =	ssyncadd.s32 $0xFFFFE000  }
0x205: {  	[spmem:s3] =	stream.indirect.scatter.add.f32 [tilespmem:s29], [sflag:$0x5], $0x80, s19, s28, $0xb8;
	[tilespmem:$0x1EC00] =	vst v63  }
0x206: {  	_ =	swait.ge [sflag:s25], $0x2000  }
0x207: {  	[sflag:s25] =	ssyncset.done $0x0  }
0x208: {  	s19 =	sadd.s32 $0x200, s18;
	[sflag:s25] =	ssyncadd.s32 $0xFFFFE000  }
0x209: {  	[tilespmem:s29], [sflag:$0x1] =	stream.indirect.gather [hbm4b:s0+s28], $0x80, s19, s28, $0xb8;
	[tilespmem:$0x1EC00] =	vst v63  }
0x20a: {  	_ =	swait.ge [sflag:s10], $0x2000  }
0x20b: {  	[sflag:s10] =	ssyncset.done $0x0  }
0x20c: {  	s19 =	sadd.s32 $0x1480, s18;
	[sflag:s10] =	ssyncadd.s32 $0xFFFFE000  }
0x20d: {  	[spmem:s3] =	stream.indirect.scatter.add.f32 [tilespmem:s31], [sflag:$0x5], $0x80, s19, s28, $0xb8;
	[tilespmem:$0x1EC00] =	vst v63  }
0x20e: {  	_ =	swait.ge [sflag:s25], $0x2000  }
0x20f: {  	[sflag:s25] =	ssyncset.done $0x0  }
0x210: {  	s19 =	sadd.s32 $0x280, s18;
	[sflag:s25] =	ssyncadd.s32 $0xFFFFE000  }
0x211: {  	[tilespmem:s31], [sflag:$0x2] =	stream.indirect.gather [hbm4b:s0+s28], $0x80, s19, s28, $0xb8;
	[tilespmem:$0x1EC00] =	vst v63  }
0x212: {  	_ =	swait.ge [sflag:s11], $0x2000  }
0x213: {  	[sflag:s11] =	ssyncset.done $0x0  }
0x214: {  	s19 =	sadd.s32 $0x1500, s18;
	[sflag:s11] =	ssyncadd.s32 $0xFFFFE000  }
0x215: {  	[spmem:s3] =	stream.indirect.scatter.add.f32 [tilespmem:s6], [sflag:$0x5], $0x80, s19, s28, $0xb8;
	[tilespmem:$0x1EC00] =	vst v63  }
0x216: {  	_ =	swait.ge [sflag:s25], $0x2000  }
0x217: {  	[sflag:s25] =	ssyncset.done $0x0  }
0x218: {  	s19 =	sadd.s32 $0x300, s18;
	[sflag:s25] =	ssyncadd.s32 $0xFFFFE000  }
0x219: {  	[tilespmem:s6], [sflag:$0x3] =	stream.indirect.gather [hbm4b:s0+s28], $0x80, s19, s28, $0xb8;
	[tilespmem:$0x1EC00] =	vst v63  }
0x21a: {  	_ =	swait.ge [sflag:s12], $0x2000  }
0x21b: {  	[sflag:s12] =	ssyncset.done $0x0  }
.Ltmp7:
0x21c: {  	s19 =	sadd.s32 $0x1580, s18;
	[sflag:s12] =	ssyncadd.s32 $0xFFFFE000;
	(pc) =	sbr.rel @p1 .LBB2_20-.Ltmp7, $4  }
0x21d: {  	[spmem:s3] =	stream.indirect.scatter.add.f32 [tilespmem:s8], [sflag:$0x5], $0x80, s19, s28, $0xb8;
	[tilespmem:$0x1EC00] =	vst v63  }
0x21e: {  	_ =	swait.ge [sflag:s25], $0x2000  }
0x21f: {  	[sflag:s25] =	ssyncset.done $0x0  }
0x220: {  	s18 =	sadd.s32 $0x380, s18;
	[sflag:s25] =	ssyncadd.s32 $0xFFFFE000  }
.Ltmp8:
0x221: {  	(pc) =	sbr.rel .LBB2_22-.Ltmp8, $2  }
0x222: {  	_ =	sdelay $0x2  }
0x223: {  	[tilespmem:s8], [sflag:$0x4] =	stream.indirect.gather [hbm4b:s0+s28], $0x80, s18, s28, $0xb8;
	[tilespmem:$0x1EC00] =	vst v63  }
.LBB2_4:
0x224: {  	s18 =	rddreg [dreg:$0x4]  }
0x225: {  	[tilespmem:s17], [sflag:$0x5] =	stream.linear.gather [hbm4b:s18+s17], $0x1400, $0x38;
	[tilespmem:$0x1EC00] =	vst v63  }
0x226: {  	_ =	swait.ge [sflag:s25], $0x1400  }
0x227: {  	[sflag:s25] =	ssyncset.done $0x0  }
0x228: {  	s19 =	rddreg [dreg:$0x5];
	[sflag:s25] =	ssyncadd.s32 $0xFFFFEC00  }
0x229: {  	[tilespmem:s26], [sflag:$0x5] =	stream.linear.gather [hbm4b:s19+s17], $0x1400, $0x38;
	[tilespmem:$0x1EC00] =	vst v63  }
0x22a: {  	_ =	swait.ge [sflag:s25], $0x1400  }
0x22b: {  	[sflag:s25] =	ssyncset.done $0x0  }
0x22c: {  	[sflag:s25] =	ssyncadd.s32 $0xFFFFEC00  }
0x22d: {  	[tilespmem:s29], [sflag:$0x1] =	stream.indirect.gather [hbm4b:s0+s28], $0x80, s17, s28, $0xb8;
	[tilespmem:$0x1EC00] =	vst v63  }
0x22e: {  	_ = 	snop  }
0x22f: {  	[tilespmem:s31], [sflag:$0x2] =	stream.indirect.gather [hbm4b:s0+s28], $0x80, s30, s28, $0xb8;
	[tilespmem:$0x1EC00] =	vst v63  }
0x230: {  	_ = 	snop  }
0x231: {  	[tilespmem:s6], [sflag:$0x3] =	stream.indirect.gather [hbm4b:s0+s28], $0x80, s1, s28, $0xb8;
	[tilespmem:$0x1EC00] =	vst v63  }
0x232: {  	_ = 	snop  }
0x233: {  	[tilespmem:s8], [sflag:$0x4] =	stream.indirect.gather [hbm4b:s0+s28], $0x80, s7, s28, $0xb8;
	[tilespmem:$0x1EC00] =	vst v63  }
0x234: {  	_ =	swait.ge [sflag:s9], $0x2000  }
0x235: {  	[sflag:s9] =	ssyncset.done $0x0  }
0x236: {  	s19 =	simm.s32 $0x1400;
	[sflag:s9] =	ssyncadd.s32 $0xFFFFE000  }
0x237: {  	[spmem:s3] =	stream.indirect.scatter.add.f32 [tilespmem:s29], [sflag:$0x5], $0x80, s19, s28, $0xb8;
	[tilespmem:$0x1EC00] =	vst v63  }
0x238: {  	_ =	swait.ge [sflag:s25], $0x2000  }
0x239: {  	[sflag:s25] =	ssyncset.done $0x0  }
0x23a: {  	s18 =	simm.s32 $0x200;
	[sflag:s25] =	ssyncadd.s32 $0xFFFFE000  }
0x23b: {  	[tilespmem:s29], [sflag:$0x1] =	stream.indirect.gather [hbm4b:s0+s28], $0x80, s18, s28, $0xb8;
	[tilespmem:$0x1EC00] =	vst v63  }
0x23c: {  	_ =	swait.ge [sflag:s10], $0x2000  }
0x23d: {  	[sflag:s10] =	ssyncset.done $0x0  }
0x23e: {  	s19 =	simm.s32 $0x1480;
	[sflag:s10] =	ssyncadd.s32 $0xFFFFE000  }
0x23f: {  	[spmem:s3] =	stream.indirect.scatter.add.f32 [tilespmem:s31], [sflag:$0x5], $0x80, s19, s28, $0xb8;
	[tilespmem:$0x1EC00] =	vst v63  }
0x240: {  	_ =	swait.ge [sflag:s25], $0x2000  }
0x241: {  	[sflag:s25] =	ssyncset.done $0x0  }
0x242: {  	s18 =	simm.s32 $0x280;
	[sflag:s25] =	ssyncadd.s32 $0xFFFFE000  }
0x243: {  	[tilespmem:s31], [sflag:$0x2] =	stream.indirect.gather [hbm4b:s0+s28], $0x80, s18, s28, $0xb8;
	[tilespmem:$0x1EC00] =	vst v63  }
0x244: {  	_ =	swait.ge [sflag:s11], $0x2000  }
0x245: {  	[sflag:s11] =	ssyncset.done $0x0  }
0x246: {  	s19 =	simm.s32 $0x1500;
	[sflag:s11] =	ssyncadd.s32 $0xFFFFE000  }
0x247: {  	[spmem:s3] =	stream.indirect.scatter.add.f32 [tilespmem:s6], [sflag:$0x5], $0x80, s19, s28, $0xb8;
	[tilespmem:$0x1EC00] =	vst v63  }
0x248: {  	_ =	swait.ge [sflag:s25], $0x2000  }
0x249: {  	[sflag:s25] =	ssyncset.done $0x0  }
0x24a: {  	s18 =	simm.s32 $0x300;
	[sflag:s25] =	ssyncadd.s32 $0xFFFFE000  }
0x24b: {  	[tilespmem:s6], [sflag:$0x3] =	stream.indirect.gather [hbm4b:s0+s28], $0x80, s18, s28, $0xb8;
	[tilespmem:$0x1EC00] =	vst v63  }
0x24c: {  	_ =	swait.ge [sflag:s12], $0x2000  }
0x24d: {  	[sflag:s12] =	ssyncset.done $0x0  }
0x24e: {  	s19 =	simm.s32 $0x1580;
	[sflag:s12] =	ssyncadd.s32 $0xFFFFE000  }
0x24f: {  	[spmem:s3] =	stream.indirect.scatter.add.f32 [tilespmem:s8], [sflag:$0x5], $0x80, s19, s28, $0xb8;
	[tilespmem:$0x1EC00] =	vst v63  }
0x250: {  	_ =	swait.ge [sflag:s25], $0x2000  }
0x251: {  	[sflag:s25] =	ssyncset.done $0x0  }
0x252: {  	s17 =	simm.s32 $0x800;
	s18 =	simm.s32 $0x380;
	[sflag:s25] =	ssyncadd.s32 $0xFFFFE000  }
.LBB2_5:
0x253: {  	[tilespmem:s8], [sflag:$0x4] =	stream.indirect.gather [hbm4b:s0+s28], $0x80, s18, s28, $0xb8;
	[tilespmem:$0x1EC00] =	vst v63  }
0x254: {  	s18 =	smov.u32 s17  }
0x255: {  	p1 =	sne.s32 s17, $0x4000;
	s17 =	sadd.s32 $0x800, s17;
	_ =	swait.ge [sflag:s9], $0x2000  }
0x256: {  	s18 =	sshra.s32 s18, $0x2;
	[sflag:s9] =	ssyncset.done $0x0  }
0x257: {  	s19 =	sadd.s32 $0x1400, s18;
	[sflag:s9] =	ssyncadd.s32 $0xFFFFE000  }
0x258: {  	[spmem:s3] =	stream.indirect.scatter.add.f32 [tilespmem:s29], [sflag:$0x5], $0x80, s19, s28, $0xb8;
	[tilespmem:$0x1EC00] =	vst v63  }
0x259: {  	_ =	swait.ge [sflag:s25], $0x2000  }
0x25a: {  	[sflag:s25] =	ssyncset.done $0x0  }
0x25b: {  	s19 =	sadd.s32 $0x200, s18;
	[sflag:s25] =	ssyncadd.s32 $0xFFFFE000  }
0x25c: {  	[tilespmem:s29], [sflag:$0x1] =	stream.indirect.gather [hbm4b:s0+s28], $0x80, s19, s28, $0xb8;
	[tilespmem:$0x1EC00] =	vst v63  }
0x25d: {  	_ =	swait.ge [sflag:s10], $0x2000  }
0x25e: {  	[sflag:s10] =	ssyncset.done $0x0  }
0x25f: {  	s19 =	sadd.s32 $0x1480, s18;
	[sflag:s10] =	ssyncadd.s32 $0xFFFFE000  }
0x260: {  	[spmem:s3] =	stream.indirect.scatter.add.f32 [tilespmem:s31], [sflag:$0x5], $0x80, s19, s28, $0xb8;
	[tilespmem:$0x1EC00] =	vst v63  }
0x261: {  	_ =	swait.ge [sflag:s25], $0x2000  }
0x262: {  	[sflag:s25] =	ssyncset.done $0x0  }
0x263: {  	s19 =	sadd.s32 $0x280, s18;
	[sflag:s25] =	ssyncadd.s32 $0xFFFFE000  }
0x264: {  	[tilespmem:s31], [sflag:$0x2] =	stream.indirect.gather [hbm4b:s0+s28], $0x80, s19, s28, $0xb8;
	[tilespmem:$0x1EC00] =	vst v63  }
0x265: {  	_ =	swait.ge [sflag:s11], $0x2000  }
0x266: {  	[sflag:s11] =	ssyncset.done $0x0  }
0x267: {  	s19 =	sadd.s32 $0x1500, s18;
	[sflag:s11] =	ssyncadd.s32 $0xFFFFE000  }
0x268: {  	[spmem:s3] =	stream.indirect.scatter.add.f32 [tilespmem:s6], [sflag:$0x5], $0x80, s19, s28, $0xb8;
	[tilespmem:$0x1EC00] =	vst v63  }
0x269: {  	_ =	swait.ge [sflag:s25], $0x2000  }
0x26a: {  	[sflag:s25] =	ssyncset.done $0x0  }
0x26b: {  	s19 =	sadd.s32 $0x300, s18;
	[sflag:s25] =	ssyncadd.s32 $0xFFFFE000  }
0x26c: {  	[tilespmem:s6], [sflag:$0x3] =	stream.indirect.gather [hbm4b:s0+s28], $0x80, s19, s28, $0xb8;
	[tilespmem:$0x1EC00] =	vst v63  }
0x26d: {  	_ =	swait.ge [sflag:s12], $0x2000  }
0x26e: {  	[sflag:s12] =	ssyncset.done $0x0  }
.Ltmp9:
0x26f: {  	s19 =	sadd.s32 $0x1580, s18;
	[sflag:s12] =	ssyncadd.s32 $0xFFFFE000;
	(pc) =	sbr.rel @p1 .LBB2_5-.Ltmp9, $4  }
0x270: {  	[spmem:s3] =	stream.indirect.scatter.add.f32 [tilespmem:s8], [sflag:$0x5], $0x80, s19, s28, $0xb8;
	[tilespmem:$0x1EC00] =	vst v63  }
0x271: {  	_ =	swait.ge [sflag:s25], $0x2000  }
0x272: {  	[sflag:s25] =	ssyncset.done $0x0  }
0x273: {  	s18 =	sadd.s32 $0x380, s18;
	[sflag:s25] =	ssyncadd.s32 $0xFFFFE000  }
0x274: {  	[tilespmem:s8], [sflag:$0x4] =	stream.indirect.gather [hbm4b:s0+s28], $0x80, s18, s28, $0xb8;
	[tilespmem:$0x1EC00] =	vst v63  }
0x275: {  	_ =	swait.ge [sflag:s9], $0x2000  }
0x276: {  	[sflag:s9] =	ssyncset.done $0x0  }
0x277: {  	[sflag:s9] =	ssyncadd.s32 $0xFFFFE000  }
0x278: {  	[spmem:s3] =	stream.indirect.scatter.add.f32 [tilespmem:s29], [sflag:$0x5], $0x80, s13, s28, $0xb8;
	[tilespmem:$0x1EC00] =	vst v63  }
0x279: {  	_ =	swait.ge [sflag:s25], $0x2000  }
0x27a: {  	[sflag:s25] =	ssyncset.done $0x0  }
0x27b: {  	[sflag:s25] =	ssyncadd.s32 $0xFFFFE000  }
0x27c: {  	_ =	swait.ge [sflag:s10], $0x2000  }
0x27d: {  	[sflag:s10] =	ssyncset.done $0x0  }
0x27e: {  	[sflag:s10] =	ssyncadd.s32 $0xFFFFE000  }
0x27f: {  	[spmem:s3] =	stream.indirect.scatter.add.f32 [tilespmem:s31], [sflag:$0x5], $0x80, s14, s28, $0xb8;
	[tilespmem:$0x1EC00] =	vst v63  }
0x280: {  	_ =	swait.ge [sflag:s25], $0x2000  }
0x281: {  	[sflag:s25] =	ssyncset.done $0x0  }
0x282: {  	[sflag:s25] =	ssyncadd.s32 $0xFFFFE000  }
0x283: {  	_ =	swait.ge [sflag:s11], $0x2000  }
0x284: {  	[sflag:s11] =	ssyncset.done $0x0  }
0x285: {  	[sflag:s11] =	ssyncadd.s32 $0xFFFFE000  }
0x286: {  	[spmem:s3] =	stream.indirect.scatter.add.f32 [tilespmem:s6], [sflag:$0x5], $0x80, s15, s28, $0xb8;
	[tilespmem:$0x1EC00] =	vst v63  }
0x287: {  	_ =	swait.ge [sflag:s25], $0x2000  }
0x288: {  	[sflag:s25] =	ssyncset.done $0x0  }
0x289: {  	[sflag:s25] =	ssyncadd.s32 $0xFFFFE000  }
0x28a: {  	_ =	swait.ge [sflag:s12], $0x2000  }
0x28b: {  	[sflag:s12] =	ssyncset.done $0x0  }
0x28c: {  	[sflag:s12] =	ssyncadd.s32 $0xFFFFE000  }
0x28d: {  	[spmem:s3] =	stream.indirect.scatter.add.f32 [tilespmem:s8], [sflag:$0x5], $0x80, s16, s28, $0xb8;
	[tilespmem:$0x1EC00] =	vst v63  }
0x28e: {  	_ =	swait.ge [sflag:s25], $0x2000  }
0x28f: {  	[sflag:s25] =	ssyncset.done $0x0  }
0x290: {  	s17 =	simm.s32 $0x0;
	s19 =	rddreg [dreg:$0x6];
	[sflag:s25] =	ssyncadd.s32 $0xFFFFE000  }
0x291: {  	[tilespmem:s17], [sflag:$0x5] =	stream.linear.gather [hbm4b:s19+s17], $0x1400, $0x38;
	[tilespmem:$0x1EC00] =	vst v63  }
0x292: {  	_ =	swait.ge [sflag:s25], $0x1400  }
0x293: {  	[sflag:s25] =	ssyncset.done $0x0  }
0x294: {  	s19 =	rddreg [dreg:$0x7];
	[sflag:s25] =	ssyncadd.s32 $0xFFFFEC00  }
0x295: {  	[tilespmem:s26], [sflag:$0x5] =	stream.linear.gather [hbm4b:s19+s17], $0x1400, $0x38;
	[tilespmem:$0x1EC00] =	vst v63  }
0x296: {  	_ =	swait.ge [sflag:s25], $0x1400  }
0x297: {  	[sflag:s25] =	ssyncset.done $0x0  }
0x298: {  	[sflag:s25] =	ssyncadd.s32 $0xFFFFEC00  }
0x299: {  	[tilespmem:s29], [sflag:$0x1] =	stream.indirect.gather [hbm4b:s0+s28], $0x80, s17, s28, $0xb8;
	[tilespmem:$0x1EC00] =	vst v63  }
0x29a: {  	_ = 	snop  }
0x29b: {  	[tilespmem:s31], [sflag:$0x2] =	stream.indirect.gather [hbm4b:s0+s28], $0x80, s30, s28, $0xb8;
	[tilespmem:$0x1EC00] =	vst v63  }
0x29c: {  	_ = 	snop  }
0x29d: {  	[tilespmem:s6], [sflag:$0x3] =	stream.indirect.gather [hbm4b:s0+s28], $0x80, s1, s28, $0xb8;
	[tilespmem:$0x1EC00] =	vst v63  }
0x29e: {  	_ = 	snop  }
0x29f: {  	[tilespmem:s8], [sflag:$0x4] =	stream.indirect.gather [hbm4b:s0+s28], $0x80, s7, s28, $0xb8;
	[tilespmem:$0x1EC00] =	vst v63  }
0x2a0: {  	_ =	swait.ge [sflag:s9], $0x2000  }
0x2a1: {  	[sflag:s9] =	ssyncset.done $0x0  }
0x2a2: {  	s19 =	simm.s32 $0x1400;
	[sflag:s9] =	ssyncadd.s32 $0xFFFFE000  }
0x2a3: {  	[spmem:s3] =	stream.indirect.scatter.add.f32 [tilespmem:s29], [sflag:$0x5], $0x80, s19, s28, $0xb8;
	[tilespmem:$0x1EC00] =	vst v63  }
0x2a4: {  	_ =	swait.ge [sflag:s25], $0x2000  }
0x2a5: {  	[sflag:s25] =	ssyncset.done $0x0  }
0x2a6: {  	s18 =	simm.s32 $0x200;
	[sflag:s25] =	ssyncadd.s32 $0xFFFFE000  }
0x2a7: {  	[tilespmem:s29], [sflag:$0x1] =	stream.indirect.gather [hbm4b:s0+s28], $0x80, s18, s28, $0xb8;
	[tilespmem:$0x1EC00] =	vst v63  }
0x2a8: {  	_ =	swait.ge [sflag:s10], $0x2000  }
0x2a9: {  	[sflag:s10] =	ssyncset.done $0x0  }
0x2aa: {  	s19 =	simm.s32 $0x1480;
	[sflag:s10] =	ssyncadd.s32 $0xFFFFE000  }
0x2ab: {  	[spmem:s3] =	stream.indirect.scatter.add.f32 [tilespmem:s31], [sflag:$0x5], $0x80, s19, s28, $0xb8;
	[tilespmem:$0x1EC00] =	vst v63  }
0x2ac: {  	_ =	swait.ge [sflag:s25], $0x2000  }
0x2ad: {  	[sflag:s25] =	ssyncset.done $0x0  }
0x2ae: {  	s18 =	simm.s32 $0x280;
	[sflag:s25] =	ssyncadd.s32 $0xFFFFE000  }
0x2af: {  	[tilespmem:s31], [sflag:$0x2] =	stream.indirect.gather [hbm4b:s0+s28], $0x80, s18, s28, $0xb8;
	[tilespmem:$0x1EC00] =	vst v63  }
0x2b0: {  	_ =	swait.ge [sflag:s11], $0x2000  }
0x2b1: {  	[sflag:s11] =	ssyncset.done $0x0  }
0x2b2: {  	s19 =	simm.s32 $0x1500;
	[sflag:s11] =	ssyncadd.s32 $0xFFFFE000  }
0x2b3: {  	[spmem:s3] =	stream.indirect.scatter.add.f32 [tilespmem:s6], [sflag:$0x5], $0x80, s19, s28, $0xb8;
	[tilespmem:$0x1EC00] =	vst v63  }
0x2b4: {  	_ =	swait.ge [sflag:s25], $0x2000  }
0x2b5: {  	[sflag:s25] =	ssyncset.done $0x0  }
0x2b6: {  	s18 =	simm.s32 $0x300;
	[sflag:s25] =	ssyncadd.s32 $0xFFFFE000  }
0x2b7: {  	[tilespmem:s6], [sflag:$0x3] =	stream.indirect.gather [hbm4b:s0+s28], $0x80, s18, s28, $0xb8;
	[tilespmem:$0x1EC00] =	vst v63  }
0x2b8: {  	_ =	swait.ge [sflag:s12], $0x2000  }
0x2b9: {  	[sflag:s12] =	ssyncset.done $0x0  }
0x2ba: {  	s19 =	simm.s32 $0x1580;
	[sflag:s12] =	ssyncadd.s32 $0xFFFFE000  }
0x2bb: {  	[spmem:s3] =	stream.indirect.scatter.add.f32 [tilespmem:s8], [sflag:$0x5], $0x80, s19, s28, $0xb8;
	[tilespmem:$0x1EC00] =	vst v63  }
0x2bc: {  	_ =	swait.ge [sflag:s25], $0x2000  }
0x2bd: {  	[sflag:s25] =	ssyncset.done $0x0  }
0x2be: {  	s17 =	simm.s32 $0x800;
	s18 =	simm.s32 $0x380;
	[sflag:s25] =	ssyncadd.s32 $0xFFFFE000  }
.LBB2_7:
0x2bf: {  	[tilespmem:s8], [sflag:$0x4] =	stream.indirect.gather [hbm4b:s0+s28], $0x80, s18, s28, $0xb8;
	[tilespmem:$0x1EC00] =	vst v63  }
0x2c0: {  	s18 =	smov.u32 s17  }
0x2c1: {  	p1 =	sne.s32 s17, $0x4000;
	s17 =	sadd.s32 $0x800, s17;
	_ =	swait.ge [sflag:s9], $0x2000  }
0x2c2: {  	s18 =	sshra.s32 s18, $0x2;
	[sflag:s9] =	ssyncset.done $0x0  }
0x2c3: {  	s19 =	sadd.s32 $0x1400, s18;
	[sflag:s9] =	ssyncadd.s32 $0xFFFFE000  }
0x2c4: {  	[spmem:s3] =	stream.indirect.scatter.add.f32 [tilespmem:s29], [sflag:$0x5], $0x80, s19, s28, $0xb8;
	[tilespmem:$0x1EC00] =	vst v63  }
0x2c5: {  	_ =	swait.ge [sflag:s25], $0x2000  }
0x2c6: {  	[sflag:s25] =	ssyncset.done $0x0  }
0x2c7: {  	s19 =	sadd.s32 $0x200, s18;
	[sflag:s25] =	ssyncadd.s32 $0xFFFFE000  }
0x2c8: {  	[tilespmem:s29], [sflag:$0x1] =	stream.indirect.gather [hbm4b:s0+s28], $0x80, s19, s28, $0xb8;
	[tilespmem:$0x1EC00] =	vst v63  }
0x2c9: {  	_ =	swait.ge [sflag:s10], $0x2000  }
0x2ca: {  	[sflag:s10] =	ssyncset.done $0x0  }
0x2cb: {  	s19 =	sadd.s32 $0x1480, s18;
	[sflag:s10] =	ssyncadd.s32 $0xFFFFE000  }
0x2cc: {  	[spmem:s3] =	stream.indirect.scatter.add.f32 [tilespmem:s31], [sflag:$0x5], $0x80, s19, s28, $0xb8;
	[tilespmem:$0x1EC00] =	vst v63  }
0x2cd: {  	_ =	swait.ge [sflag:s25], $0x2000  }
0x2ce: {  	[sflag:s25] =	ssyncset.done $0x0  }
0x2cf: {  	s19 =	sadd.s32 $0x280, s18;
	[sflag:s25] =	ssyncadd.s32 $0xFFFFE000  }
0x2d0: {  	[tilespmem:s31], [sflag:$0x2] =	stream.indirect.gather [hbm4b:s0+s28], $0x80, s19, s28, $0xb8;
	[tilespmem:$0x1EC00] =	vst v63  }
0x2d1: {  	_ =	swait.ge [sflag:s11], $0x2000  }
0x2d2: {  	[sflag:s11] =	ssyncset.done $0x0  }
0x2d3: {  	s19 =	sadd.s32 $0x1500, s18;
	[sflag:s11] =	ssyncadd.s32 $0xFFFFE000  }
0x2d4: {  	[spmem:s3] =	stream.indirect.scatter.add.f32 [tilespmem:s6], [sflag:$0x5], $0x80, s19, s28, $0xb8;
	[tilespmem:$0x1EC00] =	vst v63  }
0x2d5: {  	_ =	swait.ge [sflag:s25], $0x2000  }
0x2d6: {  	[sflag:s25] =	ssyncset.done $0x0  }
0x2d7: {  	s19 =	sadd.s32 $0x300, s18;
	[sflag:s25] =	ssyncadd.s32 $0xFFFFE000  }
0x2d8: {  	[tilespmem:s6], [sflag:$0x3] =	stream.indirect.gather [hbm4b:s0+s28], $0x80, s19, s28, $0xb8;
	[tilespmem:$0x1EC00] =	vst v63  }
0x2d9: {  	_ =	swait.ge [sflag:s12], $0x2000  }
0x2da: {  	[sflag:s12] =	ssyncset.done $0x0  }
.Ltmp10:
0x2db: {  	s19 =	sadd.s32 $0x1580, s18;
	[sflag:s12] =	ssyncadd.s32 $0xFFFFE000;
	(pc) =	sbr.rel @p1 .LBB2_7-.Ltmp10, $4  }
0x2dc: {  	[spmem:s3] =	stream.indirect.scatter.add.f32 [tilespmem:s8], [sflag:$0x5], $0x80, s19, s28, $0xb8;
	[tilespmem:$0x1EC00] =	vst v63  }
0x2dd: {  	_ =	swait.ge [sflag:s25], $0x2000  }
0x2de: {  	[sflag:s25] =	ssyncset.done $0x0  }
0x2df: {  	s18 =	sadd.s32 $0x380, s18;
	[sflag:s25] =	ssyncadd.s32 $0xFFFFE000  }
0x2e0: {  	[tilespmem:s8], [sflag:$0x4] =	stream.indirect.gather [hbm4b:s0+s28], $0x80, s18, s28, $0xb8;
	[tilespmem:$0x1EC00] =	vst v63  }
0x2e1: {  	_ =	swait.ge [sflag:s9], $0x2000  }
0x2e2: {  	[sflag:s9] =	ssyncset.done $0x0  }
0x2e3: {  	[sflag:s9] =	ssyncadd.s32 $0xFFFFE000  }
0x2e4: {  	[spmem:s3] =	stream.indirect.scatter.add.f32 [tilespmem:s29], [sflag:$0x5], $0x80, s13, s28, $0xb8;
	[tilespmem:$0x1EC00] =	vst v63  }
0x2e5: {  	_ =	swait.ge [sflag:s25], $0x2000  }
0x2e6: {  	[sflag:s25] =	ssyncset.done $0x0  }
0x2e7: {  	[sflag:s25] =	ssyncadd.s32 $0xFFFFE000  }
0x2e8: {  	_ =	swait.ge [sflag:s10], $0x2000  }
0x2e9: {  	[sflag:s10] =	ssyncset.done $0x0  }
0x2ea: {  	[sflag:s10] =	ssyncadd.s32 $0xFFFFE000  }
0x2eb: {  	[spmem:s3] =	stream.indirect.scatter.add.f32 [tilespmem:s31], [sflag:$0x5], $0x80, s14, s28, $0xb8;
	[tilespmem:$0x1EC00] =	vst v63  }
0x2ec: {  	_ =	swait.ge [sflag:s25], $0x2000  }
0x2ed: {  	[sflag:s25] =	ssyncset.done $0x0  }
0x2ee: {  	[sflag:s25] =	ssyncadd.s32 $0xFFFFE000  }
0x2ef: {  	_ =	swait.ge [sflag:s11], $0x2000  }
0x2f0: {  	[sflag:s11] =	ssyncset.done $0x0  }
0x2f1: {  	[sflag:s11] =	ssyncadd.s32 $0xFFFFE000  }
0x2f2: {  	[spmem:s3] =	stream.indirect.scatter.add.f32 [tilespmem:s6], [sflag:$0x5], $0x80, s15, s28, $0xb8;
	[tilespmem:$0x1EC00] =	vst v63  }
0x2f3: {  	_ =	swait.ge [sflag:s25], $0x2000  }
0x2f4: {  	[sflag:s25] =	ssyncset.done $0x0  }
0x2f5: {  	[sflag:s25] =	ssyncadd.s32 $0xFFFFE000  }
0x2f6: {  	_ =	swait.ge [sflag:s12], $0x2000  }
0x2f7: {  	[sflag:s12] =	ssyncset.done $0x0  }
0x2f8: {  	[sflag:s12] =	ssyncadd.s32 $0xFFFFE000  }
0x2f9: {  	[spmem:s3] =	stream.indirect.scatter.add.f32 [tilespmem:s8], [sflag:$0x5], $0x80, s16, s28, $0xb8;
	[tilespmem:$0x1EC00] =	vst v63  }
0x2fa: {  	_ =	swait.ge [sflag:s25], $0x2000  }
0x2fb: {  	[sflag:s25] =	ssyncset.done $0x0  }
0x2fc: {  	s17 =	simm.s32 $0x0;
	s19 =	rddreg [dreg:$0x8];
	[sflag:s25] =	ssyncadd.s32 $0xFFFFE000  }
0x2fd: {  	[tilespmem:s17], [sflag:$0x5] =	stream.linear.gather [hbm4b:s19+s17], $0x1400, $0x38;
	[tilespmem:$0x1EC00] =	vst v63  }
0x2fe: {  	_ =	swait.ge [sflag:s25], $0x1400  }
0x2ff: {  	[sflag:s25] =	ssyncset.done $0x0  }
0x300: {  	s19 =	rddreg [dreg:$0x9];
	[sflag:s25] =	ssyncadd.s32 $0xFFFFEC00  }
0x301: {  	[tilespmem:s26], [sflag:$0x5] =	stream.linear.gather [hbm4b:s19+s17], $0x1400, $0x38;
	[tilespmem:$0x1EC00] =	vst v63  }
0x302: {  	_ =	swait.ge [sflag:s25], $0x1400  }
0x303: {  	[sflag:s25] =	ssyncset.done $0x0  }
0x304: {  	[sflag:s25] =	ssyncadd.s32 $0xFFFFEC00  }
0x305: {  	[tilespmem:s29], [sflag:$0x1] =	stream.indirect.gather [hbm4b:s0+s28], $0x80, s17, s28, $0xb8;
	[tilespmem:$0x1EC00] =	vst v63  }
0x306: {  	_ = 	snop  }
0x307: {  	[tilespmem:s31], [sflag:$0x2] =	stream.indirect.gather [hbm4b:s0+s28], $0x80, s30, s28, $0xb8;
	[tilespmem:$0x1EC00] =	vst v63  }
0x308: {  	_ = 	snop  }
0x309: {  	[tilespmem:s6], [sflag:$0x3] =	stream.indirect.gather [hbm4b:s0+s28], $0x80, s1, s28, $0xb8;
	[tilespmem:$0x1EC00] =	vst v63  }
0x30a: {  	_ = 	snop  }
0x30b: {  	[tilespmem:s8], [sflag:$0x4] =	stream.indirect.gather [hbm4b:s0+s28], $0x80, s7, s28, $0xb8;
	[tilespmem:$0x1EC00] =	vst v63  }
0x30c: {  	_ =	swait.ge [sflag:s9], $0x2000  }
0x30d: {  	[sflag:s9] =	ssyncset.done $0x0  }
0x30e: {  	s19 =	simm.s32 $0x1400;
	[sflag:s9] =	ssyncadd.s32 $0xFFFFE000  }
0x30f: {  	[spmem:s3] =	stream.indirect.scatter.add.f32 [tilespmem:s29], [sflag:$0x5], $0x80, s19, s28, $0xb8;
	[tilespmem:$0x1EC00] =	vst v63  }
0x310: {  	_ =	swait.ge [sflag:s25], $0x2000  }
0x311: {  	[sflag:s25] =	ssyncset.done $0x0  }
0x312: {  	s18 =	simm.s32 $0x200;
	[sflag:s25] =	ssyncadd.s32 $0xFFFFE000  }
0x313: {  	[tilespmem:s29], [sflag:$0x1] =	stream.indirect.gather [hbm4b:s0+s28], $0x80, s18, s28, $0xb8;
	[tilespmem:$0x1EC00] =	vst v63  }
0x314: {  	_ =	swait.ge [sflag:s10], $0x2000  }
0x315: {  	[sflag:s10] =	ssyncset.done $0x0  }
0x316: {  	s19 =	simm.s32 $0x1480;
	[sflag:s10] =	ssyncadd.s32 $0xFFFFE000  }
0x317: {  	[spmem:s3] =	stream.indirect.scatter.add.f32 [tilespmem:s31], [sflag:$0x5], $0x80, s19, s28, $0xb8;
	[tilespmem:$0x1EC00] =	vst v63  }
0x318: {  	_ =	swait.ge [sflag:s25], $0x2000  }
0x319: {  	[sflag:s25] =	ssyncset.done $0x0  }
0x31a: {  	s18 =	simm.s32 $0x280;
	[sflag:s25] =	ssyncadd.s32 $0xFFFFE000  }
0x31b: {  	[tilespmem:s31], [sflag:$0x2] =	stream.indirect.gather [hbm4b:s0+s28], $0x80, s18, s28, $0xb8;
	[tilespmem:$0x1EC00] =	vst v63  }
0x31c: {  	_ =	swait.ge [sflag:s11], $0x2000  }
0x31d: {  	[sflag:s11] =	ssyncset.done $0x0  }
0x31e: {  	s19 =	simm.s32 $0x1500;
	[sflag:s11] =	ssyncadd.s32 $0xFFFFE000  }
0x31f: {  	[spmem:s3] =	stream.indirect.scatter.add.f32 [tilespmem:s6], [sflag:$0x5], $0x80, s19, s28, $0xb8;
	[tilespmem:$0x1EC00] =	vst v63  }
0x320: {  	_ =	swait.ge [sflag:s25], $0x2000  }
0x321: {  	[sflag:s25] =	ssyncset.done $0x0  }
0x322: {  	s18 =	simm.s32 $0x300;
	[sflag:s25] =	ssyncadd.s32 $0xFFFFE000  }
0x323: {  	[tilespmem:s6], [sflag:$0x3] =	stream.indirect.gather [hbm4b:s0+s28], $0x80, s18, s28, $0xb8;
	[tilespmem:$0x1EC00] =	vst v63  }
0x324: {  	_ =	swait.ge [sflag:s12], $0x2000  }
0x325: {  	[sflag:s12] =	ssyncset.done $0x0  }
0x326: {  	s19 =	simm.s32 $0x1580;
	[sflag:s12] =	ssyncadd.s32 $0xFFFFE000  }
0x327: {  	[spmem:s3] =	stream.indirect.scatter.add.f32 [tilespmem:s8], [sflag:$0x5], $0x80, s19, s28, $0xb8;
	[tilespmem:$0x1EC00] =	vst v63  }
0x328: {  	_ =	swait.ge [sflag:s25], $0x2000  }
0x329: {  	[sflag:s25] =	ssyncset.done $0x0  }
0x32a: {  	s17 =	simm.s32 $0x800;
	s18 =	simm.s32 $0x380;
	[sflag:s25] =	ssyncadd.s32 $0xFFFFE000  }
.LBB2_9:
0x32b: {  	[tilespmem:s8], [sflag:$0x4] =	stream.indirect.gather [hbm4b:s0+s28], $0x80, s18, s28, $0xb8;
	[tilespmem:$0x1EC00] =	vst v63  }
0x32c: {  	s18 =	smov.u32 s17  }
0x32d: {  	p1 =	sne.s32 s17, $0x4000;
	s17 =	sadd.s32 $0x800, s17;
	_ =	swait.ge [sflag:s9], $0x2000  }
0x32e: {  	s18 =	sshra.s32 s18, $0x2;
	[sflag:s9] =	ssyncset.done $0x0  }
0x32f: {  	s19 =	sadd.s32 $0x1400, s18;
	[sflag:s9] =	ssyncadd.s32 $0xFFFFE000  }
0x330: {  	[spmem:s3] =	stream.indirect.scatter.add.f32 [tilespmem:s29], [sflag:$0x5], $0x80, s19, s28, $0xb8;
	[tilespmem:$0x1EC00] =	vst v63  }
0x331: {  	_ =	swait.ge [sflag:s25], $0x2000  }
0x332: {  	[sflag:s25] =	ssyncset.done $0x0  }
0x333: {  	s19 =	sadd.s32 $0x200, s18;
	[sflag:s25] =	ssyncadd.s32 $0xFFFFE000  }
0x334: {  	[tilespmem:s29], [sflag:$0x1] =	stream.indirect.gather [hbm4b:s0+s28], $0x80, s19, s28, $0xb8;
	[tilespmem:$0x1EC00] =	vst v63  }
0x335: {  	_ =	swait.ge [sflag:s10], $0x2000  }
0x336: {  	[sflag:s10] =	ssyncset.done $0x0  }
0x337: {  	s19 =	sadd.s32 $0x1480, s18;
	[sflag:s10] =	ssyncadd.s32 $0xFFFFE000  }
0x338: {  	[spmem:s3] =	stream.indirect.scatter.add.f32 [tilespmem:s31], [sflag:$0x5], $0x80, s19, s28, $0xb8;
	[tilespmem:$0x1EC00] =	vst v63  }
0x339: {  	_ =	swait.ge [sflag:s25], $0x2000  }
0x33a: {  	[sflag:s25] =	ssyncset.done $0x0  }
0x33b: {  	s19 =	sadd.s32 $0x280, s18;
	[sflag:s25] =	ssyncadd.s32 $0xFFFFE000  }
0x33c: {  	[tilespmem:s31], [sflag:$0x2] =	stream.indirect.gather [hbm4b:s0+s28], $0x80, s19, s28, $0xb8;
	[tilespmem:$0x1EC00] =	vst v63  }
0x33d: {  	_ =	swait.ge [sflag:s11], $0x2000  }
0x33e: {  	[sflag:s11] =	ssyncset.done $0x0  }
0x33f: {  	s19 =	sadd.s32 $0x1500, s18;
	[sflag:s11] =	ssyncadd.s32 $0xFFFFE000  }
0x340: {  	[spmem:s3] =	stream.indirect.scatter.add.f32 [tilespmem:s6], [sflag:$0x5], $0x80, s19, s28, $0xb8;
	[tilespmem:$0x1EC00] =	vst v63  }
0x341: {  	_ =	swait.ge [sflag:s25], $0x2000  }
0x342: {  	[sflag:s25] =	ssyncset.done $0x0  }
0x343: {  	s19 =	sadd.s32 $0x300, s18;
	[sflag:s25] =	ssyncadd.s32 $0xFFFFE000  }
0x344: {  	[tilespmem:s6], [sflag:$0x3] =	stream.indirect.gather [hbm4b:s0+s28], $0x80, s19, s28, $0xb8;
	[tilespmem:$0x1EC00] =	vst v63  }
0x345: {  	_ =	swait.ge [sflag:s12], $0x2000  }
0x346: {  	[sflag:s12] =	ssyncset.done $0x0  }
.Ltmp11:
0x347: {  	s19 =	sadd.s32 $0x1580, s18;
	[sflag:s12] =	ssyncadd.s32 $0xFFFFE000;
	(pc) =	sbr.rel @p1 .LBB2_9-.Ltmp11, $4  }
0x348: {  	[spmem:s3] =	stream.indirect.scatter.add.f32 [tilespmem:s8], [sflag:$0x5], $0x80, s19, s28, $0xb8;
	[tilespmem:$0x1EC00] =	vst v63  }
0x349: {  	_ =	swait.ge [sflag:s25], $0x2000  }
0x34a: {  	[sflag:s25] =	ssyncset.done $0x0  }
0x34b: {  	s18 =	sadd.s32 $0x380, s18;
	[sflag:s25] =	ssyncadd.s32 $0xFFFFE000  }
0x34c: {  	[tilespmem:s8], [sflag:$0x4] =	stream.indirect.gather [hbm4b:s0+s28], $0x80, s18, s28, $0xb8;
	[tilespmem:$0x1EC00] =	vst v63  }
0x34d: {  	_ =	swait.ge [sflag:s9], $0x2000  }
0x34e: {  	[sflag:s9] =	ssyncset.done $0x0  }
0x34f: {  	[sflag:s9] =	ssyncadd.s32 $0xFFFFE000  }
0x350: {  	[spmem:s3] =	stream.indirect.scatter.add.f32 [tilespmem:s29], [sflag:$0x5], $0x80, s13, s28, $0xb8;
	[tilespmem:$0x1EC00] =	vst v63  }
0x351: {  	_ =	swait.ge [sflag:s25], $0x2000  }
0x352: {  	[sflag:s25] =	ssyncset.done $0x0  }
0x353: {  	[sflag:s25] =	ssyncadd.s32 $0xFFFFE000  }
0x354: {  	_ =	swait.ge [sflag:s10], $0x2000  }
0x355: {  	[sflag:s10] =	ssyncset.done $0x0  }
0x356: {  	[sflag:s10] =	ssyncadd.s32 $0xFFFFE000  }
0x357: {  	[spmem:s3] =	stream.indirect.scatter.add.f32 [tilespmem:s31], [sflag:$0x5], $0x80, s14, s28, $0xb8;
	[tilespmem:$0x1EC00] =	vst v63  }
0x358: {  	_ =	swait.ge [sflag:s25], $0x2000  }
0x359: {  	[sflag:s25] =	ssyncset.done $0x0  }
0x35a: {  	[sflag:s25] =	ssyncadd.s32 $0xFFFFE000  }
0x35b: {  	_ =	swait.ge [sflag:s11], $0x2000  }
0x35c: {  	[sflag:s11] =	ssyncset.done $0x0  }
0x35d: {  	[sflag:s11] =	ssyncadd.s32 $0xFFFFE000  }
0x35e: {  	[spmem:s3] =	stream.indirect.scatter.add.f32 [tilespmem:s6], [sflag:$0x5], $0x80, s15, s28, $0xb8;
	[tilespmem:$0x1EC00] =	vst v63  }
0x35f: {  	_ =	swait.ge [sflag:s25], $0x2000  }
0x360: {  	[sflag:s25] =	ssyncset.done $0x0  }
0x361: {  	[sflag:s25] =	ssyncadd.s32 $0xFFFFE000  }
0x362: {  	_ =	swait.ge [sflag:s12], $0x2000  }
0x363: {  	[sflag:s12] =	ssyncset.done $0x0  }
0x364: {  	[sflag:s12] =	ssyncadd.s32 $0xFFFFE000  }
0x365: {  	[spmem:s3] =	stream.indirect.scatter.add.f32 [tilespmem:s8], [sflag:$0x5], $0x80, s16, s28, $0xb8;
	[tilespmem:$0x1EC00] =	vst v63  }
0x366: {  	_ =	swait.ge [sflag:s25], $0x2000  }
0x367: {  	[sflag:s25] =	ssyncset.done $0x0  }
0x368: {  	s17 =	simm.s32 $0x0;
	s19 =	rddreg [dreg:$0xa];
	[sflag:s25] =	ssyncadd.s32 $0xFFFFE000  }
0x369: {  	[tilespmem:s17], [sflag:$0x5] =	stream.linear.gather [hbm4b:s19+s17], $0x1400, $0x38;
	[tilespmem:$0x1EC00] =	vst v63  }
0x36a: {  	_ =	swait.ge [sflag:s25], $0x1400  }
0x36b: {  	[sflag:s25] =	ssyncset.done $0x0  }
0x36c: {  	s19 =	rddreg [dreg:$0xb];
	[sflag:s25] =	ssyncadd.s32 $0xFFFFEC00  }
0x36d: {  	[tilespmem:s26], [sflag:$0x5] =	stream.linear.gather [hbm4b:s19+s17], $0x1400, $0x38;
	[tilespmem:$0x1EC00] =	vst v63  }
0x36e: {  	_ =	swait.ge [sflag:s25], $0x1400  }
0x36f: {  	[sflag:s25] =	ssyncset.done $0x0  }
0x370: {  	[sflag:s25] =	ssyncadd.s32 $0xFFFFEC00  }
0x371: {  	[tilespmem:s29], [sflag:$0x1] =	stream.indirect.gather [hbm4b:s0+s28], $0x80, s17, s28, $0xb8;
	[tilespmem:$0x1EC00] =	vst v63  }
0x372: {  	_ = 	snop  }
0x373: {  	[tilespmem:s31], [sflag:$0x2] =	stream.indirect.gather [hbm4b:s0+s28], $0x80, s30, s28, $0xb8;
	[tilespmem:$0x1EC00] =	vst v63  }
0x374: {  	_ = 	snop  }
0x375: {  	[tilespmem:s6], [sflag:$0x3] =	stream.indirect.gather [hbm4b:s0+s28], $0x80, s1, s28, $0xb8;
	[tilespmem:$0x1EC00] =	vst v63  }
0x376: {  	_ = 	snop  }
0x377: {  	[tilespmem:s8], [sflag:$0x4] =	stream.indirect.gather [hbm4b:s0+s28], $0x80, s7, s28, $0xb8;
	[tilespmem:$0x1EC00] =	vst v63  }
0x378: {  	_ =	swait.ge [sflag:s9], $0x2000  }
0x379: {  	[sflag:s9] =	ssyncset.done $0x0  }
0x37a: {  	s19 =	simm.s32 $0x1400;
	[sflag:s9] =	ssyncadd.s32 $0xFFFFE000  }
0x37b: {  	[spmem:s3] =	stream.indirect.scatter.add.f32 [tilespmem:s29], [sflag:$0x5], $0x80, s19, s28, $0xb8;
	[tilespmem:$0x1EC00] =	vst v63  }
0x37c: {  	_ =	swait.ge [sflag:s25], $0x2000  }
0x37d: {  	[sflag:s25] =	ssyncset.done $0x0  }
0x37e: {  	s18 =	simm.s32 $0x200;
	[sflag:s25] =	ssyncadd.s32 $0xFFFFE000  }
0x37f: {  	[tilespmem:s29], [sflag:$0x1] =	stream.indirect.gather [hbm4b:s0+s28], $0x80, s18, s28, $0xb8;
	[tilespmem:$0x1EC00] =	vst v63  }
0x380: {  	_ =	swait.ge [sflag:s10], $0x2000  }
0x381: {  	[sflag:s10] =	ssyncset.done $0x0  }
0x382: {  	s19 =	simm.s32 $0x1480;
	[sflag:s10] =	ssyncadd.s32 $0xFFFFE000  }
0x383: {  	[spmem:s3] =	stream.indirect.scatter.add.f32 [tilespmem:s31], [sflag:$0x5], $0x80, s19, s28, $0xb8;
	[tilespmem:$0x1EC00] =	vst v63  }
0x384: {  	_ =	swait.ge [sflag:s25], $0x2000  }
0x385: {  	[sflag:s25] =	ssyncset.done $0x0  }
0x386: {  	s18 =	simm.s32 $0x280;
	[sflag:s25] =	ssyncadd.s32 $0xFFFFE000  }
0x387: {  	[tilespmem:s31], [sflag:$0x2] =	stream.indirect.gather [hbm4b:s0+s28], $0x80, s18, s28, $0xb8;
	[tilespmem:$0x1EC00] =	vst v63  }
0x388: {  	_ =	swait.ge [sflag:s11], $0x2000  }
0x389: {  	[sflag:s11] =	ssyncset.done $0x0  }
0x38a: {  	s19 =	simm.s32 $0x1500;
	[sflag:s11] =	ssyncadd.s32 $0xFFFFE000  }
0x38b: {  	[spmem:s3] =	stream.indirect.scatter.add.f32 [tilespmem:s6], [sflag:$0x5], $0x80, s19, s28, $0xb8;
	[tilespmem:$0x1EC00] =	vst v63  }
0x38c: {  	_ =	swait.ge [sflag:s25], $0x2000  }
0x38d: {  	[sflag:s25] =	ssyncset.done $0x0  }
0x38e: {  	s18 =	simm.s32 $0x300;
	[sflag:s25] =	ssyncadd.s32 $0xFFFFE000  }
0x38f: {  	[tilespmem:s6], [sflag:$0x3] =	stream.indirect.gather [hbm4b:s0+s28], $0x80, s18, s28, $0xb8;
	[tilespmem:$0x1EC00] =	vst v63  }
0x390: {  	_ =	swait.ge [sflag:s12], $0x2000  }
0x391: {  	[sflag:s12] =	ssyncset.done $0x0  }
0x392: {  	s19 =	simm.s32 $0x1580;
	[sflag:s12] =	ssyncadd.s32 $0xFFFFE000  }
0x393: {  	[spmem:s3] =	stream.indirect.scatter.add.f32 [tilespmem:s8], [sflag:$0x5], $0x80, s19, s28, $0xb8;
	[tilespmem:$0x1EC00] =	vst v63  }
0x394: {  	_ =	swait.ge [sflag:s25], $0x2000  }
0x395: {  	[sflag:s25] =	ssyncset.done $0x0  }
0x396: {  	s17 =	simm.s32 $0x800;
	s18 =	simm.s32 $0x380;
	[sflag:s25] =	ssyncadd.s32 $0xFFFFE000  }
.LBB2_11:
0x397: {  	[tilespmem:s8], [sflag:$0x4] =	stream.indirect.gather [hbm4b:s0+s28], $0x80, s18, s28, $0xb8;
	[tilespmem:$0x1EC00] =	vst v63  }
0x398: {  	s18 =	smov.u32 s17  }
0x399: {  	p1 =	seq.s32 s17, $0x4000;
	s17 =	sadd.s32 $0x800, s17;
	_ =	swait.ge [sflag:s9], $0x2000  }
0x39a: {  	s18 =	sshra.s32 s18, $0x2;
	[sflag:s9] =	ssyncset.done $0x0  }
0x39b: {  	s19 =	sadd.s32 $0x1400, s18;
	[sflag:s9] =	ssyncadd.s32 $0xFFFFE000  }
0x39c: {  	[spmem:s3] =	stream.indirect.scatter.add.f32 [tilespmem:s29], [sflag:$0x5], $0x80, s19, s28, $0xb8;
	[tilespmem:$0x1EC00] =	vst v63  }
0x39d: {  	_ =	swait.ge [sflag:s25], $0x2000  }
0x39e: {  	[sflag:s25] =	ssyncset.done $0x0  }
0x39f: {  	s19 =	sadd.s32 $0x200, s18;
	[sflag:s25] =	ssyncadd.s32 $0xFFFFE000  }
0x3a0: {  	[tilespmem:s29], [sflag:$0x1] =	stream.indirect.gather [hbm4b:s0+s28], $0x80, s19, s28, $0xb8;
	[tilespmem:$0x1EC00] =	vst v63  }
0x3a1: {  	_ =	swait.ge [sflag:s10], $0x2000  }
0x3a2: {  	[sflag:s10] =	ssyncset.done $0x0  }
0x3a3: {  	s19 =	sadd.s32 $0x1480, s18;
	[sflag:s10] =	ssyncadd.s32 $0xFFFFE000  }
0x3a4: {  	[spmem:s3] =	stream.indirect.scatter.add.f32 [tilespmem:s31], [sflag:$0x5], $0x80, s19, s28, $0xb8;
	[tilespmem:$0x1EC00] =	vst v63  }
0x3a5: {  	_ =	swait.ge [sflag:s25], $0x2000  }
0x3a6: {  	[sflag:s25] =	ssyncset.done $0x0  }
0x3a7: {  	s19 =	sadd.s32 $0x280, s18;
	[sflag:s25] =	ssyncadd.s32 $0xFFFFE000  }
0x3a8: {  	[tilespmem:s31], [sflag:$0x2] =	stream.indirect.gather [hbm4b:s0+s28], $0x80, s19, s28, $0xb8;
	[tilespmem:$0x1EC00] =	vst v63  }
0x3a9: {  	_ =	swait.ge [sflag:s11], $0x2000  }
0x3aa: {  	[sflag:s11] =	ssyncset.done $0x0  }
0x3ab: {  	s19 =	sadd.s32 $0x1500, s18;
	[sflag:s11] =	ssyncadd.s32 $0xFFFFE000  }
0x3ac: {  	[spmem:s3] =	stream.indirect.scatter.add.f32 [tilespmem:s6], [sflag:$0x5], $0x80, s19, s28, $0xb8;
	[tilespmem:$0x1EC00] =	vst v63  }
0x3ad: {  	_ =	swait.ge [sflag:s25], $0x2000  }
0x3ae: {  	[sflag:s25] =	ssyncset.done $0x0  }
0x3af: {  	s19 =	sadd.s32 $0x300, s18;
	[sflag:s25] =	ssyncadd.s32 $0xFFFFE000  }
0x3b0: {  	[tilespmem:s6], [sflag:$0x3] =	stream.indirect.gather [hbm4b:s0+s28], $0x80, s19, s28, $0xb8;
	[tilespmem:$0x1EC00] =	vst v63  }
0x3b1: {  	_ =	swait.ge [sflag:s12], $0x2000  }
0x3b2: {  	[sflag:s12] =	ssyncset.done $0x0  }
.Ltmp12:
0x3b3: {  	s19 =	sadd.s32 $0x1580, s18;
	[sflag:s12] =	ssyncadd.s32 $0xFFFFE000;
	(pc) =	sbr.rel @!p1 .LBB2_11-.Ltmp12, $4  }
0x3b4: {  	[spmem:s3] =	stream.indirect.scatter.add.f32 [tilespmem:s8], [sflag:$0x5], $0x80, s19, s28, $0xb8;
	[tilespmem:$0x1EC00] =	vst v63  }
0x3b5: {  	_ =	swait.ge [sflag:s25], $0x2000  }
0x3b6: {  	[sflag:s25] =	ssyncset.done $0x0  }
0x3b7: {  	s18 =	sadd.s32 $0x380, s18;
	[sflag:s25] =	ssyncadd.s32 $0xFFFFE000  }
.Ltmp13:
0x3b8: {  	_ = 	snop;
	(pc) =	sbr.rel .LBB2_12-.Ltmp13, $1  }
0x3b9: {  	_ =	sdelay $0x3  }
.LBB2_23:
0x3ba: {  	_ =	sfence.sel $0x180000  }
0x3bb: {  	[bflag:$0x0] =	sbarrier.arrive $0xFFFF  }
0x3bc: {  	_ =	strace $0x9000004A  }
0x3bd: {  	[bflag:$0x2] =	sbarrier.arrive $0xFFFF  }
0x3be: {  	p0 =	sne.s32 s2, $0x0;
	s0 =	rddreg [dreg:$0x3]  }
0x3bf: {  	s0 =	sadd.s32 @!p0 $0x100000, s0  }
0x3c0: {  	[sflag:s0] =	ssyncadd.tile.s32 @!p0 $0x1;
	_ =	shalt  }
.Lfunc_end2:
_tile_overlayer_lowered:
.L_overlay_start_2:
0x3c1: {  	(tag) =	ssettag $0x2  }
0x3c2: {  	s0 =	rddreg [dreg:$0x0];
	s2 =	stileid.u32  }
0x3c3: {  	s1 =	rddreg [dreg:$0x1];
	p0 =	sne.s32 s2, $0x0  }
0x3c4: {  	s3 =	rddreg [dreg:$0x2];
	[bflag:$0x3] =	sbarrier.arrive $0xFFFF;
	s2 =	simm.s32 @!p0 $0x1C05  }
0x3c5: {  	[timem:s3], [sflag:s2] =	dma.local @!p0 [hbm:s0], s1  }
0x3c6: {  	s0 =	simm.s32 @!p0 $0x5  }
0x3c7: {  	_ =	swait.ge @!p0 [sflag:s0], s1  }
0x3c8: {  	s1 =	ssub.s32 @!p0 $0x0, s1;
	[sflag:s0] =	ssyncset.done @!p0 $0x0  }
0x3c9: {  	[sflag:s0] =	ssyncadd.s32 @!p0 s1  }
0x3ca: {  	[bflag:$0x3] =	sbarrier.arrive $0xFFFF  }
0x3cb: {  	_ =	shalt  }

</sc_bundles>
